<compile_context>
chip_gen: v7x
topology: tpu7x:2x2x1
jax: 0.10.2.dev20260603
libtpu: 0.0.44.dev20260713+nightly
codegen_flags: <defaults>
</compile_context>

<pallas_src>
import functools

import jax
import jax.numpy as jnp
from jax import lax
from jax.experimental import pallas as pl
from jax.experimental.pallas import tpu as pltpu
from jax.experimental.pallas import tpu_sc as plsc

_BATCH = 4096
_OFF = 20
_D = 64
_NW = 32
_BAGS_W = _BATCH // _NW
_CB = 32
_NCH = _BAGS_W // _CB
_RPC = _CB * _OFF
_G = 128
_NG = _RPC // _G


def _tree_sum(vals):
    while len(vals) > 1:
        nxt = [vals[i] + vals[i + 1] for i in range(0, len(vals) - 1, 2)]
        if len(vals) % 2:
            nxt.append(vals[-1])
        vals = nxt
    return vals[0]


def _make_kernel():
    mesh = plsc.VectorSubcoreMesh(core_axis_name="c", subcore_axis_name="s")

    @functools.partial(
        pl.kernel,
        mesh=mesh,
        out_type=jax.ShapeDtypeStruct((_BATCH, _D), jnp.float32),
        scratch_types=[
            pltpu.VMEM((_BAGS_W * _OFF,), jnp.int32),
            pltpu.VMEM((_RPC, _D), jnp.float32),
            pltpu.VMEM((_RPC, _D), jnp.float32),
            pltpu.VMEM((_CB, _D), jnp.float32),
            pltpu.VMEM((_CB, _D), jnp.float32),
            pltpu.SemaphoreType.DMA,
            pltpu.SemaphoreType.DMA,
            pltpu.SemaphoreType.DMA,
            pltpu.SemaphoreType.DMA,
        ],
        compiler_params=pltpu.CompilerParams(use_tc_tiling_on_sc=False),
    )
    def emb_bag(table, idx1d, out, idx_v, rows0, rows1, out0, out1,
                gsem0, gsem1, osem0, osem1):
        rows = (rows0, rows1)
        outb = (out0, out1)
        gsem = (gsem0, gsem1)
        osem = (osem0, osem1)

        w = lax.axis_index("s") * 2 + lax.axis_index("c")
        pltpu.sync_copy(idx1d.at[pl.ds(w * (_BAGS_W * _OFF), _BAGS_W * _OFF)],
                        idx_v)

        def fire(ci):
            buf, sem = rows[ci % 2], gsem[ci % 2]
            return [
                pltpu.async_copy(
                    table.at[idx_v.at[pl.ds((ci * _NG + j) * _G, _G)]],
                    buf.at[pl.ds(j * _G, _G)],
                    sem,
                )
                for j in range(_NG)
            ]

        out_cp = [None, None]
        pending = fire(0)
        for ci in range(_NCH):
            nxt = fire(ci + 1) if ci + 1 < _NCH else []
            for cp in pending:
                cp.wait()
            pending = nxt

            buf = rows[ci % 2]
            ob = outb[ci % 2]
            if out_cp[ci % 2] is not None:
                out_cp[ci % 2].wait()

            def bag_body(b, carry, buf=buf, ob=ob):
                r0 = b * _OFF
                vals = [[], [], [], []]
                for r in range(_OFF):
                    for c in range(4):
                        vals[c].append(buf[r0 + r, pl.ds(c * 16, 16)])
                for c in range(4):
                    ob[b, pl.ds(c * 16, 16)] = _tree_sum(vals[c])
                return carry

            lax.fori_loop(0, _CB, bag_body, 0, unroll=2)

            bag0 = w * _BAGS_W + ci * _CB
            out_cp[ci % 2] = pltpu.async_copy(
                ob, out.at[pl.ds(bag0, _CB)], osem[ci % 2]
            )
        for cp in out_cp:
            if cp is not None:
                cp.wait()

    return emb_bag


_EMB_BAG = _make_kernel()


@jax.jit
def kernel(sparse_index_group_batch, sparse_offset_group_batch, weight):
    del sparse_offset_group_batch
    idx1d = sparse_index_group_batch.astype(jnp.int32)
    return _EMB_BAG(weight, idx1d)

# --- scband reference (transcript-rebuilt; emitter-appended) ---
"""Pipeline reference for scband-xla-embedding-bag-1022202217064 (READ-ONLY COPY).

The authoritative reference and input builder live on the scoring server;
editing this copy changes nothing except your own understanding.
"""

import jax, jax.numpy as jnp
import numpy as np

N_VOCAB = 100000
EMBED_DIM = 64
OFFSET = 20
BATCH = 4096

def setup_inputs(seed: int = 0) -> dict:
    key = jax.random.key(seed)
    k1, k2 = jax.random.split(key)
    sparse_index_group_batch = jax.random.randint(k1, (BATCH * OFFSET,), 0, N_VOCAB, dtype=jnp.int64)
    sparse_offset_group_batch = jnp.arange(BATCH, dtype=jnp.int64)
    weight = jax.random.normal(k2, (N_VOCAB, EMBED_DIM), dtype=jnp.float32)
    return {
        "sparse_index_group_batch": sparse_index_group_batch,
        "sparse_offset_group_batch": sparse_offset_group_batch,
        "weight": weight,
    }

def reference(sparse_index_group_batch, sparse_offset_group_batch, weight):
    # emb = self.embtable(sparse_index_group_batch)
    emb = jnp.take(weight, sparse_index_group_batch, axis=0)
    # bsz = emb.size(0) // self.offset
    bsz = emb.shape[0] // OFFSET
    emb = emb.reshape(bsz, OFFSET, emb.shape[1])
    # reduce_fn = torch.sum (mode='sum'), axis=1
    return jnp.sum(emb, axis=1)

if __name__ == "__main__":
    import jax
    _d = setup_inputs()
    print(jax.jit(kernel)(*tuple(_d.values())))

</pallas_src>

<mosaic_0001>
#map = affine_map<(d0, d1) -> (0, 0)>
#map1 = affine_map<(d0, d1) -> (0)>
module attributes {stable_mosaic.version = 14 : i64} {
  func.func @emb_bag(%arg0: i32, %arg1: i32, %arg2: memref<100000x64xf32, #tpu.memory_space<hbm>>, %arg3: memref<81920xi32, #tpu.memory_space<hbm>>, %arg4: memref<4096x64xf32, #tpu.memory_space<hbm>>, %arg5: memref<2560xi32, #tpu.memory_space<vmem>>, %arg6: memref<640x64xf32, #tpu.memory_space<vmem>>, %arg7: memref<640x64xf32, #tpu.memory_space<vmem>>, %arg8: memref<32x64xf32, #tpu.memory_space<vmem>>, %arg9: memref<32x64xf32, #tpu.memory_space<vmem>>, %arg10: memref<!tpu.dma_semaphore, #tpu.memory_space<semaphore_mem>>, %arg11: memref<!tpu.dma_semaphore, #tpu.memory_space<semaphore_mem>>, %arg12: memref<!tpu.dma_semaphore, #tpu.memory_space<semaphore_mem>>, %arg13: memref<!tpu.dma_semaphore, #tpu.memory_space<semaphore_mem>>) attributes {dimension_semantics = [#tpu.dimension_semantics<core_parallel>, #tpu.dimension_semantics<subcore_parallel>], iteration_bounds = array<i64: 2, 16>, scalar_prefetch = 0 : i64, scratch_operands = 9 : i64, tpu.core_type = #tpu.core_type<sc_vector_subcore>, window_params = [{transform_indices = #map}, {transform_indices = #map1}, {transform_indices = #map}]} {
    %mul3A = arith.constant 2 : i32
    %mul3A_0 = arith.muli %arg1, %mul3A : i32
    %add3A = arith.addi %mul3A_0, %arg0 : i32
    %mul3A_1 = arith.constant 2560 : i32
    %mul3A_2 = arith.muli %add3A, %mul3A_1 : i32
    "tpu.region"() ({
      %run_scoped3A = tpu.sem_alloc : memref<!tpu.dma_semaphore, #tpu.memory_space<semaphore_mem>>
      %dma_start3A_392 = tpu.memref_slice %arg3[%mul3A_2] : memref<81920xi32, #tpu.memory_space<hbm>> -> memref<2560xi32, #tpu.memory_space<hbm>>
      %dma_start3A_393 = tpu.memref_slice %arg3[%mul3A_2] : memref<81920xi32, #tpu.memory_space<hbm>> -> memref<2560xi32, #tpu.memory_space<hbm>>
      tpu.enqueue_dma source(%dma_start3A_393 : memref<2560xi32, #tpu.memory_space<hbm>>) target(%arg5 : memref<2560xi32, #tpu.memory_space<vmem>>) target_semaphore(%run_scoped3A : memref<!tpu.dma_semaphore, #tpu.memory_space<semaphore_mem>>)
      %dma_wait3A_394 = tpu.memref_slice %arg3[%mul3A_2] : memref<81920xi32, #tpu.memory_space<hbm>> -> memref<2560xi32, #tpu.memory_space<hbm>>
      %dma_wait3A_395 = tpu.memref_slice %arg3[%mul3A_2] : memref<81920xi32, #tpu.memory_space<hbm>> -> memref<2560xi32, #tpu.memory_space<hbm>>
      tpu.wait_dma2 semaphore(%run_scoped3A : memref<!tpu.dma_semaphore, #tpu.memory_space<semaphore_mem>>) src(%dma_wait3A_395 : memref<2560xi32, #tpu.memory_space<hbm>>) dst(%arg5 : memref<2560xi32, #tpu.memory_space<vmem>>)
      tpu.yield
    }) : () -> ()
    %dma_start3A = arith.constant 0 : i32
    %dma_start3A_3 = arith.constant 0 : i32
    %dma_start3A_4 = tpu.memref_slice %arg6[%dma_start3A, %dma_start3A_3] : memref<640x64xf32, #tpu.memory_space<vmem>> -> memref<128x64xf32, #tpu.memory_space<vmem>>
    %dma_start3A_5 = arith.constant 0 : i32
    %dma_start3A_6 = tpu.memref_slice %arg5[%dma_start3A_5] : memref<2560xi32, #tpu.memory_space<vmem>> -> memref<128xi32, #tpu.memory_space<vmem>>
    %dma_start3A_7 = arith.constant 0 : i32
    %dma_start3A_8 = arith.constant 0 : i32
    %dma_start3A_9 = tpu.memref_slice %arg2[%dma_start3A_7, %dma_start3A_8] : memref<100000x64xf32, #tpu.memory_space<hbm>> -> memref<100000x64xf32, #tpu.memory_space<hbm>>
    tpu.enqueue_indirect_dma source(%dma_start3A_9 : memref<100000x64xf32, #tpu.memory_space<hbm>>) target(%dma_start3A_4 : memref<128x64xf32, #tpu.memory_space<vmem>>) offsets(%dma_start3A_6 : memref<128xi32, #tpu.memory_space<vmem>>) semaphore(%arg10 : memref<!tpu.dma_semaphore, #tpu.memory_space<semaphore_mem>>)
    %dma_start3A_10 = arith.constant 128 : i32
    %dma_start3A_11 = arith.constant 0 : i32
    %dma_start3A_12 = tpu.memref_slice %arg6[%dma_start3A_10, %dma_start3A_11] : memref<640x64xf32, #tpu.memory_space<vmem>> -> memref<128x64xf32, #tpu.memory_space<vmem>>
    %dma_start3A_13 = arith.constant 128 : i32
    %dma_start3A_14 = tpu.memref_slice %arg5[%dma_start3A_13] : memref<2560xi32, #tpu.memory_space<vmem>> -> memref<128xi32, #tpu.memory_space<vmem>>
    %dma_start3A_15 = arith.constant 0 : i32
    %dma_start3A_16 = arith.constant 0 : i32
    %dma_start3A_17 = tpu.memref_slice %arg2[%dma_start3A_15, %dma_start3A_16] : memref<100000x64xf32, #tpu.memory_space<hbm>> -> memref<100000x64xf32, #tpu.memory_space<hbm>>
    tpu.enqueue_indirect_dma source(%dma_start3A_17 : memref<100000x64xf32, #tpu.memory_space<hbm>>) target(%dma_start3A_12 : memref<128x64xf32, #tpu.memory_space<vmem>>) offsets(%dma_start3A_14 : memref<128xi32, #tpu.memory_space<vmem>>) semaphore(%arg10 : memref<!tpu.dma_semaphore, #tpu.memory_space<semaphore_mem>>)
    %dma_start3A_18 = arith.constant 256 : i32
    %dma_start3A_19 = arith.constant 0 : i32
    %dma_start3A_20 = tpu.memref_slice %arg6[%dma_start3A_18, %dma_start3A_19] : memref<640x64xf32, #tpu.memory_space<vmem>> -> memref<128x64xf32, #tpu.memory_space<vmem>>
    %dma_start3A_21 = arith.constant 256 : i32
    %dma_start3A_22 = tpu.memref_slice %arg5[%dma_start3A_21] : memref<2560xi32, #tpu.memory_space<vmem>> -> memref<128xi32, #tpu.memory_space<vmem>>
    %dma_start3A_23 = arith.constant 0 : i32
    %dma_start3A_24 = arith.constant 0 : i32
    %dma_start3A_25 = tpu.memref_slice %arg2[%dma_start3A_23, %dma_start3A_24] : memref<100000x64xf32, #tpu.memory_space<hbm>> -> memref<100000x64xf32, #tpu.memory_space<hbm>>
    tpu.enqueue_indirect_dma source(%dma_start3A_25 : memref<100000x64xf32, #tpu.memory_space<hbm>>) target(%dma_start3A_20 : memref<128x64xf32, #tpu.memory_space<vmem>>) offsets(%dma_start3A_22 : memref<128xi32, #tpu.memory_space<vmem>>) semaphore(%arg10 : memref<!tpu.dma_semaphore, #tpu.memory_space<semaphore_mem>>)
    %dma_start3A_26 = arith.constant 384 : i32
    %dma_start3A_27 = arith.constant 0 : i32
    %dma_start3A_28 = tpu.memref_slice %arg6[%dma_start3A_26, %dma_start3A_27] : memref<640x64xf32, #tpu.memory_space<vmem>> -> memref<128x64xf32, #tpu.memory_space<vmem>>
    %dma_start3A_29 = arith.constant 384 : i32
    %dma_start3A_30 = tpu.memref_slice %arg5[%dma_start3A_29] : memref<2560xi32, #tpu.memory_space<vmem>> -> memref<128xi32, #tpu.memory_space<vmem>>
    %dma_start3A_31 = arith.constant 0 : i32
    %dma_start3A_32 = arith.constant 0 : i32
    %dma_start3A_33 = tpu.memref_slice %arg2[%dma_start3A_31, %dma_start3A_32] : memref<100000x64xf32, #tpu.memory_space<hbm>> -> memref<100000x64xf32, #tpu.memory_space<hbm>>
    tpu.enqueue_indirect_dma source(%dma_start3A_33 : memref<100000x64xf32, #tpu.memory_space<hbm>>) target(%dma_start3A_28 : memref<128x64xf32, #tpu.memory_space<vmem>>) offsets(%dma_start3A_30 : memref<128xi32, #tpu.memory_space<vmem>>) semaphore(%arg10 : memref<!tpu.dma_semaphore, #tpu.memory_space<semaphore_mem>>)
    %dma_start3A_34 = arith.constant 512 : i32
    %dma_start3A_35 = arith.constant 0 : i32
    %dma_start3A_36 = tpu.memref_slice %arg6[%dma_start3A_34, %dma_start3A_35] : memref<640x64xf32, #tpu.memory_space<vmem>> -> memref<128x64xf32, #tpu.memory_space<vmem>>
    %dma_start3A_37 = arith.constant 512 : i32
    %dma_start3A_38 = tpu.memref_slice %arg5[%dma_start3A_37] : memref<2560xi32, #tpu.memory_space<vmem>> -> memref<128xi32, #tpu.memory_space<vmem>>
    %dma_start3A_39 = arith.constant 0 : i32
    %dma_start3A_40 = arith.constant 0 : i32
    %dma_start3A_41 = tpu.memref_slice %arg2[%dma_start3A_39, %dma_start3A_40] : memref<100000x64xf32, #tpu.memory_space<hbm>> -> memref<100000x64xf32, #tpu.memory_space<hbm>>
    tpu.enqueue_indirect_dma source(%dma_start3A_41 : memref<100000x64xf32, #tpu.memory_space<hbm>>) target(%dma_start3A_36 : memref<128x64xf32, #tpu.memory_space<vmem>>) offsets(%dma_start3A_38 : memref<128xi32, #tpu.memory_space<vmem>>) semaphore(%arg10 : memref<!tpu.dma_semaphore, #tpu.memory_space<semaphore_mem>>)
    %dma_start3A_42 = arith.constant 0 : i32
    %dma_start3A_43 = arith.constant 0 : i32
    %dma_start3A_44 = tpu.memref_slice %arg7[%dma_start3A_42, %dma_start3A_43] : memref<640x64xf32, #tpu.memory_space<vmem>> -> memref<128x64xf32, #tpu.memory_space<vmem>>
    %dma_start3A_45 = arith.constant 640 : i32
    %dma_start3A_46 = tpu.memref_slice %arg5[%dma_start3A_45] : memref<2560xi32, #tpu.memory_space<vmem>> -> memref<128xi32, #tpu.memory_space<vmem>>
    %dma_start3A_47 = arith.constant 0 : i32
    %dma_start3A_48 = arith.constant 0 : i32
    %dma_start3A_49 = tpu.memref_slice %arg2[%dma_start3A_47, %dma_start3A_48] : memref<100000x64xf32, #tpu.memory_space<hbm>> -> memref<100000x64xf32, #tpu.memory_space<hbm>>
    tpu.enqueue_indirect_dma source(%dma_start3A_49 : memref<100000x64xf32, #tpu.memory_space<hbm>>) target(%dma_start3A_44 : memref<128x64xf32, #tpu.memory_space<vmem>>) offsets(%dma_start3A_46 : memref<128xi32, #tpu.memory_space<vmem>>) semaphore(%arg11 : memref<!tpu.dma_semaphore, #tpu.memory_space<semaphore_mem>>)
    %dma_start3A_50 = arith.constant 128 : i32
    %dma_start3A_51 = arith.constant 0 : i32
    %dma_start3A_52 = tpu.memref_slice %arg7[%dma_start3A_50, %dma_start3A_51] : memref<640x64xf32, #tpu.memory_space<vmem>> -> memref<128x64xf32, #tpu.memory_space<vmem>>
    %dma_start3A_53 = arith.constant 768 : i32
    %dma_start3A_54 = tpu.memref_slice %arg5[%dma_start3A_53] : memref<2560xi32, #tpu.memory_space<vmem>> -> memref<128xi32, #tpu.memory_space<vmem>>
    %dma_start3A_55 = arith.constant 0 : i32
    %dma_start3A_56 = arith.constant 0 : i32
    %dma_start3A_57 = tpu.memref_slice %arg2[%dma_start3A_55, %dma_start3A_56] : memref<100000x64xf32, #tpu.memory_space<hbm>> -> memref<100000x64xf32, #tpu.memory_space<hbm>>
    tpu.enqueue_indirect_dma source(%dma_start3A_57 : memref<100000x64xf32, #tpu.memory_space<hbm>>) target(%dma_start3A_52 : memref<128x64xf32, #tpu.memory_space<vmem>>) offsets(%dma_start3A_54 : memref<128xi32, #tpu.memory_space<vmem>>) semaphore(%arg11 : memref<!tpu.dma_semaphore, #tpu.memory_space<semaphore_mem>>)
    %dma_start3A_58 = arith.constant 256 : i32
    %dma_start3A_59 = arith.constant 0 : i32
    %dma_start3A_60 = tpu.memref_slice %arg7[%dma_start3A_58, %dma_start3A_59] : memref<640x64xf32, #tpu.memory_space<vmem>> -> memref<128x64xf32, #tpu.memory_space<vmem>>
    %dma_start3A_61 = arith.constant 896 : i32
    %dma_start3A_62 = tpu.memref_slice %arg5[%dma_start3A_61] : memref<2560xi32, #tpu.memory_space<vmem>> -> memref<128xi32, #tpu.memory_space<vmem>>
    %dma_start3A_63 = arith.constant 0 : i32
    %dma_start3A_64 = arith.constant 0 : i32
    %dma_start3A_65 = tpu.memref_slice %arg2[%dma_start3A_63, %dma_start3A_64] : memref<100000x64xf32, #tpu.memory_space<hbm>> -> memref<100000x64xf32, #tpu.memory_space<hbm>>
    tpu.enqueue_indirect_dma source(%dma_start3A_65 : memref<100000x64xf32, #tpu.memory_space<hbm>>) target(%dma_start3A_60 : memref<128x64xf32, #tpu.memory_space<vmem>>) offsets(%dma_start3A_62 : memref<128xi32, #tpu.memory_space<vmem>>) semaphore(%arg11 : memref<!tpu.dma_semaphore, #tpu.memory_space<semaphore_mem>>)
    %dma_start3A_66 = arith.constant 384 : i32
    %dma_start3A_67 = arith.constant 0 : i32
    %dma_start3A_68 = tpu.memref_slice %arg7[%dma_start3A_66, %dma_start3A_67] : memref<640x64xf32, #tpu.memory_space<vmem>> -> memref<128x64xf32, #tpu.memory_space<vmem>>
    %dma_start3A_69 = arith.constant 1024 : i32
    %dma_start3A_70 = tpu.memref_slice %arg5[%dma_start3A_69] : memref<2560xi32, #tpu.memory_space<vmem>> -> memref<128xi32, #tpu.memory_space<vmem>>
    %dma_start3A_71 = arith.constant 0 : i32
    %dma_start3A_72 = arith.constant 0 : i32
    %dma_start3A_73 = tpu.memref_slice %arg2[%dma_start3A_71, %dma_start3A_72] : memref<100000x64xf32, #tpu.memory_space<hbm>> -> memref<100000x64xf32, #tpu.memory_space<hbm>>
    tpu.enqueue_indirect_dma source(%dma_start3A_73 : memref<100000x64xf32, #tpu.memory_space<hbm>>) target(%dma_start3A_68 : memref<128x64xf32, #tpu.memory_space<vmem>>) offsets(%dma_start3A_70 : memref<128xi32, #tpu.memory_space<vmem>>) semaphore(%arg11 : memref<!tpu.dma_semaphore, #tpu.memory_space<semaphore_mem>>)
    %dma_start3A_74 = arith.constant 512 : i32
    %dma_start3A_75 = arith.constant 0 : i32
    %dma_start3A_76 = tpu.memref_slice %arg7[%dma_start3A_74, %dma_start3A_75] : memref<640x64xf32, #tpu.memory_space<vmem>> -> memref<128x64xf32, #tpu.memory_space<vmem>>
    %dma_start3A_77 = arith.constant 1152 : i32
    %dma_start3A_78 = tpu.memref_slice %arg5[%dma_start3A_77] : memref<2560xi32, #tpu.memory_space<vmem>> -> memref<128xi32, #tpu.memory_space<vmem>>
    %dma_start3A_79 = arith.constant 0 : i32
    %dma_start3A_80 = arith.constant 0 : i32
    %dma_start3A_81 = tpu.memref_slice %arg2[%dma_start3A_79, %dma_start3A_80] : memref<100000x64xf32, #tpu.memory_space<hbm>> -> memref<100000x64xf32, #tpu.memory_space<hbm>>
    tpu.enqueue_indirect_dma source(%dma_start3A_81 : memref<100000x64xf32, #tpu.memory_space<hbm>>) target(%dma_start3A_76 : memref<128x64xf32, #tpu.memory_space<vmem>>) offsets(%dma_start3A_78 : memref<128xi32, #tpu.memory_space<vmem>>) semaphore(%arg11 : memref<!tpu.dma_semaphore, #tpu.memory_space<semaphore_mem>>)
    %dma_wait3A = arith.constant 0 : i32
    %dma_wait3A_82 = arith.constant 0 : i32
    %dma_wait3A_83 = tpu.memref_slice %arg6[%dma_wait3A, %dma_wait3A_82] : memref<640x64xf32, #tpu.memory_space<vmem>> -> memref<128x64xf32, #tpu.memory_space<vmem>>
    %dma_wait3A_84 = arith.constant 0 : i32
    %dma_wait3A_85 = tpu.memref_slice %arg5[%dma_wait3A_84] : memref<2560xi32, #tpu.memory_space<vmem>> -> memref<128xi32, #tpu.memory_space<vmem>>
    %dma_wait3A_86 = arith.constant 0 : i32
    %dma_wait3A_87 = arith.constant 0 : i32
    %dma_wait3A_88 = tpu.memref_slice %arg2[%dma_wait3A_86, %dma_wait3A_87] : memref<100000x64xf32, #tpu.memory_space<hbm>> -> memref<100000x64xf32, #tpu.memory_space<hbm>>
    tpu.wait_indirect_dma semaphore(%arg10 : memref<!tpu.dma_semaphore, #tpu.memory_space<semaphore_mem>>) src(%dma_wait3A_88 : memref<100000x64xf32, #tpu.memory_space<hbm>>) dst(%dma_wait3A_83 : memref<128x64xf32, #tpu.memory_space<vmem>>)
    %dma_wait3A_89 = arith.constant 128 : i32
    %dma_wait3A_90 = arith.constant 0 : i32
    %dma_wait3A_91 = tpu.memref_slice %arg6[%dma_wait3A_89, %dma_wait3A_90] : memref<640x64xf32, #tpu.memory_space<vmem>> -> memref<128x64xf32, #tpu.memory_space<vmem>>
    %dma_wait3A_92 = arith.constant 128 : i32
    %dma_wait3A_93 = tpu.memref_slice %arg5[%dma_wait3A_92] : memref<2560xi32, #tpu.memory_space<vmem>> -> memref<128xi32, #tpu.memory_space<vmem>>
    %dma_wait3A_94 = arith.constant 0 : i32
    %dma_wait3A_95 = arith.constant 0 : i32
    %dma_wait3A_96 = tpu.memref_slice %arg2[%dma_wait3A_94, %dma_wait3A_95] : memref<100000x64xf32, #tpu.memory_space<hbm>> -> memref<100000x64xf32, #tpu.memory_space<hbm>>
    tpu.wait_indirect_dma semaphore(%arg10 : memref<!tpu.dma_semaphore, #tpu.memory_space<semaphore_mem>>) src(%dma_wait3A_96 : memref<100000x64xf32, #tpu.memory_space<hbm>>) dst(%dma_wait3A_91 : memref<128x64xf32, #tpu.memory_space<vmem>>)
    %dma_wait3A_97 = arith.constant 256 : i32
    %dma_wait3A_98 = arith.constant 0 : i32
    %dma_wait3A_99 = tpu.memref_slice %arg6[%dma_wait3A_97, %dma_wait3A_98] : memref<640x64xf32, #tpu.memory_space<vmem>> -> memref<128x64xf32, #tpu.memory_space<vmem>>
    %dma_wait3A_100 = arith.constant 256 : i32
    %dma_wait3A_101 = tpu.memref_slice %arg5[%dma_wait3A_100] : memref<2560xi32, #tpu.memory_space<vmem>> -> memref<128xi32, #tpu.memory_space<vmem>>
    %dma_wait3A_102 = arith.constant 0 : i32
    %dma_wait3A_103 = arith.constant 0 : i32
    %dma_wait3A_104 = tpu.memref_slice %arg2[%dma_wait3A_102, %dma_wait3A_103] : memref<100000x64xf32, #tpu.memory_space<hbm>> -> memref<100000x64xf32, #tpu.memory_space<hbm>>
    tpu.wait_indirect_dma semaphore(%arg10 : memref<!tpu.dma_semaphore, #tpu.memory_space<semaphore_mem>>) src(%dma_wait3A_104 : memref<100000x64xf32, #tpu.memory_space<hbm>>) dst(%dma_wait3A_99 : memref<128x64xf32, #tpu.memory_space<vmem>>)
    %dma_wait3A_105 = arith.constant 384 : i32
    %dma_wait3A_106 = arith.constant 0 : i32
    %dma_wait3A_107 = tpu.memref_slice %arg6[%dma_wait3A_105, %dma_wait3A_106] : memref<640x64xf32, #tpu.memory_space<vmem>> -> memref<128x64xf32, #tpu.memory_space<vmem>>
    %dma_wait3A_108 = arith.constant 384 : i32
    %dma_wait3A_109 = tpu.memref_slice %arg5[%dma_wait3A_108] : memref<2560xi32, #tpu.memory_space<vmem>> -> memref<128xi32, #tpu.memory_space<vmem>>
    %dma_wait3A_110 = arith.constant 0 : i32
    %dma_wait3A_111 = arith.constant 0 : i32
    %dma_wait3A_112 = tpu.memref_slice %arg2[%dma_wait3A_110, %dma_wait3A_111] : memref<100000x64xf32, #tpu.memory_space<hbm>> -> memref<100000x64xf32, #tpu.memory_space<hbm>>
    tpu.wait_indirect_dma semaphore(%arg10 : memref<!tpu.dma_semaphore, #tpu.memory_space<semaphore_mem>>) src(%dma_wait3A_112 : memref<100000x64xf32, #tpu.memory_space<hbm>>) dst(%dma_wait3A_107 : memref<128x64xf32, #tpu.memory_space<vmem>>)
    %dma_wait3A_113 = arith.constant 512 : i32
    %dma_wait3A_114 = arith.constant 0 : i32
    %dma_wait3A_115 = tpu.memref_slice %arg6[%dma_wait3A_113, %dma_wait3A_114] : memref<640x64xf32, #tpu.memory_space<vmem>> -> memref<128x64xf32, #tpu.memory_space<vmem>>
    %dma_wait3A_116 = arith.constant 512 : i32
    %dma_wait3A_117 = tpu.memref_slice %arg5[%dma_wait3A_116] : memref<2560xi32, #tpu.memory_space<vmem>> -> memref<128xi32, #tpu.memory_space<vmem>>
    %dma_wait3A_118 = arith.constant 0 : i32
    %dma_wait3A_119 = arith.constant 0 : i32
    %dma_wait3A_120 = tpu.memref_slice %arg2[%dma_wait3A_118, %dma_wait3A_119] : memref<100000x64xf32, #tpu.memory_space<hbm>> -> memref<100000x64xf32, #tpu.memory_space<hbm>>
    tpu.wait_indirect_dma semaphore(%arg10 : memref<!tpu.dma_semaphore, #tpu.memory_space<semaphore_mem>>) src(%dma_wait3A_120 : memref<100000x64xf32, #tpu.memory_space<hbm>>) dst(%dma_wait3A_115 : memref<128x64xf32, #tpu.memory_space<vmem>>)
    %scan3A = arith.constant 0 : i32
    %scan3A_121 = arith.constant 0 : i32
    %scan3A_122 = arith.constant 32 : i32
    %scan3A_123 = arith.addi %scan3A_121, %scan3A_122 : i32
    %scan3A_124 = arith.constant 2 : i32
    scf.for %scan3A_392 = %scan3A_121 to %scan3A_123 step %scan3A_124  : i32 {
      %mul3A_393 = arith.constant 20 : i32
      %mul3A_394 = arith.muli %scan3A_392, %mul3A_393 : i32
      %add3A_395 = arith.constant 0 : i32
      %add3A_396 = arith.addi %mul3A_394, %add3A_395 : i32
      %get3A = arith.index_cast %add3A_396 : i32 to index
      %get3A_397 = arith.constant 0 : index
      %get3A_398 = tpu.vector_load %arg6[%get3A, %get3A_397] {strides = array<i32>} : memref<640x64xf32, #tpu.memory_space<vmem>>, vector<1x16xf32>,
      %get3A_399 = vector.shape_cast %get3A_398 : vector<1x16xf32> to vector<16xf32>
      %add3A_400 = arith.constant 0 : i32
      %add3A_401 = arith.addi %mul3A_394, %add3A_400 : i32
      %get3A_402 = arith.index_cast %add3A_401 : i32 to index
      %get3A_403 = arith.constant 16 : index
      %get3A_404 = tpu.vector_load %arg6[%get3A_402, %get3A_403] {strides = array<i32>} : memref<640x64xf32, #tpu.memory_space<vmem>>, vector<1x16xf32>,
      %get3A_405 = vector.shape_cast %get3A_404 : vector<1x16xf32> to vector<16xf32>
      %add3A_406 = arith.constant 0 : i32
      %add3A_407 = arith.addi %mul3A_394, %add3A_406 : i32
      %get3A_408 = arith.index_cast %add3A_407 : i32 to index
      %get3A_409 = arith.constant 32 : index
      %get3A_410 = tpu.vector_load %arg6[%get3A_408, %get3A_409] {strides = array<i32>} : memref<640x64xf32, #tpu.memory_space<vmem>>, vector<1x16xf32>,
      %get3A_411 = vector.shape_cast %get3A_410 : vector<1x16xf32> to vector<16xf32>
      %add3A_412 = arith.constant 0 : i32
      %add3A_413 = arith.addi %mul3A_394, %add3A_412 : i32
      %get3A_414 = arith.index_cast %add3A_413 : i32 to index
      %get3A_415 = arith.constant 48 : index
      %get3A_416 = tpu.vector_load %arg6[%get3A_414, %get3A_415] {strides = array<i32>} : memref<640x64xf32, #tpu.memory_space<vmem>>, vector<1x16xf32>,
      %get3A_417 = vector.shape_cast %get3A_416 : vector<1x16xf32> to vector<16xf32>
      %add3A_418 = arith.constant 1 : i32
      %add3A_419 = arith.addi %mul3A_394, %add3A_418 : i32
      %get3A_420 = arith.index_cast %add3A_419 : i32 to index
      %get3A_421 = arith.constant 0 : index
      %get3A_422 = tpu.vector_load %arg6[%get3A_420, %get3A_421] {strides = array<i32>} : memref<640x64xf32, #tpu.memory_space<vmem>>, vector<1x16xf32>,
      %get3A_423 = vector.shape_cast %get3A_422 : vector<1x16xf32> to vector<16xf32>
      %add3A_424 = arith.constant 1 : i32
      %add3A_425 = arith.addi %mul3A_394, %add3A_424 : i32
      %get3A_426 = arith.index_cast %add3A_425 : i32 to index
      %get3A_427 = arith.constant 16 : index
      %get3A_428 = tpu.vector_load %arg6[%get3A_426, %get3A_427] {strides = array<i32>} : memref<640x64xf32, #tpu.memory_space<vmem>>, vector<1x16xf32>,
      %get3A_429 = vector.shape_cast %get3A_428 : vector<1x16xf32> to vector<16xf32>
      %add3A_430 = arith.constant 1 : i32
      %add3A_431 = arith.addi %mul3A_394, %add3A_430 : i32
      %get3A_432 = arith.index_cast %add3A_431 : i32 to index
      %get3A_433 = arith.constant 32 : index
      %get3A_434 = tpu.vector_load %arg6[%get3A_432, %get3A_433] {strides = array<i32>} : memref<640x64xf32, #tpu.memory_space<vmem>>, vector<1x16xf32>,
      %get3A_435 = vector.shape_cast %get3A_434 : vector<1x16xf32> to vector<16xf32>
      %add3A_436 = arith.constant 1 : i32
      %add3A_437 = arith.addi %mul3A_394, %add3A_436 : i32
      %get3A_438 = arith.index_cast %add3A_437 : i32 to index
      %get3A_439 = arith.constant 48 : index
      %get3A_440 = tpu.vector_load %arg6[%get3A_438, %get3A_439] {strides = array<i32>} : memref<640x64xf32, #tpu.memory_space<vmem>>, vector<1x16xf32>,
      %get3A_441 = vector.shape_cast %get3A_440 : vector<1x16xf32> to vector<16xf32>
      %add3A_442 = arith.constant 2 : i32
      %add3A_443 = arith.addi %mul3A_394, %add3A_442 : i32
      %get3A_444 = arith.index_cast %add3A_443 : i32 to index
      %get3A_445 = arith.constant 0 : index
      %get3A_446 = tpu.vector_load %arg6[%get3A_444, %get3A_445] {strides = array<i32>} : memref<640x64xf32, #tpu.memory_space<vmem>>, vector<1x16xf32>,
      %get3A_447 = vector.shape_cast %get3A_446 : vector<1x16xf32> to vector<16xf32>
      %add3A_448 = arith.constant 2 : i32
      %add3A_449 = arith.addi %mul3A_394, %add3A_448 : i32
      %get3A_450 = arith.index_cast %add3A_449 : i32 to index
      %get3A_451 = arith.constant 16 : index
      %get3A_452 = tpu.vector_load %arg6[%get3A_450, %get3A_451] {strides = array<i32>} : memref<640x64xf32, #tpu.memory_space<vmem>>, vector<1x16xf32>,
      %get3A_453 = vector.shape_cast %get3A_452 : vector<1x16xf32> to vector<16xf32>
      %add3A_454 = arith.constant 2 : i32
      %add3A_455 = arith.addi %mul3A_394, %add3A_454 : i32
      %get3A_456 = arith.index_cast %add3A_455 : i32 to index
      %get3A_457 = arith.constant 32 : index
      %get3A_458 = tpu.vector_load %arg6[%get3A_456, %get3A_457] {strides = array<i32>} : memref<640x64xf32, #tpu.memory_space<vmem>>, vector<1x16xf32>,
      %get3A_459 = vector.shape_cast %get3A_458 : vector<1x16xf32> to vector<16xf32>
      %add3A_460 = arith.constant 2 : i32
      %add3A_461 = arith.addi %mul3A_394, %add3A_460 : i32
      %get3A_462 = arith.index_cast %add3A_461 : i32 to index
      %get3A_463 = arith.constant 48 : index
      %get3A_464 = tpu.vector_load %arg6[%get3A_462, %get3A_463] {strides = array<i32>} : memref<640x64xf32, #tpu.memory_space<vmem>>, vector<1x16xf32>,
      %get3A_465 = vector.shape_cast %get3A_464 : vector<1x16xf32> to vector<16xf32>
      %add3A_466 = arith.constant 3 : i32
      %add3A_467 = arith.addi %mul3A_394, %add3A_466 : i32
      %get3A_468 = arith.index_cast %add3A_467 : i32 to index
      %get3A_469 = arith.constant 0 : index
      %get3A_470 = tpu.vector_load %arg6[%get3A_468, %get3A_469] {strides = array<i32>} : memref<640x64xf32, #tpu.memory_space<vmem>>, vector<1x16xf32>,
      %get3A_471 = vector.shape_cast %get3A_470 : vector<1x16xf32> to vector<16xf32>
      %add3A_472 = arith.constant 3 : i32
      %add3A_473 = arith.addi %mul3A_394, %add3A_472 : i32
      %get3A_474 = arith.index_cast %add3A_473 : i32 to index
      %get3A_475 = arith.constant 16 : index
      %get3A_476 = tpu.vector_load %arg6[%get3A_474, %get3A_475] {strides = array<i32>} : memref<640x64xf32, #tpu.memory_space<vmem>>, vector<1x16xf32>,
      %get3A_477 = vector.shape_cast %get3A_476 : vector<1x16xf32> to vector<16xf32>
      %add3A_478 = arith.constant 3 : i32
      %add3A_479 = arith.addi %mul3A_394, %add3A_478 : i32
      %get3A_480 = arith.index_cast %add3A_479 : i32 to index
      %get3A_481 = arith.constant 32 : index
      %get3A_482 = tpu.vector_load %arg6[%get3A_480, %get3A_481] {strides = array<i32>} : memref<640x64xf32, #tpu.memory_space<vmem>>, vector<1x16xf32>,
      %get3A_483 = vector.shape_cast %get3A_482 : vector<1x16xf32> to vector<16xf32>
      %add3A_484 = arith.constant 3 : i32
      %add3A_485 = arith.addi %mul3A_394, %add3A_484 : i32
      %get3A_486 = arith.index_cast %add3A_485 : i32 to index
      %get3A_487 = arith.constant 48 : index
      %get3A_488 = tpu.vector_load %arg6[%get3A_486, %get3A_487] {strides = array<i32>} : memref<640x64xf32, #tpu.memory_space<vmem>>, vector<1x16xf32>,
      %get3A_489 = vector.shape_cast %get3A_488 : vector<1x16xf32> to vector<16xf32>
      %add3A_490 = arith.constant 4 : i32
      %add3A_491 = arith.addi %mul3A_394, %add3A_490 : i32
      %get3A_492 = arith.index_cast %add3A_491 : i32 to index
      %get3A_493 = arith.constant 0 : index
      %get3A_494 = tpu.vector_load %arg6[%get3A_492, %get3A_493] {strides = array<i32>} : memref<640x64xf32, #tpu.memory_space<vmem>>, vector<1x16xf32>,
      %get3A_495 = vector.shape_cast %get3A_494 : vector<1x16xf32> to vector<16xf32>
      %add3A_496 = arith.constant 4 : i32
      %add3A_497 = arith.addi %mul3A_394, %add3A_496 : i32
      %get3A_498 = arith.index_cast %add3A_497 : i32 to index
      %get3A_499 = arith.constant 16 : index
      %get3A_500 = tpu.vector_load %arg6[%get3A_498, %get3A_499] {strides = array<i32>} : memref<640x64xf32, #tpu.memory_space<vmem>>, vector<1x16xf32>,
      %get3A_501 = vector.shape_cast %get3A_500 : vector<1x16xf32> to vector<16xf32>
      %add3A_502 = arith.constant 4 : i32
      %add3A_503 = arith.addi %mul3A_394, %add3A_502 : i32
      %get3A_504 = arith.index_cast %add3A_503 : i32 to index
      %get3A_505 = arith.constant 32 : index
      %get3A_506 = tpu.vector_load %arg6[%get3A_504, %get3A_505] {strides = array<i32>} : memref<640x64xf32, #tpu.memory_space<vmem>>, vector<1x16xf32>,
      %get3A_507 = vector.shape_cast %get3A_506 : vector<1x16xf32> to vector<16xf32>
      %add3A_508 = arith.constant 4 : i32
      %add3A_509 = arith.addi %mul3A_394, %add3A_508 : i32
      %get3A_510 = arith.index_cast %add3A_509 : i32 to index
      %get3A_511 = arith.constant 48 : index
      %get3A_512 = tpu.vector_load %arg6[%get3A_510, %get3A_511] {strides = array<i32>} : memref<640x64xf32, #tpu.memory_space<vmem>>, vector<1x16xf32>,
      %get3A_513 = vector.shape_cast %get3A_512 : vector<1x16xf32> to vector<16xf32>
      %add3A_514 = arith.constant 5 : i32
      %add3A_515 = arith.addi %mul3A_394, %add3A_514 : i32
      %get3A_516 = arith.index_cast %add3A_515 : i32 to index
      %get3A_517 = arith.constant 0 : index
      %get3A_518 = tpu.vector_load %arg6[%get3A_516, %get3A_517] {strides = array<i32>} : memref<640x64xf32, #tpu.memory_space<vmem>>, vector<1x16xf32>,
      %get3A_519 = vector.shape_cast %get3A_518 : vector<1x16xf32> to vector<16xf32>
      %add3A_520 = arith.constant 5 : i32
      %add3A_521 = arith.addi %mul3A_394, %add3A_520 : i32
      %get3A_522 = arith.index_cast %add3A_521 : i32 to index
      %get3A_523 = arith.constant 16 : index
      %get3A_524 = tpu.vector_load %arg6[%get3A_522, %get3A_523] {strides = array<i32>} : memref<640x64xf32, #tpu.memory_space<vmem>>, vector<1x16xf32>,
      %get3A_525 = vector.shape_cast %get3A_524 : vector<1x16xf32> to vector<16xf32>
      %add3A_526 = arith.constant 5 : i32
      %add3A_527 = arith.addi %mul3A_394, %add3A_526 : i32
      %get3A_528 = arith.index_cast %add3A_527 : i32 to index
      %get3A_529 = arith.constant 32 : index
      %get3A_530 = tpu.vector_load %arg6[%get3A_528, %get3A_529] {strides = array<i32>} : memref<640x64xf32, #tpu.memory_space<vmem>>, vector<1x16xf32>,
      %get3A_531 = vector.shape_cast %get3A_530 : vector<1x16xf32> to vector<16xf32>
      %add3A_532 = arith.constant 5 : i32
      %add3A_533 = arith.addi %mul3A_394, %add3A_532 : i32
      %get3A_534 = arith.index_cast %add3A_533 : i32 to index
      %get3A_535 = arith.constant 48 : index
      %get3A_536 = tpu.vector_load %arg6[%get3A_534, %get3A_535] {strides = array<i32>} : memref<640x64xf32, #tpu.memory_space<vmem>>, vector<1x16xf32>,
      %get3A_537 = vector.shape_cast %get3A_536 : vector<1x16xf32> to vector<16xf32>
      %add3A_538 = arith.constant 6 : i32
      %add3A_539 = arith.addi %mul3A_394, %add3A_538 : i32
      %get3A_540 = arith.index_cast %add3A_539 : i32 to index
      %get3A_541 = arith.constant 0 : index
      %get3A_542 = tpu.vector_load %arg6[%get3A_540, %get3A_541] {strides = array<i32>} : memref<640x64xf32, #tpu.memory_space<vmem>>, vector<1x16xf32>,
      %get3A_543 = vector.shape_cast %get3A_542 : vector<1x16xf32> to vector<16xf32>
      %add3A_544 = arith.constant 6 : i32
      %add3A_545 = arith.addi %mul3A_394, %add3A_544 : i32
      %get3A_546 = arith.index_cast %add3A_545 : i32 to index
      %get3A_547 = arith.constant 16 : index
      %get3A_548 = tpu.vector_load %arg6[%get3A_546, %get3A_547] {strides = array<i32>} : memref<640x64xf32, #tpu.memory_space<vmem>>, vector<1x16xf32>,
      %get3A_549 = vector.shape_cast %get3A_548 : vector<1x16xf32> to vector<16xf32>
      %add3A_550 = arith.constant 6 : i32
      %add3A_551 = arith.addi %mul3A_394, %add3A_550 : i32
      %get3A_552 = arith.index_cast %add3A_551 : i32 to index
      %get3A_553 = arith.constant 32 : index
      %get3A_554 = tpu.vector_load %arg6[%get3A_552, %get3A_553] {strides = array<i32>} : memref<640x64xf32, #tpu.memory_space<vmem>>, vector<1x16xf32>,
      %get3A_555 = vector.shape_cast %get3A_554 : vector<1x16xf32> to vector<16xf32>
      %add3A_556 = arith.constant 6 : i32
      %add3A_557 = arith.addi %mul3A_394, %add3A_556 : i32
      %get3A_558 = arith.index_cast %add3A_557 : i32 to index
      %get3A_559 = arith.constant 48 : index
      %get3A_560 = tpu.vector_load %arg6[%get3A_558, %get3A_559] {strides = array<i32>} : memref<640x64xf32, #tpu.memory_space<vmem>>, vector<1x16xf32>,
      %get3A_561 = vector.shape_cast %get3A_560 : vector<1x16xf32> to vector<16xf32>
      %add3A_562 = arith.constant 7 : i32
      %add3A_563 = arith.addi %mul3A_394, %add3A_562 : i32
      %get3A_564 = arith.index_cast %add3A_563 : i32 to index
      %get3A_565 = arith.constant 0 : index
      %get3A_566 = tpu.vector_load %arg6[%get3A_564, %get3A_565] {strides = array<i32>} : memref<640x64xf32, #tpu.memory_space<vmem>>, vector<1x16xf32>,
      %get3A_567 = vector.shape_cast %get3A_566 : vector<1x16xf32> to vector<16xf32>
      %add3A_568 = arith.constant 7 : i32
      %add3A_569 = arith.addi %mul3A_394, %add3A_568 : i32
      %get3A_570 = arith.index_cast %add3A_569 : i32 to index
      %get3A_571 = arith.constant 16 : index
      %get3A_572 = tpu.vector_load %arg6[%get3A_570, %get3A_571] {strides = array<i32>} : memref<640x64xf32, #tpu.memory_space<vmem>>, vector<1x16xf32>,
      %get3A_573 = vector.shape_cast %get3A_572 : vector<1x16xf32> to vector<16xf32>
      %add3A_574 = arith.constant 7 : i32
      %add3A_575 = arith.addi %mul3A_394, %add3A_574 : i32
      %get3A_576 = arith.index_cast %add3A_575 : i32 to index
      %get3A_577 = arith.constant 32 : index
      %get3A_578 = tpu.vector_load %arg6[%get3A_576, %get3A_577] {strides = array<i32>} : memref<640x64xf32, #tpu.memory_space<vmem>>, vector<1x16xf32>,
      %get3A_579 = vector.shape_cast %get3A_578 : vector<1x16xf32> to vector<16xf32>
      %add3A_580 = arith.constant 7 : i32
      %add3A_581 = arith.addi %mul3A_394, %add3A_580 : i32
      %get3A_582 = arith.index_cast %add3A_581 : i32 to index
      %get3A_583 = arith.constant 48 : index
      %get3A_584 = tpu.vector_load %arg6[%get3A_582, %get3A_583] {strides = array<i32>} : memref<640x64xf32, #tpu.memory_space<vmem>>, vector<1x16xf32>,
      %get3A_585 = vector.shape_cast %get3A_584 : vector<1x16xf32> to vector<16xf32>
      %add3A_586 = arith.constant 8 : i32
      %add3A_587 = arith.addi %mul3A_394, %add3A_586 : i32
      %get3A_588 = arith.index_cast %add3A_587 : i32 to index
      %get3A_589 = arith.constant 0 : index
      %get3A_590 = tpu.vector_load %arg6[%get3A_588, %get3A_589] {strides = array<i32>} : memref<640x64xf32, #tpu.memory_space<vmem>>, vector<1x16xf32>,
      %get3A_591 = vector.shape_cast %get3A_590 : vector<1x16xf32> to vector<16xf32>
      %add3A_592 = arith.constant 8 : i32
      %add3A_593 = arith.addi %mul3A_394, %add3A_592 : i32
      %get3A_594 = arith.index_cast %add3A_593 : i32 to index
      %get3A_595 = arith.constant 16 : index
      %get3A_596 = tpu.vector_load %arg6[%get3A_594, %get3A_595] {strides = array<i32>} : memref<640x64xf32, #tpu.memory_space<vmem>>, vector<1x16xf32>,
      %get3A_597 = vector.shape_cast %get3A_596 : vector<1x16xf32> to vector<16xf32>
      %add3A_598 = arith.constant 8 : i32
      %add3A_599 = arith.addi %mul3A_394, %add3A_598 : i32
      %get3A_600 = arith.index_cast %add3A_599 : i32 to index
      %get3A_601 = arith.constant 32 : index
      %get3A_602 = tpu.vector_load %arg6[%get3A_600, %get3A_601] {strides = array<i32>} : memref<640x64xf32, #tpu.memory_space<vmem>>, vector<1x16xf32>,
      %get3A_603 = vector.shape_cast %get3A_602 : vector<1x16xf32> to vector<16xf32>
      %add3A_604 = arith.constant 8 : i32
      %add3A_605 = arith.addi %mul3A_394, %add3A_604 : i32
      %get3A_606 = arith.index_cast %add3A_605 : i32 to index
      %get3A_607 = arith.constant 48 : index
      %get3A_608 = tpu.vector_load %arg6[%get3A_606, %get3A_607] {strides = array<i32>} : memref<640x64xf32, #tpu.memory_space<vmem>>, vector<1x16xf32>,
      %get3A_609 = vector.shape_cast %get3A_608 : vector<1x16xf32> to vector<16xf32>
      %add3A_610 = arith.constant 9 : i32
      %add3A_611 = arith.addi %mul3A_394, %add3A_610 : i32
      %get3A_612 = arith.index_cast %add3A_611 : i32 to index
      %get3A_613 = arith.constant 0 : index
      %get3A_614 = tpu.vector_load %arg6[%get3A_612, %get3A_613] {strides = array<i32>} : memref<640x64xf32, #tpu.memory_space<vmem>>, vector<1x16xf32>,
      %get3A_615 = vector.shape_cast %get3A_614 : vector<1x16xf32> to vector<16xf32>
      %add3A_616 = arith.constant 9 : i32
      %add3A_617 = arith.addi %mul3A_394, %add3A_616 : i32
      %get3A_618 = arith.index_cast %add3A_617 : i32 to index
      %get3A_619 = arith.constant 16 : index
      %get3A_620 = tpu.vector_load %arg6[%get3A_618, %get3A_619] {strides = array<i32>} : memref<640x64xf32, #tpu.memory_space<vmem>>, vector<1x16xf32>,
      %get3A_621 = vector.shape_cast %get3A_620 : vector<1x16xf32> to vector<16xf32>
      %add3A_622 = arith.constant 9 : i32
      %add3A_623 = arith.addi %mul3A_394, %add3A_622 : i32
      %get3A_624 = arith.index_cast %add3A_623 : i32 to index
      %get3A_625 = arith.constant 32 : index
      %get3A_626 = tpu.vector_load %arg6[%get3A_624, %get3A_625] {strides = array<i32>} : memref<640x64xf32, #tpu.memory_space<vmem>>, vector<1x16xf32>,
      %get3A_627 = vector.shape_cast %get3A_626 : vector<1x16xf32> to vector<16xf32>
      %add3A_628 = arith.constant 9 : i32
      %add3A_629 = arith.addi %mul3A_394, %add3A_628 : i32
      %get3A_630 = arith.index_cast %add3A_629 : i32 to index
      %get3A_631 = arith.constant 48 : index
      %get3A_632 = tpu.vector_load %arg6[%get3A_630, %get3A_631] {strides = array<i32>} : memref<640x64xf32, #tpu.memory_space<vmem>>, vector<1x16xf32>,
      %get3A_633 = vector.shape_cast %get3A_632 : vector<1x16xf32> to vector<16xf32>
      %add3A_634 = arith.constant 10 : i32
      %add3A_635 = arith.addi %mul3A_394, %add3A_634 : i32
      %get3A_636 = arith.index_cast %add3A_635 : i32 to index
      %get3A_637 = arith.constant 0 : index
      %get3A_638 = tpu.vector_load %arg6[%get3A_636, %get3A_637] {strides = array<i32>} : memref<640x64xf32, #tpu.memory_space<vmem>>, vector<1x16xf32>,
      %get3A_639 = vector.shape_cast %get3A_638 : vector<1x16xf32> to vector<16xf32>
      %add3A_640 = arith.constant 10 : i32
      %add3A_641 = arith.addi %mul3A_394, %add3A_640 : i32
      %get3A_642 = arith.index_cast %add3A_641 : i32 to index
      %get3A_643 = arith.constant 16 : index
      %get3A_644 = tpu.vector_load %arg6[%get3A_642, %get3A_643] {strides = array<i32>} : memref<640x64xf32, #tpu.memory_space<vmem>>, vector<1x16xf32>,
      %get3A_645 = vector.shape_cast %get3A_644 : vector<1x16xf32> to vector<16xf32>
      %add3A_646 = arith.constant 10 : i32
      %add3A_647 = arith.addi %mul3A_394, %add3A_646 : i32
      %get3A_648 = arith.index_cast %add3A_647 : i32 to index
      %get3A_649 = arith.constant 32 : index
      %get3A_650 = tpu.vector_load %arg6[%get3A_648, %get3A_649] {strides = array<i32>} : memref<640x64xf32, #tpu.memory_space<vmem>>, vector<1x16xf32>,
      %get3A_651 = vector.shape_cast %get3A_650 : vector<1x16xf32> to vector<16xf32>
      %add3A_652 = arith.constant 10 : i32
      %add3A_653 = arith.addi %mul3A_394, %add3A_652 : i32
      %get3A_654 = arith.index_cast %add3A_653 : i32 to index
      %get3A_655 = arith.constant 48 : index
      %get3A_656 = tpu.vector_load %arg6[%get3A_654, %get3A_655] {strides = array<i32>} : memref<640x64xf32, #tpu.memory_space<vmem>>, vector<1x16xf32>,
      %get3A_657 = vector.shape_cast %get3A_656 : vector<1x16xf32> to vector<16xf32>
      %add3A_658 = arith.constant 11 : i32
      %add3A_659 = arith.addi %mul3A_394, %add3A_658 : i32
      %get3A_660 = arith.index_cast %add3A_659 : i32 to index
      %get3A_661 = arith.constant 0 : index
      %get3A_662 = tpu.vector_load %arg6[%get3A_660, %get3A_661] {strides = array<i32>} : memref<640x64xf32, #tpu.memory_space<vmem>>, vector<1x16xf32>,
      %get3A_663 = vector.shape_cast %get3A_662 : vector<1x16xf32> to vector<16xf32>
      %add3A_664 = arith.constant 11 : i32
      %add3A_665 = arith.addi %mul3A_394, %add3A_664 : i32
      %get3A_666 = arith.index_cast %add3A_665 : i32 to index
      %get3A_667 = arith.constant 16 : index
      %get3A_668 = tpu.vector_load %arg6[%get3A_666, %get3A_667] {strides = array<i32>} : memref<640x64xf32, #tpu.memory_space<vmem>>, vector<1x16xf32>,
      %get3A_669 = vector.shape_cast %get3A_668 : vector<1x16xf32> to vector<16xf32>
      %add3A_670 = arith.constant 11 : i32
      %add3A_671 = arith.addi %mul3A_394, %add3A_670 : i32
      %get3A_672 = arith.index_cast %add3A_671 : i32 to index
      %get3A_673 = arith.constant 32 : index
      %get3A_674 = tpu.vector_load %arg6[%get3A_672, %get3A_673] {strides = array<i32>} : memref<640x64xf32, #tpu.memory_space<vmem>>, vector<1x16xf32>,
      %get3A_675 = vector.shape_cast %get3A_674 : vector<1x16xf32> to vector<16xf32>
      %add3A_676 = arith.constant 11 : i32
      %add3A_677 = arith.addi %mul3A_394, %add3A_676 : i32
      %get3A_678 = arith.index_cast %add3A_677 : i32 to index
      %get3A_679 = arith.constant 48 : index
      %get3A_680 = tpu.vector_load %arg6[%get3A_678, %get3A_679] {strides = array<i32>} : memref<640x64xf32, #tpu.memory_space<vmem>>, vector<1x16xf32>,
      %get3A_681 = vector.shape_cast %get3A_680 : vector<1x16xf32> to vector<16xf32>
      %add3A_682 = arith.constant 12 : i32
      %add3A_683 = arith.addi %mul3A_394, %add3A_682 : i32
      %get3A_684 = arith.index_cast %add3A_683 : i32 to index
      %get3A_685 = arith.constant 0 : index
      %get3A_686 = tpu.vector_load %arg6[%get3A_684, %get3A_685] {strides = array<i32>} : memref<640x64xf32, #tpu.memory_space<vmem>>, vector<1x16xf32>,
      %get3A_687 = vector.shape_cast %get3A_686 : vector<1x16xf32> to vector<16xf32>
      %add3A_688 = arith.constant 12 : i32
      %add3A_689 = arith.addi %mul3A_394, %add3A_688 : i32
      %get3A_690 = arith.index_cast %add3A_689 : i32 to index
      %get3A_691 = arith.constant 16 : index
      %get3A_692 = tpu.vector_load %arg6[%get3A_690, %get3A_691] {strides = array<i32>} : memref<640x64xf32, #tpu.memory_space<vmem>>, vector<1x16xf32>,
      %get3A_693 = vector.shape_cast %get3A_692 : vector<1x16xf32> to vector<16xf32>
      %add3A_694 = arith.constant 12 : i32
      %add3A_695 = arith.addi %mul3A_394, %add3A_694 : i32
      %get3A_696 = arith.index_cast %add3A_695 : i32 to index
      %get3A_697 = arith.constant 32 : index
      %get3A_698 = tpu.vector_load %arg6[%get3A_696, %get3A_697] {strides = array<i32>} : memref<640x64xf32, #tpu.memory_space<vmem>>, vector<1x16xf32>,
      %get3A_699 = vector.shape_cast %get3A_698 : vector<1x16xf32> to vector<16xf32>
      %add3A_700 = arith.constant 12 : i32
      %add3A_701 = arith.addi %mul3A_394, %add3A_700 : i32
      %get3A_702 = arith.index_cast %add3A_701 : i32 to index
      %get3A_703 = arith.constant 48 : index
      %get3A_704 = tpu.vector_load %arg6[%get3A_702, %get3A_703] {strides = array<i32>} : memref<640x64xf32, #tpu.memory_space<vmem>>, vector<1x16xf32>,
      %get3A_705 = vector.shape_cast %get3A_704 : vector<1x16xf32> to vector<16xf32>
      %add3A_706 = arith.constant 13 : i32
      %add3A_707 = arith.addi %mul3A_394, %add3A_706 : i32
      %get3A_708 = arith.index_cast %add3A_707 : i32 to index
      %get3A_709 = arith.constant 0 : index
      %get3A_710 = tpu.vector_load %arg6[%get3A_708, %get3A_709] {strides = array<i32>} : memref<640x64xf32, #tpu.memory_space<vmem>>, vector<1x16xf32>,
      %get3A_711 = vector.shape_cast %get3A_710 : vector<1x16xf32> to vector<16xf32>
      %add3A_712 = arith.constant 13 : i32
      %add3A_713 = arith.addi %mul3A_394, %add3A_712 : i32
      %get3A_714 = arith.index_cast %add3A_713 : i32 to index
      %get3A_715 = arith.constant 16 : index
      %get3A_716 = tpu.vector_load %arg6[%get3A_714, %get3A_715] {strides = array<i32>} : memref<640x64xf32, #tpu.memory_space<vmem>>, vector<1x16xf32>,
      %get3A_717 = vector.shape_cast %get3A_716 : vector<1x16xf32> to vector<16xf32>
      %add3A_718 = arith.constant 13 : i32
      %add3A_719 = arith.addi %mul3A_394, %add3A_718 : i32
      %get3A_720 = arith.index_cast %add3A_719 : i32 to index
      %get3A_721 = arith.constant 32 : index
      %get3A_722 = tpu.vector_load %arg6[%get3A_720, %get3A_721] {strides = array<i32>} : memref<640x64xf32, #tpu.memory_space<vmem>>, vector<1x16xf32>,
      %get3A_723 = vector.shape_cast %get3A_722 : vector<1x16xf32> to vector<16xf32>
      %add3A_724 = arith.constant 13 : i32
      %add3A_725 = arith.addi %mul3A_394, %add3A_724 : i32
      %get3A_726 = arith.index_cast %add3A_725 : i32 to index
      %get3A_727 = arith.constant 48 : index
      %get3A_728 = tpu.vector_load %arg6[%get3A_726, %get3A_727] {strides = array<i32>} : memref<640x64xf32, #tpu.memory_space<vmem>>, vector<1x16xf32>,
      %get3A_729 = vector.shape_cast %get3A_728 : vector<1x16xf32> to vector<16xf32>
      %add3A_730 = arith.constant 14 : i32
      %add3A_731 = arith.addi %mul3A_394, %add3A_730 : i32
      %get3A_732 = arith.index_cast %add3A_731 : i32 to index
      %get3A_733 = arith.constant 0 : index
      %get3A_734 = tpu.vector_load %arg6[%get3A_732, %get3A_733] {strides = array<i32>} : memref<640x64xf32, #tpu.memory_space<vmem>>, vector<1x16xf32>,
      %get3A_735 = vector.shape_cast %get3A_734 : vector<1x16xf32> to vector<16xf32>
      %add3A_736 = arith.constant 14 : i32
      %add3A_737 = arith.addi %mul3A_394, %add3A_736 : i32
      %get3A_738 = arith.index_cast %add3A_737 : i32 to index
      %get3A_739 = arith.constant 16 : index
      %get3A_740 = tpu.vector_load %arg6[%get3A_738, %get3A_739] {strides = array<i32>} : memref<640x64xf32, #tpu.memory_space<vmem>>, vector<1x16xf32>,
      %get3A_741 = vector.shape_cast %get3A_740 : vector<1x16xf32> to vector<16xf32>
      %add3A_742 = arith.constant 14 : i32
      %add3A_743 = arith.addi %mul3A_394, %add3A_742 : i32
      %get3A_744 = arith.index_cast %add3A_743 : i32 to index
      %get3A_745 = arith.constant 32 : index
      %get3A_746 = tpu.vector_load %arg6[%get3A_744, %get3A_745] {strides = array<i32>} : memref<640x64xf32, #tpu.memory_space<vmem>>, vector<1x16xf32>,
      %get3A_747 = vector.shape_cast %get3A_746 : vector<1x16xf32> to vector<16xf32>
      %add3A_748 = arith.constant 14 : i32
      %add3A_749 = arith.addi %mul3A_394, %add3A_748 : i32
      %get3A_750 = arith.index_cast %add3A_749 : i32 to index
      %get3A_751 = arith.constant 48 : index
      %get3A_752 = tpu.vector_load %arg6[%get3A_750, %get3A_751] {strides = array<i32>} : memref<640x64xf32, #tpu.memory_space<vmem>>, vector<1x16xf32>,
      %get3A_753 = vector.shape_cast %get3A_752 : vector<1x16xf32> to vector<16xf32>
      %add3A_754 = arith.constant 15 : i32
      %add3A_755 = arith.addi %mul3A_394, %add3A_754 : i32
      %get3A_756 = arith.index_cast %add3A_755 : i32 to index
      %get3A_757 = arith.constant 0 : index
      %get3A_758 = tpu.vector_load %arg6[%get3A_756, %get3A_757] {strides = array<i32>} : memref<640x64xf32, #tpu.memory_space<vmem>>, vector<1x16xf32>,
      %get3A_759 = vector.shape_cast %get3A_758 : vector<1x16xf32> to vector<16xf32>
      %add3A_760 = arith.constant 15 : i32
      %add3A_761 = arith.addi %mul3A_394, %add3A_760 : i32
      %get3A_762 = arith.index_cast %add3A_761 : i32 to index
      %get3A_763 = arith.constant 16 : index
      %get3A_764 = tpu.vector_load %arg6[%get3A_762, %get3A_763] {strides = array<i32>} : memref<640x64xf32, #tpu.memory_space<vmem>>, vector<1x16xf32>,
      %get3A_765 = vector.shape_cast %get3A_764 : vector<1x16xf32> to vector<16xf32>
      %add3A_766 = arith.constant 15 : i32
      %add3A_767 = arith.addi %mul3A_394, %add3A_766 : i32
      %get3A_768 = arith.index_cast %add3A_767 : i32 to index
      %get3A_769 = arith.constant 32 : index
      %get3A_770 = tpu.vector_load %arg6[%get3A_768, %get3A_769] {strides = array<i32>} : memref<640x64xf32, #tpu.memory_space<vmem>>, vector<1x16xf32>,
      %get3A_771 = vector.shape_cast %get3A_770 : vector<1x16xf32> to vector<16xf32>
      %add3A_772 = arith.constant 15 : i32
      %add3A_773 = arith.addi %mul3A_394, %add3A_772 : i32
      %get3A_774 = arith.index_cast %add3A_773 : i32 to index
      %get3A_775 = arith.constant 48 : index
      %get3A_776 = tpu.vector_load %arg6[%get3A_774, %get3A_775] {strides = array<i32>} : memref<640x64xf32, #tpu.memory_space<vmem>>, vector<1x16xf32>,
      %get3A_777 = vector.shape_cast %get3A_776 : vector<1x16xf32> to vector<16xf32>
      %add3A_778 = arith.constant 16 : i32
      %add3A_779 = arith.addi %mul3A_394, %add3A_778 : i32
      %get3A_780 = arith.index_cast %add3A_779 : i32 to index
      %get3A_781 = arith.constant 0 : index
      %get3A_782 = tpu.vector_load %arg6[%get3A_780, %get3A_781] {strides = array<i32>} : memref<640x64xf32, #tpu.memory_space<vmem>>, vector<1x16xf32>,
      %get3A_783 = vector.shape_cast %get3A_782 : vector<1x16xf32> to vector<16xf32>
      %add3A_784 = arith.constant 16 : i32
      %add3A_785 = arith.addi %mul3A_394, %add3A_784 : i32
      %get3A_786 = arith.index_cast %add3A_785 : i32 to index
      %get3A_787 = arith.constant 16 : index
      %get3A_788 = tpu.vector_load %arg6[%get3A_786, %get3A_787] {strides = array<i32>} : memref<640x64xf32, #tpu.memory_space<vmem>>, vector<1x16xf32>,
      %get3A_789 = vector.shape_cast %get3A_788 : vector<1x16xf32> to vector<16xf32>
      %add3A_790 = arith.constant 16 : i32
      %add3A_791 = arith.addi %mul3A_394, %add3A_790 : i32
      %get3A_792 = arith.index_cast %add3A_791 : i32 to index
      %get3A_793 = arith.constant 32 : index
      %get3A_794 = tpu.vector_load %arg6[%get3A_792, %get3A_793] {strides = array<i32>} : memref<640x64xf32, #tpu.memory_space<vmem>>, vector<1x16xf32>,
      %get3A_795 = vector.shape_cast %get3A_794 : vector<1x16xf32> to vector<16xf32>
      %add3A_796 = arith.constant 16 : i32
      %add3A_797 = arith.addi %mul3A_394, %add3A_796 : i32
      %get3A_798 = arith.index_cast %add3A_797 : i32 to index
      %get3A_799 = arith.constant 48 : index
      %get3A_800 = tpu.vector_load %arg6[%get3A_798, %get3A_799] {strides = array<i32>} : memref<640x64xf32, #tpu.memory_space<vmem>>, vector<1x16xf32>,
      %get3A_801 = vector.shape_cast %get3A_800 : vector<1x16xf32> to vector<16xf32>
      %add3A_802 = arith.constant 17 : i32
      %add3A_803 = arith.addi %mul3A_394, %add3A_802 : i32
      %get3A_804 = arith.index_cast %add3A_803 : i32 to index
      %get3A_805 = arith.constant 0 : index
      %get3A_806 = tpu.vector_load %arg6[%get3A_804, %get3A_805] {strides = array<i32>} : memref<640x64xf32, #tpu.memory_space<vmem>>, vector<1x16xf32>,
      %get3A_807 = vector.shape_cast %get3A_806 : vector<1x16xf32> to vector<16xf32>
      %add3A_808 = arith.constant 17 : i32
      %add3A_809 = arith.addi %mul3A_394, %add3A_808 : i32
      %get3A_810 = arith.index_cast %add3A_809 : i32 to index
      %get3A_811 = arith.constant 16 : index
      %get3A_812 = tpu.vector_load %arg6[%get3A_810, %get3A_811] {strides = array<i32>} : memref<640x64xf32, #tpu.memory_space<vmem>>, vector<1x16xf32>,
      %get3A_813 = vector.shape_cast %get3A_812 : vector<1x16xf32> to vector<16xf32>
      %add3A_814 = arith.constant 17 : i32
      %add3A_815 = arith.addi %mul3A_394, %add3A_814 : i32
      %get3A_816 = arith.index_cast %add3A_815 : i32 to index
      %get3A_817 = arith.constant 32 : index
      %get3A_818 = tpu.vector_load %arg6[%get3A_816, %get3A_817] {strides = array<i32>} : memref<640x64xf32, #tpu.memory_space<vmem>>, vector<1x16xf32>,
      %get3A_819 = vector.shape_cast %get3A_818 : vector<1x16xf32> to vector<16xf32>
      %add3A_820 = arith.constant 17 : i32
      %add3A_821 = arith.addi %mul3A_394, %add3A_820 : i32
      %get3A_822 = arith.index_cast %add3A_821 : i32 to index
      %get3A_823 = arith.constant 48 : index
      %get3A_824 = tpu.vector_load %arg6[%get3A_822, %get3A_823] {strides = array<i32>} : memref<640x64xf32, #tpu.memory_space<vmem>>, vector<1x16xf32>,
      %get3A_825 = vector.shape_cast %get3A_824 : vector<1x16xf32> to vector<16xf32>
      %add3A_826 = arith.constant 18 : i32
      %add3A_827 = arith.addi %mul3A_394, %add3A_826 : i32
      %get3A_828 = arith.index_cast %add3A_827 : i32 to index
      %get3A_829 = arith.constant 0 : index
      %get3A_830 = tpu.vector_load %arg6[%get3A_828, %get3A_829] {strides = array<i32>} : memref<640x64xf32, #tpu.memory_space<vmem>>, vector<1x16xf32>,
      %get3A_831 = vector.shape_cast %get3A_830 : vector<1x16xf32> to vector<16xf32>
      %add3A_832 = arith.constant 18 : i32
      %add3A_833 = arith.addi %mul3A_394, %add3A_832 : i32
      %get3A_834 = arith.index_cast %add3A_833 : i32 to index
      %get3A_835 = arith.constant 16 : index
      %get3A_836 = tpu.vector_load %arg6[%get3A_834, %get3A_835] {strides = array<i32>} : memref<640x64xf32, #tpu.memory_space<vmem>>, vector<1x16xf32>,
      %get3A_837 = vector.shape_cast %get3A_836 : vector<1x16xf32> to vector<16xf32>
      %add3A_838 = arith.constant 18 : i32
      %add3A_839 = arith.addi %mul3A_394, %add3A_838 : i32
      %get3A_840 = arith.index_cast %add3A_839 : i32 to index
      %get3A_841 = arith.constant 32 : index
      %get3A_842 = tpu.vector_load %arg6[%get3A_840, %get3A_841] {strides = array<i32>} : memref<640x64xf32, #tpu.memory_space<vmem>>, vector<1x16xf32>,
      %get3A_843 = vector.shape_cast %get3A_842 : vector<1x16xf32> to vector<16xf32>
      %add3A_844 = arith.constant 18 : i32
      %add3A_845 = arith.addi %mul3A_394, %add3A_844 : i32
      %get3A_846 = arith.index_cast %add3A_845 : i32 to index
      %get3A_847 = arith.constant 48 : index
      %get3A_848 = tpu.vector_load %arg6[%get3A_846, %get3A_847] {strides = array<i32>} : memref<640x64xf32, #tpu.memory_space<vmem>>, vector<1x16xf32>,
      %get3A_849 = vector.shape_cast %get3A_848 : vector<1x16xf32> to vector<16xf32>
      %add3A_850 = arith.constant 19 : i32
      %add3A_851 = arith.addi %mul3A_394, %add3A_850 : i32
      %get3A_852 = arith.index_cast %add3A_851 : i32 to index
      %get3A_853 = arith.constant 0 : index
      %get3A_854 = tpu.vector_load %arg6[%get3A_852, %get3A_853] {strides = array<i32>} : memref<640x64xf32, #tpu.memory_space<vmem>>, vector<1x16xf32>,
      %get3A_855 = vector.shape_cast %get3A_854 : vector<1x16xf32> to vector<16xf32>
      %add3A_856 = arith.constant 19 : i32
      %add3A_857 = arith.addi %mul3A_394, %add3A_856 : i32
      %get3A_858 = arith.index_cast %add3A_857 : i32 to index
      %get3A_859 = arith.constant 16 : index
      %get3A_860 = tpu.vector_load %arg6[%get3A_858, %get3A_859] {strides = array<i32>} : memref<640x64xf32, #tpu.memory_space<vmem>>, vector<1x16xf32>,
      %get3A_861 = vector.shape_cast %get3A_860 : vector<1x16xf32> to vector<16xf32>
      %add3A_862 = arith.constant 19 : i32
      %add3A_863 = arith.addi %mul3A_394, %add3A_862 : i32
      %get3A_864 = arith.index_cast %add3A_863 : i32 to index
      %get3A_865 = arith.constant 32 : index
      %get3A_866 = tpu.vector_load %arg6[%get3A_864, %get3A_865] {strides = array<i32>} : memref<640x64xf32, #tpu.memory_space<vmem>>, vector<1x16xf32>,
      %get3A_867 = vector.shape_cast %get3A_866 : vector<1x16xf32> to vector<16xf32>
      %add3A_868 = arith.constant 19 : i32
      %add3A_869 = arith.addi %mul3A_394, %add3A_868 : i32
      %get3A_870 = arith.index_cast %add3A_869 : i32 to index
      %get3A_871 = arith.constant 48 : index
      %get3A_872 = tpu.vector_load %arg6[%get3A_870, %get3A_871] {strides = array<i32>} : memref<640x64xf32, #tpu.memory_space<vmem>>, vector<1x16xf32>,
      %get3A_873 = vector.shape_cast %get3A_872 : vector<1x16xf32> to vector<16xf32>
      %add3A_874 = arith.addf %get3A_399, %get3A_423 : vector<16xf32>
      %add3A_875 = arith.addf %get3A_447, %get3A_471 : vector<16xf32>
      %add3A_876 = arith.addf %get3A_495, %get3A_519 : vector<16xf32>
      %add3A_877 = arith.addf %get3A_543, %get3A_567 : vector<16xf32>
      %add3A_878 = arith.addf %get3A_591, %get3A_615 : vector<16xf32>
      %add3A_879 = arith.addf %get3A_639, %get3A_663 : vector<16xf32>
      %add3A_880 = arith.addf %get3A_687, %get3A_711 : vector<16xf32>
      %add3A_881 = arith.addf %get3A_735, %get3A_759 : vector<16xf32>
      %add3A_882 = arith.addf %get3A_783, %get3A_807 : vector<16xf32>
      %add3A_883 = arith.addf %get3A_831, %get3A_855 : vector<16xf32>
      %add3A_884 = arith.addf %add3A_874, %add3A_875 : vector<16xf32>
      %add3A_885 = arith.addf %add3A_876, %add3A_877 : vector<16xf32>
      %add3A_886 = arith.addf %add3A_878, %add3A_879 : vector<16xf32>
      %add3A_887 = arith.addf %add3A_880, %add3A_881 : vector<16xf32>
      %add3A_888 = arith.addf %add3A_882, %add3A_883 : vector<16xf32>
      %add3A_889 = arith.addf %add3A_884, %add3A_885 : vector<16xf32>
      %add3A_890 = arith.addf %add3A_886, %add3A_887 : vector<16xf32>
      %add3A_891 = arith.addf %add3A_889, %add3A_890 : vector<16xf32>
      %add3A_892 = arith.addf %add3A_891, %add3A_888 : vector<16xf32>
      %swap3A = arith.index_cast %scan3A_392 : i32 to index
      %swap3A_893 = arith.constant 0 : index
      %swap3A_894 = tpu.vector_load %arg8[%swap3A, %swap3A_893] {strides = array<i32>} : memref<32x64xf32, #tpu.memory_space<vmem>>, vector<1x16xf32>,
      %swap3A_895 = vector.shape_cast %swap3A_894 : vector<1x16xf32> to vector<16xf32>
      %swap3A_896 = vector.shape_cast %add3A_892 : vector<16xf32> to vector<1x16xf32>
      tpu.vector_store %arg8[%swap3A, %swap3A_893], %swap3A_896 {strides = array<i32>} : memref<32x64xf32, #tpu.memory_space<vmem>>, vector<1x16xf32>,
      %add3A_897 = arith.addf %get3A_405, %get3A_429 : vector<16xf32>
      %add3A_898 = arith.addf %get3A_453, %get3A_477 : vector<16xf32>
      %add3A_899 = arith.addf %get3A_501, %get3A_525 : vector<16xf32>
      %add3A_900 = arith.addf %get3A_549, %get3A_573 : vector<16xf32>
      %add3A_901 = arith.addf %get3A_597, %get3A_621 : vector<16xf32>
      %add3A_902 = arith.addf %get3A_645, %get3A_669 : vector<16xf32>
      %add3A_903 = arith.addf %get3A_693, %get3A_717 : vector<16xf32>
      %add3A_904 = arith.addf %get3A_741, %get3A_765 : vector<16xf32>
      %add3A_905 = arith.addf %get3A_789, %get3A_813 : vector<16xf32>
      %add3A_906 = arith.addf %get3A_837, %get3A_861 : vector<16xf32>
      %add3A_907 = arith.addf %add3A_897, %add3A_898 : vector<16xf32>
      %add3A_908 = arith.addf %add3A_899, %add3A_900 : vector<16xf32>
      %add3A_909 = arith.addf %add3A_901, %add3A_902 : vector<16xf32>
      %add3A_910 = arith.addf %add3A_903, %add3A_904 : vector<16xf32>
      %add3A_911 = arith.addf %add3A_905, %add3A_906 : vector<16xf32>
      %add3A_912 = arith.addf %add3A_907, %add3A_908 : vector<16xf32>
      %add3A_913 = arith.addf %add3A_909, %add3A_910 : vector<16xf32>
      %add3A_914 = arith.addf %add3A_912, %add3A_913 : vector<16xf32>
      %add3A_915 = arith.addf %add3A_914, %add3A_911 : vector<16xf32>
      %swap3A_916 = arith.index_cast %scan3A_392 : i32 to index
      %swap3A_917 = arith.constant 16 : index
      %swap3A_918 = tpu.vector_load %arg8[%swap3A_916, %swap3A_917] {strides = array<i32>} : memref<32x64xf32, #tpu.memory_space<vmem>>, vector<1x16xf32>,
      %swap3A_919 = vector.shape_cast %swap3A_918 : vector<1x16xf32> to vector<16xf32>
      %swap3A_920 = vector.shape_cast %add3A_915 : vector<16xf32> to vector<1x16xf32>
      tpu.vector_store %arg8[%swap3A_916, %swap3A_917], %swap3A_920 {strides = array<i32>} : memref<32x64xf32, #tpu.memory_space<vmem>>, vector<1x16xf32>,
      %add3A_921 = arith.addf %get3A_411, %get3A_435 : vector<16xf32>
      %add3A_922 = arith.addf %get3A_459, %get3A_483 : vector<16xf32>
      %add3A_923 = arith.addf %get3A_507, %get3A_531 : vector<16xf32>
      %add3A_924 = arith.addf %get3A_555, %get3A_579 : vector<16xf32>
      %add3A_925 = arith.addf %get3A_603, %get3A_627 : vector<16xf32>
      %add3A_926 = arith.addf %get3A_651, %get3A_675 : vector<16xf32>
      %add3A_927 = arith.addf %get3A_699, %get3A_723 : vector<16xf32>
      %add3A_928 = arith.addf %get3A_747, %get3A_771 : vector<16xf32>
      %add3A_929 = arith.addf %get3A_795, %get3A_819 : vector<16xf32>
      %add3A_930 = arith.addf %get3A_843, %get3A_867 : vector<16xf32>
      %add3A_931 = arith.addf %add3A_921, %add3A_922 : vector<16xf32>
      %add3A_932 = arith.addf %add3A_923, %add3A_924 : vector<16xf32>
      %add3A_933 = arith.addf %add3A_925, %add3A_926 : vector<16xf32>
      %add3A_934 = arith.addf %add3A_927, %add3A_928 : vector<16xf32>
      %add3A_935 = arith.addf %add3A_929, %add3A_930 : vector<16xf32>
      %add3A_936 = arith.addf %add3A_931, %add3A_932 : vector<16xf32>
      %add3A_937 = arith.addf %add3A_933, %add3A_934 : vector<16xf32>
      %add3A_938 = arith.addf %add3A_936, %add3A_937 : vector<16xf32>
      %add3A_939 = arith.addf %add3A_938, %add3A_935 : vector<16xf32>
      %swap3A_940 = arith.index_cast %scan3A_392 : i32 to index
      %swap3A_941 = arith.constant 32 : index
      %swap3A_942 = tpu.vector_load %arg8[%swap3A_940, %swap3A_941] {strides = array<i32>} : memref<32x64xf32, #tpu.memory_space<vmem>>, vector<1x16xf32>,
      %swap3A_943 = vector.shape_cast %swap3A_942 : vector<1x16xf32> to vector<16xf32>
      %swap3A_944 = vector.shape_cast %add3A_939 : vector<16xf32> to vector<1x16xf32>
      tpu.vector_store %arg8[%swap3A_940, %swap3A_941], %swap3A_944 {strides = array<i32>} : memref<32x64xf32, #tpu.memory_space<vmem>>, vector<1x16xf32>,
      %add3A_945 = arith.addf %get3A_417, %get3A_441 : vector<16xf32>
      %add3A_946 = arith.addf %get3A_465, %get3A_489 : vector<16xf32>
      %add3A_947 = arith.addf %get3A_513, %get3A_537 : vector<16xf32>
      %add3A_948 = arith.addf %get3A_561, %get3A_585 : vector<16xf32>
      %add3A_949 = arith.addf %get3A_609, %get3A_633 : vector<16xf32>
      %add3A_950 = arith.addf %get3A_657, %get3A_681 : vector<16xf32>
      %add3A_951 = arith.addf %get3A_705, %get3A_729 : vector<16xf32>
      %add3A_952 = arith.addf %get3A_753, %get3A_777 : vector<16xf32>
      %add3A_953 = arith.addf %get3A_801, %get3A_825 : vector<16xf32>
      %add3A_954 = arith.addf %get3A_849, %get3A_873 : vector<16xf32>
      %add3A_955 = arith.addf %add3A_945, %add3A_946 : vector<16xf32>
      %add3A_956 = arith.addf %add3A_947, %add3A_948 : vector<16xf32>
      %add3A_957 = arith.addf %add3A_949, %add3A_950 : vector<16xf32>
      %add3A_958 = arith.addf %add3A_951, %add3A_952 : vector<16xf32>
      %add3A_959 = arith.addf %add3A_953, %add3A_954 : vector<16xf32>
      %add3A_960 = arith.addf %add3A_955, %add3A_956 : vector<16xf32>
      %add3A_961 = arith.addf %add3A_957, %add3A_958 : vector<16xf32>
      %add3A_962 = arith.addf %add3A_960, %add3A_961 : vector<16xf32>
      %add3A_963 = arith.addf %add3A_962, %add3A_959 : vector<16xf32>
      %swap3A_964 = arith.index_cast %scan3A_392 : i32 to index
      %swap3A_965 = arith.constant 48 : index
      %swap3A_966 = tpu.vector_load %arg8[%swap3A_964, %swap3A_965] {strides = array<i32>} : memref<32x64xf32, #tpu.memory_space<vmem>>, vector<1x16xf32>,
      %swap3A_967 = vector.shape_cast %swap3A_966 : vector<1x16xf32> to vector<16xf32>
      %swap3A_968 = vector.shape_cast %add3A_963 : vector<16xf32> to vector<1x16xf32>
      tpu.vector_store %arg8[%swap3A_964, %swap3A_965], %swap3A_968 {strides = array<i32>} : memref<32x64xf32, #tpu.memory_space<vmem>>, vector<1x16xf32>,
      %scan3A_969 = arith.constant 1 : i32
      %scan3A_970 = arith.addi %scan3A_392, %scan3A_969 : i32
      %mul3A_971 = arith.constant 20 : i32
      %mul3A_972 = arith.muli %scan3A_970, %mul3A_971 : i32
      %add3A_973 = arith.constant 0 : i32
      %add3A_974 = arith.addi %mul3A_972, %add3A_973 : i32
      %get3A_975 = arith.index_cast %add3A_974 : i32 to index
      %get3A_976 = arith.constant 0 : index
      %get3A_977 = tpu.vector_load %arg6[%get3A_975, %get3A_976] {strides = array<i32>} : memref<640x64xf32, #tpu.memory_space<vmem>>, vector<1x16xf32>,
      %get3A_978 = vector.shape_cast %get3A_977 : vector<1x16xf32> to vector<16xf32>
      %add3A_979 = arith.constant 0 : i32
      %add3A_980 = arith.addi %mul3A_972, %add3A_979 : i32
      %get3A_981 = arith.index_cast %add3A_980 : i32 to index
      %get3A_982 = arith.constant 16 : index
      %get3A_983 = tpu.vector_load %arg6[%get3A_981, %get3A_982] {strides = array<i32>} : memref<640x64xf32, #tpu.memory_space<vmem>>, vector<1x16xf32>,
      %get3A_984 = vector.shape_cast %get3A_983 : vector<1x16xf32> to vector<16xf32>
      %add3A_985 = arith.constant 0 : i32
      %add3A_986 = arith.addi %mul3A_972, %add3A_985 : i32
      %get3A_987 = arith.index_cast %add3A_986 : i32 to index
      %get3A_988 = arith.constant 32 : index
      %get3A_989 = tpu.vector_load %arg6[%get3A_987, %get3A_988] {strides = array<i32>} : memref<640x64xf32, #tpu.memory_space<vmem>>, vector<1x16xf32>,
      %get3A_990 = vector.shape_cast %get3A_989 : vector<1x16xf32> to vector<16xf32>
      %add3A_991 = arith.constant 0 : i32
      %add3A_992 = arith.addi %mul3A_972, %add3A_991 : i32
      %get3A_993 = arith.index_cast %add3A_992 : i32 to index
      %get3A_994 = arith.constant 48 : index
      %get3A_995 = tpu.vector_load %arg6[%get3A_993, %get3A_994] {strides = array<i32>} : memref<640x64xf32, #tpu.memory_space<vmem>>, vector<1x16xf32>,
      %get3A_996 = vector.shape_cast %get3A_995 : vector<1x16xf32> to vector<16xf32>
      %add3A_997 = arith.constant 1 : i32
      %add3A_998 = arith.addi %mul3A_972, %add3A_997 : i32
      %get3A_999 = arith.index_cast %add3A_998 : i32 to index
      %get3A_1000 = arith.constant 0 : index
      %get3A_1001 = tpu.vector_load %arg6[%get3A_999, %get3A_1000] {strides = array<i32>} : memref<640x64xf32, #tpu.memory_space<vmem>>, vector<1x16xf32>,
      %get3A_1002 = vector.shape_cast %get3A_1001 : vector<1x16xf32> to vector<16xf32>
      %add3A_1003 = arith.constant 1 : i32
      %add3A_1004 = arith.addi %mul3A_972, %add3A_1003 : i32
      %get3A_1005 = arith.index_cast %add3A_1004 : i32 to index
      %get3A_1006 = arith.constant 16 : index
      %get3A_1007 = tpu.vector_load %arg6[%get3A_1005, %get3A_1006] {strides = array<i32>} : memref<640x64xf32, #tpu.memory_space<vmem>>, vector<1x16xf32>,
      %get3A_1008 = vector.shape_cast %get3A_1007 : vector<1x16xf32> to vector<16xf32>
      %add3A_1009 = arith.constant 1 : i32
      %add3A_1010 = arith.addi %mul3A_972, %add3A_1009 : i32
      %get3A_1011 = arith.index_cast %add3A_1010 : i32 to index
      %get3A_1012 = arith.constant 32 : index
      %get3A_1013 = tpu.vector_load %arg6[%get3A_1011, %get3A_1012] {strides = array<i32>} : memref<640x64xf32, #tpu.memory_space<vmem>>, vector<1x16xf32>,
      %get3A_1014 = vector.shape_cast %get3A_1013 : vector<1x16xf32> to vector<16xf32>
      %add3A_1015 = arith.constant 1 : i32
      %add3A_1016 = arith.addi %mul3A_972, %add3A_1015 : i32
      %get3A_1017 = arith.index_cast %add3A_1016 : i32 to index
      %get3A_1018 = arith.constant 48 : index
      %get3A_1019 = tpu.vector_load %arg6[%get3A_1017, %get3A_1018] {strides = array<i32>} : memref<640x64xf32, #tpu.memory_space<vmem>>, vector<1x16xf32>,
      %get3A_1020 = vector.shape_cast %get3A_1019 : vector<1x16xf32> to vector<16xf32>
      %add3A_1021 = arith.constant 2 : i32
      %add3A_1022 = arith.addi %mul3A_972, %add3A_1021 : i32
      %get3A_1023 = arith.index_cast %add3A_1022 : i32 to index
      %get3A_1024 = arith.constant 0 : index
      %get3A_1025 = tpu.vector_load %arg6[%get3A_1023, %get3A_1024] {strides = array<i32>} : memref<640x64xf32, #tpu.memory_space<vmem>>, vector<1x16xf32>,
      %get3A_1026 = vector.shape_cast %get3A_1025 : vector<1x16xf32> to vector<16xf32>
      %add3A_1027 = arith.constant 2 : i32
      %add3A_1028 = arith.addi %mul3A_972, %add3A_1027 : i32
      %get3A_1029 = arith.index_cast %add3A_1028 : i32 to index
      %get3A_1030 = arith.constant 16 : index
      %get3A_1031 = tpu.vector_load %arg6[%get3A_1029, %get3A_1030] {strides = array<i32>} : memref<640x64xf32, #tpu.memory_space<vmem>>, vector<1x16xf32>,
      %get3A_1032 = vector.shape_cast %get3A_1031 : vector<1x16xf32> to vector<16xf32>
      %add3A_1033 = arith.constant 2 : i32
      %add3A_1034 = arith.addi %mul3A_972, %add3A_1033 : i32
      %get3A_1035 = arith.index_cast %add3A_1034 : i32 to index
      %get3A_1036 = arith.constant 32 : index
      %get3A_1037 = tpu.vector_load %arg6[%get3A_1035, %get3A_1036] {strides = array<i32>} : memref<640x64xf32, #tpu.memory_space<vmem>>, vector<1x16xf32>,
      %get3A_1038 = vector.shape_cast %get3A_1037 : vector<1x16xf32> to vector<16xf32>
      %add3A_1039 = arith.constant 2 : i32
      %add3A_1040 = arith.addi %mul3A_972, %add3A_1039 : i32
      %get3A_1041 = arith.index_cast %add3A_1040 : i32 to index
      %get3A_1042 = arith.constant 48 : index
      %get3A_1043 = tpu.vector_load %arg6[%get3A_1041, %get3A_1042] {strides = array<i32>} : memref<640x64xf32, #tpu.memory_space<vmem>>, vector<1x16xf32>,
      %get3A_1044 = vector.shape_cast %get3A_1043 : vector<1x16xf32> to vector<16xf32>
      %add3A_1045 = arith.constant 3 : i32
      %add3A_1046 = arith.addi %mul3A_972, %add3A_1045 : i32
      %get3A_1047 = arith.index_cast %add3A_1046 : i32 to index
      %get3A_1048 = arith.constant 0 : index
      %get3A_1049 = tpu.vector_load %arg6[%get3A_1047, %get3A_1048] {strides = array<i32>} : memref<640x64xf32, #tpu.memory_space<vmem>>, vector<1x16xf32>,
      %get3A_1050 = vector.shape_cast %get3A_1049 : vector<1x16xf32> to vector<16xf32>
      %add3A_1051 = arith.constant 3 : i32
      %add3A_1052 = arith.addi %mul3A_972, %add3A_1051 : i32
      %get3A_1053 = arith.index_cast %add3A_1052 : i32 to index
      %get3A_1054 = arith.constant 16 : index
      %get3A_1055 = tpu.vector_load %arg6[%get3A_1053, %get3A_1054] {strides = array<i32>} : memref<640x64xf32, #tpu.memory_space<vmem>>, vector<1x16xf32>,
      %get3A_1056 = vector.shape_cast %get3A_1055 : vector<1x16xf32> to vector<16xf32>
      %add3A_1057 = arith.constant 3 : i32
      %add3A_1058 = arith.addi %mul3A_972, %add3A_1057 : i32
      %get3A_1059 = arith.index_cast %add3A_1058 : i32 to index
      %get3A_1060 = arith.constant 32 : index
      %get3A_1061 = tpu.vector_load %arg6[%get3A_1059, %get3A_1060] {strides = array<i32>} : memref<640x64xf32, #tpu.memory_space<vmem>>, vector<1x16xf32>,
      %get3A_1062 = vector.shape_cast %get3A_1061 : vector<1x16xf32> to vector<16xf32>
      %add3A_1063 = arith.constant 3 : i32
      %add3A_1064 = arith.addi %mul3A_972, %add3A_1063 : i32
      %get3A_1065 = arith.index_cast %add3A_1064 : i32 to index
      %get3A_1066 = arith.constant 48 : index
      %get3A_1067 = tpu.vector_load %arg6[%get3A_1065, %get3A_1066] {strides = array<i32>} : memref<640x64xf32, #tpu.memory_space<vmem>>, vector<1x16xf32>,
      %get3A_1068 = vector.shape_cast %get3A_1067 : vector<1x16xf32> to vector<16xf32>
      %add3A_1069 = arith.constant 4 : i32
      %add3A_1070 = arith.addi %mul3A_972, %add3A_1069 : i32
      %get3A_1071 = arith.index_cast %add3A_1070 : i32 to index
      %get3A_1072 = arith.constant 0 : index
      %get3A_1073 = tpu.vector_load %arg6[%get3A_1071, %get3A_1072] {strides = array<i32>} : memref<640x64xf32, #tpu.memory_space<vmem>>, vector<1x16xf32>,
      %get3A_1074 = vector.shape_cast %get3A_1073 : vector<1x16xf32> to vector<16xf32>
      %add3A_1075 = arith.constant 4 : i32
      %add3A_1076 = arith.addi %mul3A_972, %add3A_1075 : i32
      %get3A_1077 = arith.index_cast %add3A_1076 : i32 to index
      %get3A_1078 = arith.constant 16 : index
      %get3A_1079 = tpu.vector_load %arg6[%get3A_1077, %get3A_1078] {strides = array<i32>} : memref<640x64xf32, #tpu.memory_space<vmem>>, vector<1x16xf32>,
      %get3A_1080 = vector.shape_cast %get3A_1079 : vector<1x16xf32> to vector<16xf32>
      %add3A_1081 = arith.constant 4 : i32
      %add3A_1082 = arith.addi %mul3A_972, %add3A_1081 : i32
      %get3A_1083 = arith.index_cast %add3A_1082 : i32 to index
      %get3A_1084 = arith.constant 32 : index
      %get3A_1085 = tpu.vector_load %arg6[%get3A_1083, %get3A_1084] {strides = array<i32>} : memref<640x64xf32, #tpu.memory_space<vmem>>, vector<1x16xf32>,
      %get3A_1086 = vector.shape_cast %get3A_1085 : vector<1x16xf32> to vector<16xf32>
      %add3A_1087 = arith.constant 4 : i32
      %add3A_1088 = arith.addi %mul3A_972, %add3A_1087 : i32
      %get3A_1089 = arith.index_cast %add3A_1088 : i32 to index
      %get3A_1090 = arith.constant 48 : index
      %get3A_1091 = tpu.vector_load %arg6[%get3A_1089, %get3A_1090] {strides = array<i32>} : memref<640x64xf32, #tpu.memory_space<vmem>>, vector<1x16xf32>,
      %get3A_1092 = vector.shape_cast %get3A_1091 : vector<1x16xf32> to vector<16xf32>
      %add3A_1093 = arith.constant 5 : i32
      %add3A_1094 = arith.addi %mul3A_972, %add3A_1093 : i32
      %get3A_1095 = arith.index_cast %add3A_1094 : i32 to index
      %get3A_1096 = arith.constant 0 : index
      %get3A_1097 = tpu.vector_load %arg6[%get3A_1095, %get3A_1096] {strides = array<i32>} : memref<640x64xf32, #tpu.memory_space<vmem>>, vector<1x16xf32>,
      %get3A_1098 = vector.shape_cast %get3A_1097 : vector<1x16xf32> to vector<16xf32>
      %add3A_1099 = arith.constant 5 : i32
      %add3A_1100 = arith.addi %mul3A_972, %add3A_1099 : i32
      %get3A_1101 = arith.index_cast %add3A_1100 : i32 to index
      %get3A_1102 = arith.constant 16 : index
      %get3A_1103 = tpu.vector_load %arg6[%get3A_1101, %get3A_1102] {strides = array<i32>} : memref<640x64xf32, #tpu.memory_space<vmem>>, vector<1x16xf32>,
      %get3A_1104 = vector.shape_cast %get3A_1103 : vector<1x16xf32> to vector<16xf32>
      %add3A_1105 = arith.constant 5 : i32
      %add3A_1106 = arith.addi %mul3A_972, %add3A_1105 : i32
      %get3A_1107 = arith.index_cast %add3A_1106 : i32 to index
      %get3A_1108 = arith.constant 32 : index
      %get3A_1109 = tpu.vector_load %arg6[%get3A_1107, %get3A_1108] {strides = array<i32>} : memref<640x64xf32, #tpu.memory_space<vmem>>, vector<1x16xf32>,
      %get3A_1110 = vector.shape_cast %get3A_1109 : vector<1x16xf32> to vector<16xf32>
      %add3A_1111 = arith.constant 5 : i32
      %add3A_1112 = arith.addi %mul3A_972, %add3A_1111 : i32
      %get3A_1113 = arith.index_cast %add3A_1112 : i32 to index
      %get3A_1114 = arith.constant 48 : index
      %get3A_1115 = tpu.vector_load %arg6[%get3A_1113, %get3A_1114] {strides = array<i32>} : memref<640x64xf32, #tpu.memory_space<vmem>>, vector<1x16xf32>,
      %get3A_1116 = vector.shape_cast %get3A_1115 : vector<1x16xf32> to vector<16xf32>
      %add3A_1117 = arith.constant 6 : i32
      %add3A_1118 = arith.addi %mul3A_972, %add3A_1117 : i32
      %get3A_1119 = arith.index_cast %add3A_1118 : i32 to index
      %get3A_1120 = arith.constant 0 : index
      %get3A_1121 = tpu.vector_load %arg6[%get3A_1119, %get3A_1120] {strides = array<i32>} : memref<640x64xf32, #tpu.memory_space<vmem>>, vector<1x16xf32>,
      %get3A_1122 = vector.shape_cast %get3A_1121 : vector<1x16xf32> to vector<16xf32>
      %add3A_1123 = arith.constant 6 : i32
      %add3A_1124 = arith.addi %mul3A_972, %add3A_1123 : i32
      %get3A_1125 = arith.index_cast %add3A_1124 : i32 to index
      %get3A_1126 = arith.constant 16 : index
      %get3A_1127 = tpu.vector_load %arg6[%get3A_1125, %get3A_1126] {strides = array<i32>} : memref<640x64xf32, #tpu.memory_space<vmem>>, vector<1x16xf32>,
      %get3A_1128 = vector.shape_cast %get3A_1127 : vector<1x16xf32> to vector<16xf32>
      %add3A_1129 = arith.constant 6 : i32
      %add3A_1130 = arith.addi %mul3A_972, %add3A_1129 : i32
      %get3A_1131 = arith.index_cast %add3A_1130 : i32 to index
      %get3A_1132 = arith.constant 32 : index
      %get3A_1133 = tpu.vector_load %arg6[%get3A_1131, %get3A_1132] {strides = array<i32>} : memref<640x64xf32, #tpu.memory_space<vmem>>, vector<1x16xf32>,
      %get3A_1134 = vector.shape_cast %get3A_1133 : vector<1x16xf32> to vector<16xf32>
      %add3A_1135 = arith.constant 6 : i32
      %add3A_1136 = arith.addi %mul3A_972, %add3A_1135 : i32
      %get3A_1137 = arith.index_cast %add3A_1136 : i32 to index
      %get3A_1138 = arith.constant 48 : index
      %get3A_1139 = tpu.vector_load %arg6[%get3A_1137, %get3A_1138] {strides = array<i32>} : memref<640x64xf32, #tpu.memory_space<vmem>>, vector<1x16xf32>,
      %get3A_1140 = vector.shape_cast %get3A_1139 : vector<1x16xf32> to vector<16xf32>
      %add3A_1141 = arith.constant 7 : i32
      %add3A_1142 = arith.addi %mul3A_972, %add3A_1141 : i32
      %get3A_1143 = arith.index_cast %add3A_1142 : i32 to index
      %get3A_1144 = arith.constant 0 : index
      %get3A_1145 = tpu.vector_load %arg6[%get3A_1143, %get3A_1144] {strides = array<i32>} : memref<640x64xf32, #tpu.memory_space<vmem>>, vector<1x16xf32>,
      %get3A_1146 = vector.shape_cast %get3A_1145 : vector<1x16xf32> to vector<16xf32>
      %add3A_1147 = arith.constant 7 : i32
      %add3A_1148 = arith.addi %mul3A_972, %add3A_1147 : i32
      %get3A_1149 = arith.index_cast %add3A_1148 : i32 to index
      %get3A_1150 = arith.constant 16 : index
      %get3A_1151 = tpu.vector_load %arg6[%get3A_1149, %get3A_1150] {strides = array<i32>} : memref<640x64xf32, #tpu.memory_space<vmem>>, vector<1x16xf32>,
      %get3A_1152 = vector.shape_cast %get3A_1151 : vector<1x16xf32> to vector<16xf32>
      %add3A_1153 = arith.constant 7 : i32
      %add3A_1154 = arith.addi %mul3A_972, %add3A_1153 : i32
      %get3A_1155 = arith.index_cast %add3A_1154 : i32 to index
      %get3A_1156 = arith.constant 32 : index
      %get3A_1157 = tpu.vector_load %arg6[%get3A_1155, %get3A_1156] {strides = array<i32>} : memref<640x64xf32, #tpu.memory_space<vmem>>, vector<1x16xf32>,
      %get3A_1158 = vector.shape_cast %get3A_1157 : vector<1x16xf32> to vector<16xf32>
      %add3A_1159 = arith.constant 7 : i32
      %add3A_1160 = arith.addi %mul3A_972, %add3A_1159 : i32
      %get3A_1161 = arith.index_cast %add3A_1160 : i32 to index
      %get3A_1162 = arith.constant 48 : index
      %get3A_1163 = tpu.vector_load %arg6[%get3A_1161, %get3A_1162] {strides = array<i32>} : memref<640x64xf32, #tpu.memory_space<vmem>>, vector<1x16xf32>,
      %get3A_1164 = vector.shape_cast %get3A_1163 : vector<1x16xf32> to vector<16xf32>
      %add3A_1165 = arith.constant 8 : i32
      %add3A_1166 = arith.addi %mul3A_972, %add3A_1165 : i32
      %get3A_1167 = arith.index_cast %add3A_1166 : i32 to index
      %get3A_1168 = arith.constant 0 : index
      %get3A_1169 = tpu.vector_load %arg6[%get3A_1167, %get3A_1168] {strides = array<i32>} : memref<640x64xf32, #tpu.memory_space<vmem>>, vector<1x16xf32>,
      %get3A_1170 = vector.shape_cast %get3A_1169 : vector<1x16xf32> to vector<16xf32>
      %add3A_1171 = arith.constant 8 : i32
      %add3A_1172 = arith.addi %mul3A_972, %add3A_1171 : i32
      %get3A_1173 = arith.index_cast %add3A_1172 : i32 to index
      %get3A_1174 = arith.constant 16 : index
      %get3A_1175 = tpu.vector_load %arg6[%get3A_1173, %get3A_1174] {strides = array<i32>} : memref<640x64xf32, #tpu.memory_space<vmem>>, vector<1x16xf32>,
      %get3A_1176 = vector.shape_cast %get3A_1175 : vector<1x16xf32> to vector<16xf32>
      %add3A_1177 = arith.constant 8 : i32
      %add3A_1178 = arith.addi %mul3A_972, %add3A_1177 : i32
      %get3A_1179 = arith.index_cast %add3A_1178 : i32 to index
      %get3A_1180 = arith.constant 32 : index
      %get3A_1181 = tpu.vector_load %arg6[%get3A_1179, %get3A_1180] {strides = array<i32>} : memref<640x64xf32, #tpu.memory_space<vmem>>, vector<1x16xf32>,
      %get3A_1182 = vector.shape_cast %get3A_1181 : vector<1x16xf32> to vector<16xf32>
      %add3A_1183 = arith.constant 8 : i32
      %add3A_1184 = arith.addi %mul3A_972, %add3A_1183 : i32
      %get3A_1185 = arith.index_cast %add3A_1184 : i32 to index
      %get3A_1186 = arith.constant 48 : index
      %get3A_1187 = tpu.vector_load %arg6[%get3A_1185, %get3A_1186] {strides = array<i32>} : memref<640x64xf32, #tpu.memory_space<vmem>>, vector<1x16xf32>,
      %get3A_1188 = vector.shape_cast %get3A_1187 : vector<1x16xf32> to vector<16xf32>
      %add3A_1189 = arith.constant 9 : i32
      %add3A_1190 = arith.addi %mul3A_972, %add3A_1189 : i32
      %get3A_1191 = arith.index_cast %add3A_1190 : i32 to index
      %get3A_1192 = arith.constant 0 : index
      %get3A_1193 = tpu.vector_load %arg6[%get3A_1191, %get3A_1192] {strides = array<i32>} : memref<640x64xf32, #tpu.memory_space<vmem>>, vector<1x16xf32>,
      %get3A_1194 = vector.shape_cast %get3A_1193 : vector<1x16xf32> to vector<16xf32>
      %add3A_1195 = arith.constant 9 : i32
      %add3A_1196 = arith.addi %mul3A_972, %add3A_1195 : i32
      %get3A_1197 = arith.index_cast %add3A_1196 : i32 to index
      %get3A_1198 = arith.constant 16 : index
      %get3A_1199 = tpu.vector_load %arg6[%get3A_1197, %get3A_1198] {strides = array<i32>} : memref<640x64xf32, #tpu.memory_space<vmem>>, vector<1x16xf32>,
      %get3A_1200 = vector.shape_cast %get3A_1199 : vector<1x16xf32> to vector<16xf32>
      %add3A_1201 = arith.constant 9 : i32
      %add3A_1202 = arith.addi %mul3A_972, %add3A_1201 : i32
      %get3A_1203 = arith.index_cast %add3A_1202 : i32 to index
      %get3A_1204 = arith.constant 32 : index
      %get3A_1205 = tpu.vector_load %arg6[%get3A_1203, %get3A_1204] {strides = array<i32>} : memref<640x64xf32, #tpu.memory_space<vmem>>, vector<1x16xf32>,
      %get3A_1206 = vector.shape_cast %get3A_1205 : vector<1x16xf32> to vector<16xf32>
      %add3A_1207 = arith.constant 9 : i32
      %add3A_1208 = arith.addi %mul3A_972, %add3A_1207 : i32
      %get3A_1209 = arith.index_cast %add3A_1208 : i32 to index
      %get3A_1210 = arith.constant 48 : index
      %get3A_1211 = tpu.vector_load %arg6[%get3A_1209, %get3A_1210] {strides = array<i32>} : memref<640x64xf32, #tpu.memory_space<vmem>>, vector<1x16xf32>,
      %get3A_1212 = vector.shape_cast %get3A_1211 : vector<1x16xf32> to vector<16xf32>
      %add3A_1213 = arith.constant 10 : i32
      %add3A_1214 = arith.addi %mul3A_972, %add3A_1213 : i32
      %get3A_1215 = arith.index_cast %add3A_1214 : i32 to index
      %get3A_1216 = arith.constant 0 : index
      %get3A_1217 = tpu.vector_load %arg6[%get3A_1215, %get3A_1216] {strides = array<i32>} : memref<640x64xf32, #tpu.memory_space<vmem>>, vector<1x16xf32>,
      %get3A_1218 = vector.shape_cast %get3A_1217 : vector<1x16xf32> to vector<16xf32>
      %add3A_1219 = arith.constant 10 : i32
      %add3A_1220 = arith.addi %mul3A_972, %add3A_1219 : i32
      %get3A_1221 = arith.index_cast %add3A_1220 : i32 to index
      %get3A_1222 = arith.constant 16 : index
      %get3A_1223 = tpu.vector_load %arg6[%get3A_1221, %get3A_1222] {strides = array<i32>} : memref<640x64xf32, #tpu.memory_space<vmem>>, vector<1x16xf32>,
      %get3A_1224 = vector.shape_cast %get3A_1223 : vector<1x16xf32> to vector<16xf32>
      %add3A_1225 = arith.constant 10 : i32
      %add3A_1226 = arith.addi %mul3A_972, %add3A_1225 : i32
      %get3A_1227 = arith.index_cast %add3A_1226 : i32 to index
      %get3A_1228 = arith.constant 32 : index
      %get3A_1229 = tpu.vector_load %arg6[%get3A_1227, %get3A_1228] {strides = array<i32>} : memref<640x64xf32, #tpu.memory_space<vmem>>, vector<1x16xf32>,
      %get3A_1230 = vector.shape_cast %get3A_1229 : vector<1x16xf32> to vector<16xf32>
      %add3A_1231 = arith.constant 10 : i32
      %add3A_1232 = arith.addi %mul3A_972, %add3A_1231 : i32
      %get3A_1233 = arith.index_cast %add3A_1232 : i32 to index
      %get3A_1234 = arith.constant 48 : index
      %get3A_1235 = tpu.vector_load %arg6[%get3A_1233, %get3A_1234] {strides = array<i32>} : memref<640x64xf32, #tpu.memory_space<vmem>>, vector<1x16xf32>,
      %get3A_1236 = vector.shape_cast %get3A_1235 : vector<1x16xf32> to vector<16xf32>
      %add3A_1237 = arith.constant 11 : i32
      %add3A_1238 = arith.addi %mul3A_972, %add3A_1237 : i32
      %get3A_1239 = arith.index_cast %add3A_1238 : i32 to index
      %get3A_1240 = arith.constant 0 : index
      %get3A_1241 = tpu.vector_load %arg6[%get3A_1239, %get3A_1240] {strides = array<i32>} : memref<640x64xf32, #tpu.memory_space<vmem>>, vector<1x16xf32>,
      %get3A_1242 = vector.shape_cast %get3A_1241 : vector<1x16xf32> to vector<16xf32>
      %add3A_1243 = arith.constant 11 : i32
      %add3A_1244 = arith.addi %mul3A_972, %add3A_1243 : i32
      %get3A_1245 = arith.index_cast %add3A_1244 : i32 to index
      %get3A_1246 = arith.constant 16 : index
      %get3A_1247 = tpu.vector_load %arg6[%get3A_1245, %get3A_1246] {strides = array<i32>} : memref<640x64xf32, #tpu.memory_space<vmem>>, vector<1x16xf32>,
      %get3A_1248 = vector.shape_cast %get3A_1247 : vector<1x16xf32> to vector<16xf32>
      %add3A_1249 = arith.constant 11 : i32
      %add3A_1250 = arith.addi %mul3A_972, %add3A_1249 : i32
      %get3A_1251 = arith.index_cast %add3A_1250 : i32 to index
      %get3A_1252 = arith.constant 32 : index
      %get3A_1253 = tpu.vector_load %arg6[%get3A_1251, %get3A_1252] {strides = array<i32>} : memref<640x64xf32, #tpu.memory_space<vmem>>, vector<1x16xf32>,
      %get3A_1254 = vector.shape_cast %get3A_1253 : vector<1x16xf32> to vector<16xf32>
      %add3A_1255 = arith.constant 11 : i32
      %add3A_1256 = arith.addi %mul3A_972, %add3A_1255 : i32
      %get3A_1257 = arith.index_cast %add3A_1256 : i32 to index
      %get3A_1258 = arith.constant 48 : index
      %get3A_1259 = tpu.vector_load %arg6[%get3A_1257, %get3A_1258] {strides = array<i32>} : memref<640x64xf32, #tpu.memory_space<vmem>>, vector<1x16xf32>,
      %get3A_1260 = vector.shape_cast %get3A_1259 : vector<1x16xf32> to vector<16xf32>
      %add3A_1261 = arith.constant 12 : i32
      %add3A_1262 = arith.addi %mul3A_972, %add3A_1261 : i32
      %get3A_1263 = arith.index_cast %add3A_1262 : i32 to index
      %get3A_1264 = arith.constant 0 : index
      %get3A_1265 = tpu.vector_load %arg6[%get3A_1263, %get3A_1264] {strides = array<i32>} : memref<640x64xf32, #tpu.memory_space<vmem>>, vector<1x16xf32>,
      %get3A_1266 = vector.shape_cast %get3A_1265 : vector<1x16xf32> to vector<16xf32>
      %add3A_1267 = arith.constant 12 : i32
      %add3A_1268 = arith.addi %mul3A_972, %add3A_1267 : i32
      %get3A_1269 = arith.index_cast %add3A_1268 : i32 to index
      %get3A_1270 = arith.constant 16 : index
      %get3A_1271 = tpu.vector_load %arg6[%get3A_1269, %get3A_1270] {strides = array<i32>} : memref<640x64xf32, #tpu.memory_space<vmem>>, vector<1x16xf32>,
      %get3A_1272 = vector.shape_cast %get3A_1271 : vector<1x16xf32> to vector<16xf32>
      %add3A_1273 = arith.constant 12 : i32
      %add3A_1274 = arith.addi %mul3A_972, %add3A_1273 : i32
      %get3A_1275 = arith.index_cast %add3A_1274 : i32 to index
      %get3A_1276 = arith.constant 32 : index
      %get3A_1277 = tpu.vector_load %arg6[%get3A_1275, %get3A_1276] {strides = array<i32>} : memref<640x64xf32, #tpu.memory_space<vmem>>, vector<1x16xf32>,
      %get3A_1278 = vector.shape_cast %get3A_1277 : vector<1x16xf32> to vector<16xf32>
      %add3A_1279 = arith.constant 12 : i32
      %add3A_1280 = arith.addi %mul3A_972, %add3A_1279 : i32
      %get3A_1281 = arith.index_cast %add3A_1280 : i32 to index
      %get3A_1282 = arith.constant 48 : index
      %get3A_1283 = tpu.vector_load %arg6[%get3A_1281, %get3A_1282] {strides = array<i32>} : memref<640x64xf32, #tpu.memory_space<vmem>>, vector<1x16xf32>,
      %get3A_1284 = vector.shape_cast %get3A_1283 : vector<1x16xf32> to vector<16xf32>
      %add3A_1285 = arith.constant 13 : i32
      %add3A_1286 = arith.addi %mul3A_972, %add3A_1285 : i32
      %get3A_1287 = arith.index_cast %add3A_1286 : i32 to index
      %get3A_1288 = arith.constant 0 : index
      %get3A_1289 = tpu.vector_load %arg6[%get3A_1287, %get3A_1288] {strides = array<i32>} : memref<640x64xf32, #tpu.memory_space<vmem>>, vector<1x16xf32>,
      %get3A_1290 = vector.shape_cast %get3A_1289 : vector<1x16xf32> to vector<16xf32>
      %add3A_1291 = arith.constant 13 : i32
      %add3A_1292 = arith.addi %mul3A_972, %add3A_1291 : i32
      %get3A_1293 = arith.index_cast %add3A_1292 : i32 to index
      %get3A_1294 = arith.constant 16 : index
      %get3A_1295 = tpu.vector_load %arg6[%get3A_1293, %get3A_1294] {strides = array<i32>} : memref<640x64xf32, #tpu.memory_space<vmem>>, vector<1x16xf32>,
      %get3A_1296 = vector.shape_cast %get3A_1295 : vector<1x16xf32> to vector<16xf32>
      %add3A_1297 = arith.constant 13 : i32
      %add3A_1298 = arith.addi %mul3A_972, %add3A_1297 : i32
      %get3A_1299 = arith.index_cast %add3A_1298 : i32 to index
      %get3A_1300 = arith.constant 32 : index
      %get3A_1301 = tpu.vector_load %arg6[%get3A_1299, %get3A_1300] {strides = array<i32>} : memref<640x64xf32, #tpu.memory_space<vmem>>, vector<1x16xf32>,
      %get3A_1302 = vector.shape_cast %get3A_1301 : vector<1x16xf32> to vector<16xf32>
      %add3A_1303 = arith.constant 13 : i32
      %add3A_1304 = arith.addi %mul3A_972, %add3A_1303 : i32
      %get3A_1305 = arith.index_cast %add3A_1304 : i32 to index
      %get3A_1306 = arith.constant 48 : index
      %get3A_1307 = tpu.vector_load %arg6[%get3A_1305, %get3A_1306] {strides = array<i32>} : memref<640x64xf32, #tpu.memory_space<vmem>>, vector<1x16xf32>,
      %get3A_1308 = vector.shape_cast %get3A_1307 : vector<1x16xf32> to vector<16xf32>
      %add3A_1309 = arith.constant 14 : i32
      %add3A_1310 = arith.addi %mul3A_972, %add3A_1309 : i32
      %get3A_1311 = arith.index_cast %add3A_1310 : i32 to index
      %get3A_1312 = arith.constant 0 : index
      %get3A_1313 = tpu.vector_load %arg6[%get3A_1311, %get3A_1312] {strides = array<i32>} : memref<640x64xf32, #tpu.memory_space<vmem>>, vector<1x16xf32>,
      %get3A_1314 = vector.shape_cast %get3A_1313 : vector<1x16xf32> to vector<16xf32>
      %add3A_1315 = arith.constant 14 : i32
      %add3A_1316 = arith.addi %mul3A_972, %add3A_1315 : i32
      %get3A_1317 = arith.index_cast %add3A_1316 : i32 to index
      %get3A_1318 = arith.constant 16 : index
      %get3A_1319 = tpu.vector_load %arg6[%get3A_1317, %get3A_1318] {strides = array<i32>} : memref<640x64xf32, #tpu.memory_space<vmem>>, vector<1x16xf32>,
      %get3A_1320 = vector.shape_cast %get3A_1319 : vector<1x16xf32> to vector<16xf32>
      %add3A_1321 = arith.constant 14 : i32
      %add3A_1322 = arith.addi %mul3A_972, %add3A_1321 : i32
      %get3A_1323 = arith.index_cast %add3A_1322 : i32 to index
      %get3A_1324 = arith.constant 32 : index
      %get3A_1325 = tpu.vector_load %arg6[%get3A_1323, %get3A_1324] {strides = array<i32>} : memref<640x64xf32, #tpu.memory_space<vmem>>, vector<1x16xf32>,
      %get3A_1326 = vector.shape_cast %get3A_1325 : vector<1x16xf32> to vector<16xf32>
      %add3A_1327 = arith.constant 14 : i32
      %add3A_1328 = arith.addi %mul3A_972, %add3A_1327 : i32
      %get3A_1329 = arith.index_cast %add3A_1328 : i32 to index
      %get3A_1330 = arith.constant 48 : index
      %get3A_1331 = tpu.vector_load %arg6[%get3A_1329, %get3A_1330] {strides = array<i32>} : memref<640x64xf32, #tpu.memory_space<vmem>>, vector<1x16xf32>,
      %get3A_1332 = vector.shape_cast %get3A_1331 : vector<1x16xf32> to vector<16xf32>
      %add3A_1333 = arith.constant 15 : i32
      %add3A_1334 = arith.addi %mul3A_972, %add3A_1333 : i32
      %get3A_1335 = arith.index_cast %add3A_1334 : i32 to index
      %get3A_1336 = arith.constant 0 : index
      %get3A_1337 = tpu.vector_load %arg6[%get3A_1335, %get3A_1336] {strides = array<i32>} : memref<640x64xf32, #tpu.memory_space<vmem>>, vector<1x16xf32>,
      %get3A_1338 = vector.shape_cast %get3A_1337 : vector<1x16xf32> to vector<16xf32>
      %add3A_1339 = arith.constant 15 : i32
      %add3A_1340 = arith.addi %mul3A_972, %add3A_1339 : i32
      %get3A_1341 = arith.index_cast %add3A_1340 : i32 to index
      %get3A_1342 = arith.constant 16 : index
      %get3A_1343 = tpu.vector_load %arg6[%get3A_1341, %get3A_1342] {strides = array<i32>} : memref<640x64xf32, #tpu.memory_space<vmem>>, vector<1x16xf32>,
      %get3A_1344 = vector.shape_cast %get3A_1343 : vector<1x16xf32> to vector<16xf32>
      %add3A_1345 = arith.constant 15 : i32
      %add3A_1346 = arith.addi %mul3A_972, %add3A_1345 : i32
      %get3A_1347 = arith.index_cast %add3A_1346 : i32 to index
      %get3A_1348 = arith.constant 32 : index
      %get3A_1349 = tpu.vector_load %arg6[%get3A_1347, %get3A_1348] {strides = array<i32>} : memref<640x64xf32, #tpu.memory_space<vmem>>, vector<1x16xf32>,
      %get3A_1350 = vector.shape_cast %get3A_1349 : vector<1x16xf32> to vector<16xf32>
      %add3A_1351 = arith.constant 15 : i32
      %add3A_1352 = arith.addi %mul3A_972, %add3A_1351 : i32
      %get3A_1353 = arith.index_cast %add3A_1352 : i32 to index
      %get3A_1354 = arith.constant 48 : index
      %get3A_1355 = tpu.vector_load %arg6[%get3A_1353, %get3A_1354] {strides = array<i32>} : memref<640x64xf32, #tpu.memory_space<vmem>>, vector<1x16xf32>,
      %get3A_1356 = vector.shape_cast %get3A_1355 : vector<1x16xf32> to vector<16xf32>
      %add3A_1357 = arith.constant 16 : i32
      %add3A_1358 = arith.addi %mul3A_972, %add3A_1357 : i32
      %get3A_1359 = arith.index_cast %add3A_1358 : i32 to index
      %get3A_1360 = arith.constant 0 : index
      %get3A_1361 = tpu.vector_load %arg6[%get3A_1359, %get3A_1360] {strides = array<i32>} : memref<640x64xf32, #tpu.memory_space<vmem>>, vector<1x16xf32>,
      %get3A_1362 = vector.shape_cast %get3A_1361 : vector<1x16xf32> to vector<16xf32>
      %add3A_1363 = arith.constant 16 : i32
      %add3A_1364 = arith.addi %mul3A_972, %add3A_1363 : i32
      %get3A_1365 = arith.index_cast %add3A_1364 : i32 to index
      %get3A_1366 = arith.constant 16 : index
      %get3A_1367 = tpu.vector_load %arg6[%get3A_1365, %get3A_1366] {strides = array<i32>} : memref<640x64xf32, #tpu.memory_space<vmem>>, vector<1x16xf32>,
      %get3A_1368 = vector.shape_cast %get3A_1367 : vector<1x16xf32> to vector<16xf32>
      %add3A_1369 = arith.constant 16 : i32
      %add3A_1370 = arith.addi %mul3A_972, %add3A_1369 : i32
      %get3A_1371 = arith.index_cast %add3A_1370 : i32 to index
      %get3A_1372 = arith.constant 32 : index
      %get3A_1373 = tpu.vector_load %arg6[%get3A_1371, %get3A_1372] {strides = array<i32>} : memref<640x64xf32, #tpu.memory_space<vmem>>, vector<1x16xf32>,
      %get3A_1374 = vector.shape_cast %get3A_1373 : vector<1x16xf32> to vector<16xf32>
      %add3A_1375 = arith.constant 16 : i32
      %add3A_1376 = arith.addi %mul3A_972, %add3A_1375 : i32
      %get3A_1377 = arith.index_cast %add3A_1376 : i32 to index
      %get3A_1378 = arith.constant 48 : index
      %get3A_1379 = tpu.vector_load %arg6[%get3A_1377, %get3A_1378] {strides = array<i32>} : memref<640x64xf32, #tpu.memory_space<vmem>>, vector<1x16xf32>,
      %get3A_1380 = vector.shape_cast %get3A_1379 : vector<1x16xf32> to vector<16xf32>
      %add3A_1381 = arith.constant 17 : i32
      %add3A_1382 = arith.addi %mul3A_972, %add3A_1381 : i32
      %get3A_1383 = arith.index_cast %add3A_1382 : i32 to index
      %get3A_1384 = arith.constant 0 : index
      %get3A_1385 = tpu.vector_load %arg6[%get3A_1383, %get3A_1384] {strides = array<i32>} : memref<640x64xf32, #tpu.memory_space<vmem>>, vector<1x16xf32>,
      %get3A_1386 = vector.shape_cast %get3A_1385 : vector<1x16xf32> to vector<16xf32>
      %add3A_1387 = arith.constant 17 : i32
      %add3A_1388 = arith.addi %mul3A_972, %add3A_1387 : i32
      %get3A_1389 = arith.index_cast %add3A_1388 : i32 to index
      %get3A_1390 = arith.constant 16 : index
      %get3A_1391 = tpu.vector_load %arg6[%get3A_1389, %get3A_1390] {strides = array<i32>} : memref<640x64xf32, #tpu.memory_space<vmem>>, vector<1x16xf32>,
      %get3A_1392 = vector.shape_cast %get3A_1391 : vector<1x16xf32> to vector<16xf32>
      %add3A_1393 = arith.constant 17 : i32
      %add3A_1394 = arith.addi %mul3A_972, %add3A_1393 : i32
      %get3A_1395 = arith.index_cast %add3A_1394 : i32 to index
      %get3A_1396 = arith.constant 32 : index
      %get3A_1397 = tpu.vector_load %arg6[%get3A_1395, %get3A_1396] {strides = array<i32>} : memref<640x64xf32, #tpu.memory_space<vmem>>, vector<1x16xf32>,
      %get3A_1398 = vector.shape_cast %get3A_1397 : vector<1x16xf32> to vector<16xf32>
      %add3A_1399 = arith.constant 17 : i32
      %add3A_1400 = arith.addi %mul3A_972, %add3A_1399 : i32
      %get3A_1401 = arith.index_cast %add3A_1400 : i32 to index
      %get3A_1402 = arith.constant 48 : index
      %get3A_1403 = tpu.vector_load %arg6[%get3A_1401, %get3A_1402] {strides = array<i32>} : memref<640x64xf32, #tpu.memory_space<vmem>>, vector<1x16xf32>,
      %get3A_1404 = vector.shape_cast %get3A_1403 : vector<1x16xf32> to vector<16xf32>
      %add3A_1405 = arith.constant 18 : i32
      %add3A_1406 = arith.addi %mul3A_972, %add3A_1405 : i32
      %get3A_1407 = arith.index_cast %add3A_1406 : i32 to index
      %get3A_1408 = arith.constant 0 : index
      %get3A_1409 = tpu.vector_load %arg6[%get3A_1407, %get3A_1408] {strides = array<i32>} : memref<640x64xf32, #tpu.memory_space<vmem>>, vector<1x16xf32>,
      %get3A_1410 = vector.shape_cast %get3A_1409 : vector<1x16xf32> to vector<16xf32>
      %add3A_1411 = arith.constant 18 : i32
      %add3A_1412 = arith.addi %mul3A_972, %add3A_1411 : i32
      %get3A_1413 = arith.index_cast %add3A_1412 : i32 to index
      %get3A_1414 = arith.constant 16 : index
      %get3A_1415 = tpu.vector_load %arg6[%get3A_1413, %get3A_1414] {strides = array<i32>} : memref<640x64xf32, #tpu.memory_space<vmem>>, vector<1x16xf32>,
      %get3A_1416 = vector.shape_cast %get3A_1415 : vector<1x16xf32> to vector<16xf32>
      %add3A_1417 = arith.constant 18 : i32
      %add3A_1418 = arith.addi %mul3A_972, %add3A_1417 : i32
      %get3A_1419 = arith.index_cast %add3A_1418 : i32 to index
      %get3A_1420 = arith.constant 32 : index
      %get3A_1421 = tpu.vector_load %arg6[%get3A_1419, %get3A_1420] {strides = array<i32>} : memref<640x64xf32, #tpu.memory_space<vmem>>, vector<1x16xf32>,
      %get3A_1422 = vector.shape_cast %get3A_1421 : vector<1x16xf32> to vector<16xf32>
      %add3A_1423 = arith.constant 18 : i32
      %add3A_1424 = arith.addi %mul3A_972, %add3A_1423 : i32
      %get3A_1425 = arith.index_cast %add3A_1424 : i32 to index
      %get3A_1426 = arith.constant 48 : index
      %get3A_1427 = tpu.vector_load %arg6[%get3A_1425, %get3A_1426] {strides = array<i32>} : memref<640x64xf32, #tpu.memory_space<vmem>>, vector<1x16xf32>,
      %get3A_1428 = vector.shape_cast %get3A_1427 : vector<1x16xf32> to vector<16xf32>
      %add3A_1429 = arith.constant 19 : i32
      %add3A_1430 = arith.addi %mul3A_972, %add3A_1429 : i32
      %get3A_1431 = arith.index_cast %add3A_1430 : i32 to index
      %get3A_1432 = arith.constant 0 : index
      %get3A_1433 = tpu.vector_load %arg6[%get3A_1431, %get3A_1432] {strides = array<i32>} : memref<640x64xf32, #tpu.memory_space<vmem>>, vector<1x16xf32>,
      %get3A_1434 = vector.shape_cast %get3A_1433 : vector<1x16xf32> to vector<16xf32>
      %add3A_1435 = arith.constant 19 : i32
      %add3A_1436 = arith.addi %mul3A_972, %add3A_1435 : i32
      %get3A_1437 = arith.index_cast %add3A_1436 : i32 to index
      %get3A_1438 = arith.constant 16 : index
      %get3A_1439 = tpu.vector_load %arg6[%get3A_1437, %get3A_1438] {strides = array<i32>} : memref<640x64xf32, #tpu.memory_space<vmem>>, vector<1x16xf32>,
      %get3A_1440 = vector.shape_cast %get3A_1439 : vector<1x16xf32> to vector<16xf32>
      %add3A_1441 = arith.constant 19 : i32
      %add3A_1442 = arith.addi %mul3A_972, %add3A_1441 : i32
      %get3A_1443 = arith.index_cast %add3A_1442 : i32 to index
      %get3A_1444 = arith.constant 32 : index
      %get3A_1445 = tpu.vector_load %arg6[%get3A_1443, %get3A_1444] {strides = array<i32>} : memref<640x64xf32, #tpu.memory_space<vmem>>, vector<1x16xf32>,
      %get3A_1446 = vector.shape_cast %get3A_1445 : vector<1x16xf32> to vector<16xf32>
      %add3A_1447 = arith.constant 19 : i32
      %add3A_1448 = arith.addi %mul3A_972, %add3A_1447 : i32
      %get3A_1449 = arith.index_cast %add3A_1448 : i32 to index
      %get3A_1450 = arith.constant 48 : index
      %get3A_1451 = tpu.vector_load %arg6[%get3A_1449, %get3A_1450] {strides = array<i32>} : memref<640x64xf32, #tpu.memory_space<vmem>>, vector<1x16xf32>,
      %get3A_1452 = vector.shape_cast %get3A_1451 : vector<1x16xf32> to vector<16xf32>
      %add3A_1453 = arith.addf %get3A_978, %get3A_1002 : vector<16xf32>
      %add3A_1454 = arith.addf %get3A_1026, %get3A_1050 : vector<16xf32>
      %add3A_1455 = arith.addf %get3A_1074, %get3A_1098 : vector<16xf32>
      %add3A_1456 = arith.addf %get3A_1122, %get3A_1146 : vector<16xf32>
      %add3A_1457 = arith.addf %get3A_1170, %get3A_1194 : vector<16xf32>
      %add3A_1458 = arith.addf %get3A_1218, %get3A_1242 : vector<16xf32>
      %add3A_1459 = arith.addf %get3A_1266, %get3A_1290 : vector<16xf32>
      %add3A_1460 = arith.addf %get3A_1314, %get3A_1338 : vector<16xf32>
      %add3A_1461 = arith.addf %get3A_1362, %get3A_1386 : vector<16xf32>
      %add3A_1462 = arith.addf %get3A_1410, %get3A_1434 : vector<16xf32>
      %add3A_1463 = arith.addf %add3A_1453, %add3A_1454 : vector<16xf32>
      %add3A_1464 = arith.addf %add3A_1455, %add3A_1456 : vector<16xf32>
      %add3A_1465 = arith.addf %add3A_1457, %add3A_1458 : vector<16xf32>
      %add3A_1466 = arith.addf %add3A_1459, %add3A_1460 : vector<16xf32>
      %add3A_1467 = arith.addf %add3A_1461, %add3A_1462 : vector<16xf32>
      %add3A_1468 = arith.addf %add3A_1463, %add3A_1464 : vector<16xf32>
      %add3A_1469 = arith.addf %add3A_1465, %add3A_1466 : vector<16xf32>
      %add3A_1470 = arith.addf %add3A_1468, %add3A_1469 : vector<16xf32>
      %add3A_1471 = arith.addf %add3A_1470, %add3A_1467 : vector<16xf32>
      %swap3A_1472 = arith.index_cast %scan3A_970 : i32 to index
      %swap3A_1473 = arith.constant 0 : index
      %swap3A_1474 = tpu.vector_load %arg8[%swap3A_1472, %swap3A_1473] {strides = array<i32>} : memref<32x64xf32, #tpu.memory_space<vmem>>, vector<1x16xf32>,
      %swap3A_1475 = vector.shape_cast %swap3A_1474 : vector<1x16xf32> to vector<16xf32>
      %swap3A_1476 = vector.shape_cast %add3A_1471 : vector<16xf32> to vector<1x16xf32>
      tpu.vector_store %arg8[%swap3A_1472, %swap3A_1473], %swap3A_1476 {strides = array<i32>} : memref<32x64xf32, #tpu.memory_space<vmem>>, vector<1x16xf32>,
      %add3A_1477 = arith.addf %get3A_984, %get3A_1008 : vector<16xf32>
      %add3A_1478 = arith.addf %get3A_1032, %get3A_1056 : vector<16xf32>
      %add3A_1479 = arith.addf %get3A_1080, %get3A_1104 : vector<16xf32>
      %add3A_1480 = arith.addf %get3A_1128, %get3A_1152 : vector<16xf32>
      %add3A_1481 = arith.addf %get3A_1176, %get3A_1200 : vector<16xf32>
      %add3A_1482 = arith.addf %get3A_1224, %get3A_1248 : vector<16xf32>
      %add3A_1483 = arith.addf %get3A_1272, %get3A_1296 : vector<16xf32>
      %add3A_1484 = arith.addf %get3A_1320, %get3A_1344 : vector<16xf32>
      %add3A_1485 = arith.addf %get3A_1368, %get3A_1392 : vector<16xf32>
      %add3A_1486 = arith.addf %get3A_1416, %get3A_1440 : vector<16xf32>
      %add3A_1487 = arith.addf %add3A_1477, %add3A_1478 : vector<16xf32>
      %add3A_1488 = arith.addf %add3A_1479, %add3A_1480 : vector<16xf32>
      %add3A_1489 = arith.addf %add3A_1481, %add3A_1482 : vector<16xf32>
      %add3A_1490 = arith.addf %add3A_1483, %add3A_1484 : vector<16xf32>
      %add3A_1491 = arith.addf %add3A_1485, %add3A_1486 : vector<16xf32>
      %add3A_1492 = arith.addf %add3A_1487, %add3A_1488 : vector<16xf32>
      %add3A_1493 = arith.addf %add3A_1489, %add3A_1490 : vector<16xf32>
      %add3A_1494 = arith.addf %add3A_1492, %add3A_1493 : vector<16xf32>
      %add3A_1495 = arith.addf %add3A_1494, %add3A_1491 : vector<16xf32>
      %swap3A_1496 = arith.index_cast %scan3A_970 : i32 to index
      %swap3A_1497 = arith.constant 16 : index
      %swap3A_1498 = tpu.vector_load %arg8[%swap3A_1496, %swap3A_1497] {strides = array<i32>} : memref<32x64xf32, #tpu.memory_space<vmem>>, vector<1x16xf32>,
      %swap3A_1499 = vector.shape_cast %swap3A_1498 : vector<1x16xf32> to vector<16xf32>
      %swap3A_1500 = vector.shape_cast %add3A_1495 : vector<16xf32> to vector<1x16xf32>
      tpu.vector_store %arg8[%swap3A_1496, %swap3A_1497], %swap3A_1500 {strides = array<i32>} : memref<32x64xf32, #tpu.memory_space<vmem>>, vector<1x16xf32>,
      %add3A_1501 = arith.addf %get3A_990, %get3A_1014 : vector<16xf32>
      %add3A_1502 = arith.addf %get3A_1038, %get3A_1062 : vector<16xf32>
      %add3A_1503 = arith.addf %get3A_1086, %get3A_1110 : vector<16xf32>
      %add3A_1504 = arith.addf %get3A_1134, %get3A_1158 : vector<16xf32>
      %add3A_1505 = arith.addf %get3A_1182, %get3A_1206 : vector<16xf32>
      %add3A_1506 = arith.addf %get3A_1230, %get3A_1254 : vector<16xf32>
      %add3A_1507 = arith.addf %get3A_1278, %get3A_1302 : vector<16xf32>
      %add3A_1508 = arith.addf %get3A_1326, %get3A_1350 : vector<16xf32>
      %add3A_1509 = arith.addf %get3A_1374, %get3A_1398 : vector<16xf32>
      %add3A_1510 = arith.addf %get3A_1422, %get3A_1446 : vector<16xf32>
      %add3A_1511 = arith.addf %add3A_1501, %add3A_1502 : vector<16xf32>
      %add3A_1512 = arith.addf %add3A_1503, %add3A_1504 : vector<16xf32>
      %add3A_1513 = arith.addf %add3A_1505, %add3A_1506 : vector<16xf32>
      %add3A_1514 = arith.addf %add3A_1507, %add3A_1508 : vector<16xf32>
      %add3A_1515 = arith.addf %add3A_1509, %add3A_1510 : vector<16xf32>
      %add3A_1516 = arith.addf %add3A_1511, %add3A_1512 : vector<16xf32>
      %add3A_1517 = arith.addf %add3A_1513, %add3A_1514 : vector<16xf32>
      %add3A_1518 = arith.addf %add3A_1516, %add3A_1517 : vector<16xf32>
      %add3A_1519 = arith.addf %add3A_1518, %add3A_1515 : vector<16xf32>
      %swap3A_1520 = arith.index_cast %scan3A_970 : i32 to index
      %swap3A_1521 = arith.constant 32 : index
      %swap3A_1522 = tpu.vector_load %arg8[%swap3A_1520, %swap3A_1521] {strides = array<i32>} : memref<32x64xf32, #tpu.memory_space<vmem>>, vector<1x16xf32>,
      %swap3A_1523 = vector.shape_cast %swap3A_1522 : vector<1x16xf32> to vector<16xf32>
      %swap3A_1524 = vector.shape_cast %add3A_1519 : vector<16xf32> to vector<1x16xf32>
      tpu.vector_store %arg8[%swap3A_1520, %swap3A_1521], %swap3A_1524 {strides = array<i32>} : memref<32x64xf32, #tpu.memory_space<vmem>>, vector<1x16xf32>,
      %add3A_1525 = arith.addf %get3A_996, %get3A_1020 : vector<16xf32>
      %add3A_1526 = arith.addf %get3A_1044, %get3A_1068 : vector<16xf32>
      %add3A_1527 = arith.addf %get3A_1092, %get3A_1116 : vector<16xf32>
      %add3A_1528 = arith.addf %get3A_1140, %get3A_1164 : vector<16xf32>
      %add3A_1529 = arith.addf %get3A_1188, %get3A_1212 : vector<16xf32>
      %add3A_1530 = arith.addf %get3A_1236, %get3A_1260 : vector<16xf32>
      %add3A_1531 = arith.addf %get3A_1284, %get3A_1308 : vector<16xf32>
      %add3A_1532 = arith.addf %get3A_1332, %get3A_1356 : vector<16xf32>
      %add3A_1533 = arith.addf %get3A_1380, %get3A_1404 : vector<16xf32>
      %add3A_1534 = arith.addf %get3A_1428, %get3A_1452 : vector<16xf32>
      %add3A_1535 = arith.addf %add3A_1525, %add3A_1526 : vector<16xf32>
      %add3A_1536 = arith.addf %add3A_1527, %add3A_1528 : vector<16xf32>
      %add3A_1537 = arith.addf %add3A_1529, %add3A_1530 : vector<16xf32>
      %add3A_1538 = arith.addf %add3A_1531, %add3A_1532 : vector<16xf32>
      %add3A_1539 = arith.addf %add3A_1533, %add3A_1534 : vector<16xf32>
      %add3A_1540 = arith.addf %add3A_1535, %add3A_1536 : vector<16xf32>
      %add3A_1541 = arith.addf %add3A_1537, %add3A_1538 : vector<16xf32>
      %add3A_1542 = arith.addf %add3A_1540, %add3A_1541 : vector<16xf32>
      %add3A_1543 = arith.addf %add3A_1542, %add3A_1539 : vector<16xf32>
      %swap3A_1544 = arith.index_cast %scan3A_970 : i32 to index
      %swap3A_1545 = arith.constant 48 : index
      %swap3A_1546 = tpu.vector_load %arg8[%swap3A_1544, %swap3A_1545] {strides = array<i32>} : memref<32x64xf32, #tpu.memory_space<vmem>>, vector<1x16xf32>,
      %swap3A_1547 = vector.shape_cast %swap3A_1546 : vector<1x16xf32> to vector<16xf32>
      %swap3A_1548 = vector.shape_cast %add3A_1543 : vector<16xf32> to vector<1x16xf32>
      tpu.vector_store %arg8[%swap3A_1544, %swap3A_1545], %swap3A_1548 {strides = array<i32>} : memref<32x64xf32, #tpu.memory_space<vmem>>, vector<1x16xf32>,
    }
    %scan3A_125 = arith.constant 32 : i32
    %mul3A_126 = arith.constant 128 : i32
    %mul3A_127 = arith.muli %add3A, %mul3A_126 : i32
    %add3A_128 = arith.constant 0 : i32
    %add3A_129 = arith.addi %mul3A_127, %add3A_128 : i32
    %dma_start3A_130 = arith.constant 0 : i32
    %dma_start3A_131 = tpu.memref_slice %arg4[%add3A_129, %dma_start3A_130] : memref<4096x64xf32, #tpu.memory_space<hbm>> -> memref<32x64xf32, #tpu.memory_space<hbm>>
    %dma_start3A_132 = arith.constant 0 : i32
    %dma_start3A_133 = tpu.memref_slice %arg4[%add3A_129, %dma_start3A_132] : memref<4096x64xf32, #tpu.memory_space<hbm>> -> memref<32x64xf32, #tpu.memory_space<hbm>>
    tpu.enqueue_dma source(%arg8 : memref<32x64xf32, #tpu.memory_space<vmem>>) target(%dma_start3A_133 : memref<32x64xf32, #tpu.memory_space<hbm>>) target_semaphore(%arg12 : memref<!tpu.dma_semaphore, #tpu.memory_space<semaphore_mem>>)
    %dma_start3A_134 = arith.constant 0 : i32
    %dma_start3A_135 = arith.constant 0 : i32
    %dma_start3A_136 = tpu.memref_slice %arg6[%dma_start3A_134, %dma_start3A_135] : memref<640x64xf32, #tpu.memory_space<vmem>> -> memref<128x64xf32, #tpu.memory_space<vmem>>
    %dma_start3A_137 = arith.constant 1280 : i32
    %dma_start3A_138 = tpu.memref_slice %arg5[%dma_start3A_137] : memref<2560xi32, #tpu.memory_space<vmem>> -> memref<128xi32, #tpu.memory_space<vmem>>
    %dma_start3A_139 = arith.constant 0 : i32
    %dma_start3A_140 = arith.constant 0 : i32
    %dma_start3A_141 = tpu.memref_slice %arg2[%dma_start3A_139, %dma_start3A_140] : memref<100000x64xf32, #tpu.memory_space<hbm>> -> memref<100000x64xf32, #tpu.memory_space<hbm>>
    tpu.enqueue_indirect_dma source(%dma_start3A_141 : memref<100000x64xf32, #tpu.memory_space<hbm>>) target(%dma_start3A_136 : memref<128x64xf32, #tpu.memory_space<vmem>>) offsets(%dma_start3A_138 : memref<128xi32, #tpu.memory_space<vmem>>) semaphore(%arg10 : memref<!tpu.dma_semaphore, #tpu.memory_space<semaphore_mem>>)
    %dma_start3A_142 = arith.constant 128 : i32
    %dma_start3A_143 = arith.constant 0 : i32
    %dma_start3A_144 = tpu.memref_slice %arg6[%dma_start3A_142, %dma_start3A_143] : memref<640x64xf32, #tpu.memory_space<vmem>> -> memref<128x64xf32, #tpu.memory_space<vmem>>
    %dma_start3A_145 = arith.constant 1408 : i32
    %dma_start3A_146 = tpu.memref_slice %arg5[%dma_start3A_145] : memref<2560xi32, #tpu.memory_space<vmem>> -> memref<128xi32, #tpu.memory_space<vmem>>
    %dma_start3A_147 = arith.constant 0 : i32
    %dma_start3A_148 = arith.constant 0 : i32
    %dma_start3A_149 = tpu.memref_slice %arg2[%dma_start3A_147, %dma_start3A_148] : memref<100000x64xf32, #tpu.memory_space<hbm>> -> memref<100000x64xf32, #tpu.memory_space<hbm>>
    tpu.enqueue_indirect_dma source(%dma_start3A_149 : memref<100000x64xf32, #tpu.memory_space<hbm>>) target(%dma_start3A_144 : memref<128x64xf32, #tpu.memory_space<vmem>>) offsets(%dma_start3A_146 : memref<128xi32, #tpu.memory_space<vmem>>) semaphore(%arg10 : memref<!tpu.dma_semaphore, #tpu.memory_space<semaphore_mem>>)
    %dma_start3A_150 = arith.constant 256 : i32
    %dma_start3A_151 = arith.constant 0 : i32
    %dma_start3A_152 = tpu.memref_slice %arg6[%dma_start3A_150, %dma_start3A_151] : memref<640x64xf32, #tpu.memory_space<vmem>> -> memref<128x64xf32, #tpu.memory_space<vmem>>
    %dma_start3A_153 = arith.constant 1536 : i32
    %dma_start3A_154 = tpu.memref_slice %arg5[%dma_start3A_153] : memref<2560xi32, #tpu.memory_space<vmem>> -> memref<128xi32, #tpu.memory_space<vmem>>
    %dma_start3A_155 = arith.constant 0 : i32
    %dma_start3A_156 = arith.constant 0 : i32
    %dma_start3A_157 = tpu.memref_slice %arg2[%dma_start3A_155, %dma_start3A_156] : memref<100000x64xf32, #tpu.memory_space<hbm>> -> memref<100000x64xf32, #tpu.memory_space<hbm>>
    tpu.enqueue_indirect_dma source(%dma_start3A_157 : memref<100000x64xf32, #tpu.memory_space<hbm>>) target(%dma_start3A_152 : memref<128x64xf32, #tpu.memory_space<vmem>>) offsets(%dma_start3A_154 : memref<128xi32, #tpu.memory_space<vmem>>) semaphore(%arg10 : memref<!tpu.dma_semaphore, #tpu.memory_space<semaphore_mem>>)
    %dma_start3A_158 = arith.constant 384 : i32
    %dma_start3A_159 = arith.constant 0 : i32
    %dma_start3A_160 = tpu.memref_slice %arg6[%dma_start3A_158, %dma_start3A_159] : memref<640x64xf32, #tpu.memory_space<vmem>> -> memref<128x64xf32, #tpu.memory_space<vmem>>
    %dma_start3A_161 = arith.constant 1664 : i32
    %dma_start3A_162 = tpu.memref_slice %arg5[%dma_start3A_161] : memref<2560xi32, #tpu.memory_space<vmem>> -> memref<128xi32, #tpu.memory_space<vmem>>
    %dma_start3A_163 = arith.constant 0 : i32
    %dma_start3A_164 = arith.constant 0 : i32
    %dma_start3A_165 = tpu.memref_slice %arg2[%dma_start3A_163, %dma_start3A_164] : memref<100000x64xf32, #tpu.memory_space<hbm>> -> memref<100000x64xf32, #tpu.memory_space<hbm>>
    tpu.enqueue_indirect_dma source(%dma_start3A_165 : memref<100000x64xf32, #tpu.memory_space<hbm>>) target(%dma_start3A_160 : memref<128x64xf32, #tpu.memory_space<vmem>>) offsets(%dma_start3A_162 : memref<128xi32, #tpu.memory_space<vmem>>) semaphore(%arg10 : memref<!tpu.dma_semaphore, #tpu.memory_space<semaphore_mem>>)
    %dma_start3A_166 = arith.constant 512 : i32
    %dma_start3A_167 = arith.constant 0 : i32
    %dma_start3A_168 = tpu.memref_slice %arg6[%dma_start3A_166, %dma_start3A_167] : memref<640x64xf32, #tpu.memory_space<vmem>> -> memref<128x64xf32, #tpu.memory_space<vmem>>
    %dma_start3A_169 = arith.constant 1792 : i32
    %dma_start3A_170 = tpu.memref_slice %arg5[%dma_start3A_169] : memref<2560xi32, #tpu.memory_space<vmem>> -> memref<128xi32, #tpu.memory_space<vmem>>
    %dma_start3A_171 = arith.constant 0 : i32
    %dma_start3A_172 = arith.constant 0 : i32
    %dma_start3A_173 = tpu.memref_slice %arg2[%dma_start3A_171, %dma_start3A_172] : memref<100000x64xf32, #tpu.memory_space<hbm>> -> memref<100000x64xf32, #tpu.memory_space<hbm>>
    tpu.enqueue_indirect_dma source(%dma_start3A_173 : memref<100000x64xf32, #tpu.memory_space<hbm>>) target(%dma_start3A_168 : memref<128x64xf32, #tpu.memory_space<vmem>>) offsets(%dma_start3A_170 : memref<128xi32, #tpu.memory_space<vmem>>) semaphore(%arg10 : memref<!tpu.dma_semaphore, #tpu.memory_space<semaphore_mem>>)
    %dma_wait3A_174 = arith.constant 0 : i32
    %dma_wait3A_175 = arith.constant 0 : i32
    %dma_wait3A_176 = tpu.memref_slice %arg7[%dma_wait3A_174, %dma_wait3A_175] : memref<640x64xf32, #tpu.memory_space<vmem>> -> memref<128x64xf32, #tpu.memory_space<vmem>>
    %dma_wait3A_177 = arith.constant 640 : i32
    %dma_wait3A_178 = tpu.memref_slice %arg5[%dma_wait3A_177] : memref<2560xi32, #tpu.memory_space<vmem>> -> memref<128xi32, #tpu.memory_space<vmem>>
    %dma_wait3A_179 = arith.constant 0 : i32
    %dma_wait3A_180 = arith.constant 0 : i32
    %dma_wait3A_181 = tpu.memref_slice %arg2[%dma_wait3A_179, %dma_wait3A_180] : memref<100000x64xf32, #tpu.memory_space<hbm>> -> memref<100000x64xf32, #tpu.memory_space<hbm>>
    tpu.wait_indirect_dma semaphore(%arg11 : memref<!tpu.dma_semaphore, #tpu.memory_space<semaphore_mem>>) src(%dma_wait3A_181 : memref<100000x64xf32, #tpu.memory_space<hbm>>) dst(%dma_wait3A_176 : memref<128x64xf32, #tpu.memory_space<vmem>>)
    %dma_wait3A_182 = arith.constant 128 : i32
    %dma_wait3A_183 = arith.constant 0 : i32
    %dma_wait3A_184 = tpu.memref_slice %arg7[%dma_wait3A_182, %dma_wait3A_183] : memref<640x64xf32, #tpu.memory_space<vmem>> -> memref<128x64xf32, #tpu.memory_space<vmem>>
    %dma_wait3A_185 = arith.constant 768 : i32
    %dma_wait3A_186 = tpu.memref_slice %arg5[%dma_wait3A_185] : memref<2560xi32, #tpu.memory_space<vmem>> -> memref<128xi32, #tpu.memory_space<vmem>>
    %dma_wait3A_187 = arith.constant 0 : i32
    %dma_wait3A_188 = arith.constant 0 : i32
    %dma_wait3A_189 = tpu.memref_slice %arg2[%dma_wait3A_187, %dma_wait3A_188] : memref<100000x64xf32, #tpu.memory_space<hbm>> -> memref<100000x64xf32, #tpu.memory_space<hbm>>
    tpu.wait_indirect_dma semaphore(%arg11 : memref<!tpu.dma_semaphore, #tpu.memory_space<semaphore_mem>>) src(%dma_wait3A_189 : memref<100000x64xf32, #tpu.memory_space<hbm>>) dst(%dma_wait3A_184 : memref<128x64xf32, #tpu.memory_space<vmem>>)
    %dma_wait3A_190 = arith.constant 256 : i32
    %dma_wait3A_191 = arith.constant 0 : i32
    %dma_wait3A_192 = tpu.memref_slice %arg7[%dma_wait3A_190, %dma_wait3A_191] : memref<640x64xf32, #tpu.memory_space<vmem>> -> memref<128x64xf32, #tpu.memory_space<vmem>>
    %dma_wait3A_193 = arith.constant 896 : i32
    %dma_wait3A_194 = tpu.memref_slice %arg5[%dma_wait3A_193] : memref<2560xi32, #tpu.memory_space<vmem>> -> memref<128xi32, #tpu.memory_space<vmem>>
    %dma_wait3A_195 = arith.constant 0 : i32
    %dma_wait3A_196 = arith.constant 0 : i32
    %dma_wait3A_197 = tpu.memref_slice %arg2[%dma_wait3A_195, %dma_wait3A_196] : memref<100000x64xf32, #tpu.memory_space<hbm>> -> memref<100000x64xf32, #tpu.memory_space<hbm>>
    tpu.wait_indirect_dma semaphore(%arg11 : memref<!tpu.dma_semaphore, #tpu.memory_space<semaphore_mem>>) src(%dma_wait3A_197 : memref<100000x64xf32, #tpu.memory_space<hbm>>) dst(%dma_wait3A_192 : memref<128x64xf32, #tpu.memory_space<vmem>>)
    %dma_wait3A_198 = arith.constant 384 : i32
    %dma_wait3A_199 = arith.constant 0 : i32
    %dma_wait3A_200 = tpu.memref_slice %arg7[%dma_wait3A_198, %dma_wait3A_199] : memref<640x64xf32, #tpu.memory_space<vmem>> -> memref<128x64xf32, #tpu.memory_space<vmem>>
    %dma_wait3A_201 = arith.constant 1024 : i32
    %dma_wait3A_202 = tpu.memref_slice %arg5[%dma_wait3A_201] : memref<2560xi32, #tpu.memory_space<vmem>> -> memref<128xi32, #tpu.memory_space<vmem>>
    %dma_wait3A_203 = arith.constant 0 : i32
    %dma_wait3A_204 = arith.constant 0 : i32
    %dma_wait3A_205 = tpu.memref_slice %arg2[%dma_wait3A_203, %dma_wait3A_204] : memref<100000x64xf32, #tpu.memory_space<hbm>> -> memref<100000x64xf32, #tpu.memory_space<hbm>>
    tpu.wait_indirect_dma semaphore(%arg11 : memref<!tpu.dma_semaphore, #tpu.memory_space<semaphore_mem>>) src(%dma_wait3A_205 : memref<100000x64xf32, #tpu.memory_space<hbm>>) dst(%dma_wait3A_200 : memref<128x64xf32, #tpu.memory_space<vmem>>)
    %dma_wait3A_206 = arith.constant 512 : i32
    %dma_wait3A_207 = arith.constant 0 : i32
    %dma_wait3A_208 = tpu.memref_slice %arg7[%dma_wait3A_206, %dma_wait3A_207] : memref<640x64xf32, #tpu.memory_space<vmem>> -> memref<128x64xf32, #tpu.memory_space<vmem>>
    %dma_wait3A_209 = arith.constant 1152 : i32
    %dma_wait3A_210 = tpu.memref_slice %arg5[%dma_wait3A_209] : memref<2560xi32, #tpu.memory_space<vmem>> -> memref<128xi32, #tpu.memory_space<vmem>>
    %dma_wait3A_211 = arith.constant 0 : i32
    %dma_wait3A_212 = arith.constant 0 : i32
    %dma_wait3A_213 = tpu.memref_slice %arg2[%dma_wait3A_211, %dma_wait3A_212] : memref<100000x64xf32, #tpu.memory_space<hbm>> -> memref<100000x64xf32, #tpu.memory_space<hbm>>
    tpu.wait_indirect_dma semaphore(%arg11 : memref<!tpu.dma_semaphore, #tpu.memory_space<semaphore_mem>>) src(%dma_wait3A_213 : memref<100000x64xf32, #tpu.memory_space<hbm>>) dst(%dma_wait3A_208 : memref<128x64xf32, #tpu.memory_space<vmem>>)
    %scan3A_214 = arith.constant 0 : i32
    %scan3A_215 = arith.constant 0 : i32
    %scan3A_216 = arith.constant 32 : i32
    %scan3A_217 = arith.addi %scan3A_215, %scan3A_216 : i32
    %scan3A_218 = arith.constant 2 : i32
    scf.for %scan3A_392 = %scan3A_215 to %scan3A_217 step %scan3A_218  : i32 {
      %mul3A_393 = arith.constant 20 : i32
      %mul3A_394 = arith.muli %scan3A_392, %mul3A_393 : i32
      %add3A_395 = arith.constant 0 : i32
      %add3A_396 = arith.addi %mul3A_394, %add3A_395 : i32
      %get3A = arith.index_cast %add3A_396 : i32 to index
      %get3A_397 = arith.constant 0 : index
      %get3A_398 = tpu.vector_load %arg7[%get3A, %get3A_397] {strides = array<i32>} : memref<640x64xf32, #tpu.memory_space<vmem>>, vector<1x16xf32>,
      %get3A_399 = vector.shape_cast %get3A_398 : vector<1x16xf32> to vector<16xf32>
      %add3A_400 = arith.constant 0 : i32
      %add3A_401 = arith.addi %mul3A_394, %add3A_400 : i32
      %get3A_402 = arith.index_cast %add3A_401 : i32 to index
      %get3A_403 = arith.constant 16 : index
      %get3A_404 = tpu.vector_load %arg7[%get3A_402, %get3A_403] {strides = array<i32>} : memref<640x64xf32, #tpu.memory_space<vmem>>, vector<1x16xf32>,
      %get3A_405 = vector.shape_cast %get3A_404 : vector<1x16xf32> to vector<16xf32>
      %add3A_406 = arith.constant 0 : i32
      %add3A_407 = arith.addi %mul3A_394, %add3A_406 : i32
      %get3A_408 = arith.index_cast %add3A_407 : i32 to index
      %get3A_409 = arith.constant 32 : index
      %get3A_410 = tpu.vector_load %arg7[%get3A_408, %get3A_409] {strides = array<i32>} : memref<640x64xf32, #tpu.memory_space<vmem>>, vector<1x16xf32>,
      %get3A_411 = vector.shape_cast %get3A_410 : vector<1x16xf32> to vector<16xf32>
      %add3A_412 = arith.constant 0 : i32
      %add3A_413 = arith.addi %mul3A_394, %add3A_412 : i32
      %get3A_414 = arith.index_cast %add3A_413 : i32 to index
      %get3A_415 = arith.constant 48 : index
      %get3A_416 = tpu.vector_load %arg7[%get3A_414, %get3A_415] {strides = array<i32>} : memref<640x64xf32, #tpu.memory_space<vmem>>, vector<1x16xf32>,
      %get3A_417 = vector.shape_cast %get3A_416 : vector<1x16xf32> to vector<16xf32>
      %add3A_418 = arith.constant 1 : i32
      %add3A_419 = arith.addi %mul3A_394, %add3A_418 : i32
      %get3A_420 = arith.index_cast %add3A_419 : i32 to index
      %get3A_421 = arith.constant 0 : index
      %get3A_422 = tpu.vector_load %arg7[%get3A_420, %get3A_421] {strides = array<i32>} : memref<640x64xf32, #tpu.memory_space<vmem>>, vector<1x16xf32>,
      %get3A_423 = vector.shape_cast %get3A_422 : vector<1x16xf32> to vector<16xf32>
      %add3A_424 = arith.constant 1 : i32
      %add3A_425 = arith.addi %mul3A_394, %add3A_424 : i32
      %get3A_426 = arith.index_cast %add3A_425 : i32 to index
      %get3A_427 = arith.constant 16 : index
      %get3A_428 = tpu.vector_load %arg7[%get3A_426, %get3A_427] {strides = array<i32>} : memref<640x64xf32, #tpu.memory_space<vmem>>, vector<1x16xf32>,
      %get3A_429 = vector.shape_cast %get3A_428 : vector<1x16xf32> to vector<16xf32>
      %add3A_430 = arith.constant 1 : i32
      %add3A_431 = arith.addi %mul3A_394, %add3A_430 : i32
      %get3A_432 = arith.index_cast %add3A_431 : i32 to index
      %get3A_433 = arith.constant 32 : index
      %get3A_434 = tpu.vector_load %arg7[%get3A_432, %get3A_433] {strides = array<i32>} : memref<640x64xf32, #tpu.memory_space<vmem>>, vector<1x16xf32>,
      %get3A_435 = vector.shape_cast %get3A_434 : vector<1x16xf32> to vector<16xf32>
      %add3A_436 = arith.constant 1 : i32
      %add3A_437 = arith.addi %mul3A_394, %add3A_436 : i32
      %get3A_438 = arith.index_cast %add3A_437 : i32 to index
      %get3A_439 = arith.constant 48 : index
      %get3A_440 = tpu.vector_load %arg7[%get3A_438, %get3A_439] {strides = array<i32>} : memref<640x64xf32, #tpu.memory_space<vmem>>, vector<1x16xf32>,
      %get3A_441 = vector.shape_cast %get3A_440 : vector<1x16xf32> to vector<16xf32>
      %add3A_442 = arith.constant 2 : i32
      %add3A_443 = arith.addi %mul3A_394, %add3A_442 : i32
      %get3A_444 = arith.index_cast %add3A_443 : i32 to index
      %get3A_445 = arith.constant 0 : index
      %get3A_446 = tpu.vector_load %arg7[%get3A_444, %get3A_445] {strides = array<i32>} : memref<640x64xf32, #tpu.memory_space<vmem>>, vector<1x16xf32>,
      %get3A_447 = vector.shape_cast %get3A_446 : vector<1x16xf32> to vector<16xf32>
      %add3A_448 = arith.constant 2 : i32
      %add3A_449 = arith.addi %mul3A_394, %add3A_448 : i32
      %get3A_450 = arith.index_cast %add3A_449 : i32 to index
      %get3A_451 = arith.constant 16 : index
      %get3A_452 = tpu.vector_load %arg7[%get3A_450, %get3A_451] {strides = array<i32>} : memref<640x64xf32, #tpu.memory_space<vmem>>, vector<1x16xf32>,
      %get3A_453 = vector.shape_cast %get3A_452 : vector<1x16xf32> to vector<16xf32>
      %add3A_454 = arith.constant 2 : i32
      %add3A_455 = arith.addi %mul3A_394, %add3A_454 : i32
      %get3A_456 = arith.index_cast %add3A_455 : i32 to index
      %get3A_457 = arith.constant 32 : index
      %get3A_458 = tpu.vector_load %arg7[%get3A_456, %get3A_457] {strides = array<i32>} : memref<640x64xf32, #tpu.memory_space<vmem>>, vector<1x16xf32>,
      %get3A_459 = vector.shape_cast %get3A_458 : vector<1x16xf32> to vector<16xf32>
      %add3A_460 = arith.constant 2 : i32
      %add3A_461 = arith.addi %mul3A_394, %add3A_460 : i32
      %get3A_462 = arith.index_cast %add3A_461 : i32 to index
      %get3A_463 = arith.constant 48 : index
      %get3A_464 = tpu.vector_load %arg7[%get3A_462, %get3A_463] {strides = array<i32>} : memref<640x64xf32, #tpu.memory_space<vmem>>, vector<1x16xf32>,
      %get3A_465 = vector.shape_cast %get3A_464 : vector<1x16xf32> to vector<16xf32>
      %add3A_466 = arith.constant 3 : i32
      %add3A_467 = arith.addi %mul3A_394, %add3A_466 : i32
      %get3A_468 = arith.index_cast %add3A_467 : i32 to index
      %get3A_469 = arith.constant 0 : index
      %get3A_470 = tpu.vector_load %arg7[%get3A_468, %get3A_469] {strides = array<i32>} : memref<640x64xf32, #tpu.memory_space<vmem>>, vector<1x16xf32>,
      %get3A_471 = vector.shape_cast %get3A_470 : vector<1x16xf32> to vector<16xf32>
      %add3A_472 = arith.constant 3 : i32
      %add3A_473 = arith.addi %mul3A_394, %add3A_472 : i32
      %get3A_474 = arith.index_cast %add3A_473 : i32 to index
      %get3A_475 = arith.constant 16 : index
      %get3A_476 = tpu.vector_load %arg7[%get3A_474, %get3A_475] {strides = array<i32>} : memref<640x64xf32, #tpu.memory_space<vmem>>, vector<1x16xf32>,
      %get3A_477 = vector.shape_cast %get3A_476 : vector<1x16xf32> to vector<16xf32>
      %add3A_478 = arith.constant 3 : i32
      %add3A_479 = arith.addi %mul3A_394, %add3A_478 : i32
      %get3A_480 = arith.index_cast %add3A_479 : i32 to index
      %get3A_481 = arith.constant 32 : index
      %get3A_482 = tpu.vector_load %arg7[%get3A_480, %get3A_481] {strides = array<i32>} : memref<640x64xf32, #tpu.memory_space<vmem>>, vector<1x16xf32>,
      %get3A_483 = vector.shape_cast %get3A_482 : vector<1x16xf32> to vector<16xf32>
      %add3A_484 = arith.constant 3 : i32
      %add3A_485 = arith.addi %mul3A_394, %add3A_484 : i32
      %get3A_486 = arith.index_cast %add3A_485 : i32 to index
      %get3A_487 = arith.constant 48 : index
      %get3A_488 = tpu.vector_load %arg7[%get3A_486, %get3A_487] {strides = array<i32>} : memref<640x64xf32, #tpu.memory_space<vmem>>, vector<1x16xf32>,
      %get3A_489 = vector.shape_cast %get3A_488 : vector<1x16xf32> to vector<16xf32>
      %add3A_490 = arith.constant 4 : i32
      %add3A_491 = arith.addi %mul3A_394, %add3A_490 : i32
      %get3A_492 = arith.index_cast %add3A_491 : i32 to index
      %get3A_493 = arith.constant 0 : index
      %get3A_494 = tpu.vector_load %arg7[%get3A_492, %get3A_493] {strides = array<i32>} : memref<640x64xf32, #tpu.memory_space<vmem>>, vector<1x16xf32>,
      %get3A_495 = vector.shape_cast %get3A_494 : vector<1x16xf32> to vector<16xf32>
      %add3A_496 = arith.constant 4 : i32
      %add3A_497 = arith.addi %mul3A_394, %add3A_496 : i32
      %get3A_498 = arith.index_cast %add3A_497 : i32 to index
      %get3A_499 = arith.constant 16 : index
      %get3A_500 = tpu.vector_load %arg7[%get3A_498, %get3A_499] {strides = array<i32>} : memref<640x64xf32, #tpu.memory_space<vmem>>, vector<1x16xf32>,
      %get3A_501 = vector.shape_cast %get3A_500 : vector<1x16xf32> to vector<16xf32>
      %add3A_502 = arith.constant 4 : i32
      %add3A_503 = arith.addi %mul3A_394, %add3A_502 : i32
      %get3A_504 = arith.index_cast %add3A_503 : i32 to index
      %get3A_505 = arith.constant 32 : index
      %get3A_506 = tpu.vector_load %arg7[%get3A_504, %get3A_505] {strides = array<i32>} : memref<640x64xf32, #tpu.memory_space<vmem>>, vector<1x16xf32>,
      %get3A_507 = vector.shape_cast %get3A_506 : vector<1x16xf32> to vector<16xf32>
      %add3A_508 = arith.constant 4 : i32
      %add3A_509 = arith.addi %mul3A_394, %add3A_508 : i32
      %get3A_510 = arith.index_cast %add3A_509 : i32 to index
      %get3A_511 = arith.constant 48 : index
      %get3A_512 = tpu.vector_load %arg7[%get3A_510, %get3A_511] {strides = array<i32>} : memref<640x64xf32, #tpu.memory_space<vmem>>, vector<1x16xf32>,
      %get3A_513 = vector.shape_cast %get3A_512 : vector<1x16xf32> to vector<16xf32>
      %add3A_514 = arith.constant 5 : i32
      %add3A_515 = arith.addi %mul3A_394, %add3A_514 : i32
      %get3A_516 = arith.index_cast %add3A_515 : i32 to index
      %get3A_517 = arith.constant 0 : index
      %get3A_518 = tpu.vector_load %arg7[%get3A_516, %get3A_517] {strides = array<i32>} : memref<640x64xf32, #tpu.memory_space<vmem>>, vector<1x16xf32>,
      %get3A_519 = vector.shape_cast %get3A_518 : vector<1x16xf32> to vector<16xf32>
      %add3A_520 = arith.constant 5 : i32
      %add3A_521 = arith.addi %mul3A_394, %add3A_520 : i32
      %get3A_522 = arith.index_cast %add3A_521 : i32 to index
      %get3A_523 = arith.constant 16 : index
      %get3A_524 = tpu.vector_load %arg7[%get3A_522, %get3A_523] {strides = array<i32>} : memref<640x64xf32, #tpu.memory_space<vmem>>, vector<1x16xf32>,
      %get3A_525 = vector.shape_cast %get3A_524 : vector<1x16xf32> to vector<16xf32>
      %add3A_526 = arith.constant 5 : i32
      %add3A_527 = arith.addi %mul3A_394, %add3A_526 : i32
      %get3A_528 = arith.index_cast %add3A_527 : i32 to index
      %get3A_529 = arith.constant 32 : index
      %get3A_530 = tpu.vector_load %arg7[%get3A_528, %get3A_529] {strides = array<i32>} : memref<640x64xf32, #tpu.memory_space<vmem>>, vector<1x16xf32>,
      %get3A_531 = vector.shape_cast %get3A_530 : vector<1x16xf32> to vector<16xf32>
      %add3A_532 = arith.constant 5 : i32
      %add3A_533 = arith.addi %mul3A_394, %add3A_532 : i32
      %get3A_534 = arith.index_cast %add3A_533 : i32 to index
      %get3A_535 = arith.constant 48 : index
      %get3A_536 = tpu.vector_load %arg7[%get3A_534, %get3A_535] {strides = array<i32>} : memref<640x64xf32, #tpu.memory_space<vmem>>, vector<1x16xf32>,
      %get3A_537 = vector.shape_cast %get3A_536 : vector<1x16xf32> to vector<16xf32>
      %add3A_538 = arith.constant 6 : i32
      %add3A_539 = arith.addi %mul3A_394, %add3A_538 : i32
      %get3A_540 = arith.index_cast %add3A_539 : i32 to index
      %get3A_541 = arith.constant 0 : index
      %get3A_542 = tpu.vector_load %arg7[%get3A_540, %get3A_541] {strides = array<i32>} : memref<640x64xf32, #tpu.memory_space<vmem>>, vector<1x16xf32>,
      %get3A_543 = vector.shape_cast %get3A_542 : vector<1x16xf32> to vector<16xf32>
      %add3A_544 = arith.constant 6 : i32
      %add3A_545 = arith.addi %mul3A_394, %add3A_544 : i32
      %get3A_546 = arith.index_cast %add3A_545 : i32 to index
      %get3A_547 = arith.constant 16 : index
      %get3A_548 = tpu.vector_load %arg7[%get3A_546, %get3A_547] {strides = array<i32>} : memref<640x64xf32, #tpu.memory_space<vmem>>, vector<1x16xf32>,
      %get3A_549 = vector.shape_cast %get3A_548 : vector<1x16xf32> to vector<16xf32>
      %add3A_550 = arith.constant 6 : i32
      %add3A_551 = arith.addi %mul3A_394, %add3A_550 : i32
      %get3A_552 = arith.index_cast %add3A_551 : i32 to index
      %get3A_553 = arith.constant 32 : index
      %get3A_554 = tpu.vector_load %arg7[%get3A_552, %get3A_553] {strides = array<i32>} : memref<640x64xf32, #tpu.memory_space<vmem>>, vector<1x16xf32>,
      %get3A_555 = vector.shape_cast %get3A_554 : vector<1x16xf32> to vector<16xf32>
      %add3A_556 = arith.constant 6 : i32
      %add3A_557 = arith.addi %mul3A_394, %add3A_556 : i32
      %get3A_558 = arith.index_cast %add3A_557 : i32 to index
      %get3A_559 = arith.constant 48 : index
      %get3A_560 = tpu.vector_load %arg7[%get3A_558, %get3A_559] {strides = array<i32>} : memref<640x64xf32, #tpu.memory_space<vmem>>, vector<1x16xf32>,
      %get3A_561 = vector.shape_cast %get3A_560 : vector<1x16xf32> to vector<16xf32>
      %add3A_562 = arith.constant 7 : i32
      %add3A_563 = arith.addi %mul3A_394, %add3A_562 : i32
      %get3A_564 = arith.index_cast %add3A_563 : i32 to index
      %get3A_565 = arith.constant 0 : index
      %get3A_566 = tpu.vector_load %arg7[%get3A_564, %get3A_565] {strides = array<i32>} : memref<640x64xf32, #tpu.memory_space<vmem>>, vector<1x16xf32>,
      %get3A_567 = vector.shape_cast %get3A_566 : vector<1x16xf32> to vector<16xf32>
      %add3A_568 = arith.constant 7 : i32
      %add3A_569 = arith.addi %mul3A_394, %add3A_568 : i32
      %get3A_570 = arith.index_cast %add3A_569 : i32 to index
      %get3A_571 = arith.constant 16 : index
      %get3A_572 = tpu.vector_load %arg7[%get3A_570, %get3A_571] {strides = array<i32>} : memref<640x64xf32, #tpu.memory_space<vmem>>, vector<1x16xf32>,
      %get3A_573 = vector.shape_cast %get3A_572 : vector<1x16xf32> to vector<16xf32>
      %add3A_574 = arith.constant 7 : i32
      %add3A_575 = arith.addi %mul3A_394, %add3A_574 : i32
      %get3A_576 = arith.index_cast %add3A_575 : i32 to index
      %get3A_577 = arith.constant 32 : index
      %get3A_578 = tpu.vector_load %arg7[%get3A_576, %get3A_577] {strides = array<i32>} : memref<640x64xf32, #tpu.memory_space<vmem>>, vector<1x16xf32>,
      %get3A_579 = vector.shape_cast %get3A_578 : vector<1x16xf32> to vector<16xf32>
      %add3A_580 = arith.constant 7 : i32
      %add3A_581 = arith.addi %mul3A_394, %add3A_580 : i32
      %get3A_582 = arith.index_cast %add3A_581 : i32 to index
      %get3A_583 = arith.constant 48 : index
      %get3A_584 = tpu.vector_load %arg7[%get3A_582, %get3A_583] {strides = array<i32>} : memref<640x64xf32, #tpu.memory_space<vmem>>, vector<1x16xf32>,
      %get3A_585 = vector.shape_cast %get3A_584 : vector<1x16xf32> to vector<16xf32>
      %add3A_586 = arith.constant 8 : i32
      %add3A_587 = arith.addi %mul3A_394, %add3A_586 : i32
      %get3A_588 = arith.index_cast %add3A_587 : i32 to index
      %get3A_589 = arith.constant 0 : index
      %get3A_590 = tpu.vector_load %arg7[%get3A_588, %get3A_589] {strides = array<i32>} : memref<640x64xf32, #tpu.memory_space<vmem>>, vector<1x16xf32>,
      %get3A_591 = vector.shape_cast %get3A_590 : vector<1x16xf32> to vector<16xf32>
      %add3A_592 = arith.constant 8 : i32
      %add3A_593 = arith.addi %mul3A_394, %add3A_592 : i32
      %get3A_594 = arith.index_cast %add3A_593 : i32 to index
      %get3A_595 = arith.constant 16 : index
      %get3A_596 = tpu.vector_load %arg7[%get3A_594, %get3A_595] {strides = array<i32>} : memref<640x64xf32, #tpu.memory_space<vmem>>, vector<1x16xf32>,
      %get3A_597 = vector.shape_cast %get3A_596 : vector<1x16xf32> to vector<16xf32>
      %add3A_598 = arith.constant 8 : i32
      %add3A_599 = arith.addi %mul3A_394, %add3A_598 : i32
      %get3A_600 = arith.index_cast %add3A_599 : i32 to index
      %get3A_601 = arith.constant 32 : index
      %get3A_602 = tpu.vector_load %arg7[%get3A_600, %get3A_601] {strides = array<i32>} : memref<640x64xf32, #tpu.memory_space<vmem>>, vector<1x16xf32>,
      %get3A_603 = vector.shape_cast %get3A_602 : vector<1x16xf32> to vector<16xf32>
      %add3A_604 = arith.constant 8 : i32
      %add3A_605 = arith.addi %mul3A_394, %add3A_604 : i32
      %get3A_606 = arith.index_cast %add3A_605 : i32 to index
      %get3A_607 = arith.constant 48 : index
      %get3A_608 = tpu.vector_load %arg7[%get3A_606, %get3A_607] {strides = array<i32>} : memref<640x64xf32, #tpu.memory_space<vmem>>, vector<1x16xf32>,
      %get3A_609 = vector.shape_cast %get3A_608 : vector<1x16xf32> to vector<16xf32>
      %add3A_610 = arith.constant 9 : i32
      %add3A_611 = arith.addi %mul3A_394, %add3A_610 : i32
      %get3A_612 = arith.index_cast %add3A_611 : i32 to index
      %get3A_613 = arith.constant 0 : index
      %get3A_614 = tpu.vector_load %arg7[%get3A_612, %get3A_613] {strides = array<i32>} : memref<640x64xf32, #tpu.memory_space<vmem>>, vector<1x16xf32>,
      %get3A_615 = vector.shape_cast %get3A_614 : vector<1x16xf32> to vector<16xf32>
      %add3A_616 = arith.constant 9 : i32
      %add3A_617 = arith.addi %mul3A_394, %add3A_616 : i32
      %get3A_618 = arith.index_cast %add3A_617 : i32 to index
      %get3A_619 = arith.constant 16 : index
      %get3A_620 = tpu.vector_load %arg7[%get3A_618, %get3A_619] {strides = array<i32>} : memref<640x64xf32, #tpu.memory_space<vmem>>, vector<1x16xf32>,
      %get3A_621 = vector.shape_cast %get3A_620 : vector<1x16xf32> to vector<16xf32>
      %add3A_622 = arith.constant 9 : i32
      %add3A_623 = arith.addi %mul3A_394, %add3A_622 : i32
      %get3A_624 = arith.index_cast %add3A_623 : i32 to index
      %get3A_625 = arith.constant 32 : index
      %get3A_626 = tpu.vector_load %arg7[%get3A_624, %get3A_625] {strides = array<i32>} : memref<640x64xf32, #tpu.memory_space<vmem>>, vector<1x16xf32>,
      %get3A_627 = vector.shape_cast %get3A_626 : vector<1x16xf32> to vector<16xf32>
      %add3A_628 = arith.constant 9 : i32
      %add3A_629 = arith.addi %mul3A_394, %add3A_628 : i32
      %get3A_630 = arith.index_cast %add3A_629 : i32 to index
      %get3A_631 = arith.constant 48 : index
      %get3A_632 = tpu.vector_load %arg7[%get3A_630, %get3A_631] {strides = array<i32>} : memref<640x64xf32, #tpu.memory_space<vmem>>, vector<1x16xf32>,
      %get3A_633 = vector.shape_cast %get3A_632 : vector<1x16xf32> to vector<16xf32>
      %add3A_634 = arith.constant 10 : i32
      %add3A_635 = arith.addi %mul3A_394, %add3A_634 : i32
      %get3A_636 = arith.index_cast %add3A_635 : i32 to index
      %get3A_637 = arith.constant 0 : index
      %get3A_638 = tpu.vector_load %arg7[%get3A_636, %get3A_637] {strides = array<i32>} : memref<640x64xf32, #tpu.memory_space<vmem>>, vector<1x16xf32>,
      %get3A_639 = vector.shape_cast %get3A_638 : vector<1x16xf32> to vector<16xf32>
      %add3A_640 = arith.constant 10 : i32
      %add3A_641 = arith.addi %mul3A_394, %add3A_640 : i32
      %get3A_642 = arith.index_cast %add3A_641 : i32 to index
      %get3A_643 = arith.constant 16 : index
      %get3A_644 = tpu.vector_load %arg7[%get3A_642, %get3A_643] {strides = array<i32>} : memref<640x64xf32, #tpu.memory_space<vmem>>, vector<1x16xf32>,
      %get3A_645 = vector.shape_cast %get3A_644 : vector<1x16xf32> to vector<16xf32>
      %add3A_646 = arith.constant 10 : i32
      %add3A_647 = arith.addi %mul3A_394, %add3A_646 : i32
      %get3A_648 = arith.index_cast %add3A_647 : i32 to index
      %get3A_649 = arith.constant 32 : index
      %get3A_650 = tpu.vector_load %arg7[%get3A_648, %get3A_649] {strides = array<i32>} : memref<640x64xf32, #tpu.memory_space<vmem>>, vector<1x16xf32>,
      %get3A_651 = vector.shape_cast %get3A_650 : vector<1x16xf32> to vector<16xf32>
      %add3A_652 = arith.constant 10 : i32
      %add3A_653 = arith.addi %mul3A_394, %add3A_652 : i32
      %get3A_654 = arith.index_cast %add3A_653 : i32 to index
      %get3A_655 = arith.constant 48 : index
      %get3A_656 = tpu.vector_load %arg7[%get3A_654, %get3A_655] {strides = array<i32>} : memref<640x64xf32, #tpu.memory_space<vmem>>, vector<1x16xf32>,
      %get3A_657 = vector.shape_cast %get3A_656 : vector<1x16xf32> to vector<16xf32>
      %add3A_658 = arith.constant 11 : i32
      %add3A_659 = arith.addi %mul3A_394, %add3A_658 : i32
      %get3A_660 = arith.index_cast %add3A_659 : i32 to index
      %get3A_661 = arith.constant 0 : index
      %get3A_662 = tpu.vector_load %arg7[%get3A_660, %get3A_661] {strides = array<i32>} : memref<640x64xf32, #tpu.memory_space<vmem>>, vector<1x16xf32>,
      %get3A_663 = vector.shape_cast %get3A_662 : vector<1x16xf32> to vector<16xf32>
      %add3A_664 = arith.constant 11 : i32
      %add3A_665 = arith.addi %mul3A_394, %add3A_664 : i32
      %get3A_666 = arith.index_cast %add3A_665 : i32 to index
      %get3A_667 = arith.constant 16 : index
      %get3A_668 = tpu.vector_load %arg7[%get3A_666, %get3A_667] {strides = array<i32>} : memref<640x64xf32, #tpu.memory_space<vmem>>, vector<1x16xf32>,
      %get3A_669 = vector.shape_cast %get3A_668 : vector<1x16xf32> to vector<16xf32>
      %add3A_670 = arith.constant 11 : i32
      %add3A_671 = arith.addi %mul3A_394, %add3A_670 : i32
      %get3A_672 = arith.index_cast %add3A_671 : i32 to index
      %get3A_673 = arith.constant 32 : index
      %get3A_674 = tpu.vector_load %arg7[%get3A_672, %get3A_673] {strides = array<i32>} : memref<640x64xf32, #tpu.memory_space<vmem>>, vector<1x16xf32>,
      %get3A_675 = vector.shape_cast %get3A_674 : vector<1x16xf32> to vector<16xf32>
      %add3A_676 = arith.constant 11 : i32
      %add3A_677 = arith.addi %mul3A_394, %add3A_676 : i32
      %get3A_678 = arith.index_cast %add3A_677 : i32 to index
      %get3A_679 = arith.constant 48 : index
      %get3A_680 = tpu.vector_load %arg7[%get3A_678, %get3A_679] {strides = array<i32>} : memref<640x64xf32, #tpu.memory_space<vmem>>, vector<1x16xf32>,
      %get3A_681 = vector.shape_cast %get3A_680 : vector<1x16xf32> to vector<16xf32>
      %add3A_682 = arith.constant 12 : i32
      %add3A_683 = arith.addi %mul3A_394, %add3A_682 : i32
      %get3A_684 = arith.index_cast %add3A_683 : i32 to index
      %get3A_685 = arith.constant 0 : index
      %get3A_686 = tpu.vector_load %arg7[%get3A_684, %get3A_685] {strides = array<i32>} : memref<640x64xf32, #tpu.memory_space<vmem>>, vector<1x16xf32>,
      %get3A_687 = vector.shape_cast %get3A_686 : vector<1x16xf32> to vector<16xf32>
      %add3A_688 = arith.constant 12 : i32
      %add3A_689 = arith.addi %mul3A_394, %add3A_688 : i32
      %get3A_690 = arith.index_cast %add3A_689 : i32 to index
      %get3A_691 = arith.constant 16 : index
      %get3A_692 = tpu.vector_load %arg7[%get3A_690, %get3A_691] {strides = array<i32>} : memref<640x64xf32, #tpu.memory_space<vmem>>, vector<1x16xf32>,
      %get3A_693 = vector.shape_cast %get3A_692 : vector<1x16xf32> to vector<16xf32>
      %add3A_694 = arith.constant 12 : i32
      %add3A_695 = arith.addi %mul3A_394, %add3A_694 : i32
      %get3A_696 = arith.index_cast %add3A_695 : i32 to index
      %get3A_697 = arith.constant 32 : index
      %get3A_698 = tpu.vector_load %arg7[%get3A_696, %get3A_697] {strides = array<i32>} : memref<640x64xf32, #tpu.memory_space<vmem>>, vector<1x16xf32>,
      %get3A_699 = vector.shape_cast %get3A_698 : vector<1x16xf32> to vector<16xf32>
      %add3A_700 = arith.constant 12 : i32
      %add3A_701 = arith.addi %mul3A_394, %add3A_700 : i32
      %get3A_702 = arith.index_cast %add3A_701 : i32 to index
      %get3A_703 = arith.constant 48 : index
      %get3A_704 = tpu.vector_load %arg7[%get3A_702, %get3A_703] {strides = array<i32>} : memref<640x64xf32, #tpu.memory_space<vmem>>, vector<1x16xf32>,
      %get3A_705 = vector.shape_cast %get3A_704 : vector<1x16xf32> to vector<16xf32>
      %add3A_706 = arith.constant 13 : i32
      %add3A_707 = arith.addi %mul3A_394, %add3A_706 : i32
      %get3A_708 = arith.index_cast %add3A_707 : i32 to index
      %get3A_709 = arith.constant 0 : index
      %get3A_710 = tpu.vector_load %arg7[%get3A_708, %get3A_709] {strides = array<i32>} : memref<640x64xf32, #tpu.memory_space<vmem>>, vector<1x16xf32>,
      %get3A_711 = vector.shape_cast %get3A_710 : vector<1x16xf32> to vector<16xf32>
      %add3A_712 = arith.constant 13 : i32
      %add3A_713 = arith.addi %mul3A_394, %add3A_712 : i32
      %get3A_714 = arith.index_cast %add3A_713 : i32 to index
      %get3A_715 = arith.constant 16 : index
      %get3A_716 = tpu.vector_load %arg7[%get3A_714, %get3A_715] {strides = array<i32>} : memref<640x64xf32, #tpu.memory_space<vmem>>, vector<1x16xf32>,
      %get3A_717 = vector.shape_cast %get3A_716 : vector<1x16xf32> to vector<16xf32>
      %add3A_718 = arith.constant 13 : i32
      %add3A_719 = arith.addi %mul3A_394, %add3A_718 : i32
      %get3A_720 = arith.index_cast %add3A_719 : i32 to index
      %get3A_721 = arith.constant 32 : index
      %get3A_722 = tpu.vector_load %arg7[%get3A_720, %get3A_721] {strides = array<i32>} : memref<640x64xf32, #tpu.memory_space<vmem>>, vector<1x16xf32>,
      %get3A_723 = vector.shape_cast %get3A_722 : vector<1x16xf32> to vector<16xf32>
      %add3A_724 = arith.constant 13 : i32
      %add3A_725 = arith.addi %mul3A_394, %add3A_724 : i32
      %get3A_726 = arith.index_cast %add3A_725 : i32 to index
      %get3A_727 = arith.constant 48 : index
      %get3A_728 = tpu.vector_load %arg7[%get3A_726, %get3A_727] {strides = array<i32>} : memref<640x64xf32, #tpu.memory_space<vmem>>, vector<1x16xf32>,
      %get3A_729 = vector.shape_cast %get3A_728 : vector<1x16xf32> to vector<16xf32>
      %add3A_730 = arith.constant 14 : i32
      %add3A_731 = arith.addi %mul3A_394, %add3A_730 : i32
      %get3A_732 = arith.index_cast %add3A_731 : i32 to index
      %get3A_733 = arith.constant 0 : index
      %get3A_734 = tpu.vector_load %arg7[%get3A_732, %get3A_733] {strides = array<i32>} : memref<640x64xf32, #tpu.memory_space<vmem>>, vector<1x16xf32>,
      %get3A_735 = vector.shape_cast %get3A_734 : vector<1x16xf32> to vector<16xf32>
      %add3A_736 = arith.constant 14 : i32
      %add3A_737 = arith.addi %mul3A_394, %add3A_736 : i32
      %get3A_738 = arith.index_cast %add3A_737 : i32 to index
      %get3A_739 = arith.constant 16 : index
      %get3A_740 = tpu.vector_load %arg7[%get3A_738, %get3A_739] {strides = array<i32>} : memref<640x64xf32, #tpu.memory_space<vmem>>, vector<1x16xf32>,
      %get3A_741 = vector.shape_cast %get3A_740 : vector<1x16xf32> to vector<16xf32>
      %add3A_742 = arith.constant 14 : i32
      %add3A_743 = arith.addi %mul3A_394, %add3A_742 : i32
      %get3A_744 = arith.index_cast %add3A_743 : i32 to index
      %get3A_745 = arith.constant 32 : index
      %get3A_746 = tpu.vector_load %arg7[%get3A_744, %get3A_745] {strides = array<i32>} : memref<640x64xf32, #tpu.memory_space<vmem>>, vector<1x16xf32>,
      %get3A_747 = vector.shape_cast %get3A_746 : vector<1x16xf32> to vector<16xf32>
      %add3A_748 = arith.constant 14 : i32
      %add3A_749 = arith.addi %mul3A_394, %add3A_748 : i32
      %get3A_750 = arith.index_cast %add3A_749 : i32 to index
      %get3A_751 = arith.constant 48 : index
      %get3A_752 = tpu.vector_load %arg7[%get3A_750, %get3A_751] {strides = array<i32>} : memref<640x64xf32, #tpu.memory_space<vmem>>, vector<1x16xf32>,
      %get3A_753 = vector.shape_cast %get3A_752 : vector<1x16xf32> to vector<16xf32>
      %add3A_754 = arith.constant 15 : i32
      %add3A_755 = arith.addi %mul3A_394, %add3A_754 : i32
      %get3A_756 = arith.index_cast %add3A_755 : i32 to index
      %get3A_757 = arith.constant 0 : index
      %get3A_758 = tpu.vector_load %arg7[%get3A_756, %get3A_757] {strides = array<i32>} : memref<640x64xf32, #tpu.memory_space<vmem>>, vector<1x16xf32>,
      %get3A_759 = vector.shape_cast %get3A_758 : vector<1x16xf32> to vector<16xf32>
      %add3A_760 = arith.constant 15 : i32
      %add3A_761 = arith.addi %mul3A_394, %add3A_760 : i32
      %get3A_762 = arith.index_cast %add3A_761 : i32 to index
      %get3A_763 = arith.constant 16 : index
      %get3A_764 = tpu.vector_load %arg7[%get3A_762, %get3A_763] {strides = array<i32>} : memref<640x64xf32, #tpu.memory_space<vmem>>, vector<1x16xf32>,
      %get3A_765 = vector.shape_cast %get3A_764 : vector<1x16xf32> to vector<16xf32>
      %add3A_766 = arith.constant 15 : i32
      %add3A_767 = arith.addi %mul3A_394, %add3A_766 : i32
      %get3A_768 = arith.index_cast %add3A_767 : i32 to index
      %get3A_769 = arith.constant 32 : index
      %get3A_770 = tpu.vector_load %arg7[%get3A_768, %get3A_769] {strides = array<i32>} : memref<640x64xf32, #tpu.memory_space<vmem>>, vector<1x16xf32>,
      %get3A_771 = vector.shape_cast %get3A_770 : vector<1x16xf32> to vector<16xf32>
      %add3A_772 = arith.constant 15 : i32
      %add3A_773 = arith.addi %mul3A_394, %add3A_772 : i32
      %get3A_774 = arith.index_cast %add3A_773 : i32 to index
      %get3A_775 = arith.constant 48 : index
      %get3A_776 = tpu.vector_load %arg7[%get3A_774, %get3A_775] {strides = array<i32>} : memref<640x64xf32, #tpu.memory_space<vmem>>, vector<1x16xf32>,
      %get3A_777 = vector.shape_cast %get3A_776 : vector<1x16xf32> to vector<16xf32>
      %add3A_778 = arith.constant 16 : i32
      %add3A_779 = arith.addi %mul3A_394, %add3A_778 : i32
      %get3A_780 = arith.index_cast %add3A_779 : i32 to index
      %get3A_781 = arith.constant 0 : index
      %get3A_782 = tpu.vector_load %arg7[%get3A_780, %get3A_781] {strides = array<i32>} : memref<640x64xf32, #tpu.memory_space<vmem>>, vector<1x16xf32>,
      %get3A_783 = vector.shape_cast %get3A_782 : vector<1x16xf32> to vector<16xf32>
      %add3A_784 = arith.constant 16 : i32
      %add3A_785 = arith.addi %mul3A_394, %add3A_784 : i32
      %get3A_786 = arith.index_cast %add3A_785 : i32 to index
      %get3A_787 = arith.constant 16 : index
      %get3A_788 = tpu.vector_load %arg7[%get3A_786, %get3A_787] {strides = array<i32>} : memref<640x64xf32, #tpu.memory_space<vmem>>, vector<1x16xf32>,
      %get3A_789 = vector.shape_cast %get3A_788 : vector<1x16xf32> to vector<16xf32>
      %add3A_790 = arith.constant 16 : i32
      %add3A_791 = arith.addi %mul3A_394, %add3A_790 : i32
      %get3A_792 = arith.index_cast %add3A_791 : i32 to index
      %get3A_793 = arith.constant 32 : index
      %get3A_794 = tpu.vector_load %arg7[%get3A_792, %get3A_793] {strides = array<i32>} : memref<640x64xf32, #tpu.memory_space<vmem>>, vector<1x16xf32>,
      %get3A_795 = vector.shape_cast %get3A_794 : vector<1x16xf32> to vector<16xf32>
      %add3A_796 = arith.constant 16 : i32
      %add3A_797 = arith.addi %mul3A_394, %add3A_796 : i32
      %get3A_798 = arith.index_cast %add3A_797 : i32 to index
      %get3A_799 = arith.constant 48 : index
      %get3A_800 = tpu.vector_load %arg7[%get3A_798, %get3A_799] {strides = array<i32>} : memref<640x64xf32, #tpu.memory_space<vmem>>, vector<1x16xf32>,
      %get3A_801 = vector.shape_cast %get3A_800 : vector<1x16xf32> to vector<16xf32>
      %add3A_802 = arith.constant 17 : i32
      %add3A_803 = arith.addi %mul3A_394, %add3A_802 : i32
      %get3A_804 = arith.index_cast %add3A_803 : i32 to index
      %get3A_805 = arith.constant 0 : index
      %get3A_806 = tpu.vector_load %arg7[%get3A_804, %get3A_805] {strides = array<i32>} : memref<640x64xf32, #tpu.memory_space<vmem>>, vector<1x16xf32>,
      %get3A_807 = vector.shape_cast %get3A_806 : vector<1x16xf32> to vector<16xf32>
      %add3A_808 = arith.constant 17 : i32
      %add3A_809 = arith.addi %mul3A_394, %add3A_808 : i32
      %get3A_810 = arith.index_cast %add3A_809 : i32 to index
      %get3A_811 = arith.constant 16 : index
      %get3A_812 = tpu.vector_load %arg7[%get3A_810, %get3A_811] {strides = array<i32>} : memref<640x64xf32, #tpu.memory_space<vmem>>, vector<1x16xf32>,
      %get3A_813 = vector.shape_cast %get3A_812 : vector<1x16xf32> to vector<16xf32>
      %add3A_814 = arith.constant 17 : i32
      %add3A_815 = arith.addi %mul3A_394, %add3A_814 : i32
      %get3A_816 = arith.index_cast %add3A_815 : i32 to index
      %get3A_817 = arith.constant 32 : index
      %get3A_818 = tpu.vector_load %arg7[%get3A_816, %get3A_817] {strides = array<i32>} : memref<640x64xf32, #tpu.memory_space<vmem>>, vector<1x16xf32>,
      %get3A_819 = vector.shape_cast %get3A_818 : vector<1x16xf32> to vector<16xf32>
      %add3A_820 = arith.constant 17 : i32
      %add3A_821 = arith.addi %mul3A_394, %add3A_820 : i32
      %get3A_822 = arith.index_cast %add3A_821 : i32 to index
      %get3A_823 = arith.constant 48 : index
      %get3A_824 = tpu.vector_load %arg7[%get3A_822, %get3A_823] {strides = array<i32>} : memref<640x64xf32, #tpu.memory_space<vmem>>, vector<1x16xf32>,
      %get3A_825 = vector.shape_cast %get3A_824 : vector<1x16xf32> to vector<16xf32>
      %add3A_826 = arith.constant 18 : i32
      %add3A_827 = arith.addi %mul3A_394, %add3A_826 : i32
      %get3A_828 = arith.index_cast %add3A_827 : i32 to index
      %get3A_829 = arith.constant 0 : index
      %get3A_830 = tpu.vector_load %arg7[%get3A_828, %get3A_829] {strides = array<i32>} : memref<640x64xf32, #tpu.memory_space<vmem>>, vector<1x16xf32>,
      %get3A_831 = vector.shape_cast %get3A_830 : vector<1x16xf32> to vector<16xf32>
      %add3A_832 = arith.constant 18 : i32
      %add3A_833 = arith.addi %mul3A_394, %add3A_832 : i32
      %get3A_834 = arith.index_cast %add3A_833 : i32 to index
      %get3A_835 = arith.constant 16 : index
      %get3A_836 = tpu.vector_load %arg7[%get3A_834, %get3A_835] {strides = array<i32>} : memref<640x64xf32, #tpu.memory_space<vmem>>, vector<1x16xf32>,
      %get3A_837 = vector.shape_cast %get3A_836 : vector<1x16xf32> to vector<16xf32>
      %add3A_838 = arith.constant 18 : i32
      %add3A_839 = arith.addi %mul3A_394, %add3A_838 : i32
      %get3A_840 = arith.index_cast %add3A_839 : i32 to index
      %get3A_841 = arith.constant 32 : index
      %get3A_842 = tpu.vector_load %arg7[%get3A_840, %get3A_841] {strides = array<i32>} : memref<640x64xf32, #tpu.memory_space<vmem>>, vector<1x16xf32>,
      %get3A_843 = vector.shape_cast %get3A_842 : vector<1x16xf32> to vector<16xf32>
      %add3A_844 = arith.constant 18 : i32
      %add3A_845 = arith.addi %mul3A_394, %add3A_844 : i32
      %get3A_846 = arith.index_cast %add3A_845 : i32 to index
      %get3A_847 = arith.constant 48 : index
      %get3A_848 = tpu.vector_load %arg7[%get3A_846, %get3A_847] {strides = array<i32>} : memref<640x64xf32, #tpu.memory_space<vmem>>, vector<1x16xf32>,
      %get3A_849 = vector.shape_cast %get3A_848 : vector<1x16xf32> to vector<16xf32>
      %add3A_850 = arith.constant 19 : i32
      %add3A_851 = arith.addi %mul3A_394, %add3A_850 : i32
      %get3A_852 = arith.index_cast %add3A_851 : i32 to index
      %get3A_853 = arith.constant 0 : index
      %get3A_854 = tpu.vector_load %arg7[%get3A_852, %get3A_853] {strides = array<i32>} : memref<640x64xf32, #tpu.memory_space<vmem>>, vector<1x16xf32>,
      %get3A_855 = vector.shape_cast %get3A_854 : vector<1x16xf32> to vector<16xf32>
      %add3A_856 = arith.constant 19 : i32
      %add3A_857 = arith.addi %mul3A_394, %add3A_856 : i32
      %get3A_858 = arith.index_cast %add3A_857 : i32 to index
      %get3A_859 = arith.constant 16 : index
      %get3A_860 = tpu.vector_load %arg7[%get3A_858, %get3A_859] {strides = array<i32>} : memref<640x64xf32, #tpu.memory_space<vmem>>, vector<1x16xf32>,
      %get3A_861 = vector.shape_cast %get3A_860 : vector<1x16xf32> to vector<16xf32>
      %add3A_862 = arith.constant 19 : i32
      %add3A_863 = arith.addi %mul3A_394, %add3A_862 : i32
      %get3A_864 = arith.index_cast %add3A_863 : i32 to index
      %get3A_865 = arith.constant 32 : index
      %get3A_866 = tpu.vector_load %arg7[%get3A_864, %get3A_865] {strides = array<i32>} : memref<640x64xf32, #tpu.memory_space<vmem>>, vector<1x16xf32>,
      %get3A_867 = vector.shape_cast %get3A_866 : vector<1x16xf32> to vector<16xf32>
      %add3A_868 = arith.constant 19 : i32
      %add3A_869 = arith.addi %mul3A_394, %add3A_868 : i32
      %get3A_870 = arith.index_cast %add3A_869 : i32 to index
      %get3A_871 = arith.constant 48 : index
      %get3A_872 = tpu.vector_load %arg7[%get3A_870, %get3A_871] {strides = array<i32>} : memref<640x64xf32, #tpu.memory_space<vmem>>, vector<1x16xf32>,
      %get3A_873 = vector.shape_cast %get3A_872 : vector<1x16xf32> to vector<16xf32>
      %add3A_874 = arith.addf %get3A_399, %get3A_423 : vector<16xf32>
      %add3A_875 = arith.addf %get3A_447, %get3A_471 : vector<16xf32>
      %add3A_876 = arith.addf %get3A_495, %get3A_519 : vector<16xf32>
      %add3A_877 = arith.addf %get3A_543, %get3A_567 : vector<16xf32>
      %add3A_878 = arith.addf %get3A_591, %get3A_615 : vector<16xf32>
      %add3A_879 = arith.addf %get3A_639, %get3A_663 : vector<16xf32>
      %add3A_880 = arith.addf %get3A_687, %get3A_711 : vector<16xf32>
      %add3A_881 = arith.addf %get3A_735, %get3A_759 : vector<16xf32>
      %add3A_882 = arith.addf %get3A_783, %get3A_807 : vector<16xf32>
      %add3A_883 = arith.addf %get3A_831, %get3A_855 : vector<16xf32>
      %add3A_884 = arith.addf %add3A_874, %add3A_875 : vector<16xf32>
      %add3A_885 = arith.addf %add3A_876, %add3A_877 : vector<16xf32>
      %add3A_886 = arith.addf %add3A_878, %add3A_879 : vector<16xf32>
      %add3A_887 = arith.addf %add3A_880, %add3A_881 : vector<16xf32>
      %add3A_888 = arith.addf %add3A_882, %add3A_883 : vector<16xf32>
      %add3A_889 = arith.addf %add3A_884, %add3A_885 : vector<16xf32>
      %add3A_890 = arith.addf %add3A_886, %add3A_887 : vector<16xf32>
      %add3A_891 = arith.addf %add3A_889, %add3A_890 : vector<16xf32>
      %add3A_892 = arith.addf %add3A_891, %add3A_888 : vector<16xf32>
      %swap3A = arith.index_cast %scan3A_392 : i32 to index
      %swap3A_893 = arith.constant 0 : index
      %swap3A_894 = tpu.vector_load %arg9[%swap3A, %swap3A_893] {strides = array<i32>} : memref<32x64xf32, #tpu.memory_space<vmem>>, vector<1x16xf32>,
      %swap3A_895 = vector.shape_cast %swap3A_894 : vector<1x16xf32> to vector<16xf32>
      %swap3A_896 = vector.shape_cast %add3A_892 : vector<16xf32> to vector<1x16xf32>
      tpu.vector_store %arg9[%swap3A, %swap3A_893], %swap3A_896 {strides = array<i32>} : memref<32x64xf32, #tpu.memory_space<vmem>>, vector<1x16xf32>,
      %add3A_897 = arith.addf %get3A_405, %get3A_429 : vector<16xf32>
      %add3A_898 = arith.addf %get3A_453, %get3A_477 : vector<16xf32>
      %add3A_899 = arith.addf %get3A_501, %get3A_525 : vector<16xf32>
      %add3A_900 = arith.addf %get3A_549, %get3A_573 : vector<16xf32>
      %add3A_901 = arith.addf %get3A_597, %get3A_621 : vector<16xf32>
      %add3A_902 = arith.addf %get3A_645, %get3A_669 : vector<16xf32>
      %add3A_903 = arith.addf %get3A_693, %get3A_717 : vector<16xf32>
      %add3A_904 = arith.addf %get3A_741, %get3A_765 : vector<16xf32>
      %add3A_905 = arith.addf %get3A_789, %get3A_813 : vector<16xf32>
      %add3A_906 = arith.addf %get3A_837, %get3A_861 : vector<16xf32>
      %add3A_907 = arith.addf %add3A_897, %add3A_898 : vector<16xf32>
      %add3A_908 = arith.addf %add3A_899, %add3A_900 : vector<16xf32>
      %add3A_909 = arith.addf %add3A_901, %add3A_902 : vector<16xf32>
      %add3A_910 = arith.addf %add3A_903, %add3A_904 : vector<16xf32>
      %add3A_911 = arith.addf %add3A_905, %add3A_906 : vector<16xf32>
      %add3A_912 = arith.addf %add3A_907, %add3A_908 : vector<16xf32>
      %add3A_913 = arith.addf %add3A_909, %add3A_910 : vector<16xf32>
      %add3A_914 = arith.addf %add3A_912, %add3A_913 : vector<16xf32>
      %add3A_915 = arith.addf %add3A_914, %add3A_911 : vector<16xf32>
      %swap3A_916 = arith.index_cast %scan3A_392 : i32 to index
      %swap3A_917 = arith.constant 16 : index
      %swap3A_918 = tpu.vector_load %arg9[%swap3A_916, %swap3A_917] {strides = array<i32>} : memref<32x64xf32, #tpu.memory_space<vmem>>, vector<1x16xf32>,
      %swap3A_919 = vector.shape_cast %swap3A_918 : vector<1x16xf32> to vector<16xf32>
      %swap3A_920 = vector.shape_cast %add3A_915 : vector<16xf32> to vector<1x16xf32>
      tpu.vector_store %arg9[%swap3A_916, %swap3A_917], %swap3A_920 {strides = array<i32>} : memref<32x64xf32, #tpu.memory_space<vmem>>, vector<1x16xf32>,
      %add3A_921 = arith.addf %get3A_411, %get3A_435 : vector<16xf32>
      %add3A_922 = arith.addf %get3A_459, %get3A_483 : vector<16xf32>
      %add3A_923 = arith.addf %get3A_507, %get3A_531 : vector<16xf32>
      %add3A_924 = arith.addf %get3A_555, %get3A_579 : vector<16xf32>
      %add3A_925 = arith.addf %get3A_603, %get3A_627 : vector<16xf32>
      %add3A_926 = arith.addf %get3A_651, %get3A_675 : vector<16xf32>
      %add3A_927 = arith.addf %get3A_699, %get3A_723 : vector<16xf32>
      %add3A_928 = arith.addf %get3A_747, %get3A_771 : vector<16xf32>
      %add3A_929 = arith.addf %get3A_795, %get3A_819 : vector<16xf32>
      %add3A_930 = arith.addf %get3A_843, %get3A_867 : vector<16xf32>
      %add3A_931 = arith.addf %add3A_921, %add3A_922 : vector<16xf32>
      %add3A_932 = arith.addf %add3A_923, %add3A_924 : vector<16xf32>
      %add3A_933 = arith.addf %add3A_925, %add3A_926 : vector<16xf32>
      %add3A_934 = arith.addf %add3A_927, %add3A_928 : vector<16xf32>
      %add3A_935 = arith.addf %add3A_929, %add3A_930 : vector<16xf32>
      %add3A_936 = arith.addf %add3A_931, %add3A_932 : vector<16xf32>
      %add3A_937 = arith.addf %add3A_933, %add3A_934 : vector<16xf32>
      %add3A_938 = arith.addf %add3A_936, %add3A_937 : vector<16xf32>
      %add3A_939 = arith.addf %add3A_938, %add3A_935 : vector<16xf32>
      %swap3A_940 = arith.index_cast %scan3A_392 : i32 to index
      %swap3A_941 = arith.constant 32 : index
      %swap3A_942 = tpu.vector_load %arg9[%swap3A_940, %swap3A_941] {strides = array<i32>} : memref<32x64xf32, #tpu.memory_space<vmem>>, vector<1x16xf32>,
      %swap3A_943 = vector.shape_cast %swap3A_942 : vector<1x16xf32> to vector<16xf32>
      %swap3A_944 = vector.shape_cast %add3A_939 : vector<16xf32> to vector<1x16xf32>
      tpu.vector_store %arg9[%swap3A_940, %swap3A_941], %swap3A_944 {strides = array<i32>} : memref<32x64xf32, #tpu.memory_space<vmem>>, vector<1x16xf32>,
      %add3A_945 = arith.addf %get3A_417, %get3A_441 : vector<16xf32>
      %add3A_946 = arith.addf %get3A_465, %get3A_489 : vector<16xf32>
      %add3A_947 = arith.addf %get3A_513, %get3A_537 : vector<16xf32>
      %add3A_948 = arith.addf %get3A_561, %get3A_585 : vector<16xf32>
      %add3A_949 = arith.addf %get3A_609, %get3A_633 : vector<16xf32>
      %add3A_950 = arith.addf %get3A_657, %get3A_681 : vector<16xf32>
      %add3A_951 = arith.addf %get3A_705, %get3A_729 : vector<16xf32>
      %add3A_952 = arith.addf %get3A_753, %get3A_777 : vector<16xf32>
      %add3A_953 = arith.addf %get3A_801, %get3A_825 : vector<16xf32>
      %add3A_954 = arith.addf %get3A_849, %get3A_873 : vector<16xf32>
      %add3A_955 = arith.addf %add3A_945, %add3A_946 : vector<16xf32>
      %add3A_956 = arith.addf %add3A_947, %add3A_948 : vector<16xf32>
      %add3A_957 = arith.addf %add3A_949, %add3A_950 : vector<16xf32>
      %add3A_958 = arith.addf %add3A_951, %add3A_952 : vector<16xf32>
      %add3A_959 = arith.addf %add3A_953, %add3A_954 : vector<16xf32>
      %add3A_960 = arith.addf %add3A_955, %add3A_956 : vector<16xf32>
      %add3A_961 = arith.addf %add3A_957, %add3A_958 : vector<16xf32>
      %add3A_962 = arith.addf %add3A_960, %add3A_961 : vector<16xf32>
      %add3A_963 = arith.addf %add3A_962, %add3A_959 : vector<16xf32>
      %swap3A_964 = arith.index_cast %scan3A_392 : i32 to index
      %swap3A_965 = arith.constant 48 : index
      %swap3A_966 = tpu.vector_load %arg9[%swap3A_964, %swap3A_965] {strides = array<i32>} : memref<32x64xf32, #tpu.memory_space<vmem>>, vector<1x16xf32>,
      %swap3A_967 = vector.shape_cast %swap3A_966 : vector<1x16xf32> to vector<16xf32>
      %swap3A_968 = vector.shape_cast %add3A_963 : vector<16xf32> to vector<1x16xf32>
      tpu.vector_store %arg9[%swap3A_964, %swap3A_965], %swap3A_968 {strides = array<i32>} : memref<32x64xf32, #tpu.memory_space<vmem>>, vector<1x16xf32>,
      %scan3A_969 = arith.constant 1 : i32
      %scan3A_970 = arith.addi %scan3A_392, %scan3A_969 : i32
      %mul3A_971 = arith.constant 20 : i32
      %mul3A_972 = arith.muli %scan3A_970, %mul3A_971 : i32
      %add3A_973 = arith.constant 0 : i32
      %add3A_974 = arith.addi %mul3A_972, %add3A_973 : i32
      %get3A_975 = arith.index_cast %add3A_974 : i32 to index
      %get3A_976 = arith.constant 0 : index
      %get3A_977 = tpu.vector_load %arg7[%get3A_975, %get3A_976] {strides = array<i32>} : memref<640x64xf32, #tpu.memory_space<vmem>>, vector<1x16xf32>,
      %get3A_978 = vector.shape_cast %get3A_977 : vector<1x16xf32> to vector<16xf32>
      %add3A_979 = arith.constant 0 : i32
      %add3A_980 = arith.addi %mul3A_972, %add3A_979 : i32
      %get3A_981 = arith.index_cast %add3A_980 : i32 to index
      %get3A_982 = arith.constant 16 : index
      %get3A_983 = tpu.vector_load %arg7[%get3A_981, %get3A_982] {strides = array<i32>} : memref<640x64xf32, #tpu.memory_space<vmem>>, vector<1x16xf32>,
      %get3A_984 = vector.shape_cast %get3A_983 : vector<1x16xf32> to vector<16xf32>
      %add3A_985 = arith.constant 0 : i32
      %add3A_986 = arith.addi %mul3A_972, %add3A_985 : i32
      %get3A_987 = arith.index_cast %add3A_986 : i32 to index
      %get3A_988 = arith.constant 32 : index
      %get3A_989 = tpu.vector_load %arg7[%get3A_987, %get3A_988] {strides = array<i32>} : memref<640x64xf32, #tpu.memory_space<vmem>>, vector<1x16xf32>,
      %get3A_990 = vector.shape_cast %get3A_989 : vector<1x16xf32> to vector<16xf32>
      %add3A_991 = arith.constant 0 : i32
      %add3A_992 = arith.addi %mul3A_972, %add3A_991 : i32
      %get3A_993 = arith.index_cast %add3A_992 : i32 to index
      %get3A_994 = arith.constant 48 : index
      %get3A_995 = tpu.vector_load %arg7[%get3A_993, %get3A_994] {strides = array<i32>} : memref<640x64xf32, #tpu.memory_space<vmem>>, vector<1x16xf32>,
      %get3A_996 = vector.shape_cast %get3A_995 : vector<1x16xf32> to vector<16xf32>
      %add3A_997 = arith.constant 1 : i32
      %add3A_998 = arith.addi %mul3A_972, %add3A_997 : i32
      %get3A_999 = arith.index_cast %add3A_998 : i32 to index
      %get3A_1000 = arith.constant 0 : index
      %get3A_1001 = tpu.vector_load %arg7[%get3A_999, %get3A_1000] {strides = array<i32>} : memref<640x64xf32, #tpu.memory_space<vmem>>, vector<1x16xf32>,
      %get3A_1002 = vector.shape_cast %get3A_1001 : vector<1x16xf32> to vector<16xf32>
      %add3A_1003 = arith.constant 1 : i32
      %add3A_1004 = arith.addi %mul3A_972, %add3A_1003 : i32
      %get3A_1005 = arith.index_cast %add3A_1004 : i32 to index
      %get3A_1006 = arith.constant 16 : index
      %get3A_1007 = tpu.vector_load %arg7[%get3A_1005, %get3A_1006] {strides = array<i32>} : memref<640x64xf32, #tpu.memory_space<vmem>>, vector<1x16xf32>,
      %get3A_1008 = vector.shape_cast %get3A_1007 : vector<1x16xf32> to vector<16xf32>
      %add3A_1009 = arith.constant 1 : i32
      %add3A_1010 = arith.addi %mul3A_972, %add3A_1009 : i32
      %get3A_1011 = arith.index_cast %add3A_1010 : i32 to index
      %get3A_1012 = arith.constant 32 : index
      %get3A_1013 = tpu.vector_load %arg7[%get3A_1011, %get3A_1012] {strides = array<i32>} : memref<640x64xf32, #tpu.memory_space<vmem>>, vector<1x16xf32>,
      %get3A_1014 = vector.shape_cast %get3A_1013 : vector<1x16xf32> to vector<16xf32>
      %add3A_1015 = arith.constant 1 : i32
      %add3A_1016 = arith.addi %mul3A_972, %add3A_1015 : i32
      %get3A_1017 = arith.index_cast %add3A_1016 : i32 to index
      %get3A_1018 = arith.constant 48 : index
      %get3A_1019 = tpu.vector_load %arg7[%get3A_1017, %get3A_1018] {strides = array<i32>} : memref<640x64xf32, #tpu.memory_space<vmem>>, vector<1x16xf32>,
      %get3A_1020 = vector.shape_cast %get3A_1019 : vector<1x16xf32> to vector<16xf32>
      %add3A_1021 = arith.constant 2 : i32
      %add3A_1022 = arith.addi %mul3A_972, %add3A_1021 : i32
      %get3A_1023 = arith.index_cast %add3A_1022 : i32 to index
      %get3A_1024 = arith.constant 0 : index
      %get3A_1025 = tpu.vector_load %arg7[%get3A_1023, %get3A_1024] {strides = array<i32>} : memref<640x64xf32, #tpu.memory_space<vmem>>, vector<1x16xf32>,
      %get3A_1026 = vector.shape_cast %get3A_1025 : vector<1x16xf32> to vector<16xf32>
      %add3A_1027 = arith.constant 2 : i32
      %add3A_1028 = arith.addi %mul3A_972, %add3A_1027 : i32
      %get3A_1029 = arith.index_cast %add3A_1028 : i32 to index
      %get3A_1030 = arith.constant 16 : index
      %get3A_1031 = tpu.vector_load %arg7[%get3A_1029, %get3A_1030] {strides = array<i32>} : memref<640x64xf32, #tpu.memory_space<vmem>>, vector<1x16xf32>,
      %get3A_1032 = vector.shape_cast %get3A_1031 : vector<1x16xf32> to vector<16xf32>
      %add3A_1033 = arith.constant 2 : i32
      %add3A_1034 = arith.addi %mul3A_972, %add3A_1033 : i32
      %get3A_1035 = arith.index_cast %add3A_1034 : i32 to index
      %get3A_1036 = arith.constant 32 : index
      %get3A_1037 = tpu.vector_load %arg7[%get3A_1035, %get3A_1036] {strides = array<i32>} : memref<640x64xf32, #tpu.memory_space<vmem>>, vector<1x16xf32>,
      %get3A_1038 = vector.shape_cast %get3A_1037 : vector<1x16xf32> to vector<16xf32>
      %add3A_1039 = arith.constant 2 : i32
      %add3A_1040 = arith.addi %mul3A_972, %add3A_1039 : i32
      %get3A_1041 = arith.index_cast %add3A_1040 : i32 to index
      %get3A_1042 = arith.constant 48 : index
      %get3A_1043 = tpu.vector_load %arg7[%get3A_1041, %get3A_1042] {strides = array<i32>} : memref<640x64xf32, #tpu.memory_space<vmem>>, vector<1x16xf32>,
      %get3A_1044 = vector.shape_cast %get3A_1043 : vector<1x16xf32> to vector<16xf32>
      %add3A_1045 = arith.constant 3 : i32
      %add3A_1046 = arith.addi %mul3A_972, %add3A_1045 : i32
      %get3A_1047 = arith.index_cast %add3A_1046 : i32 to index
      %get3A_1048 = arith.constant 0 : index
      %get3A_1049 = tpu.vector_load %arg7[%get3A_1047, %get3A_1048] {strides = array<i32>} : memref<640x64xf32, #tpu.memory_space<vmem>>, vector<1x16xf32>,
      %get3A_1050 = vector.shape_cast %get3A_1049 : vector<1x16xf32> to vector<16xf32>
      %add3A_1051 = arith.constant 3 : i32
      %add3A_1052 = arith.addi %mul3A_972, %add3A_1051 : i32
      %get3A_1053 = arith.index_cast %add3A_1052 : i32 to index
      %get3A_1054 = arith.constant 16 : index
      %get3A_1055 = tpu.vector_load %arg7[%get3A_1053, %get3A_1054] {strides = array<i32>} : memref<640x64xf32, #tpu.memory_space<vmem>>, vector<1x16xf32>,
      %get3A_1056 = vector.shape_cast %get3A_1055 : vector<1x16xf32> to vector<16xf32>
      %add3A_1057 = arith.constant 3 : i32
      %add3A_1058 = arith.addi %mul3A_972, %add3A_1057 : i32
      %get3A_1059 = arith.index_cast %add3A_1058 : i32 to index
      %get3A_1060 = arith.constant 32 : index
      %get3A_1061 = tpu.vector_load %arg7[%get3A_1059, %get3A_1060] {strides = array<i32>} : memref<640x64xf32, #tpu.memory_space<vmem>>, vector<1x16xf32>,
      %get3A_1062 = vector.shape_cast %get3A_1061 : vector<1x16xf32> to vector<16xf32>
      %add3A_1063 = arith.constant 3 : i32
      %add3A_1064 = arith.addi %mul3A_972, %add3A_1063 : i32
      %get3A_1065 = arith.index_cast %add3A_1064 : i32 to index
      %get3A_1066 = arith.constant 48 : index
      %get3A_1067 = tpu.vector_load %arg7[%get3A_1065, %get3A_1066] {strides = array<i32>} : memref<640x64xf32, #tpu.memory_space<vmem>>, vector<1x16xf32>,
      %get3A_1068 = vector.shape_cast %get3A_1067 : vector<1x16xf32> to vector<16xf32>
      %add3A_1069 = arith.constant 4 : i32
      %add3A_1070 = arith.addi %mul3A_972, %add3A_1069 : i32
      %get3A_1071 = arith.index_cast %add3A_1070 : i32 to index
      %get3A_1072 = arith.constant 0 : index
      %get3A_1073 = tpu.vector_load %arg7[%get3A_1071, %get3A_1072] {strides = array<i32>} : memref<640x64xf32, #tpu.memory_space<vmem>>, vector<1x16xf32>,
      %get3A_1074 = vector.shape_cast %get3A_1073 : vector<1x16xf32> to vector<16xf32>
      %add3A_1075 = arith.constant 4 : i32
      %add3A_1076 = arith.addi %mul3A_972, %add3A_1075 : i32
      %get3A_1077 = arith.index_cast %add3A_1076 : i32 to index
      %get3A_1078 = arith.constant 16 : index
      %get3A_1079 = tpu.vector_load %arg7[%get3A_1077, %get3A_1078] {strides = array<i32>} : memref<640x64xf32, #tpu.memory_space<vmem>>, vector<1x16xf32>,
      %get3A_1080 = vector.shape_cast %get3A_1079 : vector<1x16xf32> to vector<16xf32>
      %add3A_1081 = arith.constant 4 : i32
      %add3A_1082 = arith.addi %mul3A_972, %add3A_1081 : i32
      %get3A_1083 = arith.index_cast %add3A_1082 : i32 to index
      %get3A_1084 = arith.constant 32 : index
      %get3A_1085 = tpu.vector_load %arg7[%get3A_1083, %get3A_1084] {strides = array<i32>} : memref<640x64xf32, #tpu.memory_space<vmem>>, vector<1x16xf32>,
      %get3A_1086 = vector.shape_cast %get3A_1085 : vector<1x16xf32> to vector<16xf32>
      %add3A_1087 = arith.constant 4 : i32
      %add3A_1088 = arith.addi %mul3A_972, %add3A_1087 : i32
      %get3A_1089 = arith.index_cast %add3A_1088 : i32 to index
      %get3A_1090 = arith.constant 48 : index
      %get3A_1091 = tpu.vector_load %arg7[%get3A_1089, %get3A_1090] {strides = array<i32>} : memref<640x64xf32, #tpu.memory_space<vmem>>, vector<1x16xf32>,
      %get3A_1092 = vector.shape_cast %get3A_1091 : vector<1x16xf32> to vector<16xf32>
      %add3A_1093 = arith.constant 5 : i32
      %add3A_1094 = arith.addi %mul3A_972, %add3A_1093 : i32
      %get3A_1095 = arith.index_cast %add3A_1094 : i32 to index
      %get3A_1096 = arith.constant 0 : index
      %get3A_1097 = tpu.vector_load %arg7[%get3A_1095, %get3A_1096] {strides = array<i32>} : memref<640x64xf32, #tpu.memory_space<vmem>>, vector<1x16xf32>,
      %get3A_1098 = vector.shape_cast %get3A_1097 : vector<1x16xf32> to vector<16xf32>
      %add3A_1099 = arith.constant 5 : i32
      %add3A_1100 = arith.addi %mul3A_972, %add3A_1099 : i32
      %get3A_1101 = arith.index_cast %add3A_1100 : i32 to index
      %get3A_1102 = arith.constant 16 : index
      %get3A_1103 = tpu.vector_load %arg7[%get3A_1101, %get3A_1102] {strides = array<i32>} : memref<640x64xf32, #tpu.memory_space<vmem>>, vector<1x16xf32>,
      %get3A_1104 = vector.shape_cast %get3A_1103 : vector<1x16xf32> to vector<16xf32>
      %add3A_1105 = arith.constant 5 : i32
      %add3A_1106 = arith.addi %mul3A_972, %add3A_1105 : i32
      %get3A_1107 = arith.index_cast %add3A_1106 : i32 to index
      %get3A_1108 = arith.constant 32 : index
      %get3A_1109 = tpu.vector_load %arg7[%get3A_1107, %get3A_1108] {strides = array<i32>} : memref<640x64xf32, #tpu.memory_space<vmem>>, vector<1x16xf32>,
      %get3A_1110 = vector.shape_cast %get3A_1109 : vector<1x16xf32> to vector<16xf32>
      %add3A_1111 = arith.constant 5 : i32
      %add3A_1112 = arith.addi %mul3A_972, %add3A_1111 : i32
      %get3A_1113 = arith.index_cast %add3A_1112 : i32 to index
      %get3A_1114 = arith.constant 48 : index
      %get3A_1115 = tpu.vector_load %arg7[%get3A_1113, %get3A_1114] {strides = array<i32>} : memref<640x64xf32, #tpu.memory_space<vmem>>, vector<1x16xf32>,
      %get3A_1116 = vector.shape_cast %get3A_1115 : vector<1x16xf32> to vector<16xf32>
      %add3A_1117 = arith.constant 6 : i32
      %add3A_1118 = arith.addi %mul3A_972, %add3A_1117 : i32
      %get3A_1119 = arith.index_cast %add3A_1118 : i32 to index
      %get3A_1120 = arith.constant 0 : index
      %get3A_1121 = tpu.vector_load %arg7[%get3A_1119, %get3A_1120] {strides = array<i32>} : memref<640x64xf32, #tpu.memory_space<vmem>>, vector<1x16xf32>,
      %get3A_1122 = vector.shape_cast %get3A_1121 : vector<1x16xf32> to vector<16xf32>
      %add3A_1123 = arith.constant 6 : i32
      %add3A_1124 = arith.addi %mul3A_972, %add3A_1123 : i32
      %get3A_1125 = arith.index_cast %add3A_1124 : i32 to index
      %get3A_1126 = arith.constant 16 : index
      %get3A_1127 = tpu.vector_load %arg7[%get3A_1125, %get3A_1126] {strides = array<i32>} : memref<640x64xf32, #tpu.memory_space<vmem>>, vector<1x16xf32>,
      %get3A_1128 = vector.shape_cast %get3A_1127 : vector<1x16xf32> to vector<16xf32>
      %add3A_1129 = arith.constant 6 : i32
      %add3A_1130 = arith.addi %mul3A_972, %add3A_1129 : i32
      %get3A_1131 = arith.index_cast %add3A_1130 : i32 to index
      %get3A_1132 = arith.constant 32 : index
      %get3A_1133 = tpu.vector_load %arg7[%get3A_1131, %get3A_1132] {strides = array<i32>} : memref<640x64xf32, #tpu.memory_space<vmem>>, vector<1x16xf32>,
      %get3A_1134 = vector.shape_cast %get3A_1133 : vector<1x16xf32> to vector<16xf32>
      %add3A_1135 = arith.constant 6 : i32
      %add3A_1136 = arith.addi %mul3A_972, %add3A_1135 : i32
      %get3A_1137 = arith.index_cast %add3A_1136 : i32 to index
      %get3A_1138 = arith.constant 48 : index
      %get3A_1139 = tpu.vector_load %arg7[%get3A_1137, %get3A_1138] {strides = array<i32>} : memref<640x64xf32, #tpu.memory_space<vmem>>, vector<1x16xf32>,
      %get3A_1140 = vector.shape_cast %get3A_1139 : vector<1x16xf32> to vector<16xf32>
      %add3A_1141 = arith.constant 7 : i32
      %add3A_1142 = arith.addi %mul3A_972, %add3A_1141 : i32
      %get3A_1143 = arith.index_cast %add3A_1142 : i32 to index
      %get3A_1144 = arith.constant 0 : index
      %get3A_1145 = tpu.vector_load %arg7[%get3A_1143, %get3A_1144] {strides = array<i32>} : memref<640x64xf32, #tpu.memory_space<vmem>>, vector<1x16xf32>,
      %get3A_1146 = vector.shape_cast %get3A_1145 : vector<1x16xf32> to vector<16xf32>
      %add3A_1147 = arith.constant 7 : i32
      %add3A_1148 = arith.addi %mul3A_972, %add3A_1147 : i32
      %get3A_1149 = arith.index_cast %add3A_1148 : i32 to index
      %get3A_1150 = arith.constant 16 : index
      %get3A_1151 = tpu.vector_load %arg7[%get3A_1149, %get3A_1150] {strides = array<i32>} : memref<640x64xf32, #tpu.memory_space<vmem>>, vector<1x16xf32>,
      %get3A_1152 = vector.shape_cast %get3A_1151 : vector<1x16xf32> to vector<16xf32>
      %add3A_1153 = arith.constant 7 : i32
      %add3A_1154 = arith.addi %mul3A_972, %add3A_1153 : i32
      %get3A_1155 = arith.index_cast %add3A_1154 : i32 to index
      %get3A_1156 = arith.constant 32 : index
      %get3A_1157 = tpu.vector_load %arg7[%get3A_1155, %get3A_1156] {strides = array<i32>} : memref<640x64xf32, #tpu.memory_space<vmem>>, vector<1x16xf32>,
      %get3A_1158 = vector.shape_cast %get3A_1157 : vector<1x16xf32> to vector<16xf32>
      %add3A_1159 = arith.constant 7 : i32
      %add3A_1160 = arith.addi %mul3A_972, %add3A_1159 : i32
      %get3A_1161 = arith.index_cast %add3A_1160 : i32 to index
      %get3A_1162 = arith.constant 48 : index
      %get3A_1163 = tpu.vector_load %arg7[%get3A_1161, %get3A_1162] {strides = array<i32>} : memref<640x64xf32, #tpu.memory_space<vmem>>, vector<1x16xf32>,
      %get3A_1164 = vector.shape_cast %get3A_1163 : vector<1x16xf32> to vector<16xf32>
      %add3A_1165 = arith.constant 8 : i32
      %add3A_1166 = arith.addi %mul3A_972, %add3A_1165 : i32
      %get3A_1167 = arith.index_cast %add3A_1166 : i32 to index
      %get3A_1168 = arith.constant 0 : index
      %get3A_1169 = tpu.vector_load %arg7[%get3A_1167, %get3A_1168] {strides = array<i32>} : memref<640x64xf32, #tpu.memory_space<vmem>>, vector<1x16xf32>,
      %get3A_1170 = vector.shape_cast %get3A_1169 : vector<1x16xf32> to vector<16xf32>
      %add3A_1171 = arith.constant 8 : i32
      %add3A_1172 = arith.addi %mul3A_972, %add3A_1171 : i32
      %get3A_1173 = arith.index_cast %add3A_1172 : i32 to index
      %get3A_1174 = arith.constant 16 : index
      %get3A_1175 = tpu.vector_load %arg7[%get3A_1173, %get3A_1174] {strides = array<i32>} : memref<640x64xf32, #tpu.memory_space<vmem>>, vector<1x16xf32>,
      %get3A_1176 = vector.shape_cast %get3A_1175 : vector<1x16xf32> to vector<16xf32>
      %add3A_1177 = arith.constant 8 : i32
      %add3A_1178 = arith.addi %mul3A_972, %add3A_1177 : i32
      %get3A_1179 = arith.index_cast %add3A_1178 : i32 to index
      %get3A_1180 = arith.constant 32 : index
      %get3A_1181 = tpu.vector_load %arg7[%get3A_1179, %get3A_1180] {strides = array<i32>} : memref<640x64xf32, #tpu.memory_space<vmem>>, vector<1x16xf32>,
      %get3A_1182 = vector.shape_cast %get3A_1181 : vector<1x16xf32> to vector<16xf32>
      %add3A_1183 = arith.constant 8 : i32
      %add3A_1184 = arith.addi %mul3A_972, %add3A_1183 : i32
      %get3A_1185 = arith.index_cast %add3A_1184 : i32 to index
      %get3A_1186 = arith.constant 48 : index
      %get3A_1187 = tpu.vector_load %arg7[%get3A_1185, %get3A_1186] {strides = array<i32>} : memref<640x64xf32, #tpu.memory_space<vmem>>, vector<1x16xf32>,
      %get3A_1188 = vector.shape_cast %get3A_1187 : vector<1x16xf32> to vector<16xf32>
      %add3A_1189 = arith.constant 9 : i32
      %add3A_1190 = arith.addi %mul3A_972, %add3A_1189 : i32
      %get3A_1191 = arith.index_cast %add3A_1190 : i32 to index
      %get3A_1192 = arith.constant 0 : index
      %get3A_1193 = tpu.vector_load %arg7[%get3A_1191, %get3A_1192] {strides = array<i32>} : memref<640x64xf32, #tpu.memory_space<vmem>>, vector<1x16xf32>,
      %get3A_1194 = vector.shape_cast %get3A_1193 : vector<1x16xf32> to vector<16xf32>
      %add3A_1195 = arith.constant 9 : i32
      %add3A_1196 = arith.addi %mul3A_972, %add3A_1195 : i32
      %get3A_1197 = arith.index_cast %add3A_1196 : i32 to index
      %get3A_1198 = arith.constant 16 : index
      %get3A_1199 = tpu.vector_load %arg7[%get3A_1197, %get3A_1198] {strides = array<i32>} : memref<640x64xf32, #tpu.memory_space<vmem>>, vector<1x16xf32>,
      %get3A_1200 = vector.shape_cast %get3A_1199 : vector<1x16xf32> to vector<16xf32>
      %add3A_1201 = arith.constant 9 : i32
      %add3A_1202 = arith.addi %mul3A_972, %add3A_1201 : i32
      %get3A_1203 = arith.index_cast %add3A_1202 : i32 to index
      %get3A_1204 = arith.constant 32 : index
      %get3A_1205 = tpu.vector_load %arg7[%get3A_1203, %get3A_1204] {strides = array<i32>} : memref<640x64xf32, #tpu.memory_space<vmem>>, vector<1x16xf32>,
      %get3A_1206 = vector.shape_cast %get3A_1205 : vector<1x16xf32> to vector<16xf32>
      %add3A_1207 = arith.constant 9 : i32
      %add3A_1208 = arith.addi %mul3A_972, %add3A_1207 : i32
      %get3A_1209 = arith.index_cast %add3A_1208 : i32 to index
      %get3A_1210 = arith.constant 48 : index
      %get3A_1211 = tpu.vector_load %arg7[%get3A_1209, %get3A_1210] {strides = array<i32>} : memref<640x64xf32, #tpu.memory_space<vmem>>, vector<1x16xf32>,
      %get3A_1212 = vector.shape_cast %get3A_1211 : vector<1x16xf32> to vector<16xf32>
      %add3A_1213 = arith.constant 10 : i32
      %add3A_1214 = arith.addi %mul3A_972, %add3A_1213 : i32
      %get3A_1215 = arith.index_cast %add3A_1214 : i32 to index
      %get3A_1216 = arith.constant 0 : index
      %get3A_1217 = tpu.vector_load %arg7[%get3A_1215, %get3A_1216] {strides = array<i32>} : memref<640x64xf32, #tpu.memory_space<vmem>>, vector<1x16xf32>,
      %get3A_1218 = vector.shape_cast %get3A_1217 : vector<1x16xf32> to vector<16xf32>
      %add3A_1219 = arith.constant 10 : i32
      %add3A_1220 = arith.addi %mul3A_972, %add3A_1219 : i32
      %get3A_1221 = arith.index_cast %add3A_1220 : i32 to index
      %get3A_1222 = arith.constant 16 : index
      %get3A_1223 = tpu.vector_load %arg7[%get3A_1221, %get3A_1222] {strides = array<i32>} : memref<640x64xf32, #tpu.memory_space<vmem>>, vector<1x16xf32>,
      %get3A_1224 = vector.shape_cast %get3A_1223 : vector<1x16xf32> to vector<16xf32>
      %add3A_1225 = arith.constant 10 : i32
      %add3A_1226 = arith.addi %mul3A_972, %add3A_1225 : i32
      %get3A_1227 = arith.index_cast %add3A_1226 : i32 to index
      %get3A_1228 = arith.constant 32 : index
      %get3A_1229 = tpu.vector_load %arg7[%get3A_1227, %get3A_1228] {strides = array<i32>} : memref<640x64xf32, #tpu.memory_space<vmem>>, vector<1x16xf32>,
      %get3A_1230 = vector.shape_cast %get3A_1229 : vector<1x16xf32> to vector<16xf32>
      %add3A_1231 = arith.constant 10 : i32
      %add3A_1232 = arith.addi %mul3A_972, %add3A_1231 : i32
      %get3A_1233 = arith.index_cast %add3A_1232 : i32 to index
      %get3A_1234 = arith.constant 48 : index
      %get3A_1235 = tpu.vector_load %arg7[%get3A_1233, %get3A_1234] {strides = array<i32>} : memref<640x64xf32, #tpu.memory_space<vmem>>, vector<1x16xf32>,
      %get3A_1236 = vector.shape_cast %get3A_1235 : vector<1x16xf32> to vector<16xf32>
      %add3A_1237 = arith.constant 11 : i32
      %add3A_1238 = arith.addi %mul3A_972, %add3A_1237 : i32
      %get3A_1239 = arith.index_cast %add3A_1238 : i32 to index
      %get3A_1240 = arith.constant 0 : index
      %get3A_1241 = tpu.vector_load %arg7[%get3A_1239, %get3A_1240] {strides = array<i32>} : memref<640x64xf32, #tpu.memory_space<vmem>>, vector<1x16xf32>,
      %get3A_1242 = vector.shape_cast %get3A_1241 : vector<1x16xf32> to vector<16xf32>
      %add3A_1243 = arith.constant 11 : i32
      %add3A_1244 = arith.addi %mul3A_972, %add3A_1243 : i32
      %get3A_1245 = arith.index_cast %add3A_1244 : i32 to index
      %get3A_1246 = arith.constant 16 : index
      %get3A_1247 = tpu.vector_load %arg7[%get3A_1245, %get3A_1246] {strides = array<i32>} : memref<640x64xf32, #tpu.memory_space<vmem>>, vector<1x16xf32>,
      %get3A_1248 = vector.shape_cast %get3A_1247 : vector<1x16xf32> to vector<16xf32>
      %add3A_1249 = arith.constant 11 : i32
      %add3A_1250 = arith.addi %mul3A_972, %add3A_1249 : i32
      %get3A_1251 = arith.index_cast %add3A_1250 : i32 to index
      %get3A_1252 = arith.constant 32 : index
      %get3A_1253 = tpu.vector_load %arg7[%get3A_1251, %get3A_1252] {strides = array<i32>} : memref<640x64xf32, #tpu.memory_space<vmem>>, vector<1x16xf32>,
      %get3A_1254 = vector.shape_cast %get3A_1253 : vector<1x16xf32> to vector<16xf32>
      %add3A_1255 = arith.constant 11 : i32
      %add3A_1256 = arith.addi %mul3A_972, %add3A_1255 : i32
      %get3A_1257 = arith.index_cast %add3A_1256 : i32 to index
      %get3A_1258 = arith.constant 48 : index
      %get3A_1259 = tpu.vector_load %arg7[%get3A_1257, %get3A_1258] {strides = array<i32>} : memref<640x64xf32, #tpu.memory_space<vmem>>, vector<1x16xf32>,
      %get3A_1260 = vector.shape_cast %get3A_1259 : vector<1x16xf32> to vector<16xf32>
      %add3A_1261 = arith.constant 12 : i32
      %add3A_1262 = arith.addi %mul3A_972, %add3A_1261 : i32
      %get3A_1263 = arith.index_cast %add3A_1262 : i32 to index
      %get3A_1264 = arith.constant 0 : index
      %get3A_1265 = tpu.vector_load %arg7[%get3A_1263, %get3A_1264] {strides = array<i32>} : memref<640x64xf32, #tpu.memory_space<vmem>>, vector<1x16xf32>,
      %get3A_1266 = vector.shape_cast %get3A_1265 : vector<1x16xf32> to vector<16xf32>
      %add3A_1267 = arith.constant 12 : i32
      %add3A_1268 = arith.addi %mul3A_972, %add3A_1267 : i32
      %get3A_1269 = arith.index_cast %add3A_1268 : i32 to index
      %get3A_1270 = arith.constant 16 : index
      %get3A_1271 = tpu.vector_load %arg7[%get3A_1269, %get3A_1270] {strides = array<i32>} : memref<640x64xf32, #tpu.memory_space<vmem>>, vector<1x16xf32>,
      %get3A_1272 = vector.shape_cast %get3A_1271 : vector<1x16xf32> to vector<16xf32>
      %add3A_1273 = arith.constant 12 : i32
      %add3A_1274 = arith.addi %mul3A_972, %add3A_1273 : i32
      %get3A_1275 = arith.index_cast %add3A_1274 : i32 to index
      %get3A_1276 = arith.constant 32 : index
      %get3A_1277 = tpu.vector_load %arg7[%get3A_1275, %get3A_1276] {strides = array<i32>} : memref<640x64xf32, #tpu.memory_space<vmem>>, vector<1x16xf32>,
      %get3A_1278 = vector.shape_cast %get3A_1277 : vector<1x16xf32> to vector<16xf32>
      %add3A_1279 = arith.constant 12 : i32
      %add3A_1280 = arith.addi %mul3A_972, %add3A_1279 : i32
      %get3A_1281 = arith.index_cast %add3A_1280 : i32 to index
      %get3A_1282 = arith.constant 48 : index
      %get3A_1283 = tpu.vector_load %arg7[%get3A_1281, %get3A_1282] {strides = array<i32>} : memref<640x64xf32, #tpu.memory_space<vmem>>, vector<1x16xf32>,
      %get3A_1284 = vector.shape_cast %get3A_1283 : vector<1x16xf32> to vector<16xf32>
      %add3A_1285 = arith.constant 13 : i32
      %add3A_1286 = arith.addi %mul3A_972, %add3A_1285 : i32
      %get3A_1287 = arith.index_cast %add3A_1286 : i32 to index
      %get3A_1288 = arith.constant 0 : index
      %get3A_1289 = tpu.vector_load %arg7[%get3A_1287, %get3A_1288] {strides = array<i32>} : memref<640x64xf32, #tpu.memory_space<vmem>>, vector<1x16xf32>,
      %get3A_1290 = vector.shape_cast %get3A_1289 : vector<1x16xf32> to vector<16xf32>
      %add3A_1291 = arith.constant 13 : i32
      %add3A_1292 = arith.addi %mul3A_972, %add3A_1291 : i32
      %get3A_1293 = arith.index_cast %add3A_1292 : i32 to index
      %get3A_1294 = arith.constant 16 : index
      %get3A_1295 = tpu.vector_load %arg7[%get3A_1293, %get3A_1294] {strides = array<i32>} : memref<640x64xf32, #tpu.memory_space<vmem>>, vector<1x16xf32>,
      %get3A_1296 = vector.shape_cast %get3A_1295 : vector<1x16xf32> to vector<16xf32>
      %add3A_1297 = arith.constant 13 : i32
      %add3A_1298 = arith.addi %mul3A_972, %add3A_1297 : i32
      %get3A_1299 = arith.index_cast %add3A_1298 : i32 to index
      %get3A_1300 = arith.constant 32 : index
      %get3A_1301 = tpu.vector_load %arg7[%get3A_1299, %get3A_1300] {strides = array<i32>} : memref<640x64xf32, #tpu.memory_space<vmem>>, vector<1x16xf32>,
      %get3A_1302 = vector.shape_cast %get3A_1301 : vector<1x16xf32> to vector<16xf32>
      %add3A_1303 = arith.constant 13 : i32
      %add3A_1304 = arith.addi %mul3A_972, %add3A_1303 : i32
      %get3A_1305 = arith.index_cast %add3A_1304 : i32 to index
      %get3A_1306 = arith.constant 48 : index
      %get3A_1307 = tpu.vector_load %arg7[%get3A_1305, %get3A_1306] {strides = array<i32>} : memref<640x64xf32, #tpu.memory_space<vmem>>, vector<1x16xf32>,
      %get3A_1308 = vector.shape_cast %get3A_1307 : vector<1x16xf32> to vector<16xf32>
      %add3A_1309 = arith.constant 14 : i32
      %add3A_1310 = arith.addi %mul3A_972, %add3A_1309 : i32
      %get3A_1311 = arith.index_cast %add3A_1310 : i32 to index
      %get3A_1312 = arith.constant 0 : index
      %get3A_1313 = tpu.vector_load %arg7[%get3A_1311, %get3A_1312] {strides = array<i32>} : memref<640x64xf32, #tpu.memory_space<vmem>>, vector<1x16xf32>,
      %get3A_1314 = vector.shape_cast %get3A_1313 : vector<1x16xf32> to vector<16xf32>
      %add3A_1315 = arith.constant 14 : i32
      %add3A_1316 = arith.addi %mul3A_972, %add3A_1315 : i32
      %get3A_1317 = arith.index_cast %add3A_1316 : i32 to index
      %get3A_1318 = arith.constant 16 : index
      %get3A_1319 = tpu.vector_load %arg7[%get3A_1317, %get3A_1318] {strides = array<i32>} : memref<640x64xf32, #tpu.memory_space<vmem>>, vector<1x16xf32>,
      %get3A_1320 = vector.shape_cast %get3A_1319 : vector<1x16xf32> to vector<16xf32>
      %add3A_1321 = arith.constant 14 : i32
      %add3A_1322 = arith.addi %mul3A_972, %add3A_1321 : i32
      %get3A_1323 = arith.index_cast %add3A_1322 : i32 to index
      %get3A_1324 = arith.constant 32 : index
      %get3A_1325 = tpu.vector_load %arg7[%get3A_1323, %get3A_1324] {strides = array<i32>} : memref<640x64xf32, #tpu.memory_space<vmem>>, vector<1x16xf32>,
      %get3A_1326 = vector.shape_cast %get3A_1325 : vector<1x16xf32> to vector<16xf32>
      %add3A_1327 = arith.constant 14 : i32
      %add3A_1328 = arith.addi %mul3A_972, %add3A_1327 : i32
      %get3A_1329 = arith.index_cast %add3A_1328 : i32 to index
      %get3A_1330 = arith.constant 48 : index
      %get3A_1331 = tpu.vector_load %arg7[%get3A_1329, %get3A_1330] {strides = array<i32>} : memref<640x64xf32, #tpu.memory_space<vmem>>, vector<1x16xf32>,
      %get3A_1332 = vector.shape_cast %get3A_1331 : vector<1x16xf32> to vector<16xf32>
      %add3A_1333 = arith.constant 15 : i32
      %add3A_1334 = arith.addi %mul3A_972, %add3A_1333 : i32
      %get3A_1335 = arith.index_cast %add3A_1334 : i32 to index
      %get3A_1336 = arith.constant 0 : index
      %get3A_1337 = tpu.vector_load %arg7[%get3A_1335, %get3A_1336] {strides = array<i32>} : memref<640x64xf32, #tpu.memory_space<vmem>>, vector<1x16xf32>,
      %get3A_1338 = vector.shape_cast %get3A_1337 : vector<1x16xf32> to vector<16xf32>
      %add3A_1339 = arith.constant 15 : i32
      %add3A_1340 = arith.addi %mul3A_972, %add3A_1339 : i32
      %get3A_1341 = arith.index_cast %add3A_1340 : i32 to index
      %get3A_1342 = arith.constant 16 : index
      %get3A_1343 = tpu.vector_load %arg7[%get3A_1341, %get3A_1342] {strides = array<i32>} : memref<640x64xf32, #tpu.memory_space<vmem>>, vector<1x16xf32>,
      %get3A_1344 = vector.shape_cast %get3A_1343 : vector<1x16xf32> to vector<16xf32>
      %add3A_1345 = arith.constant 15 : i32
      %add3A_1346 = arith.addi %mul3A_972, %add3A_1345 : i32
      %get3A_1347 = arith.index_cast %add3A_1346 : i32 to index
      %get3A_1348 = arith.constant 32 : index
      %get3A_1349 = tpu.vector_load %arg7[%get3A_1347, %get3A_1348] {strides = array<i32>} : memref<640x64xf32, #tpu.memory_space<vmem>>, vector<1x16xf32>,
      %get3A_1350 = vector.shape_cast %get3A_1349 : vector<1x16xf32> to vector<16xf32>
      %add3A_1351 = arith.constant 15 : i32
      %add3A_1352 = arith.addi %mul3A_972, %add3A_1351 : i32
      %get3A_1353 = arith.index_cast %add3A_1352 : i32 to index
      %get3A_1354 = arith.constant 48 : index
      %get3A_1355 = tpu.vector_load %arg7[%get3A_1353, %get3A_1354] {strides = array<i32>} : memref<640x64xf32, #tpu.memory_space<vmem>>, vector<1x16xf32>,
      %get3A_1356 = vector.shape_cast %get3A_1355 : vector<1x16xf32> to vector<16xf32>
      %add3A_1357 = arith.constant 16 : i32
      %add3A_1358 = arith.addi %mul3A_972, %add3A_1357 : i32
      %get3A_1359 = arith.index_cast %add3A_1358 : i32 to index
      %get3A_1360 = arith.constant 0 : index
      %get3A_1361 = tpu.vector_load %arg7[%get3A_1359, %get3A_1360] {strides = array<i32>} : memref<640x64xf32, #tpu.memory_space<vmem>>, vector<1x16xf32>,
      %get3A_1362 = vector.shape_cast %get3A_1361 : vector<1x16xf32> to vector<16xf32>
      %add3A_1363 = arith.constant 16 : i32
      %add3A_1364 = arith.addi %mul3A_972, %add3A_1363 : i32
      %get3A_1365 = arith.index_cast %add3A_1364 : i32 to index
      %get3A_1366 = arith.constant 16 : index
      %get3A_1367 = tpu.vector_load %arg7[%get3A_1365, %get3A_1366] {strides = array<i32>} : memref<640x64xf32, #tpu.memory_space<vmem>>, vector<1x16xf32>,
      %get3A_1368 = vector.shape_cast %get3A_1367 : vector<1x16xf32> to vector<16xf32>
      %add3A_1369 = arith.constant 16 : i32
      %add3A_1370 = arith.addi %mul3A_972, %add3A_1369 : i32
      %get3A_1371 = arith.index_cast %add3A_1370 : i32 to index
      %get3A_1372 = arith.constant 32 : index
      %get3A_1373 = tpu.vector_load %arg7[%get3A_1371, %get3A_1372] {strides = array<i32>} : memref<640x64xf32, #tpu.memory_space<vmem>>, vector<1x16xf32>,
      %get3A_1374 = vector.shape_cast %get3A_1373 : vector<1x16xf32> to vector<16xf32>
      %add3A_1375 = arith.constant 16 : i32
      %add3A_1376 = arith.addi %mul3A_972, %add3A_1375 : i32
      %get3A_1377 = arith.index_cast %add3A_1376 : i32 to index
      %get3A_1378 = arith.constant 48 : index
      %get3A_1379 = tpu.vector_load %arg7[%get3A_1377, %get3A_1378] {strides = array<i32>} : memref<640x64xf32, #tpu.memory_space<vmem>>, vector<1x16xf32>,
      %get3A_1380 = vector.shape_cast %get3A_1379 : vector<1x16xf32> to vector<16xf32>
      %add3A_1381 = arith.constant 17 : i32
      %add3A_1382 = arith.addi %mul3A_972, %add3A_1381 : i32
      %get3A_1383 = arith.index_cast %add3A_1382 : i32 to index
      %get3A_1384 = arith.constant 0 : index
      %get3A_1385 = tpu.vector_load %arg7[%get3A_1383, %get3A_1384] {strides = array<i32>} : memref<640x64xf32, #tpu.memory_space<vmem>>, vector<1x16xf32>,
      %get3A_1386 = vector.shape_cast %get3A_1385 : vector<1x16xf32> to vector<16xf32>
      %add3A_1387 = arith.constant 17 : i32
      %add3A_1388 = arith.addi %mul3A_972, %add3A_1387 : i32
      %get3A_1389 = arith.index_cast %add3A_1388 : i32 to index
      %get3A_1390 = arith.constant 16 : index
      %get3A_1391 = tpu.vector_load %arg7[%get3A_1389, %get3A_1390] {strides = array<i32>} : memref<640x64xf32, #tpu.memory_space<vmem>>, vector<1x16xf32>,
      %get3A_1392 = vector.shape_cast %get3A_1391 : vector<1x16xf32> to vector<16xf32>
      %add3A_1393 = arith.constant 17 : i32
      %add3A_1394 = arith.addi %mul3A_972, %add3A_1393 : i32
      %get3A_1395 = arith.index_cast %add3A_1394 : i32 to index
      %get3A_1396 = arith.constant 32 : index
      %get3A_1397 = tpu.vector_load %arg7[%get3A_1395, %get3A_1396] {strides = array<i32>} : memref<640x64xf32, #tpu.memory_space<vmem>>, vector<1x16xf32>,
      %get3A_1398 = vector.shape_cast %get3A_1397 : vector<1x16xf32> to vector<16xf32>
      %add3A_1399 = arith.constant 17 : i32
      %add3A_1400 = arith.addi %mul3A_972, %add3A_1399 : i32
      %get3A_1401 = arith.index_cast %add3A_1400 : i32 to index
      %get3A_1402 = arith.constant 48 : index
      %get3A_1403 = tpu.vector_load %arg7[%get3A_1401, %get3A_1402] {strides = array<i32>} : memref<640x64xf32, #tpu.memory_space<vmem>>, vector<1x16xf32>,
      %get3A_1404 = vector.shape_cast %get3A_1403 : vector<1x16xf32> to vector<16xf32>
      %add3A_1405 = arith.constant 18 : i32
      %add3A_1406 = arith.addi %mul3A_972, %add3A_1405 : i32
      %get3A_1407 = arith.index_cast %add3A_1406 : i32 to index
      %get3A_1408 = arith.constant 0 : index
      %get3A_1409 = tpu.vector_load %arg7[%get3A_1407, %get3A_1408] {strides = array<i32>} : memref<640x64xf32, #tpu.memory_space<vmem>>, vector<1x16xf32>,
      %get3A_1410 = vector.shape_cast %get3A_1409 : vector<1x16xf32> to vector<16xf32>
      %add3A_1411 = arith.constant 18 : i32
      %add3A_1412 = arith.addi %mul3A_972, %add3A_1411 : i32
      %get3A_1413 = arith.index_cast %add3A_1412 : i32 to index
      %get3A_1414 = arith.constant 16 : index
      %get3A_1415 = tpu.vector_load %arg7[%get3A_1413, %get3A_1414] {strides = array<i32>} : memref<640x64xf32, #tpu.memory_space<vmem>>, vector<1x16xf32>,
      %get3A_1416 = vector.shape_cast %get3A_1415 : vector<1x16xf32> to vector<16xf32>
      %add3A_1417 = arith.constant 18 : i32
      %add3A_1418 = arith.addi %mul3A_972, %add3A_1417 : i32
      %get3A_1419 = arith.index_cast %add3A_1418 : i32 to index
      %get3A_1420 = arith.constant 32 : index
      %get3A_1421 = tpu.vector_load %arg7[%get3A_1419, %get3A_1420] {strides = array<i32>} : memref<640x64xf32, #tpu.memory_space<vmem>>, vector<1x16xf32>,
      %get3A_1422 = vector.shape_cast %get3A_1421 : vector<1x16xf32> to vector<16xf32>
      %add3A_1423 = arith.constant 18 : i32
      %add3A_1424 = arith.addi %mul3A_972, %add3A_1423 : i32
      %get3A_1425 = arith.index_cast %add3A_1424 : i32 to index
      %get3A_1426 = arith.constant 48 : index
      %get3A_1427 = tpu.vector_load %arg7[%get3A_1425, %get3A_1426] {strides = array<i32>} : memref<640x64xf32, #tpu.memory_space<vmem>>, vector<1x16xf32>,
      %get3A_1428 = vector.shape_cast %get3A_1427 : vector<1x16xf32> to vector<16xf32>
      %add3A_1429 = arith.constant 19 : i32
      %add3A_1430 = arith.addi %mul3A_972, %add3A_1429 : i32
      %get3A_1431 = arith.index_cast %add3A_1430 : i32 to index
      %get3A_1432 = arith.constant 0 : index
      %get3A_1433 = tpu.vector_load %arg7[%get3A_1431, %get3A_1432] {strides = array<i32>} : memref<640x64xf32, #tpu.memory_space<vmem>>, vector<1x16xf32>,
      %get3A_1434 = vector.shape_cast %get3A_1433 : vector<1x16xf32> to vector<16xf32>
      %add3A_1435 = arith.constant 19 : i32
      %add3A_1436 = arith.addi %mul3A_972, %add3A_1435 : i32
      %get3A_1437 = arith.index_cast %add3A_1436 : i32 to index
      %get3A_1438 = arith.constant 16 : index
      %get3A_1439 = tpu.vector_load %arg7[%get3A_1437, %get3A_1438] {strides = array<i32>} : memref<640x64xf32, #tpu.memory_space<vmem>>, vector<1x16xf32>,
      %get3A_1440 = vector.shape_cast %get3A_1439 : vector<1x16xf32> to vector<16xf32>
      %add3A_1441 = arith.constant 19 : i32
      %add3A_1442 = arith.addi %mul3A_972, %add3A_1441 : i32
      %get3A_1443 = arith.index_cast %add3A_1442 : i32 to index
      %get3A_1444 = arith.constant 32 : index
      %get3A_1445 = tpu.vector_load %arg7[%get3A_1443, %get3A_1444] {strides = array<i32>} : memref<640x64xf32, #tpu.memory_space<vmem>>, vector<1x16xf32>,
      %get3A_1446 = vector.shape_cast %get3A_1445 : vector<1x16xf32> to vector<16xf32>
      %add3A_1447 = arith.constant 19 : i32
      %add3A_1448 = arith.addi %mul3A_972, %add3A_1447 : i32
      %get3A_1449 = arith.index_cast %add3A_1448 : i32 to index
      %get3A_1450 = arith.constant 48 : index
      %get3A_1451 = tpu.vector_load %arg7[%get3A_1449, %get3A_1450] {strides = array<i32>} : memref<640x64xf32, #tpu.memory_space<vmem>>, vector<1x16xf32>,
      %get3A_1452 = vector.shape_cast %get3A_1451 : vector<1x16xf32> to vector<16xf32>
      %add3A_1453 = arith.addf %get3A_978, %get3A_1002 : vector<16xf32>
      %add3A_1454 = arith.addf %get3A_1026, %get3A_1050 : vector<16xf32>
      %add3A_1455 = arith.addf %get3A_1074, %get3A_1098 : vector<16xf32>
      %add3A_1456 = arith.addf %get3A_1122, %get3A_1146 : vector<16xf32>
      %add3A_1457 = arith.addf %get3A_1170, %get3A_1194 : vector<16xf32>
      %add3A_1458 = arith.addf %get3A_1218, %get3A_1242 : vector<16xf32>
      %add3A_1459 = arith.addf %get3A_1266, %get3A_1290 : vector<16xf32>
      %add3A_1460 = arith.addf %get3A_1314, %get3A_1338 : vector<16xf32>
      %add3A_1461 = arith.addf %get3A_1362, %get3A_1386 : vector<16xf32>
      %add3A_1462 = arith.addf %get3A_1410, %get3A_1434 : vector<16xf32>
      %add3A_1463 = arith.addf %add3A_1453, %add3A_1454 : vector<16xf32>
      %add3A_1464 = arith.addf %add3A_1455, %add3A_1456 : vector<16xf32>
      %add3A_1465 = arith.addf %add3A_1457, %add3A_1458 : vector<16xf32>
      %add3A_1466 = arith.addf %add3A_1459, %add3A_1460 : vector<16xf32>
      %add3A_1467 = arith.addf %add3A_1461, %add3A_1462 : vector<16xf32>
      %add3A_1468 = arith.addf %add3A_1463, %add3A_1464 : vector<16xf32>
      %add3A_1469 = arith.addf %add3A_1465, %add3A_1466 : vector<16xf32>
      %add3A_1470 = arith.addf %add3A_1468, %add3A_1469 : vector<16xf32>
      %add3A_1471 = arith.addf %add3A_1470, %add3A_1467 : vector<16xf32>
      %swap3A_1472 = arith.index_cast %scan3A_970 : i32 to index
      %swap3A_1473 = arith.constant 0 : index
      %swap3A_1474 = tpu.vector_load %arg9[%swap3A_1472, %swap3A_1473] {strides = array<i32>} : memref<32x64xf32, #tpu.memory_space<vmem>>, vector<1x16xf32>,
      %swap3A_1475 = vector.shape_cast %swap3A_1474 : vector<1x16xf32> to vector<16xf32>
      %swap3A_1476 = vector.shape_cast %add3A_1471 : vector<16xf32> to vector<1x16xf32>
      tpu.vector_store %arg9[%swap3A_1472, %swap3A_1473], %swap3A_1476 {strides = array<i32>} : memref<32x64xf32, #tpu.memory_space<vmem>>, vector<1x16xf32>,
      %add3A_1477 = arith.addf %get3A_984, %get3A_1008 : vector<16xf32>
      %add3A_1478 = arith.addf %get3A_1032, %get3A_1056 : vector<16xf32>
      %add3A_1479 = arith.addf %get3A_1080, %get3A_1104 : vector<16xf32>
      %add3A_1480 = arith.addf %get3A_1128, %get3A_1152 : vector<16xf32>
      %add3A_1481 = arith.addf %get3A_1176, %get3A_1200 : vector<16xf32>
      %add3A_1482 = arith.addf %get3A_1224, %get3A_1248 : vector<16xf32>
      %add3A_1483 = arith.addf %get3A_1272, %get3A_1296 : vector<16xf32>
      %add3A_1484 = arith.addf %get3A_1320, %get3A_1344 : vector<16xf32>
      %add3A_1485 = arith.addf %get3A_1368, %get3A_1392 : vector<16xf32>
      %add3A_1486 = arith.addf %get3A_1416, %get3A_1440 : vector<16xf32>
      %add3A_1487 = arith.addf %add3A_1477, %add3A_1478 : vector<16xf32>
      %add3A_1488 = arith.addf %add3A_1479, %add3A_1480 : vector<16xf32>
      %add3A_1489 = arith.addf %add3A_1481, %add3A_1482 : vector<16xf32>
      %add3A_1490 = arith.addf %add3A_1483, %add3A_1484 : vector<16xf32>
      %add3A_1491 = arith.addf %add3A_1485, %add3A_1486 : vector<16xf32>
      %add3A_1492 = arith.addf %add3A_1487, %add3A_1488 : vector<16xf32>
      %add3A_1493 = arith.addf %add3A_1489, %add3A_1490 : vector<16xf32>
      %add3A_1494 = arith.addf %add3A_1492, %add3A_1493 : vector<16xf32>
      %add3A_1495 = arith.addf %add3A_1494, %add3A_1491 : vector<16xf32>
      %swap3A_1496 = arith.index_cast %scan3A_970 : i32 to index
      %swap3A_1497 = arith.constant 16 : index
      %swap3A_1498 = tpu.vector_load %arg9[%swap3A_1496, %swap3A_1497] {strides = array<i32>} : memref<32x64xf32, #tpu.memory_space<vmem>>, vector<1x16xf32>,
      %swap3A_1499 = vector.shape_cast %swap3A_1498 : vector<1x16xf32> to vector<16xf32>
      %swap3A_1500 = vector.shape_cast %add3A_1495 : vector<16xf32> to vector<1x16xf32>
      tpu.vector_store %arg9[%swap3A_1496, %swap3A_1497], %swap3A_1500 {strides = array<i32>} : memref<32x64xf32, #tpu.memory_space<vmem>>, vector<1x16xf32>,
      %add3A_1501 = arith.addf %get3A_990, %get3A_1014 : vector<16xf32>
      %add3A_1502 = arith.addf %get3A_1038, %get3A_1062 : vector<16xf32>
      %add3A_1503 = arith.addf %get3A_1086, %get3A_1110 : vector<16xf32>
      %add3A_1504 = arith.addf %get3A_1134, %get3A_1158 : vector<16xf32>
      %add3A_1505 = arith.addf %get3A_1182, %get3A_1206 : vector<16xf32>
      %add3A_1506 = arith.addf %get3A_1230, %get3A_1254 : vector<16xf32>
      %add3A_1507 = arith.addf %get3A_1278, %get3A_1302 : vector<16xf32>
      %add3A_1508 = arith.addf %get3A_1326, %get3A_1350 : vector<16xf32>
      %add3A_1509 = arith.addf %get3A_1374, %get3A_1398 : vector<16xf32>
      %add3A_1510 = arith.addf %get3A_1422, %get3A_1446 : vector<16xf32>
      %add3A_1511 = arith.addf %add3A_1501, %add3A_1502 : vector<16xf32>
      %add3A_1512 = arith.addf %add3A_1503, %add3A_1504 : vector<16xf32>
      %add3A_1513 = arith.addf %add3A_1505, %add3A_1506 : vector<16xf32>
      %add3A_1514 = arith.addf %add3A_1507, %add3A_1508 : vector<16xf32>
      %add3A_1515 = arith.addf %add3A_1509, %add3A_1510 : vector<16xf32>
      %add3A_1516 = arith.addf %add3A_1511, %add3A_1512 : vector<16xf32>
      %add3A_1517 = arith.addf %add3A_1513, %add3A_1514 : vector<16xf32>
      %add3A_1518 = arith.addf %add3A_1516, %add3A_1517 : vector<16xf32>
      %add3A_1519 = arith.addf %add3A_1518, %add3A_1515 : vector<16xf32>
      %swap3A_1520 = arith.index_cast %scan3A_970 : i32 to index
      %swap3A_1521 = arith.constant 32 : index
      %swap3A_1522 = tpu.vector_load %arg9[%swap3A_1520, %swap3A_1521] {strides = array<i32>} : memref<32x64xf32, #tpu.memory_space<vmem>>, vector<1x16xf32>,
      %swap3A_1523 = vector.shape_cast %swap3A_1522 : vector<1x16xf32> to vector<16xf32>
      %swap3A_1524 = vector.shape_cast %add3A_1519 : vector<16xf32> to vector<1x16xf32>
      tpu.vector_store %arg9[%swap3A_1520, %swap3A_1521], %swap3A_1524 {strides = array<i32>} : memref<32x64xf32, #tpu.memory_space<vmem>>, vector<1x16xf32>,
      %add3A_1525 = arith.addf %get3A_996, %get3A_1020 : vector<16xf32>
      %add3A_1526 = arith.addf %get3A_1044, %get3A_1068 : vector<16xf32>
      %add3A_1527 = arith.addf %get3A_1092, %get3A_1116 : vector<16xf32>
      %add3A_1528 = arith.addf %get3A_1140, %get3A_1164 : vector<16xf32>
      %add3A_1529 = arith.addf %get3A_1188, %get3A_1212 : vector<16xf32>
      %add3A_1530 = arith.addf %get3A_1236, %get3A_1260 : vector<16xf32>
      %add3A_1531 = arith.addf %get3A_1284, %get3A_1308 : vector<16xf32>
      %add3A_1532 = arith.addf %get3A_1332, %get3A_1356 : vector<16xf32>
      %add3A_1533 = arith.addf %get3A_1380, %get3A_1404 : vector<16xf32>
      %add3A_1534 = arith.addf %get3A_1428, %get3A_1452 : vector<16xf32>
      %add3A_1535 = arith.addf %add3A_1525, %add3A_1526 : vector<16xf32>
      %add3A_1536 = arith.addf %add3A_1527, %add3A_1528 : vector<16xf32>
      %add3A_1537 = arith.addf %add3A_1529, %add3A_1530 : vector<16xf32>
      %add3A_1538 = arith.addf %add3A_1531, %add3A_1532 : vector<16xf32>
      %add3A_1539 = arith.addf %add3A_1533, %add3A_1534 : vector<16xf32>
      %add3A_1540 = arith.addf %add3A_1535, %add3A_1536 : vector<16xf32>
      %add3A_1541 = arith.addf %add3A_1537, %add3A_1538 : vector<16xf32>
      %add3A_1542 = arith.addf %add3A_1540, %add3A_1541 : vector<16xf32>
      %add3A_1543 = arith.addf %add3A_1542, %add3A_1539 : vector<16xf32>
      %swap3A_1544 = arith.index_cast %scan3A_970 : i32 to index
      %swap3A_1545 = arith.constant 48 : index
      %swap3A_1546 = tpu.vector_load %arg9[%swap3A_1544, %swap3A_1545] {strides = array<i32>} : memref<32x64xf32, #tpu.memory_space<vmem>>, vector<1x16xf32>,
      %swap3A_1547 = vector.shape_cast %swap3A_1546 : vector<1x16xf32> to vector<16xf32>
      %swap3A_1548 = vector.shape_cast %add3A_1543 : vector<16xf32> to vector<1x16xf32>
      tpu.vector_store %arg9[%swap3A_1544, %swap3A_1545], %swap3A_1548 {strides = array<i32>} : memref<32x64xf32, #tpu.memory_space<vmem>>, vector<1x16xf32>,
    }
    %scan3A_219 = arith.constant 32 : i32
    %mul3A_220 = arith.constant 128 : i32
    %mul3A_221 = arith.muli %add3A, %mul3A_220 : i32
    %add3A_222 = arith.constant 32 : i32
    %add3A_223 = arith.addi %mul3A_221, %add3A_222 : i32
    %dma_start3A_224 = arith.constant 0 : i32
    %dma_start3A_225 = tpu.memref_slice %arg4[%add3A_223, %dma_start3A_224] : memref<4096x64xf32, #tpu.memory_space<hbm>> -> memref<32x64xf32, #tpu.memory_space<hbm>>
    %dma_start3A_226 = arith.constant 0 : i32
    %dma_start3A_227 = tpu.memref_slice %arg4[%add3A_223, %dma_start3A_226] : memref<4096x64xf32, #tpu.memory_space<hbm>> -> memref<32x64xf32, #tpu.memory_space<hbm>>
    tpu.enqueue_dma source(%arg9 : memref<32x64xf32, #tpu.memory_space<vmem>>) target(%dma_start3A_227 : memref<32x64xf32, #tpu.memory_space<hbm>>) target_semaphore(%arg13 : memref<!tpu.dma_semaphore, #tpu.memory_space<semaphore_mem>>)
    %dma_start3A_228 = arith.constant 0 : i32
    %dma_start3A_229 = arith.constant 0 : i32
    %dma_start3A_230 = tpu.memref_slice %arg7[%dma_start3A_228, %dma_start3A_229] : memref<640x64xf32, #tpu.memory_space<vmem>> -> memref<128x64xf32, #tpu.memory_space<vmem>>
    %dma_start3A_231 = arith.constant 1920 : i32
    %dma_start3A_232 = tpu.memref_slice %arg5[%dma_start3A_231] : memref<2560xi32, #tpu.memory_space<vmem>> -> memref<128xi32, #tpu.memory_space<vmem>>
    %dma_start3A_233 = arith.constant 0 : i32
    %dma_start3A_234 = arith.constant 0 : i32
    %dma_start3A_235 = tpu.memref_slice %arg2[%dma_start3A_233, %dma_start3A_234] : memref<100000x64xf32, #tpu.memory_space<hbm>> -> memref<100000x64xf32, #tpu.memory_space<hbm>>
    tpu.enqueue_indirect_dma source(%dma_start3A_235 : memref<100000x64xf32, #tpu.memory_space<hbm>>) target(%dma_start3A_230 : memref<128x64xf32, #tpu.memory_space<vmem>>) offsets(%dma_start3A_232 : memref<128xi32, #tpu.memory_space<vmem>>) semaphore(%arg11 : memref<!tpu.dma_semaphore, #tpu.memory_space<semaphore_mem>>)
    %dma_start3A_236 = arith.constant 128 : i32
    %dma_start3A_237 = arith.constant 0 : i32
    %dma_start3A_238 = tpu.memref_slice %arg7[%dma_start3A_236, %dma_start3A_237] : memref<640x64xf32, #tpu.memory_space<vmem>> -> memref<128x64xf32, #tpu.memory_space<vmem>>
    %dma_start3A_239 = arith.constant 2048 : i32
    %dma_start3A_240 = tpu.memref_slice %arg5[%dma_start3A_239] : memref<2560xi32, #tpu.memory_space<vmem>> -> memref<128xi32, #tpu.memory_space<vmem>>
    %dma_start3A_241 = arith.constant 0 : i32
    %dma_start3A_242 = arith.constant 0 : i32
    %dma_start3A_243 = tpu.memref_slice %arg2[%dma_start3A_241, %dma_start3A_242] : memref<100000x64xf32, #tpu.memory_space<hbm>> -> memref<100000x64xf32, #tpu.memory_space<hbm>>
    tpu.enqueue_indirect_dma source(%dma_start3A_243 : memref<100000x64xf32, #tpu.memory_space<hbm>>) target(%dma_start3A_238 : memref<128x64xf32, #tpu.memory_space<vmem>>) offsets(%dma_start3A_240 : memref<128xi32, #tpu.memory_space<vmem>>) semaphore(%arg11 : memref<!tpu.dma_semaphore, #tpu.memory_space<semaphore_mem>>)
    %dma_start3A_244 = arith.constant 256 : i32
    %dma_start3A_245 = arith.constant 0 : i32
    %dma_start3A_246 = tpu.memref_slice %arg7[%dma_start3A_244, %dma_start3A_245] : memref<640x64xf32, #tpu.memory_space<vmem>> -> memref<128x64xf32, #tpu.memory_space<vmem>>
    %dma_start3A_247 = arith.constant 2176 : i32
    %dma_start3A_248 = tpu.memref_slice %arg5[%dma_start3A_247] : memref<2560xi32, #tpu.memory_space<vmem>> -> memref<128xi32, #tpu.memory_space<vmem>>
    %dma_start3A_249 = arith.constant 0 : i32
    %dma_start3A_250 = arith.constant 0 : i32
    %dma_start3A_251 = tpu.memref_slice %arg2[%dma_start3A_249, %dma_start3A_250] : memref<100000x64xf32, #tpu.memory_space<hbm>> -> memref<100000x64xf32, #tpu.memory_space<hbm>>
    tpu.enqueue_indirect_dma source(%dma_start3A_251 : memref<100000x64xf32, #tpu.memory_space<hbm>>) target(%dma_start3A_246 : memref<128x64xf32, #tpu.memory_space<vmem>>) offsets(%dma_start3A_248 : memref<128xi32, #tpu.memory_space<vmem>>) semaphore(%arg11 : memref<!tpu.dma_semaphore, #tpu.memory_space<semaphore_mem>>)
    %dma_start3A_252 = arith.constant 384 : i32
    %dma_start3A_253 = arith.constant 0 : i32
    %dma_start3A_254 = tpu.memref_slice %arg7[%dma_start3A_252, %dma_start3A_253] : memref<640x64xf32, #tpu.memory_space<vmem>> -> memref<128x64xf32, #tpu.memory_space<vmem>>
    %dma_start3A_255 = arith.constant 2304 : i32
    %dma_start3A_256 = tpu.memref_slice %arg5[%dma_start3A_255] : memref<2560xi32, #tpu.memory_space<vmem>> -> memref<128xi32, #tpu.memory_space<vmem>>
    %dma_start3A_257 = arith.constant 0 : i32
    %dma_start3A_258 = arith.constant 0 : i32
    %dma_start3A_259 = tpu.memref_slice %arg2[%dma_start3A_257, %dma_start3A_258] : memref<100000x64xf32, #tpu.memory_space<hbm>> -> memref<100000x64xf32, #tpu.memory_space<hbm>>
    tpu.enqueue_indirect_dma source(%dma_start3A_259 : memref<100000x64xf32, #tpu.memory_space<hbm>>) target(%dma_start3A_254 : memref<128x64xf32, #tpu.memory_space<vmem>>) offsets(%dma_start3A_256 : memref<128xi32, #tpu.memory_space<vmem>>) semaphore(%arg11 : memref<!tpu.dma_semaphore, #tpu.memory_space<semaphore_mem>>)
    %dma_start3A_260 = arith.constant 512 : i32
    %dma_start3A_261 = arith.constant 0 : i32
    %dma_start3A_262 = tpu.memref_slice %arg7[%dma_start3A_260, %dma_start3A_261] : memref<640x64xf32, #tpu.memory_space<vmem>> -> memref<128x64xf32, #tpu.memory_space<vmem>>
    %dma_start3A_263 = arith.constant 2432 : i32
    %dma_start3A_264 = tpu.memref_slice %arg5[%dma_start3A_263] : memref<2560xi32, #tpu.memory_space<vmem>> -> memref<128xi32, #tpu.memory_space<vmem>>
    %dma_start3A_265 = arith.constant 0 : i32
    %dma_start3A_266 = arith.constant 0 : i32
    %dma_start3A_267 = tpu.memref_slice %arg2[%dma_start3A_265, %dma_start3A_266] : memref<100000x64xf32, #tpu.memory_space<hbm>> -> memref<100000x64xf32, #tpu.memory_space<hbm>>
    tpu.enqueue_indirect_dma source(%dma_start3A_267 : memref<100000x64xf32, #tpu.memory_space<hbm>>) target(%dma_start3A_262 : memref<128x64xf32, #tpu.memory_space<vmem>>) offsets(%dma_start3A_264 : memref<128xi32, #tpu.memory_space<vmem>>) semaphore(%arg11 : memref<!tpu.dma_semaphore, #tpu.memory_space<semaphore_mem>>)
    %dma_wait3A_268 = arith.constant 0 : i32
    %dma_wait3A_269 = arith.constant 0 : i32
    %dma_wait3A_270 = tpu.memref_slice %arg6[%dma_wait3A_268, %dma_wait3A_269] : memref<640x64xf32, #tpu.memory_space<vmem>> -> memref<128x64xf32, #tpu.memory_space<vmem>>
    %dma_wait3A_271 = arith.constant 1280 : i32
    %dma_wait3A_272 = tpu.memref_slice %arg5[%dma_wait3A_271] : memref<2560xi32, #tpu.memory_space<vmem>> -> memref<128xi32, #tpu.memory_space<vmem>>
    %dma_wait3A_273 = arith.constant 0 : i32
    %dma_wait3A_274 = arith.constant 0 : i32
    %dma_wait3A_275 = tpu.memref_slice %arg2[%dma_wait3A_273, %dma_wait3A_274] : memref<100000x64xf32, #tpu.memory_space<hbm>> -> memref<100000x64xf32, #tpu.memory_space<hbm>>
    tpu.wait_indirect_dma semaphore(%arg10 : memref<!tpu.dma_semaphore, #tpu.memory_space<semaphore_mem>>) src(%dma_wait3A_275 : memref<100000x64xf32, #tpu.memory_space<hbm>>) dst(%dma_wait3A_270 : memref<128x64xf32, #tpu.memory_space<vmem>>)
    %dma_wait3A_276 = arith.constant 128 : i32
    %dma_wait3A_277 = arith.constant 0 : i32
    %dma_wait3A_278 = tpu.memref_slice %arg6[%dma_wait3A_276, %dma_wait3A_277] : memref<640x64xf32, #tpu.memory_space<vmem>> -> memref<128x64xf32, #tpu.memory_space<vmem>>
    %dma_wait3A_279 = arith.constant 1408 : i32
    %dma_wait3A_280 = tpu.memref_slice %arg5[%dma_wait3A_279] : memref<2560xi32, #tpu.memory_space<vmem>> -> memref<128xi32, #tpu.memory_space<vmem>>
    %dma_wait3A_281 = arith.constant 0 : i32
    %dma_wait3A_282 = arith.constant 0 : i32
    %dma_wait3A_283 = tpu.memref_slice %arg2[%dma_wait3A_281, %dma_wait3A_282] : memref<100000x64xf32, #tpu.memory_space<hbm>> -> memref<100000x64xf32, #tpu.memory_space<hbm>>
    tpu.wait_indirect_dma semaphore(%arg10 : memref<!tpu.dma_semaphore, #tpu.memory_space<semaphore_mem>>) src(%dma_wait3A_283 : memref<100000x64xf32, #tpu.memory_space<hbm>>) dst(%dma_wait3A_278 : memref<128x64xf32, #tpu.memory_space<vmem>>)
    %dma_wait3A_284 = arith.constant 256 : i32
    %dma_wait3A_285 = arith.constant 0 : i32
    %dma_wait3A_286 = tpu.memref_slice %arg6[%dma_wait3A_284, %dma_wait3A_285] : memref<640x64xf32, #tpu.memory_space<vmem>> -> memref<128x64xf32, #tpu.memory_space<vmem>>
    %dma_wait3A_287 = arith.constant 1536 : i32
    %dma_wait3A_288 = tpu.memref_slice %arg5[%dma_wait3A_287] : memref<2560xi32, #tpu.memory_space<vmem>> -> memref<128xi32, #tpu.memory_space<vmem>>
    %dma_wait3A_289 = arith.constant 0 : i32
    %dma_wait3A_290 = arith.constant 0 : i32
    %dma_wait3A_291 = tpu.memref_slice %arg2[%dma_wait3A_289, %dma_wait3A_290] : memref<100000x64xf32, #tpu.memory_space<hbm>> -> memref<100000x64xf32, #tpu.memory_space<hbm>>
    tpu.wait_indirect_dma semaphore(%arg10 : memref<!tpu.dma_semaphore, #tpu.memory_space<semaphore_mem>>) src(%dma_wait3A_291 : memref<100000x64xf32, #tpu.memory_space<hbm>>) dst(%dma_wait3A_286 : memref<128x64xf32, #tpu.memory_space<vmem>>)
    %dma_wait3A_292 = arith.constant 384 : i32
    %dma_wait3A_293 = arith.constant 0 : i32
    %dma_wait3A_294 = tpu.memref_slice %arg6[%dma_wait3A_292, %dma_wait3A_293] : memref<640x64xf32, #tpu.memory_space<vmem>> -> memref<128x64xf32, #tpu.memory_space<vmem>>
    %dma_wait3A_295 = arith.constant 1664 : i32
    %dma_wait3A_296 = tpu.memref_slice %arg5[%dma_wait3A_295] : memref<2560xi32, #tpu.memory_space<vmem>> -> memref<128xi32, #tpu.memory_space<vmem>>
    %dma_wait3A_297 = arith.constant 0 : i32
    %dma_wait3A_298 = arith.constant 0 : i32
    %dma_wait3A_299 = tpu.memref_slice %arg2[%dma_wait3A_297, %dma_wait3A_298] : memref<100000x64xf32, #tpu.memory_space<hbm>> -> memref<100000x64xf32, #tpu.memory_space<hbm>>
    tpu.wait_indirect_dma semaphore(%arg10 : memref<!tpu.dma_semaphore, #tpu.memory_space<semaphore_mem>>) src(%dma_wait3A_299 : memref<100000x64xf32, #tpu.memory_space<hbm>>) dst(%dma_wait3A_294 : memref<128x64xf32, #tpu.memory_space<vmem>>)
    %dma_wait3A_300 = arith.constant 512 : i32
    %dma_wait3A_301 = arith.constant 0 : i32
    %dma_wait3A_302 = tpu.memref_slice %arg6[%dma_wait3A_300, %dma_wait3A_301] : memref<640x64xf32, #tpu.memory_space<vmem>> -> memref<128x64xf32, #tpu.memory_space<vmem>>
    %dma_wait3A_303 = arith.constant 1792 : i32
    %dma_wait3A_304 = tpu.memref_slice %arg5[%dma_wait3A_303] : memref<2560xi32, #tpu.memory_space<vmem>> -> memref<128xi32, #tpu.memory_space<vmem>>
    %dma_wait3A_305 = arith.constant 0 : i32
    %dma_wait3A_306 = arith.constant 0 : i32
    %dma_wait3A_307 = tpu.memref_slice %arg2[%dma_wait3A_305, %dma_wait3A_306] : memref<100000x64xf32, #tpu.memory_space<hbm>> -> memref<100000x64xf32, #tpu.memory_space<hbm>>
    tpu.wait_indirect_dma semaphore(%arg10 : memref<!tpu.dma_semaphore, #tpu.memory_space<semaphore_mem>>) src(%dma_wait3A_307 : memref<100000x64xf32, #tpu.memory_space<hbm>>) dst(%dma_wait3A_302 : memref<128x64xf32, #tpu.memory_space<vmem>>)
    %dma_wait3A_308 = arith.constant 0 : i32
    %dma_wait3A_309 = tpu.memref_slice %arg4[%add3A_129, %dma_wait3A_308] : memref<4096x64xf32, #tpu.memory_space<hbm>> -> memref<32x64xf32, #tpu.memory_space<hbm>>
    %dma_wait3A_310 = arith.constant 0 : i32
    %dma_wait3A_311 = tpu.memref_slice %arg4[%add3A_129, %dma_wait3A_310] : memref<4096x64xf32, #tpu.memory_space<hbm>> -> memref<32x64xf32, #tpu.memory_space<hbm>>
    tpu.wait_dma2 semaphore(%arg12 : memref<!tpu.dma_semaphore, #tpu.memory_space<semaphore_mem>>) src(%arg8 : memref<32x64xf32, #tpu.memory_space<vmem>>) dst(%dma_wait3A_311 : memref<32x64xf32, #tpu.memory_space<hbm>>)
    %scan3A_312 = arith.constant 0 : i32
    %scan3A_313 = arith.constant 0 : i32
    %scan3A_314 = arith.constant 32 : i32
    %scan3A_315 = arith.addi %scan3A_313, %scan3A_314 : i32
    %scan3A_316 = arith.constant 2 : i32
    scf.for %scan3A_392 = %scan3A_313 to %scan3A_315 step %scan3A_316  : i32 {
      %mul3A_393 = arith.constant 20 : i32
      %mul3A_394 = arith.muli %scan3A_392, %mul3A_393 : i32
      %add3A_395 = arith.constant 0 : i32
      %add3A_396 = arith.addi %mul3A_394, %add3A_395 : i32
      %get3A = arith.index_cast %add3A_396 : i32 to index
      %get3A_397 = arith.constant 0 : index
      %get3A_398 = tpu.vector_load %arg6[%get3A, %get3A_397] {strides = array<i32>} : memref<640x64xf32, #tpu.memory_space<vmem>>, vector<1x16xf32>,
      %get3A_399 = vector.shape_cast %get3A_398 : vector<1x16xf32> to vector<16xf32>
      %add3A_400 = arith.constant 0 : i32
      %add3A_401 = arith.addi %mul3A_394, %add3A_400 : i32
      %get3A_402 = arith.index_cast %add3A_401 : i32 to index
      %get3A_403 = arith.constant 16 : index
      %get3A_404 = tpu.vector_load %arg6[%get3A_402, %get3A_403] {strides = array<i32>} : memref<640x64xf32, #tpu.memory_space<vmem>>, vector<1x16xf32>,
      %get3A_405 = vector.shape_cast %get3A_404 : vector<1x16xf32> to vector<16xf32>
      %add3A_406 = arith.constant 0 : i32
      %add3A_407 = arith.addi %mul3A_394, %add3A_406 : i32
      %get3A_408 = arith.index_cast %add3A_407 : i32 to index
      %get3A_409 = arith.constant 32 : index
      %get3A_410 = tpu.vector_load %arg6[%get3A_408, %get3A_409] {strides = array<i32>} : memref<640x64xf32, #tpu.memory_space<vmem>>, vector<1x16xf32>,
      %get3A_411 = vector.shape_cast %get3A_410 : vector<1x16xf32> to vector<16xf32>
      %add3A_412 = arith.constant 0 : i32
      %add3A_413 = arith.addi %mul3A_394, %add3A_412 : i32
      %get3A_414 = arith.index_cast %add3A_413 : i32 to index
      %get3A_415 = arith.constant 48 : index
      %get3A_416 = tpu.vector_load %arg6[%get3A_414, %get3A_415] {strides = array<i32>} : memref<640x64xf32, #tpu.memory_space<vmem>>, vector<1x16xf32>,
      %get3A_417 = vector.shape_cast %get3A_416 : vector<1x16xf32> to vector<16xf32>
      %add3A_418 = arith.constant 1 : i32
      %add3A_419 = arith.addi %mul3A_394, %add3A_418 : i32
      %get3A_420 = arith.index_cast %add3A_419 : i32 to index
      %get3A_421 = arith.constant 0 : index
      %get3A_422 = tpu.vector_load %arg6[%get3A_420, %get3A_421] {strides = array<i32>} : memref<640x64xf32, #tpu.memory_space<vmem>>, vector<1x16xf32>,
      %get3A_423 = vector.shape_cast %get3A_422 : vector<1x16xf32> to vector<16xf32>
      %add3A_424 = arith.constant 1 : i32
      %add3A_425 = arith.addi %mul3A_394, %add3A_424 : i32
      %get3A_426 = arith.index_cast %add3A_425 : i32 to index
      %get3A_427 = arith.constant 16 : index
      %get3A_428 = tpu.vector_load %arg6[%get3A_426, %get3A_427] {strides = array<i32>} : memref<640x64xf32, #tpu.memory_space<vmem>>, vector<1x16xf32>,
      %get3A_429 = vector.shape_cast %get3A_428 : vector<1x16xf32> to vector<16xf32>
      %add3A_430 = arith.constant 1 : i32
      %add3A_431 = arith.addi %mul3A_394, %add3A_430 : i32
      %get3A_432 = arith.index_cast %add3A_431 : i32 to index
      %get3A_433 = arith.constant 32 : index
      %get3A_434 = tpu.vector_load %arg6[%get3A_432, %get3A_433] {strides = array<i32>} : memref<640x64xf32, #tpu.memory_space<vmem>>, vector<1x16xf32>,
      %get3A_435 = vector.shape_cast %get3A_434 : vector<1x16xf32> to vector<16xf32>
      %add3A_436 = arith.constant 1 : i32
      %add3A_437 = arith.addi %mul3A_394, %add3A_436 : i32
      %get3A_438 = arith.index_cast %add3A_437 : i32 to index
      %get3A_439 = arith.constant 48 : index
      %get3A_440 = tpu.vector_load %arg6[%get3A_438, %get3A_439] {strides = array<i32>} : memref<640x64xf32, #tpu.memory_space<vmem>>, vector<1x16xf32>,
      %get3A_441 = vector.shape_cast %get3A_440 : vector<1x16xf32> to vector<16xf32>
      %add3A_442 = arith.constant 2 : i32
      %add3A_443 = arith.addi %mul3A_394, %add3A_442 : i32
      %get3A_444 = arith.index_cast %add3A_443 : i32 to index
      %get3A_445 = arith.constant 0 : index
      %get3A_446 = tpu.vector_load %arg6[%get3A_444, %get3A_445] {strides = array<i32>} : memref<640x64xf32, #tpu.memory_space<vmem>>, vector<1x16xf32>,
      %get3A_447 = vector.shape_cast %get3A_446 : vector<1x16xf32> to vector<16xf32>
      %add3A_448 = arith.constant 2 : i32
      %add3A_449 = arith.addi %mul3A_394, %add3A_448 : i32
      %get3A_450 = arith.index_cast %add3A_449 : i32 to index
      %get3A_451 = arith.constant 16 : index
      %get3A_452 = tpu.vector_load %arg6[%get3A_450, %get3A_451] {strides = array<i32>} : memref<640x64xf32, #tpu.memory_space<vmem>>, vector<1x16xf32>,
      %get3A_453 = vector.shape_cast %get3A_452 : vector<1x16xf32> to vector<16xf32>
      %add3A_454 = arith.constant 2 : i32
      %add3A_455 = arith.addi %mul3A_394, %add3A_454 : i32
      %get3A_456 = arith.index_cast %add3A_455 : i32 to index
      %get3A_457 = arith.constant 32 : index
      %get3A_458 = tpu.vector_load %arg6[%get3A_456, %get3A_457] {strides = array<i32>} : memref<640x64xf32, #tpu.memory_space<vmem>>, vector<1x16xf32>,
      %get3A_459 = vector.shape_cast %get3A_458 : vector<1x16xf32> to vector<16xf32>
      %add3A_460 = arith.constant 2 : i32
      %add3A_461 = arith.addi %mul3A_394, %add3A_460 : i32
      %get3A_462 = arith.index_cast %add3A_461 : i32 to index
      %get3A_463 = arith.constant 48 : index
      %get3A_464 = tpu.vector_load %arg6[%get3A_462, %get3A_463] {strides = array<i32>} : memref<640x64xf32, #tpu.memory_space<vmem>>, vector<1x16xf32>,
      %get3A_465 = vector.shape_cast %get3A_464 : vector<1x16xf32> to vector<16xf32>
      %add3A_466 = arith.constant 3 : i32
      %add3A_467 = arith.addi %mul3A_394, %add3A_466 : i32
      %get3A_468 = arith.index_cast %add3A_467 : i32 to index
      %get3A_469 = arith.constant 0 : index
      %get3A_470 = tpu.vector_load %arg6[%get3A_468, %get3A_469] {strides = array<i32>} : memref<640x64xf32, #tpu.memory_space<vmem>>, vector<1x16xf32>,
      %get3A_471 = vector.shape_cast %get3A_470 : vector<1x16xf32> to vector<16xf32>
      %add3A_472 = arith.constant 3 : i32
      %add3A_473 = arith.addi %mul3A_394, %add3A_472 : i32
      %get3A_474 = arith.index_cast %add3A_473 : i32 to index
      %get3A_475 = arith.constant 16 : index
      %get3A_476 = tpu.vector_load %arg6[%get3A_474, %get3A_475] {strides = array<i32>} : memref<640x64xf32, #tpu.memory_space<vmem>>, vector<1x16xf32>,
      %get3A_477 = vector.shape_cast %get3A_476 : vector<1x16xf32> to vector<16xf32>
      %add3A_478 = arith.constant 3 : i32
      %add3A_479 = arith.addi %mul3A_394, %add3A_478 : i32
      %get3A_480 = arith.index_cast %add3A_479 : i32 to index
      %get3A_481 = arith.constant 32 : index
      %get3A_482 = tpu.vector_load %arg6[%get3A_480, %get3A_481] {strides = array<i32>} : memref<640x64xf32, #tpu.memory_space<vmem>>, vector<1x16xf32>,
      %get3A_483 = vector.shape_cast %get3A_482 : vector<1x16xf32> to vector<16xf32>
      %add3A_484 = arith.constant 3 : i32
      %add3A_485 = arith.addi %mul3A_394, %add3A_484 : i32
      %get3A_486 = arith.index_cast %add3A_485 : i32 to index
      %get3A_487 = arith.constant 48 : index
      %get3A_488 = tpu.vector_load %arg6[%get3A_486, %get3A_487] {strides = array<i32>} : memref<640x64xf32, #tpu.memory_space<vmem>>, vector<1x16xf32>,
      %get3A_489 = vector.shape_cast %get3A_488 : vector<1x16xf32> to vector<16xf32>
      %add3A_490 = arith.constant 4 : i32
      %add3A_491 = arith.addi %mul3A_394, %add3A_490 : i32
      %get3A_492 = arith.index_cast %add3A_491 : i32 to index
      %get3A_493 = arith.constant 0 : index
      %get3A_494 = tpu.vector_load %arg6[%get3A_492, %get3A_493] {strides = array<i32>} : memref<640x64xf32, #tpu.memory_space<vmem>>, vector<1x16xf32>,
      %get3A_495 = vector.shape_cast %get3A_494 : vector<1x16xf32> to vector<16xf32>
      %add3A_496 = arith.constant 4 : i32
      %add3A_497 = arith.addi %mul3A_394, %add3A_496 : i32
      %get3A_498 = arith.index_cast %add3A_497 : i32 to index
      %get3A_499 = arith.constant 16 : index
      %get3A_500 = tpu.vector_load %arg6[%get3A_498, %get3A_499] {strides = array<i32>} : memref<640x64xf32, #tpu.memory_space<vmem>>, vector<1x16xf32>,
      %get3A_501 = vector.shape_cast %get3A_500 : vector<1x16xf32> to vector<16xf32>
      %add3A_502 = arith.constant 4 : i32
      %add3A_503 = arith.addi %mul3A_394, %add3A_502 : i32
      %get3A_504 = arith.index_cast %add3A_503 : i32 to index
      %get3A_505 = arith.constant 32 : index
      %get3A_506 = tpu.vector_load %arg6[%get3A_504, %get3A_505] {strides = array<i32>} : memref<640x64xf32, #tpu.memory_space<vmem>>, vector<1x16xf32>,
      %get3A_507 = vector.shape_cast %get3A_506 : vector<1x16xf32> to vector<16xf32>
      %add3A_508 = arith.constant 4 : i32
      %add3A_509 = arith.addi %mul3A_394, %add3A_508 : i32
      %get3A_510 = arith.index_cast %add3A_509 : i32 to index
      %get3A_511 = arith.constant 48 : index
      %get3A_512 = tpu.vector_load %arg6[%get3A_510, %get3A_511] {strides = array<i32>} : memref<640x64xf32, #tpu.memory_space<vmem>>, vector<1x16xf32>,
      %get3A_513 = vector.shape_cast %get3A_512 : vector<1x16xf32> to vector<16xf32>
      %add3A_514 = arith.constant 5 : i32
      %add3A_515 = arith.addi %mul3A_394, %add3A_514 : i32
      %get3A_516 = arith.index_cast %add3A_515 : i32 to index
      %get3A_517 = arith.constant 0 : index
      %get3A_518 = tpu.vector_load %arg6[%get3A_516, %get3A_517] {strides = array<i32>} : memref<640x64xf32, #tpu.memory_space<vmem>>, vector<1x16xf32>,
      %get3A_519 = vector.shape_cast %get3A_518 : vector<1x16xf32> to vector<16xf32>
      %add3A_520 = arith.constant 5 : i32
      %add3A_521 = arith.addi %mul3A_394, %add3A_520 : i32
      %get3A_522 = arith.index_cast %add3A_521 : i32 to index
      %get3A_523 = arith.constant 16 : index
      %get3A_524 = tpu.vector_load %arg6[%get3A_522, %get3A_523] {strides = array<i32>} : memref<640x64xf32, #tpu.memory_space<vmem>>, vector<1x16xf32>,
      %get3A_525 = vector.shape_cast %get3A_524 : vector<1x16xf32> to vector<16xf32>
      %add3A_526 = arith.constant 5 : i32
      %add3A_527 = arith.addi %mul3A_394, %add3A_526 : i32
      %get3A_528 = arith.index_cast %add3A_527 : i32 to index
      %get3A_529 = arith.constant 32 : index
      %get3A_530 = tpu.vector_load %arg6[%get3A_528, %get3A_529] {strides = array<i32>} : memref<640x64xf32, #tpu.memory_space<vmem>>, vector<1x16xf32>,
      %get3A_531 = vector.shape_cast %get3A_530 : vector<1x16xf32> to vector<16xf32>
      %add3A_532 = arith.constant 5 : i32
      %add3A_533 = arith.addi %mul3A_394, %add3A_532 : i32
      %get3A_534 = arith.index_cast %add3A_533 : i32 to index
      %get3A_535 = arith.constant 48 : index
      %get3A_536 = tpu.vector_load %arg6[%get3A_534, %get3A_535] {strides = array<i32>} : memref<640x64xf32, #tpu.memory_space<vmem>>, vector<1x16xf32>,
      %get3A_537 = vector.shape_cast %get3A_536 : vector<1x16xf32> to vector<16xf32>
      %add3A_538 = arith.constant 6 : i32
      %add3A_539 = arith.addi %mul3A_394, %add3A_538 : i32
      %get3A_540 = arith.index_cast %add3A_539 : i32 to index
      %get3A_541 = arith.constant 0 : index
      %get3A_542 = tpu.vector_load %arg6[%get3A_540, %get3A_541] {strides = array<i32>} : memref<640x64xf32, #tpu.memory_space<vmem>>, vector<1x16xf32>,
      %get3A_543 = vector.shape_cast %get3A_542 : vector<1x16xf32> to vector<16xf32>
      %add3A_544 = arith.constant 6 : i32
      %add3A_545 = arith.addi %mul3A_394, %add3A_544 : i32
      %get3A_546 = arith.index_cast %add3A_545 : i32 to index
      %get3A_547 = arith.constant 16 : index
      %get3A_548 = tpu.vector_load %arg6[%get3A_546, %get3A_547] {strides = array<i32>} : memref<640x64xf32, #tpu.memory_space<vmem>>, vector<1x16xf32>,
      %get3A_549 = vector.shape_cast %get3A_548 : vector<1x16xf32> to vector<16xf32>
      %add3A_550 = arith.constant 6 : i32
      %add3A_551 = arith.addi %mul3A_394, %add3A_550 : i32
      %get3A_552 = arith.index_cast %add3A_551 : i32 to index
      %get3A_553 = arith.constant 32 : index
      %get3A_554 = tpu.vector_load %arg6[%get3A_552, %get3A_553] {strides = array<i32>} : memref<640x64xf32, #tpu.memory_space<vmem>>, vector<1x16xf32>,
      %get3A_555 = vector.shape_cast %get3A_554 : vector<1x16xf32> to vector<16xf32>
      %add3A_556 = arith.constant 6 : i32
      %add3A_557 = arith.addi %mul3A_394, %add3A_556 : i32
      %get3A_558 = arith.index_cast %add3A_557 : i32 to index
      %get3A_559 = arith.constant 48 : index
      %get3A_560 = tpu.vector_load %arg6[%get3A_558, %get3A_559] {strides = array<i32>} : memref<640x64xf32, #tpu.memory_space<vmem>>, vector<1x16xf32>,
      %get3A_561 = vector.shape_cast %get3A_560 : vector<1x16xf32> to vector<16xf32>
      %add3A_562 = arith.constant 7 : i32
      %add3A_563 = arith.addi %mul3A_394, %add3A_562 : i32
      %get3A_564 = arith.index_cast %add3A_563 : i32 to index
      %get3A_565 = arith.constant 0 : index
      %get3A_566 = tpu.vector_load %arg6[%get3A_564, %get3A_565] {strides = array<i32>} : memref<640x64xf32, #tpu.memory_space<vmem>>, vector<1x16xf32>,
      %get3A_567 = vector.shape_cast %get3A_566 : vector<1x16xf32> to vector<16xf32>
      %add3A_568 = arith.constant 7 : i32
      %add3A_569 = arith.addi %mul3A_394, %add3A_568 : i32
      %get3A_570 = arith.index_cast %add3A_569 : i32 to index
      %get3A_571 = arith.constant 16 : index
      %get3A_572 = tpu.vector_load %arg6[%get3A_570, %get3A_571] {strides = array<i32>} : memref<640x64xf32, #tpu.memory_space<vmem>>, vector<1x16xf32>,
      %get3A_573 = vector.shape_cast %get3A_572 : vector<1x16xf32> to vector<16xf32>
      %add3A_574 = arith.constant 7 : i32
      %add3A_575 = arith.addi %mul3A_394, %add3A_574 : i32
      %get3A_576 = arith.index_cast %add3A_575 : i32 to index
      %get3A_577 = arith.constant 32 : index
      %get3A_578 = tpu.vector_load %arg6[%get3A_576, %get3A_577] {strides = array<i32>} : memref<640x64xf32, #tpu.memory_space<vmem>>, vector<1x16xf32>,
      %get3A_579 = vector.shape_cast %get3A_578 : vector<1x16xf32> to vector<16xf32>
      %add3A_580 = arith.constant 7 : i32
      %add3A_581 = arith.addi %mul3A_394, %add3A_580 : i32
      %get3A_582 = arith.index_cast %add3A_581 : i32 to index
      %get3A_583 = arith.constant 48 : index
      %get3A_584 = tpu.vector_load %arg6[%get3A_582, %get3A_583] {strides = array<i32>} : memref<640x64xf32, #tpu.memory_space<vmem>>, vector<1x16xf32>,
      %get3A_585 = vector.shape_cast %get3A_584 : vector<1x16xf32> to vector<16xf32>
      %add3A_586 = arith.constant 8 : i32
      %add3A_587 = arith.addi %mul3A_394, %add3A_586 : i32
      %get3A_588 = arith.index_cast %add3A_587 : i32 to index
      %get3A_589 = arith.constant 0 : index
      %get3A_590 = tpu.vector_load %arg6[%get3A_588, %get3A_589] {strides = array<i32>} : memref<640x64xf32, #tpu.memory_space<vmem>>, vector<1x16xf32>,
      %get3A_591 = vector.shape_cast %get3A_590 : vector<1x16xf32> to vector<16xf32>
      %add3A_592 = arith.constant 8 : i32
      %add3A_593 = arith.addi %mul3A_394, %add3A_592 : i32
      %get3A_594 = arith.index_cast %add3A_593 : i32 to index
      %get3A_595 = arith.constant 16 : index
      %get3A_596 = tpu.vector_load %arg6[%get3A_594, %get3A_595] {strides = array<i32>} : memref<640x64xf32, #tpu.memory_space<vmem>>, vector<1x16xf32>,
      %get3A_597 = vector.shape_cast %get3A_596 : vector<1x16xf32> to vector<16xf32>
      %add3A_598 = arith.constant 8 : i32
      %add3A_599 = arith.addi %mul3A_394, %add3A_598 : i32
      %get3A_600 = arith.index_cast %add3A_599 : i32 to index
      %get3A_601 = arith.constant 32 : index
      %get3A_602 = tpu.vector_load %arg6[%get3A_600, %get3A_601] {strides = array<i32>} : memref<640x64xf32, #tpu.memory_space<vmem>>, vector<1x16xf32>,
      %get3A_603 = vector.shape_cast %get3A_602 : vector<1x16xf32> to vector<16xf32>
      %add3A_604 = arith.constant 8 : i32
      %add3A_605 = arith.addi %mul3A_394, %add3A_604 : i32
      %get3A_606 = arith.index_cast %add3A_605 : i32 to index
      %get3A_607 = arith.constant 48 : index
      %get3A_608 = tpu.vector_load %arg6[%get3A_606, %get3A_607] {strides = array<i32>} : memref<640x64xf32, #tpu.memory_space<vmem>>, vector<1x16xf32>,
      %get3A_609 = vector.shape_cast %get3A_608 : vector<1x16xf32> to vector<16xf32>
      %add3A_610 = arith.constant 9 : i32
      %add3A_611 = arith.addi %mul3A_394, %add3A_610 : i32
      %get3A_612 = arith.index_cast %add3A_611 : i32 to index
      %get3A_613 = arith.constant 0 : index
      %get3A_614 = tpu.vector_load %arg6[%get3A_612, %get3A_613] {strides = array<i32>} : memref<640x64xf32, #tpu.memory_space<vmem>>, vector<1x16xf32>,
      %get3A_615 = vector.shape_cast %get3A_614 : vector<1x16xf32> to vector<16xf32>
      %add3A_616 = arith.constant 9 : i32
      %add3A_617 = arith.addi %mul3A_394, %add3A_616 : i32
      %get3A_618 = arith.index_cast %add3A_617 : i32 to index
      %get3A_619 = arith.constant 16 : index
      %get3A_620 = tpu.vector_load %arg6[%get3A_618, %get3A_619] {strides = array<i32>} : memref<640x64xf32, #tpu.memory_space<vmem>>, vector<1x16xf32>,
      %get3A_621 = vector.shape_cast %get3A_620 : vector<1x16xf32> to vector<16xf32>
      %add3A_622 = arith.constant 9 : i32
      %add3A_623 = arith.addi %mul3A_394, %add3A_622 : i32
      %get3A_624 = arith.index_cast %add3A_623 : i32 to index
      %get3A_625 = arith.constant 32 : index
      %get3A_626 = tpu.vector_load %arg6[%get3A_624, %get3A_625] {strides = array<i32>} : memref<640x64xf32, #tpu.memory_space<vmem>>, vector<1x16xf32>,
      %get3A_627 = vector.shape_cast %get3A_626 : vector<1x16xf32> to vector<16xf32>
      %add3A_628 = arith.constant 9 : i32
      %add3A_629 = arith.addi %mul3A_394, %add3A_628 : i32
      %get3A_630 = arith.index_cast %add3A_629 : i32 to index
      %get3A_631 = arith.constant 48 : index
      %get3A_632 = tpu.vector_load %arg6[%get3A_630, %get3A_631] {strides = array<i32>} : memref<640x64xf32, #tpu.memory_space<vmem>>, vector<1x16xf32>,
      %get3A_633 = vector.shape_cast %get3A_632 : vector<1x16xf32> to vector<16xf32>
      %add3A_634 = arith.constant 10 : i32
      %add3A_635 = arith.addi %mul3A_394, %add3A_634 : i32
      %get3A_636 = arith.index_cast %add3A_635 : i32 to index
      %get3A_637 = arith.constant 0 : index
      %get3A_638 = tpu.vector_load %arg6[%get3A_636, %get3A_637] {strides = array<i32>} : memref<640x64xf32, #tpu.memory_space<vmem>>, vector<1x16xf32>,
      %get3A_639 = vector.shape_cast %get3A_638 : vector<1x16xf32> to vector<16xf32>
      %add3A_640 = arith.constant 10 : i32
      %add3A_641 = arith.addi %mul3A_394, %add3A_640 : i32
      %get3A_642 = arith.index_cast %add3A_641 : i32 to index
      %get3A_643 = arith.constant 16 : index
      %get3A_644 = tpu.vector_load %arg6[%get3A_642, %get3A_643] {strides = array<i32>} : memref<640x64xf32, #tpu.memory_space<vmem>>, vector<1x16xf32>,
      %get3A_645 = vector.shape_cast %get3A_644 : vector<1x16xf32> to vector<16xf32>
      %add3A_646 = arith.constant 10 : i32
      %add3A_647 = arith.addi %mul3A_394, %add3A_646 : i32
      %get3A_648 = arith.index_cast %add3A_647 : i32 to index
      %get3A_649 = arith.constant 32 : index
      %get3A_650 = tpu.vector_load %arg6[%get3A_648, %get3A_649] {strides = array<i32>} : memref<640x64xf32, #tpu.memory_space<vmem>>, vector<1x16xf32>,
      %get3A_651 = vector.shape_cast %get3A_650 : vector<1x16xf32> to vector<16xf32>
      %add3A_652 = arith.constant 10 : i32
      %add3A_653 = arith.addi %mul3A_394, %add3A_652 : i32
      %get3A_654 = arith.index_cast %add3A_653 : i32 to index
      %get3A_655 = arith.constant 48 : index
      %get3A_656 = tpu.vector_load %arg6[%get3A_654, %get3A_655] {strides = array<i32>} : memref<640x64xf32, #tpu.memory_space<vmem>>, vector<1x16xf32>,
      %get3A_657 = vector.shape_cast %get3A_656 : vector<1x16xf32> to vector<16xf32>
      %add3A_658 = arith.constant 11 : i32
      %add3A_659 = arith.addi %mul3A_394, %add3A_658 : i32
      %get3A_660 = arith.index_cast %add3A_659 : i32 to index
      %get3A_661 = arith.constant 0 : index
      %get3A_662 = tpu.vector_load %arg6[%get3A_660, %get3A_661] {strides = array<i32>} : memref<640x64xf32, #tpu.memory_space<vmem>>, vector<1x16xf32>,
      %get3A_663 = vector.shape_cast %get3A_662 : vector<1x16xf32> to vector<16xf32>
      %add3A_664 = arith.constant 11 : i32
      %add3A_665 = arith.addi %mul3A_394, %add3A_664 : i32
      %get3A_666 = arith.index_cast %add3A_665 : i32 to index
      %get3A_667 = arith.constant 16 : index
      %get3A_668 = tpu.vector_load %arg6[%get3A_666, %get3A_667] {strides = array<i32>} : memref<640x64xf32, #tpu.memory_space<vmem>>, vector<1x16xf32>,
      %get3A_669 = vector.shape_cast %get3A_668 : vector<1x16xf32> to vector<16xf32>
      %add3A_670 = arith.constant 11 : i32
      %add3A_671 = arith.addi %mul3A_394, %add3A_670 : i32
      %get3A_672 = arith.index_cast %add3A_671 : i32 to index
      %get3A_673 = arith.constant 32 : index
      %get3A_674 = tpu.vector_load %arg6[%get3A_672, %get3A_673] {strides = array<i32>} : memref<640x64xf32, #tpu.memory_space<vmem>>, vector<1x16xf32>,
      %get3A_675 = vector.shape_cast %get3A_674 : vector<1x16xf32> to vector<16xf32>
      %add3A_676 = arith.constant 11 : i32
      %add3A_677 = arith.addi %mul3A_394, %add3A_676 : i32
      %get3A_678 = arith.index_cast %add3A_677 : i32 to index
      %get3A_679 = arith.constant 48 : index
      %get3A_680 = tpu.vector_load %arg6[%get3A_678, %get3A_679] {strides = array<i32>} : memref<640x64xf32, #tpu.memory_space<vmem>>, vector<1x16xf32>,
      %get3A_681 = vector.shape_cast %get3A_680 : vector<1x16xf32> to vector<16xf32>
      %add3A_682 = arith.constant 12 : i32
      %add3A_683 = arith.addi %mul3A_394, %add3A_682 : i32
      %get3A_684 = arith.index_cast %add3A_683 : i32 to index
      %get3A_685 = arith.constant 0 : index
      %get3A_686 = tpu.vector_load %arg6[%get3A_684, %get3A_685] {strides = array<i32>} : memref<640x64xf32, #tpu.memory_space<vmem>>, vector<1x16xf32>,
      %get3A_687 = vector.shape_cast %get3A_686 : vector<1x16xf32> to vector<16xf32>
      %add3A_688 = arith.constant 12 : i32
      %add3A_689 = arith.addi %mul3A_394, %add3A_688 : i32
      %get3A_690 = arith.index_cast %add3A_689 : i32 to index
      %get3A_691 = arith.constant 16 : index
      %get3A_692 = tpu.vector_load %arg6[%get3A_690, %get3A_691] {strides = array<i32>} : memref<640x64xf32, #tpu.memory_space<vmem>>, vector<1x16xf32>,
      %get3A_693 = vector.shape_cast %get3A_692 : vector<1x16xf32> to vector<16xf32>
      %add3A_694 = arith.constant 12 : i32
      %add3A_695 = arith.addi %mul3A_394, %add3A_694 : i32
      %get3A_696 = arith.index_cast %add3A_695 : i32 to index
      %get3A_697 = arith.constant 32 : index
      %get3A_698 = tpu.vector_load %arg6[%get3A_696, %get3A_697] {strides = array<i32>} : memref<640x64xf32, #tpu.memory_space<vmem>>, vector<1x16xf32>,
      %get3A_699 = vector.shape_cast %get3A_698 : vector<1x16xf32> to vector<16xf32>
      %add3A_700 = arith.constant 12 : i32
      %add3A_701 = arith.addi %mul3A_394, %add3A_700 : i32
      %get3A_702 = arith.index_cast %add3A_701 : i32 to index
      %get3A_703 = arith.constant 48 : index
      %get3A_704 = tpu.vector_load %arg6[%get3A_702, %get3A_703] {strides = array<i32>} : memref<640x64xf32, #tpu.memory_space<vmem>>, vector<1x16xf32>,
      %get3A_705 = vector.shape_cast %get3A_704 : vector<1x16xf32> to vector<16xf32>
      %add3A_706 = arith.constant 13 : i32
      %add3A_707 = arith.addi %mul3A_394, %add3A_706 : i32
      %get3A_708 = arith.index_cast %add3A_707 : i32 to index
      %get3A_709 = arith.constant 0 : index
      %get3A_710 = tpu.vector_load %arg6[%get3A_708, %get3A_709] {strides = array<i32>} : memref<640x64xf32, #tpu.memory_space<vmem>>, vector<1x16xf32>,
      %get3A_711 = vector.shape_cast %get3A_710 : vector<1x16xf32> to vector<16xf32>
      %add3A_712 = arith.constant 13 : i32
      %add3A_713 = arith.addi %mul3A_394, %add3A_712 : i32
      %get3A_714 = arith.index_cast %add3A_713 : i32 to index
      %get3A_715 = arith.constant 16 : index
      %get3A_716 = tpu.vector_load %arg6[%get3A_714, %get3A_715] {strides = array<i32>} : memref<640x64xf32, #tpu.memory_space<vmem>>, vector<1x16xf32>,
      %get3A_717 = vector.shape_cast %get3A_716 : vector<1x16xf32> to vector<16xf32>
      %add3A_718 = arith.constant 13 : i32
      %add3A_719 = arith.addi %mul3A_394, %add3A_718 : i32
      %get3A_720 = arith.index_cast %add3A_719 : i32 to index
      %get3A_721 = arith.constant 32 : index
      %get3A_722 = tpu.vector_load %arg6[%get3A_720, %get3A_721] {strides = array<i32>} : memref<640x64xf32, #tpu.memory_space<vmem>>, vector<1x16xf32>,
      %get3A_723 = vector.shape_cast %get3A_722 : vector<1x16xf32> to vector<16xf32>
      %add3A_724 = arith.constant 13 : i32
      %add3A_725 = arith.addi %mul3A_394, %add3A_724 : i32
      %get3A_726 = arith.index_cast %add3A_725 : i32 to index
      %get3A_727 = arith.constant 48 : index
      %get3A_728 = tpu.vector_load %arg6[%get3A_726, %get3A_727] {strides = array<i32>} : memref<640x64xf32, #tpu.memory_space<vmem>>, vector<1x16xf32>,
      %get3A_729 = vector.shape_cast %get3A_728 : vector<1x16xf32> to vector<16xf32>
      %add3A_730 = arith.constant 14 : i32
      %add3A_731 = arith.addi %mul3A_394, %add3A_730 : i32
      %get3A_732 = arith.index_cast %add3A_731 : i32 to index
      %get3A_733 = arith.constant 0 : index
      %get3A_734 = tpu.vector_load %arg6[%get3A_732, %get3A_733] {strides = array<i32>} : memref<640x64xf32, #tpu.memory_space<vmem>>, vector<1x16xf32>,
      %get3A_735 = vector.shape_cast %get3A_734 : vector<1x16xf32> to vector<16xf32>
      %add3A_736 = arith.constant 14 : i32
      %add3A_737 = arith.addi %mul3A_394, %add3A_736 : i32
      %get3A_738 = arith.index_cast %add3A_737 : i32 to index
      %get3A_739 = arith.constant 16 : index
      %get3A_740 = tpu.vector_load %arg6[%get3A_738, %get3A_739] {strides = array<i32>} : memref<640x64xf32, #tpu.memory_space<vmem>>, vector<1x16xf32>,
      %get3A_741 = vector.shape_cast %get3A_740 : vector<1x16xf32> to vector<16xf32>
      %add3A_742 = arith.constant 14 : i32
      %add3A_743 = arith.addi %mul3A_394, %add3A_742 : i32
      %get3A_744 = arith.index_cast %add3A_743 : i32 to index
      %get3A_745 = arith.constant 32 : index
      %get3A_746 = tpu.vector_load %arg6[%get3A_744, %get3A_745] {strides = array<i32>} : memref<640x64xf32, #tpu.memory_space<vmem>>, vector<1x16xf32>,
      %get3A_747 = vector.shape_cast %get3A_746 : vector<1x16xf32> to vector<16xf32>
      %add3A_748 = arith.constant 14 : i32
      %add3A_749 = arith.addi %mul3A_394, %add3A_748 : i32
      %get3A_750 = arith.index_cast %add3A_749 : i32 to index
      %get3A_751 = arith.constant 48 : index
      %get3A_752 = tpu.vector_load %arg6[%get3A_750, %get3A_751] {strides = array<i32>} : memref<640x64xf32, #tpu.memory_space<vmem>>, vector<1x16xf32>,
      %get3A_753 = vector.shape_cast %get3A_752 : vector<1x16xf32> to vector<16xf32>
      %add3A_754 = arith.constant 15 : i32
      %add3A_755 = arith.addi %mul3A_394, %add3A_754 : i32
      %get3A_756 = arith.index_cast %add3A_755 : i32 to index
      %get3A_757 = arith.constant 0 : index
      %get3A_758 = tpu.vector_load %arg6[%get3A_756, %get3A_757] {strides = array<i32>} : memref<640x64xf32, #tpu.memory_space<vmem>>, vector<1x16xf32>,
      %get3A_759 = vector.shape_cast %get3A_758 : vector<1x16xf32> to vector<16xf32>
      %add3A_760 = arith.constant 15 : i32
      %add3A_761 = arith.addi %mul3A_394, %add3A_760 : i32
      %get3A_762 = arith.index_cast %add3A_761 : i32 to index
      %get3A_763 = arith.constant 16 : index
      %get3A_764 = tpu.vector_load %arg6[%get3A_762, %get3A_763] {strides = array<i32>} : memref<640x64xf32, #tpu.memory_space<vmem>>, vector<1x16xf32>,
      %get3A_765 = vector.shape_cast %get3A_764 : vector<1x16xf32> to vector<16xf32>
      %add3A_766 = arith.constant 15 : i32
      %add3A_767 = arith.addi %mul3A_394, %add3A_766 : i32
      %get3A_768 = arith.index_cast %add3A_767 : i32 to index
      %get3A_769 = arith.constant 32 : index
      %get3A_770 = tpu.vector_load %arg6[%get3A_768, %get3A_769] {strides = array<i32>} : memref<640x64xf32, #tpu.memory_space<vmem>>, vector<1x16xf32>,
      %get3A_771 = vector.shape_cast %get3A_770 : vector<1x16xf32> to vector<16xf32>
      %add3A_772 = arith.constant 15 : i32
      %add3A_773 = arith.addi %mul3A_394, %add3A_772 : i32
      %get3A_774 = arith.index_cast %add3A_773 : i32 to index
      %get3A_775 = arith.constant 48 : index
      %get3A_776 = tpu.vector_load %arg6[%get3A_774, %get3A_775] {strides = array<i32>} : memref<640x64xf32, #tpu.memory_space<vmem>>, vector<1x16xf32>,
      %get3A_777 = vector.shape_cast %get3A_776 : vector<1x16xf32> to vector<16xf32>
      %add3A_778 = arith.constant 16 : i32
      %add3A_779 = arith.addi %mul3A_394, %add3A_778 : i32
      %get3A_780 = arith.index_cast %add3A_779 : i32 to index
      %get3A_781 = arith.constant 0 : index
      %get3A_782 = tpu.vector_load %arg6[%get3A_780, %get3A_781] {strides = array<i32>} : memref<640x64xf32, #tpu.memory_space<vmem>>, vector<1x16xf32>,
      %get3A_783 = vector.shape_cast %get3A_782 : vector<1x16xf32> to vector<16xf32>
      %add3A_784 = arith.constant 16 : i32
      %add3A_785 = arith.addi %mul3A_394, %add3A_784 : i32
      %get3A_786 = arith.index_cast %add3A_785 : i32 to index
      %get3A_787 = arith.constant 16 : index
      %get3A_788 = tpu.vector_load %arg6[%get3A_786, %get3A_787] {strides = array<i32>} : memref<640x64xf32, #tpu.memory_space<vmem>>, vector<1x16xf32>,
      %get3A_789 = vector.shape_cast %get3A_788 : vector<1x16xf32> to vector<16xf32>
      %add3A_790 = arith.constant 16 : i32
      %add3A_791 = arith.addi %mul3A_394, %add3A_790 : i32
      %get3A_792 = arith.index_cast %add3A_791 : i32 to index
      %get3A_793 = arith.constant 32 : index
      %get3A_794 = tpu.vector_load %arg6[%get3A_792, %get3A_793] {strides = array<i32>} : memref<640x64xf32, #tpu.memory_space<vmem>>, vector<1x16xf32>,
      %get3A_795 = vector.shape_cast %get3A_794 : vector<1x16xf32> to vector<16xf32>
      %add3A_796 = arith.constant 16 : i32
      %add3A_797 = arith.addi %mul3A_394, %add3A_796 : i32
      %get3A_798 = arith.index_cast %add3A_797 : i32 to index
      %get3A_799 = arith.constant 48 : index
      %get3A_800 = tpu.vector_load %arg6[%get3A_798, %get3A_799] {strides = array<i32>} : memref<640x64xf32, #tpu.memory_space<vmem>>, vector<1x16xf32>,
      %get3A_801 = vector.shape_cast %get3A_800 : vector<1x16xf32> to vector<16xf32>
      %add3A_802 = arith.constant 17 : i32
      %add3A_803 = arith.addi %mul3A_394, %add3A_802 : i32
      %get3A_804 = arith.index_cast %add3A_803 : i32 to index
      %get3A_805 = arith.constant 0 : index
      %get3A_806 = tpu.vector_load %arg6[%get3A_804, %get3A_805] {strides = array<i32>} : memref<640x64xf32, #tpu.memory_space<vmem>>, vector<1x16xf32>,
      %get3A_807 = vector.shape_cast %get3A_806 : vector<1x16xf32> to vector<16xf32>
      %add3A_808 = arith.constant 17 : i32
      %add3A_809 = arith.addi %mul3A_394, %add3A_808 : i32
      %get3A_810 = arith.index_cast %add3A_809 : i32 to index
      %get3A_811 = arith.constant 16 : index
      %get3A_812 = tpu.vector_load %arg6[%get3A_810, %get3A_811] {strides = array<i32>} : memref<640x64xf32, #tpu.memory_space<vmem>>, vector<1x16xf32>,
      %get3A_813 = vector.shape_cast %get3A_812 : vector<1x16xf32> to vector<16xf32>
      %add3A_814 = arith.constant 17 : i32
      %add3A_815 = arith.addi %mul3A_394, %add3A_814 : i32
      %get3A_816 = arith.index_cast %add3A_815 : i32 to index
      %get3A_817 = arith.constant 32 : index
      %get3A_818 = tpu.vector_load %arg6[%get3A_816, %get3A_817] {strides = array<i32>} : memref<640x64xf32, #tpu.memory_space<vmem>>, vector<1x16xf32>,
      %get3A_819 = vector.shape_cast %get3A_818 : vector<1x16xf32> to vector<16xf32>
      %add3A_820 = arith.constant 17 : i32
      %add3A_821 = arith.addi %mul3A_394, %add3A_820 : i32
      %get3A_822 = arith.index_cast %add3A_821 : i32 to index
      %get3A_823 = arith.constant 48 : index
      %get3A_824 = tpu.vector_load %arg6[%get3A_822, %get3A_823] {strides = array<i32>} : memref<640x64xf32, #tpu.memory_space<vmem>>, vector<1x16xf32>,
      %get3A_825 = vector.shape_cast %get3A_824 : vector<1x16xf32> to vector<16xf32>
      %add3A_826 = arith.constant 18 : i32
      %add3A_827 = arith.addi %mul3A_394, %add3A_826 : i32
      %get3A_828 = arith.index_cast %add3A_827 : i32 to index
      %get3A_829 = arith.constant 0 : index
      %get3A_830 = tpu.vector_load %arg6[%get3A_828, %get3A_829] {strides = array<i32>} : memref<640x64xf32, #tpu.memory_space<vmem>>, vector<1x16xf32>,
      %get3A_831 = vector.shape_cast %get3A_830 : vector<1x16xf32> to vector<16xf32>
      %add3A_832 = arith.constant 18 : i32
      %add3A_833 = arith.addi %mul3A_394, %add3A_832 : i32
      %get3A_834 = arith.index_cast %add3A_833 : i32 to index
      %get3A_835 = arith.constant 16 : index
      %get3A_836 = tpu.vector_load %arg6[%get3A_834, %get3A_835] {strides = array<i32>} : memref<640x64xf32, #tpu.memory_space<vmem>>, vector<1x16xf32>,
      %get3A_837 = vector.shape_cast %get3A_836 : vector<1x16xf32> to vector<16xf32>
      %add3A_838 = arith.constant 18 : i32
      %add3A_839 = arith.addi %mul3A_394, %add3A_838 : i32
      %get3A_840 = arith.index_cast %add3A_839 : i32 to index
      %get3A_841 = arith.constant 32 : index
      %get3A_842 = tpu.vector_load %arg6[%get3A_840, %get3A_841] {strides = array<i32>} : memref<640x64xf32, #tpu.memory_space<vmem>>, vector<1x16xf32>,
      %get3A_843 = vector.shape_cast %get3A_842 : vector<1x16xf32> to vector<16xf32>
      %add3A_844 = arith.constant 18 : i32
      %add3A_845 = arith.addi %mul3A_394, %add3A_844 : i32
      %get3A_846 = arith.index_cast %add3A_845 : i32 to index
      %get3A_847 = arith.constant 48 : index
      %get3A_848 = tpu.vector_load %arg6[%get3A_846, %get3A_847] {strides = array<i32>} : memref<640x64xf32, #tpu.memory_space<vmem>>, vector<1x16xf32>,
      %get3A_849 = vector.shape_cast %get3A_848 : vector<1x16xf32> to vector<16xf32>
      %add3A_850 = arith.constant 19 : i32
      %add3A_851 = arith.addi %mul3A_394, %add3A_850 : i32
      %get3A_852 = arith.index_cast %add3A_851 : i32 to index
      %get3A_853 = arith.constant 0 : index
      %get3A_854 = tpu.vector_load %arg6[%get3A_852, %get3A_853] {strides = array<i32>} : memref<640x64xf32, #tpu.memory_space<vmem>>, vector<1x16xf32>,
      %get3A_855 = vector.shape_cast %get3A_854 : vector<1x16xf32> to vector<16xf32>
      %add3A_856 = arith.constant 19 : i32
      %add3A_857 = arith.addi %mul3A_394, %add3A_856 : i32
      %get3A_858 = arith.index_cast %add3A_857 : i32 to index
      %get3A_859 = arith.constant 16 : index
      %get3A_860 = tpu.vector_load %arg6[%get3A_858, %get3A_859] {strides = array<i32>} : memref<640x64xf32, #tpu.memory_space<vmem>>, vector<1x16xf32>,
      %get3A_861 = vector.shape_cast %get3A_860 : vector<1x16xf32> to vector<16xf32>
      %add3A_862 = arith.constant 19 : i32
      %add3A_863 = arith.addi %mul3A_394, %add3A_862 : i32
      %get3A_864 = arith.index_cast %add3A_863 : i32 to index
      %get3A_865 = arith.constant 32 : index
      %get3A_866 = tpu.vector_load %arg6[%get3A_864, %get3A_865] {strides = array<i32>} : memref<640x64xf32, #tpu.memory_space<vmem>>, vector<1x16xf32>,
      %get3A_867 = vector.shape_cast %get3A_866 : vector<1x16xf32> to vector<16xf32>
      %add3A_868 = arith.constant 19 : i32
      %add3A_869 = arith.addi %mul3A_394, %add3A_868 : i32
      %get3A_870 = arith.index_cast %add3A_869 : i32 to index
      %get3A_871 = arith.constant 48 : index
      %get3A_872 = tpu.vector_load %arg6[%get3A_870, %get3A_871] {strides = array<i32>} : memref<640x64xf32, #tpu.memory_space<vmem>>, vector<1x16xf32>,
      %get3A_873 = vector.shape_cast %get3A_872 : vector<1x16xf32> to vector<16xf32>
      %add3A_874 = arith.addf %get3A_399, %get3A_423 : vector<16xf32>
      %add3A_875 = arith.addf %get3A_447, %get3A_471 : vector<16xf32>
      %add3A_876 = arith.addf %get3A_495, %get3A_519 : vector<16xf32>
      %add3A_877 = arith.addf %get3A_543, %get3A_567 : vector<16xf32>
      %add3A_878 = arith.addf %get3A_591, %get3A_615 : vector<16xf32>
      %add3A_879 = arith.addf %get3A_639, %get3A_663 : vector<16xf32>
      %add3A_880 = arith.addf %get3A_687, %get3A_711 : vector<16xf32>
      %add3A_881 = arith.addf %get3A_735, %get3A_759 : vector<16xf32>
      %add3A_882 = arith.addf %get3A_783, %get3A_807 : vector<16xf32>
      %add3A_883 = arith.addf %get3A_831, %get3A_855 : vector<16xf32>
      %add3A_884 = arith.addf %add3A_874, %add3A_875 : vector<16xf32>
      %add3A_885 = arith.addf %add3A_876, %add3A_877 : vector<16xf32>
      %add3A_886 = arith.addf %add3A_878, %add3A_879 : vector<16xf32>
      %add3A_887 = arith.addf %add3A_880, %add3A_881 : vector<16xf32>
      %add3A_888 = arith.addf %add3A_882, %add3A_883 : vector<16xf32>
      %add3A_889 = arith.addf %add3A_884, %add3A_885 : vector<16xf32>
      %add3A_890 = arith.addf %add3A_886, %add3A_887 : vector<16xf32>
      %add3A_891 = arith.addf %add3A_889, %add3A_890 : vector<16xf32>
      %add3A_892 = arith.addf %add3A_891, %add3A_888 : vector<16xf32>
      %swap3A = arith.index_cast %scan3A_392 : i32 to index
      %swap3A_893 = arith.constant 0 : index
      %swap3A_894 = tpu.vector_load %arg8[%swap3A, %swap3A_893] {strides = array<i32>} : memref<32x64xf32, #tpu.memory_space<vmem>>, vector<1x16xf32>,
      %swap3A_895 = vector.shape_cast %swap3A_894 : vector<1x16xf32> to vector<16xf32>
      %swap3A_896 = vector.shape_cast %add3A_892 : vector<16xf32> to vector<1x16xf32>
      tpu.vector_store %arg8[%swap3A, %swap3A_893], %swap3A_896 {strides = array<i32>} : memref<32x64xf32, #tpu.memory_space<vmem>>, vector<1x16xf32>,
      %add3A_897 = arith.addf %get3A_405, %get3A_429 : vector<16xf32>
      %add3A_898 = arith.addf %get3A_453, %get3A_477 : vector<16xf32>
      %add3A_899 = arith.addf %get3A_501, %get3A_525 : vector<16xf32>
      %add3A_900 = arith.addf %get3A_549, %get3A_573 : vector<16xf32>
      %add3A_901 = arith.addf %get3A_597, %get3A_621 : vector<16xf32>
      %add3A_902 = arith.addf %get3A_645, %get3A_669 : vector<16xf32>
      %add3A_903 = arith.addf %get3A_693, %get3A_717 : vector<16xf32>
      %add3A_904 = arith.addf %get3A_741, %get3A_765 : vector<16xf32>
      %add3A_905 = arith.addf %get3A_789, %get3A_813 : vector<16xf32>
      %add3A_906 = arith.addf %get3A_837, %get3A_861 : vector<16xf32>
      %add3A_907 = arith.addf %add3A_897, %add3A_898 : vector<16xf32>
      %add3A_908 = arith.addf %add3A_899, %add3A_900 : vector<16xf32>
      %add3A_909 = arith.addf %add3A_901, %add3A_902 : vector<16xf32>
      %add3A_910 = arith.addf %add3A_903, %add3A_904 : vector<16xf32>
      %add3A_911 = arith.addf %add3A_905, %add3A_906 : vector<16xf32>
      %add3A_912 = arith.addf %add3A_907, %add3A_908 : vector<16xf32>
      %add3A_913 = arith.addf %add3A_909, %add3A_910 : vector<16xf32>
      %add3A_914 = arith.addf %add3A_912, %add3A_913 : vector<16xf32>
      %add3A_915 = arith.addf %add3A_914, %add3A_911 : vector<16xf32>
      %swap3A_916 = arith.index_cast %scan3A_392 : i32 to index
      %swap3A_917 = arith.constant 16 : index
      %swap3A_918 = tpu.vector_load %arg8[%swap3A_916, %swap3A_917] {strides = array<i32>} : memref<32x64xf32, #tpu.memory_space<vmem>>, vector<1x16xf32>,
      %swap3A_919 = vector.shape_cast %swap3A_918 : vector<1x16xf32> to vector<16xf32>
      %swap3A_920 = vector.shape_cast %add3A_915 : vector<16xf32> to vector<1x16xf32>
      tpu.vector_store %arg8[%swap3A_916, %swap3A_917], %swap3A_920 {strides = array<i32>} : memref<32x64xf32, #tpu.memory_space<vmem>>, vector<1x16xf32>,
      %add3A_921 = arith.addf %get3A_411, %get3A_435 : vector<16xf32>
      %add3A_922 = arith.addf %get3A_459, %get3A_483 : vector<16xf32>
      %add3A_923 = arith.addf %get3A_507, %get3A_531 : vector<16xf32>
      %add3A_924 = arith.addf %get3A_555, %get3A_579 : vector<16xf32>
      %add3A_925 = arith.addf %get3A_603, %get3A_627 : vector<16xf32>
      %add3A_926 = arith.addf %get3A_651, %get3A_675 : vector<16xf32>
      %add3A_927 = arith.addf %get3A_699, %get3A_723 : vector<16xf32>
      %add3A_928 = arith.addf %get3A_747, %get3A_771 : vector<16xf32>
      %add3A_929 = arith.addf %get3A_795, %get3A_819 : vector<16xf32>
      %add3A_930 = arith.addf %get3A_843, %get3A_867 : vector<16xf32>
      %add3A_931 = arith.addf %add3A_921, %add3A_922 : vector<16xf32>
      %add3A_932 = arith.addf %add3A_923, %add3A_924 : vector<16xf32>
      %add3A_933 = arith.addf %add3A_925, %add3A_926 : vector<16xf32>
      %add3A_934 = arith.addf %add3A_927, %add3A_928 : vector<16xf32>
      %add3A_935 = arith.addf %add3A_929, %add3A_930 : vector<16xf32>
      %add3A_936 = arith.addf %add3A_931, %add3A_932 : vector<16xf32>
      %add3A_937 = arith.addf %add3A_933, %add3A_934 : vector<16xf32>
      %add3A_938 = arith.addf %add3A_936, %add3A_937 : vector<16xf32>
      %add3A_939 = arith.addf %add3A_938, %add3A_935 : vector<16xf32>
      %swap3A_940 = arith.index_cast %scan3A_392 : i32 to index
      %swap3A_941 = arith.constant 32 : index
      %swap3A_942 = tpu.vector_load %arg8[%swap3A_940, %swap3A_941] {strides = array<i32>} : memref<32x64xf32, #tpu.memory_space<vmem>>, vector<1x16xf32>,
      %swap3A_943 = vector.shape_cast %swap3A_942 : vector<1x16xf32> to vector<16xf32>
      %swap3A_944 = vector.shape_cast %add3A_939 : vector<16xf32> to vector<1x16xf32>
      tpu.vector_store %arg8[%swap3A_940, %swap3A_941], %swap3A_944 {strides = array<i32>} : memref<32x64xf32, #tpu.memory_space<vmem>>, vector<1x16xf32>,
      %add3A_945 = arith.addf %get3A_417, %get3A_441 : vector<16xf32>
      %add3A_946 = arith.addf %get3A_465, %get3A_489 : vector<16xf32>
      %add3A_947 = arith.addf %get3A_513, %get3A_537 : vector<16xf32>
      %add3A_948 = arith.addf %get3A_561, %get3A_585 : vector<16xf32>
      %add3A_949 = arith.addf %get3A_609, %get3A_633 : vector<16xf32>
      %add3A_950 = arith.addf %get3A_657, %get3A_681 : vector<16xf32>
      %add3A_951 = arith.addf %get3A_705, %get3A_729 : vector<16xf32>
      %add3A_952 = arith.addf %get3A_753, %get3A_777 : vector<16xf32>
      %add3A_953 = arith.addf %get3A_801, %get3A_825 : vector<16xf32>
      %add3A_954 = arith.addf %get3A_849, %get3A_873 : vector<16xf32>
      %add3A_955 = arith.addf %add3A_945, %add3A_946 : vector<16xf32>
      %add3A_956 = arith.addf %add3A_947, %add3A_948 : vector<16xf32>
      %add3A_957 = arith.addf %add3A_949, %add3A_950 : vector<16xf32>
      %add3A_958 = arith.addf %add3A_951, %add3A_952 : vector<16xf32>
      %add3A_959 = arith.addf %add3A_953, %add3A_954 : vector<16xf32>
      %add3A_960 = arith.addf %add3A_955, %add3A_956 : vector<16xf32>
      %add3A_961 = arith.addf %add3A_957, %add3A_958 : vector<16xf32>
      %add3A_962 = arith.addf %add3A_960, %add3A_961 : vector<16xf32>
      %add3A_963 = arith.addf %add3A_962, %add3A_959 : vector<16xf32>
      %swap3A_964 = arith.index_cast %scan3A_392 : i32 to index
      %swap3A_965 = arith.constant 48 : index
      %swap3A_966 = tpu.vector_load %arg8[%swap3A_964, %swap3A_965] {strides = array<i32>} : memref<32x64xf32, #tpu.memory_space<vmem>>, vector<1x16xf32>,
      %swap3A_967 = vector.shape_cast %swap3A_966 : vector<1x16xf32> to vector<16xf32>
      %swap3A_968 = vector.shape_cast %add3A_963 : vector<16xf32> to vector<1x16xf32>
      tpu.vector_store %arg8[%swap3A_964, %swap3A_965], %swap3A_968 {strides = array<i32>} : memref<32x64xf32, #tpu.memory_space<vmem>>, vector<1x16xf32>,
      %scan3A_969 = arith.constant 1 : i32
      %scan3A_970 = arith.addi %scan3A_392, %scan3A_969 : i32
      %mul3A_971 = arith.constant 20 : i32
      %mul3A_972 = arith.muli %scan3A_970, %mul3A_971 : i32
      %add3A_973 = arith.constant 0 : i32
      %add3A_974 = arith.addi %mul3A_972, %add3A_973 : i32
      %get3A_975 = arith.index_cast %add3A_974 : i32 to index
      %get3A_976 = arith.constant 0 : index
      %get3A_977 = tpu.vector_load %arg6[%get3A_975, %get3A_976] {strides = array<i32>} : memref<640x64xf32, #tpu.memory_space<vmem>>, vector<1x16xf32>,
      %get3A_978 = vector.shape_cast %get3A_977 : vector<1x16xf32> to vector<16xf32>
      %add3A_979 = arith.constant 0 : i32
      %add3A_980 = arith.addi %mul3A_972, %add3A_979 : i32
      %get3A_981 = arith.index_cast %add3A_980 : i32 to index
      %get3A_982 = arith.constant 16 : index
      %get3A_983 = tpu.vector_load %arg6[%get3A_981, %get3A_982] {strides = array<i32>} : memref<640x64xf32, #tpu.memory_space<vmem>>, vector<1x16xf32>,
      %get3A_984 = vector.shape_cast %get3A_983 : vector<1x16xf32> to vector<16xf32>
      %add3A_985 = arith.constant 0 : i32
      %add3A_986 = arith.addi %mul3A_972, %add3A_985 : i32
      %get3A_987 = arith.index_cast %add3A_986 : i32 to index
      %get3A_988 = arith.constant 32 : index
      %get3A_989 = tpu.vector_load %arg6[%get3A_987, %get3A_988] {strides = array<i32>} : memref<640x64xf32, #tpu.memory_space<vmem>>, vector<1x16xf32>,
      %get3A_990 = vector.shape_cast %get3A_989 : vector<1x16xf32> to vector<16xf32>
      %add3A_991 = arith.constant 0 : i32
      %add3A_992 = arith.addi %mul3A_972, %add3A_991 : i32
      %get3A_993 = arith.index_cast %add3A_992 : i32 to index
      %get3A_994 = arith.constant 48 : index
      %get3A_995 = tpu.vector_load %arg6[%get3A_993, %get3A_994] {strides = array<i32>} : memref<640x64xf32, #tpu.memory_space<vmem>>, vector<1x16xf32>,
      %get3A_996 = vector.shape_cast %get3A_995 : vector<1x16xf32> to vector<16xf32>
      %add3A_997 = arith.constant 1 : i32
      %add3A_998 = arith.addi %mul3A_972, %add3A_997 : i32
      %get3A_999 = arith.index_cast %add3A_998 : i32 to index
      %get3A_1000 = arith.constant 0 : index
      %get3A_1001 = tpu.vector_load %arg6[%get3A_999, %get3A_1000] {strides = array<i32>} : memref<640x64xf32, #tpu.memory_space<vmem>>, vector<1x16xf32>,
      %get3A_1002 = vector.shape_cast %get3A_1001 : vector<1x16xf32> to vector<16xf32>
      %add3A_1003 = arith.constant 1 : i32
      %add3A_1004 = arith.addi %mul3A_972, %add3A_1003 : i32
      %get3A_1005 = arith.index_cast %add3A_1004 : i32 to index
      %get3A_1006 = arith.constant 16 : index
      %get3A_1007 = tpu.vector_load %arg6[%get3A_1005, %get3A_1006] {strides = array<i32>} : memref<640x64xf32, #tpu.memory_space<vmem>>, vector<1x16xf32>,
      %get3A_1008 = vector.shape_cast %get3A_1007 : vector<1x16xf32> to vector<16xf32>
      %add3A_1009 = arith.constant 1 : i32
      %add3A_1010 = arith.addi %mul3A_972, %add3A_1009 : i32
      %get3A_1011 = arith.index_cast %add3A_1010 : i32 to index
      %get3A_1012 = arith.constant 32 : index
      %get3A_1013 = tpu.vector_load %arg6[%get3A_1011, %get3A_1012] {strides = array<i32>} : memref<640x64xf32, #tpu.memory_space<vmem>>, vector<1x16xf32>,
      %get3A_1014 = vector.shape_cast %get3A_1013 : vector<1x16xf32> to vector<16xf32>
      %add3A_1015 = arith.constant 1 : i32
      %add3A_1016 = arith.addi %mul3A_972, %add3A_1015 : i32
      %get3A_1017 = arith.index_cast %add3A_1016 : i32 to index
      %get3A_1018 = arith.constant 48 : index
      %get3A_1019 = tpu.vector_load %arg6[%get3A_1017, %get3A_1018] {strides = array<i32>} : memref<640x64xf32, #tpu.memory_space<vmem>>, vector<1x16xf32>,
      %get3A_1020 = vector.shape_cast %get3A_1019 : vector<1x16xf32> to vector<16xf32>
      %add3A_1021 = arith.constant 2 : i32
      %add3A_1022 = arith.addi %mul3A_972, %add3A_1021 : i32
      %get3A_1023 = arith.index_cast %add3A_1022 : i32 to index
      %get3A_1024 = arith.constant 0 : index
      %get3A_1025 = tpu.vector_load %arg6[%get3A_1023, %get3A_1024] {strides = array<i32>} : memref<640x64xf32, #tpu.memory_space<vmem>>, vector<1x16xf32>,
      %get3A_1026 = vector.shape_cast %get3A_1025 : vector<1x16xf32> to vector<16xf32>
      %add3A_1027 = arith.constant 2 : i32
      %add3A_1028 = arith.addi %mul3A_972, %add3A_1027 : i32
      %get3A_1029 = arith.index_cast %add3A_1028 : i32 to index
      %get3A_1030 = arith.constant 16 : index
      %get3A_1031 = tpu.vector_load %arg6[%get3A_1029, %get3A_1030] {strides = array<i32>} : memref<640x64xf32, #tpu.memory_space<vmem>>, vector<1x16xf32>,
      %get3A_1032 = vector.shape_cast %get3A_1031 : vector<1x16xf32> to vector<16xf32>
      %add3A_1033 = arith.constant 2 : i32
      %add3A_1034 = arith.addi %mul3A_972, %add3A_1033 : i32
      %get3A_1035 = arith.index_cast %add3A_1034 : i32 to index
      %get3A_1036 = arith.constant 32 : index
      %get3A_1037 = tpu.vector_load %arg6[%get3A_1035, %get3A_1036] {strides = array<i32>} : memref<640x64xf32, #tpu.memory_space<vmem>>, vector<1x16xf32>,
      %get3A_1038 = vector.shape_cast %get3A_1037 : vector<1x16xf32> to vector<16xf32>
      %add3A_1039 = arith.constant 2 : i32
      %add3A_1040 = arith.addi %mul3A_972, %add3A_1039 : i32
      %get3A_1041 = arith.index_cast %add3A_1040 : i32 to index
      %get3A_1042 = arith.constant 48 : index
      %get3A_1043 = tpu.vector_load %arg6[%get3A_1041, %get3A_1042] {strides = array<i32>} : memref<640x64xf32, #tpu.memory_space<vmem>>, vector<1x16xf32>,
      %get3A_1044 = vector.shape_cast %get3A_1043 : vector<1x16xf32> to vector<16xf32>
      %add3A_1045 = arith.constant 3 : i32
      %add3A_1046 = arith.addi %mul3A_972, %add3A_1045 : i32
      %get3A_1047 = arith.index_cast %add3A_1046 : i32 to index
      %get3A_1048 = arith.constant 0 : index
      %get3A_1049 = tpu.vector_load %arg6[%get3A_1047, %get3A_1048] {strides = array<i32>} : memref<640x64xf32, #tpu.memory_space<vmem>>, vector<1x16xf32>,
      %get3A_1050 = vector.shape_cast %get3A_1049 : vector<1x16xf32> to vector<16xf32>
      %add3A_1051 = arith.constant 3 : i32
      %add3A_1052 = arith.addi %mul3A_972, %add3A_1051 : i32
      %get3A_1053 = arith.index_cast %add3A_1052 : i32 to index
      %get3A_1054 = arith.constant 16 : index
      %get3A_1055 = tpu.vector_load %arg6[%get3A_1053, %get3A_1054] {strides = array<i32>} : memref<640x64xf32, #tpu.memory_space<vmem>>, vector<1x16xf32>,
      %get3A_1056 = vector.shape_cast %get3A_1055 : vector<1x16xf32> to vector<16xf32>
      %add3A_1057 = arith.constant 3 : i32
      %add3A_1058 = arith.addi %mul3A_972, %add3A_1057 : i32
      %get3A_1059 = arith.index_cast %add3A_1058 : i32 to index
      %get3A_1060 = arith.constant 32 : index
      %get3A_1061 = tpu.vector_load %arg6[%get3A_1059, %get3A_1060] {strides = array<i32>} : memref<640x64xf32, #tpu.memory_space<vmem>>, vector<1x16xf32>,
      %get3A_1062 = vector.shape_cast %get3A_1061 : vector<1x16xf32> to vector<16xf32>
      %add3A_1063 = arith.constant 3 : i32
      %add3A_1064 = arith.addi %mul3A_972, %add3A_1063 : i32
      %get3A_1065 = arith.index_cast %add3A_1064 : i32 to index
      %get3A_1066 = arith.constant 48 : index
      %get3A_1067 = tpu.vector_load %arg6[%get3A_1065, %get3A_1066] {strides = array<i32>} : memref<640x64xf32, #tpu.memory_space<vmem>>, vector<1x16xf32>,
      %get3A_1068 = vector.shape_cast %get3A_1067 : vector<1x16xf32> to vector<16xf32>
      %add3A_1069 = arith.constant 4 : i32
      %add3A_1070 = arith.addi %mul3A_972, %add3A_1069 : i32
      %get3A_1071 = arith.index_cast %add3A_1070 : i32 to index
      %get3A_1072 = arith.constant 0 : index
      %get3A_1073 = tpu.vector_load %arg6[%get3A_1071, %get3A_1072] {strides = array<i32>} : memref<640x64xf32, #tpu.memory_space<vmem>>, vector<1x16xf32>,
      %get3A_1074 = vector.shape_cast %get3A_1073 : vector<1x16xf32> to vector<16xf32>
      %add3A_1075 = arith.constant 4 : i32
      %add3A_1076 = arith.addi %mul3A_972, %add3A_1075 : i32
      %get3A_1077 = arith.index_cast %add3A_1076 : i32 to index
      %get3A_1078 = arith.constant 16 : index
      %get3A_1079 = tpu.vector_load %arg6[%get3A_1077, %get3A_1078] {strides = array<i32>} : memref<640x64xf32, #tpu.memory_space<vmem>>, vector<1x16xf32>,
      %get3A_1080 = vector.shape_cast %get3A_1079 : vector<1x16xf32> to vector<16xf32>
      %add3A_1081 = arith.constant 4 : i32
      %add3A_1082 = arith.addi %mul3A_972, %add3A_1081 : i32
      %get3A_1083 = arith.index_cast %add3A_1082 : i32 to index
      %get3A_1084 = arith.constant 32 : index
      %get3A_1085 = tpu.vector_load %arg6[%get3A_1083, %get3A_1084] {strides = array<i32>} : memref<640x64xf32, #tpu.memory_space<vmem>>, vector<1x16xf32>,
      %get3A_1086 = vector.shape_cast %get3A_1085 : vector<1x16xf32> to vector<16xf32>
      %add3A_1087 = arith.constant 4 : i32
      %add3A_1088 = arith.addi %mul3A_972, %add3A_1087 : i32
      %get3A_1089 = arith.index_cast %add3A_1088 : i32 to index
      %get3A_1090 = arith.constant 48 : index
      %get3A_1091 = tpu.vector_load %arg6[%get3A_1089, %get3A_1090] {strides = array<i32>} : memref<640x64xf32, #tpu.memory_space<vmem>>, vector<1x16xf32>,
      %get3A_1092 = vector.shape_cast %get3A_1091 : vector<1x16xf32> to vector<16xf32>
      %add3A_1093 = arith.constant 5 : i32
      %add3A_1094 = arith.addi %mul3A_972, %add3A_1093 : i32
      %get3A_1095 = arith.index_cast %add3A_1094 : i32 to index
      %get3A_1096 = arith.constant 0 : index
      %get3A_1097 = tpu.vector_load %arg6[%get3A_1095, %get3A_1096] {strides = array<i32>} : memref<640x64xf32, #tpu.memory_space<vmem>>, vector<1x16xf32>,
      %get3A_1098 = vector.shape_cast %get3A_1097 : vector<1x16xf32> to vector<16xf32>
      %add3A_1099 = arith.constant 5 : i32
      %add3A_1100 = arith.addi %mul3A_972, %add3A_1099 : i32
      %get3A_1101 = arith.index_cast %add3A_1100 : i32 to index
      %get3A_1102 = arith.constant 16 : index
      %get3A_1103 = tpu.vector_load %arg6[%get3A_1101, %get3A_1102] {strides = array<i32>} : memref<640x64xf32, #tpu.memory_space<vmem>>, vector<1x16xf32>,
      %get3A_1104 = vector.shape_cast %get3A_1103 : vector<1x16xf32> to vector<16xf32>
      %add3A_1105 = arith.constant 5 : i32
      %add3A_1106 = arith.addi %mul3A_972, %add3A_1105 : i32
      %get3A_1107 = arith.index_cast %add3A_1106 : i32 to index
      %get3A_1108 = arith.constant 32 : index
      %get3A_1109 = tpu.vector_load %arg6[%get3A_1107, %get3A_1108] {strides = array<i32>} : memref<640x64xf32, #tpu.memory_space<vmem>>, vector<1x16xf32>,
      %get3A_1110 = vector.shape_cast %get3A_1109 : vector<1x16xf32> to vector<16xf32>
      %add3A_1111 = arith.constant 5 : i32
      %add3A_1112 = arith.addi %mul3A_972, %add3A_1111 : i32
      %get3A_1113 = arith.index_cast %add3A_1112 : i32 to index
      %get3A_1114 = arith.constant 48 : index
      %get3A_1115 = tpu.vector_load %arg6[%get3A_1113, %get3A_1114] {strides = array<i32>} : memref<640x64xf32, #tpu.memory_space<vmem>>, vector<1x16xf32>,
      %get3A_1116 = vector.shape_cast %get3A_1115 : vector<1x16xf32> to vector<16xf32>
      %add3A_1117 = arith.constant 6 : i32
      %add3A_1118 = arith.addi %mul3A_972, %add3A_1117 : i32
      %get3A_1119 = arith.index_cast %add3A_1118 : i32 to index
      %get3A_1120 = arith.constant 0 : index
      %get3A_1121 = tpu.vector_load %arg6[%get3A_1119, %get3A_1120] {strides = array<i32>} : memref<640x64xf32, #tpu.memory_space<vmem>>, vector<1x16xf32>,
      %get3A_1122 = vector.shape_cast %get3A_1121 : vector<1x16xf32> to vector<16xf32>
      %add3A_1123 = arith.constant 6 : i32
      %add3A_1124 = arith.addi %mul3A_972, %add3A_1123 : i32
      %get3A_1125 = arith.index_cast %add3A_1124 : i32 to index
      %get3A_1126 = arith.constant 16 : index
      %get3A_1127 = tpu.vector_load %arg6[%get3A_1125, %get3A_1126] {strides = array<i32>} : memref<640x64xf32, #tpu.memory_space<vmem>>, vector<1x16xf32>,
      %get3A_1128 = vector.shape_cast %get3A_1127 : vector<1x16xf32> to vector<16xf32>
      %add3A_1129 = arith.constant 6 : i32
      %add3A_1130 = arith.addi %mul3A_972, %add3A_1129 : i32
      %get3A_1131 = arith.index_cast %add3A_1130 : i32 to index
      %get3A_1132 = arith.constant 32 : index
      %get3A_1133 = tpu.vector_load %arg6[%get3A_1131, %get3A_1132] {strides = array<i32>} : memref<640x64xf32, #tpu.memory_space<vmem>>, vector<1x16xf32>,
      %get3A_1134 = vector.shape_cast %get3A_1133 : vector<1x16xf32> to vector<16xf32>
      %add3A_1135 = arith.constant 6 : i32
      %add3A_1136 = arith.addi %mul3A_972, %add3A_1135 : i32
      %get3A_1137 = arith.index_cast %add3A_1136 : i32 to index
      %get3A_1138 = arith.constant 48 : index
      %get3A_1139 = tpu.vector_load %arg6[%get3A_1137, %get3A_1138] {strides = array<i32>} : memref<640x64xf32, #tpu.memory_space<vmem>>, vector<1x16xf32>,
      %get3A_1140 = vector.shape_cast %get3A_1139 : vector<1x16xf32> to vector<16xf32>
      %add3A_1141 = arith.constant 7 : i32
      %add3A_1142 = arith.addi %mul3A_972, %add3A_1141 : i32
      %get3A_1143 = arith.index_cast %add3A_1142 : i32 to index
      %get3A_1144 = arith.constant 0 : index
      %get3A_1145 = tpu.vector_load %arg6[%get3A_1143, %get3A_1144] {strides = array<i32>} : memref<640x64xf32, #tpu.memory_space<vmem>>, vector<1x16xf32>,
      %get3A_1146 = vector.shape_cast %get3A_1145 : vector<1x16xf32> to vector<16xf32>
      %add3A_1147 = arith.constant 7 : i32
      %add3A_1148 = arith.addi %mul3A_972, %add3A_1147 : i32
      %get3A_1149 = arith.index_cast %add3A_1148 : i32 to index
      %get3A_1150 = arith.constant 16 : index
      %get3A_1151 = tpu.vector_load %arg6[%get3A_1149, %get3A_1150] {strides = array<i32>} : memref<640x64xf32, #tpu.memory_space<vmem>>, vector<1x16xf32>,
      %get3A_1152 = vector.shape_cast %get3A_1151 : vector<1x16xf32> to vector<16xf32>
      %add3A_1153 = arith.constant 7 : i32
      %add3A_1154 = arith.addi %mul3A_972, %add3A_1153 : i32
      %get3A_1155 = arith.index_cast %add3A_1154 : i32 to index
      %get3A_1156 = arith.constant 32 : index
      %get3A_1157 = tpu.vector_load %arg6[%get3A_1155, %get3A_1156] {strides = array<i32>} : memref<640x64xf32, #tpu.memory_space<vmem>>, vector<1x16xf32>,
      %get3A_1158 = vector.shape_cast %get3A_1157 : vector<1x16xf32> to vector<16xf32>
      %add3A_1159 = arith.constant 7 : i32
      %add3A_1160 = arith.addi %mul3A_972, %add3A_1159 : i32
      %get3A_1161 = arith.index_cast %add3A_1160 : i32 to index
      %get3A_1162 = arith.constant 48 : index
      %get3A_1163 = tpu.vector_load %arg6[%get3A_1161, %get3A_1162] {strides = array<i32>} : memref<640x64xf32, #tpu.memory_space<vmem>>, vector<1x16xf32>,
      %get3A_1164 = vector.shape_cast %get3A_1163 : vector<1x16xf32> to vector<16xf32>
      %add3A_1165 = arith.constant 8 : i32
      %add3A_1166 = arith.addi %mul3A_972, %add3A_1165 : i32
      %get3A_1167 = arith.index_cast %add3A_1166 : i32 to index
      %get3A_1168 = arith.constant 0 : index
      %get3A_1169 = tpu.vector_load %arg6[%get3A_1167, %get3A_1168] {strides = array<i32>} : memref<640x64xf32, #tpu.memory_space<vmem>>, vector<1x16xf32>,
      %get3A_1170 = vector.shape_cast %get3A_1169 : vector<1x16xf32> to vector<16xf32>
      %add3A_1171 = arith.constant 8 : i32
      %add3A_1172 = arith.addi %mul3A_972, %add3A_1171 : i32
      %get3A_1173 = arith.index_cast %add3A_1172 : i32 to index
      %get3A_1174 = arith.constant 16 : index
      %get3A_1175 = tpu.vector_load %arg6[%get3A_1173, %get3A_1174] {strides = array<i32>} : memref<640x64xf32, #tpu.memory_space<vmem>>, vector<1x16xf32>,
      %get3A_1176 = vector.shape_cast %get3A_1175 : vector<1x16xf32> to vector<16xf32>
      %add3A_1177 = arith.constant 8 : i32
      %add3A_1178 = arith.addi %mul3A_972, %add3A_1177 : i32
      %get3A_1179 = arith.index_cast %add3A_1178 : i32 to index
      %get3A_1180 = arith.constant 32 : index
      %get3A_1181 = tpu.vector_load %arg6[%get3A_1179, %get3A_1180] {strides = array<i32>} : memref<640x64xf32, #tpu.memory_space<vmem>>, vector<1x16xf32>,
      %get3A_1182 = vector.shape_cast %get3A_1181 : vector<1x16xf32> to vector<16xf32>
      %add3A_1183 = arith.constant 8 : i32
      %add3A_1184 = arith.addi %mul3A_972, %add3A_1183 : i32
      %get3A_1185 = arith.index_cast %add3A_1184 : i32 to index
      %get3A_1186 = arith.constant 48 : index
      %get3A_1187 = tpu.vector_load %arg6[%get3A_1185, %get3A_1186] {strides = array<i32>} : memref<640x64xf32, #tpu.memory_space<vmem>>, vector<1x16xf32>,
      %get3A_1188 = vector.shape_cast %get3A_1187 : vector<1x16xf32> to vector<16xf32>
      %add3A_1189 = arith.constant 9 : i32
      %add3A_1190 = arith.addi %mul3A_972, %add3A_1189 : i32
      %get3A_1191 = arith.index_cast %add3A_1190 : i32 to index
      %get3A_1192 = arith.constant 0 : index
      %get3A_1193 = tpu.vector_load %arg6[%get3A_1191, %get3A_1192] {strides = array<i32>} : memref<640x64xf32, #tpu.memory_space<vmem>>, vector<1x16xf32>,
      %get3A_1194 = vector.shape_cast %get3A_1193 : vector<1x16xf32> to vector<16xf32>
      %add3A_1195 = arith.constant 9 : i32
      %add3A_1196 = arith.addi %mul3A_972, %add3A_1195 : i32
      %get3A_1197 = arith.index_cast %add3A_1196 : i32 to index
      %get3A_1198 = arith.constant 16 : index
      %get3A_1199 = tpu.vector_load %arg6[%get3A_1197, %get3A_1198] {strides = array<i32>} : memref<640x64xf32, #tpu.memory_space<vmem>>, vector<1x16xf32>,
      %get3A_1200 = vector.shape_cast %get3A_1199 : vector<1x16xf32> to vector<16xf32>
      %add3A_1201 = arith.constant 9 : i32
      %add3A_1202 = arith.addi %mul3A_972, %add3A_1201 : i32
      %get3A_1203 = arith.index_cast %add3A_1202 : i32 to index
      %get3A_1204 = arith.constant 32 : index
      %get3A_1205 = tpu.vector_load %arg6[%get3A_1203, %get3A_1204] {strides = array<i32>} : memref<640x64xf32, #tpu.memory_space<vmem>>, vector<1x16xf32>,
      %get3A_1206 = vector.shape_cast %get3A_1205 : vector<1x16xf32> to vector<16xf32>
      %add3A_1207 = arith.constant 9 : i32
      %add3A_1208 = arith.addi %mul3A_972, %add3A_1207 : i32
      %get3A_1209 = arith.index_cast %add3A_1208 : i32 to index
      %get3A_1210 = arith.constant 48 : index
      %get3A_1211 = tpu.vector_load %arg6[%get3A_1209, %get3A_1210] {strides = array<i32>} : memref<640x64xf32, #tpu.memory_space<vmem>>, vector<1x16xf32>,
      %get3A_1212 = vector.shape_cast %get3A_1211 : vector<1x16xf32> to vector<16xf32>
      %add3A_1213 = arith.constant 10 : i32
      %add3A_1214 = arith.addi %mul3A_972, %add3A_1213 : i32
      %get3A_1215 = arith.index_cast %add3A_1214 : i32 to index
      %get3A_1216 = arith.constant 0 : index
      %get3A_1217 = tpu.vector_load %arg6[%get3A_1215, %get3A_1216] {strides = array<i32>} : memref<640x64xf32, #tpu.memory_space<vmem>>, vector<1x16xf32>,
      %get3A_1218 = vector.shape_cast %get3A_1217 : vector<1x16xf32> to vector<16xf32>
      %add3A_1219 = arith.constant 10 : i32
      %add3A_1220 = arith.addi %mul3A_972, %add3A_1219 : i32
      %get3A_1221 = arith.index_cast %add3A_1220 : i32 to index
      %get3A_1222 = arith.constant 16 : index
      %get3A_1223 = tpu.vector_load %arg6[%get3A_1221, %get3A_1222] {strides = array<i32>} : memref<640x64xf32, #tpu.memory_space<vmem>>, vector<1x16xf32>,
      %get3A_1224 = vector.shape_cast %get3A_1223 : vector<1x16xf32> to vector<16xf32>
      %add3A_1225 = arith.constant 10 : i32
      %add3A_1226 = arith.addi %mul3A_972, %add3A_1225 : i32
      %get3A_1227 = arith.index_cast %add3A_1226 : i32 to index
      %get3A_1228 = arith.constant 32 : index
      %get3A_1229 = tpu.vector_load %arg6[%get3A_1227, %get3A_1228] {strides = array<i32>} : memref<640x64xf32, #tpu.memory_space<vmem>>, vector<1x16xf32>,
      %get3A_1230 = vector.shape_cast %get3A_1229 : vector<1x16xf32> to vector<16xf32>
      %add3A_1231 = arith.constant 10 : i32
      %add3A_1232 = arith.addi %mul3A_972, %add3A_1231 : i32
      %get3A_1233 = arith.index_cast %add3A_1232 : i32 to index
      %get3A_1234 = arith.constant 48 : index
      %get3A_1235 = tpu.vector_load %arg6[%get3A_1233, %get3A_1234] {strides = array<i32>} : memref<640x64xf32, #tpu.memory_space<vmem>>, vector<1x16xf32>,
      %get3A_1236 = vector.shape_cast %get3A_1235 : vector<1x16xf32> to vector<16xf32>
      %add3A_1237 = arith.constant 11 : i32
      %add3A_1238 = arith.addi %mul3A_972, %add3A_1237 : i32
      %get3A_1239 = arith.index_cast %add3A_1238 : i32 to index
      %get3A_1240 = arith.constant 0 : index
      %get3A_1241 = tpu.vector_load %arg6[%get3A_1239, %get3A_1240] {strides = array<i32>} : memref<640x64xf32, #tpu.memory_space<vmem>>, vector<1x16xf32>,
      %get3A_1242 = vector.shape_cast %get3A_1241 : vector<1x16xf32> to vector<16xf32>
      %add3A_1243 = arith.constant 11 : i32
      %add3A_1244 = arith.addi %mul3A_972, %add3A_1243 : i32
      %get3A_1245 = arith.index_cast %add3A_1244 : i32 to index
      %get3A_1246 = arith.constant 16 : index
      %get3A_1247 = tpu.vector_load %arg6[%get3A_1245, %get3A_1246] {strides = array<i32>} : memref<640x64xf32, #tpu.memory_space<vmem>>, vector<1x16xf32>,
      %get3A_1248 = vector.shape_cast %get3A_1247 : vector<1x16xf32> to vector<16xf32>
      %add3A_1249 = arith.constant 11 : i32
      %add3A_1250 = arith.addi %mul3A_972, %add3A_1249 : i32
      %get3A_1251 = arith.index_cast %add3A_1250 : i32 to index
      %get3A_1252 = arith.constant 32 : index
      %get3A_1253 = tpu.vector_load %arg6[%get3A_1251, %get3A_1252] {strides = array<i32>} : memref<640x64xf32, #tpu.memory_space<vmem>>, vector<1x16xf32>,
      %get3A_1254 = vector.shape_cast %get3A_1253 : vector<1x16xf32> to vector<16xf32>
      %add3A_1255 = arith.constant 11 : i32
      %add3A_1256 = arith.addi %mul3A_972, %add3A_1255 : i32
      %get3A_1257 = arith.index_cast %add3A_1256 : i32 to index
      %get3A_1258 = arith.constant 48 : index
      %get3A_1259 = tpu.vector_load %arg6[%get3A_1257, %get3A_1258] {strides = array<i32>} : memref<640x64xf32, #tpu.memory_space<vmem>>, vector<1x16xf32>,
      %get3A_1260 = vector.shape_cast %get3A_1259 : vector<1x16xf32> to vector<16xf32>
      %add3A_1261 = arith.constant 12 : i32
      %add3A_1262 = arith.addi %mul3A_972, %add3A_1261 : i32
      %get3A_1263 = arith.index_cast %add3A_1262 : i32 to index
      %get3A_1264 = arith.constant 0 : index
      %get3A_1265 = tpu.vector_load %arg6[%get3A_1263, %get3A_1264] {strides = array<i32>} : memref<640x64xf32, #tpu.memory_space<vmem>>, vector<1x16xf32>,
      %get3A_1266 = vector.shape_cast %get3A_1265 : vector<1x16xf32> to vector<16xf32>
      %add3A_1267 = arith.constant 12 : i32
      %add3A_1268 = arith.addi %mul3A_972, %add3A_1267 : i32
      %get3A_1269 = arith.index_cast %add3A_1268 : i32 to index
      %get3A_1270 = arith.constant 16 : index
      %get3A_1271 = tpu.vector_load %arg6[%get3A_1269, %get3A_1270] {strides = array<i32>} : memref<640x64xf32, #tpu.memory_space<vmem>>, vector<1x16xf32>,
      %get3A_1272 = vector.shape_cast %get3A_1271 : vector<1x16xf32> to vector<16xf32>
      %add3A_1273 = arith.constant 12 : i32
      %add3A_1274 = arith.addi %mul3A_972, %add3A_1273 : i32
      %get3A_1275 = arith.index_cast %add3A_1274 : i32 to index
      %get3A_1276 = arith.constant 32 : index
      %get3A_1277 = tpu.vector_load %arg6[%get3A_1275, %get3A_1276] {strides = array<i32>} : memref<640x64xf32, #tpu.memory_space<vmem>>, vector<1x16xf32>,
      %get3A_1278 = vector.shape_cast %get3A_1277 : vector<1x16xf32> to vector<16xf32>
      %add3A_1279 = arith.constant 12 : i32
      %add3A_1280 = arith.addi %mul3A_972, %add3A_1279 : i32
      %get3A_1281 = arith.index_cast %add3A_1280 : i32 to index
      %get3A_1282 = arith.constant 48 : index
      %get3A_1283 = tpu.vector_load %arg6[%get3A_1281, %get3A_1282] {strides = array<i32>} : memref<640x64xf32, #tpu.memory_space<vmem>>, vector<1x16xf32>,
      %get3A_1284 = vector.shape_cast %get3A_1283 : vector<1x16xf32> to vector<16xf32>
      %add3A_1285 = arith.constant 13 : i32
      %add3A_1286 = arith.addi %mul3A_972, %add3A_1285 : i32
      %get3A_1287 = arith.index_cast %add3A_1286 : i32 to index
      %get3A_1288 = arith.constant 0 : index
      %get3A_1289 = tpu.vector_load %arg6[%get3A_1287, %get3A_1288] {strides = array<i32>} : memref<640x64xf32, #tpu.memory_space<vmem>>, vector<1x16xf32>,
      %get3A_1290 = vector.shape_cast %get3A_1289 : vector<1x16xf32> to vector<16xf32>
      %add3A_1291 = arith.constant 13 : i32
      %add3A_1292 = arith.addi %mul3A_972, %add3A_1291 : i32
      %get3A_1293 = arith.index_cast %add3A_1292 : i32 to index
      %get3A_1294 = arith.constant 16 : index
      %get3A_1295 = tpu.vector_load %arg6[%get3A_1293, %get3A_1294] {strides = array<i32>} : memref<640x64xf32, #tpu.memory_space<vmem>>, vector<1x16xf32>,
      %get3A_1296 = vector.shape_cast %get3A_1295 : vector<1x16xf32> to vector<16xf32>
      %add3A_1297 = arith.constant 13 : i32
      %add3A_1298 = arith.addi %mul3A_972, %add3A_1297 : i32
      %get3A_1299 = arith.index_cast %add3A_1298 : i32 to index
      %get3A_1300 = arith.constant 32 : index
      %get3A_1301 = tpu.vector_load %arg6[%get3A_1299, %get3A_1300] {strides = array<i32>} : memref<640x64xf32, #tpu.memory_space<vmem>>, vector<1x16xf32>,
      %get3A_1302 = vector.shape_cast %get3A_1301 : vector<1x16xf32> to vector<16xf32>
      %add3A_1303 = arith.constant 13 : i32
      %add3A_1304 = arith.addi %mul3A_972, %add3A_1303 : i32
      %get3A_1305 = arith.index_cast %add3A_1304 : i32 to index
      %get3A_1306 = arith.constant 48 : index
      %get3A_1307 = tpu.vector_load %arg6[%get3A_1305, %get3A_1306] {strides = array<i32>} : memref<640x64xf32, #tpu.memory_space<vmem>>, vector<1x16xf32>,
      %get3A_1308 = vector.shape_cast %get3A_1307 : vector<1x16xf32> to vector<16xf32>
      %add3A_1309 = arith.constant 14 : i32
      %add3A_1310 = arith.addi %mul3A_972, %add3A_1309 : i32
      %get3A_1311 = arith.index_cast %add3A_1310 : i32 to index
      %get3A_1312 = arith.constant 0 : index
      %get3A_1313 = tpu.vector_load %arg6[%get3A_1311, %get3A_1312] {strides = array<i32>} : memref<640x64xf32, #tpu.memory_space<vmem>>, vector<1x16xf32>,
      %get3A_1314 = vector.shape_cast %get3A_1313 : vector<1x16xf32> to vector<16xf32>
      %add3A_1315 = arith.constant 14 : i32
      %add3A_1316 = arith.addi %mul3A_972, %add3A_1315 : i32
      %get3A_1317 = arith.index_cast %add3A_1316 : i32 to index
      %get3A_1318 = arith.constant 16 : index
      %get3A_1319 = tpu.vector_load %arg6[%get3A_1317, %get3A_1318] {strides = array<i32>} : memref<640x64xf32, #tpu.memory_space<vmem>>, vector<1x16xf32>,
      %get3A_1320 = vector.shape_cast %get3A_1319 : vector<1x16xf32> to vector<16xf32>
      %add3A_1321 = arith.constant 14 : i32
      %add3A_1322 = arith.addi %mul3A_972, %add3A_1321 : i32
      %get3A_1323 = arith.index_cast %add3A_1322 : i32 to index
      %get3A_1324 = arith.constant 32 : index
      %get3A_1325 = tpu.vector_load %arg6[%get3A_1323, %get3A_1324] {strides = array<i32>} : memref<640x64xf32, #tpu.memory_space<vmem>>, vector<1x16xf32>,
      %get3A_1326 = vector.shape_cast %get3A_1325 : vector<1x16xf32> to vector<16xf32>
      %add3A_1327 = arith.constant 14 : i32
      %add3A_1328 = arith.addi %mul3A_972, %add3A_1327 : i32
      %get3A_1329 = arith.index_cast %add3A_1328 : i32 to index
      %get3A_1330 = arith.constant 48 : index
      %get3A_1331 = tpu.vector_load %arg6[%get3A_1329, %get3A_1330] {strides = array<i32>} : memref<640x64xf32, #tpu.memory_space<vmem>>, vector<1x16xf32>,
      %get3A_1332 = vector.shape_cast %get3A_1331 : vector<1x16xf32> to vector<16xf32>
      %add3A_1333 = arith.constant 15 : i32
      %add3A_1334 = arith.addi %mul3A_972, %add3A_1333 : i32
      %get3A_1335 = arith.index_cast %add3A_1334 : i32 to index
      %get3A_1336 = arith.constant 0 : index
      %get3A_1337 = tpu.vector_load %arg6[%get3A_1335, %get3A_1336] {strides = array<i32>} : memref<640x64xf32, #tpu.memory_space<vmem>>, vector<1x16xf32>,
      %get3A_1338 = vector.shape_cast %get3A_1337 : vector<1x16xf32> to vector<16xf32>
      %add3A_1339 = arith.constant 15 : i32
      %add3A_1340 = arith.addi %mul3A_972, %add3A_1339 : i32
      %get3A_1341 = arith.index_cast %add3A_1340 : i32 to index
      %get3A_1342 = arith.constant 16 : index
      %get3A_1343 = tpu.vector_load %arg6[%get3A_1341, %get3A_1342] {strides = array<i32>} : memref<640x64xf32, #tpu.memory_space<vmem>>, vector<1x16xf32>,
      %get3A_1344 = vector.shape_cast %get3A_1343 : vector<1x16xf32> to vector<16xf32>
      %add3A_1345 = arith.constant 15 : i32
      %add3A_1346 = arith.addi %mul3A_972, %add3A_1345 : i32
      %get3A_1347 = arith.index_cast %add3A_1346 : i32 to index
      %get3A_1348 = arith.constant 32 : index
      %get3A_1349 = tpu.vector_load %arg6[%get3A_1347, %get3A_1348] {strides = array<i32>} : memref<640x64xf32, #tpu.memory_space<vmem>>, vector<1x16xf32>,
      %get3A_1350 = vector.shape_cast %get3A_1349 : vector<1x16xf32> to vector<16xf32>
      %add3A_1351 = arith.constant 15 : i32
      %add3A_1352 = arith.addi %mul3A_972, %add3A_1351 : i32
      %get3A_1353 = arith.index_cast %add3A_1352 : i32 to index
      %get3A_1354 = arith.constant 48 : index
      %get3A_1355 = tpu.vector_load %arg6[%get3A_1353, %get3A_1354] {strides = array<i32>} : memref<640x64xf32, #tpu.memory_space<vmem>>, vector<1x16xf32>,
      %get3A_1356 = vector.shape_cast %get3A_1355 : vector<1x16xf32> to vector<16xf32>
      %add3A_1357 = arith.constant 16 : i32
      %add3A_1358 = arith.addi %mul3A_972, %add3A_1357 : i32
      %get3A_1359 = arith.index_cast %add3A_1358 : i32 to index
      %get3A_1360 = arith.constant 0 : index
      %get3A_1361 = tpu.vector_load %arg6[%get3A_1359, %get3A_1360] {strides = array<i32>} : memref<640x64xf32, #tpu.memory_space<vmem>>, vector<1x16xf32>,
      %get3A_1362 = vector.shape_cast %get3A_1361 : vector<1x16xf32> to vector<16xf32>
      %add3A_1363 = arith.constant 16 : i32
      %add3A_1364 = arith.addi %mul3A_972, %add3A_1363 : i32
      %get3A_1365 = arith.index_cast %add3A_1364 : i32 to index
      %get3A_1366 = arith.constant 16 : index
      %get3A_1367 = tpu.vector_load %arg6[%get3A_1365, %get3A_1366] {strides = array<i32>} : memref<640x64xf32, #tpu.memory_space<vmem>>, vector<1x16xf32>,
      %get3A_1368 = vector.shape_cast %get3A_1367 : vector<1x16xf32> to vector<16xf32>
      %add3A_1369 = arith.constant 16 : i32
      %add3A_1370 = arith.addi %mul3A_972, %add3A_1369 : i32
      %get3A_1371 = arith.index_cast %add3A_1370 : i32 to index
      %get3A_1372 = arith.constant 32 : index
      %get3A_1373 = tpu.vector_load %arg6[%get3A_1371, %get3A_1372] {strides = array<i32>} : memref<640x64xf32, #tpu.memory_space<vmem>>, vector<1x16xf32>,
      %get3A_1374 = vector.shape_cast %get3A_1373 : vector<1x16xf32> to vector<16xf32>
      %add3A_1375 = arith.constant 16 : i32
      %add3A_1376 = arith.addi %mul3A_972, %add3A_1375 : i32
      %get3A_1377 = arith.index_cast %add3A_1376 : i32 to index
      %get3A_1378 = arith.constant 48 : index
      %get3A_1379 = tpu.vector_load %arg6[%get3A_1377, %get3A_1378] {strides = array<i32>} : memref<640x64xf32, #tpu.memory_space<vmem>>, vector<1x16xf32>,
      %get3A_1380 = vector.shape_cast %get3A_1379 : vector<1x16xf32> to vector<16xf32>
      %add3A_1381 = arith.constant 17 : i32
      %add3A_1382 = arith.addi %mul3A_972, %add3A_1381 : i32
      %get3A_1383 = arith.index_cast %add3A_1382 : i32 to index
      %get3A_1384 = arith.constant 0 : index
      %get3A_1385 = tpu.vector_load %arg6[%get3A_1383, %get3A_1384] {strides = array<i32>} : memref<640x64xf32, #tpu.memory_space<vmem>>, vector<1x16xf32>,
      %get3A_1386 = vector.shape_cast %get3A_1385 : vector<1x16xf32> to vector<16xf32>
      %add3A_1387 = arith.constant 17 : i32
      %add3A_1388 = arith.addi %mul3A_972, %add3A_1387 : i32
      %get3A_1389 = arith.index_cast %add3A_1388 : i32 to index
      %get3A_1390 = arith.constant 16 : index
      %get3A_1391 = tpu.vector_load %arg6[%get3A_1389, %get3A_1390] {strides = array<i32>} : memref<640x64xf32, #tpu.memory_space<vmem>>, vector<1x16xf32>,
      %get3A_1392 = vector.shape_cast %get3A_1391 : vector<1x16xf32> to vector<16xf32>
      %add3A_1393 = arith.constant 17 : i32
      %add3A_1394 = arith.addi %mul3A_972, %add3A_1393 : i32
      %get3A_1395 = arith.index_cast %add3A_1394 : i32 to index
      %get3A_1396 = arith.constant 32 : index
      %get3A_1397 = tpu.vector_load %arg6[%get3A_1395, %get3A_1396] {strides = array<i32>} : memref<640x64xf32, #tpu.memory_space<vmem>>, vector<1x16xf32>,
      %get3A_1398 = vector.shape_cast %get3A_1397 : vector<1x16xf32> to vector<16xf32>
      %add3A_1399 = arith.constant 17 : i32
      %add3A_1400 = arith.addi %mul3A_972, %add3A_1399 : i32
      %get3A_1401 = arith.index_cast %add3A_1400 : i32 to index
      %get3A_1402 = arith.constant 48 : index
      %get3A_1403 = tpu.vector_load %arg6[%get3A_1401, %get3A_1402] {strides = array<i32>} : memref<640x64xf32, #tpu.memory_space<vmem>>, vector<1x16xf32>,
      %get3A_1404 = vector.shape_cast %get3A_1403 : vector<1x16xf32> to vector<16xf32>
      %add3A_1405 = arith.constant 18 : i32
      %add3A_1406 = arith.addi %mul3A_972, %add3A_1405 : i32
      %get3A_1407 = arith.index_cast %add3A_1406 : i32 to index
      %get3A_1408 = arith.constant 0 : index
      %get3A_1409 = tpu.vector_load %arg6[%get3A_1407, %get3A_1408] {strides = array<i32>} : memref<640x64xf32, #tpu.memory_space<vmem>>, vector<1x16xf32>,
      %get3A_1410 = vector.shape_cast %get3A_1409 : vector<1x16xf32> to vector<16xf32>
      %add3A_1411 = arith.constant 18 : i32
      %add3A_1412 = arith.addi %mul3A_972, %add3A_1411 : i32
      %get3A_1413 = arith.index_cast %add3A_1412 : i32 to index
      %get3A_1414 = arith.constant 16 : index
      %get3A_1415 = tpu.vector_load %arg6[%get3A_1413, %get3A_1414] {strides = array<i32>} : memref<640x64xf32, #tpu.memory_space<vmem>>, vector<1x16xf32>,
      %get3A_1416 = vector.shape_cast %get3A_1415 : vector<1x16xf32> to vector<16xf32>
      %add3A_1417 = arith.constant 18 : i32
      %add3A_1418 = arith.addi %mul3A_972, %add3A_1417 : i32
      %get3A_1419 = arith.index_cast %add3A_1418 : i32 to index
      %get3A_1420 = arith.constant 32 : index
      %get3A_1421 = tpu.vector_load %arg6[%get3A_1419, %get3A_1420] {strides = array<i32>} : memref<640x64xf32, #tpu.memory_space<vmem>>, vector<1x16xf32>,
      %get3A_1422 = vector.shape_cast %get3A_1421 : vector<1x16xf32> to vector<16xf32>
      %add3A_1423 = arith.constant 18 : i32
      %add3A_1424 = arith.addi %mul3A_972, %add3A_1423 : i32
      %get3A_1425 = arith.index_cast %add3A_1424 : i32 to index
      %get3A_1426 = arith.constant 48 : index
      %get3A_1427 = tpu.vector_load %arg6[%get3A_1425, %get3A_1426] {strides = array<i32>} : memref<640x64xf32, #tpu.memory_space<vmem>>, vector<1x16xf32>,
      %get3A_1428 = vector.shape_cast %get3A_1427 : vector<1x16xf32> to vector<16xf32>
      %add3A_1429 = arith.constant 19 : i32
      %add3A_1430 = arith.addi %mul3A_972, %add3A_1429 : i32
      %get3A_1431 = arith.index_cast %add3A_1430 : i32 to index
      %get3A_1432 = arith.constant 0 : index
      %get3A_1433 = tpu.vector_load %arg6[%get3A_1431, %get3A_1432] {strides = array<i32>} : memref<640x64xf32, #tpu.memory_space<vmem>>, vector<1x16xf32>,
      %get3A_1434 = vector.shape_cast %get3A_1433 : vector<1x16xf32> to vector<16xf32>
      %add3A_1435 = arith.constant 19 : i32
      %add3A_1436 = arith.addi %mul3A_972, %add3A_1435 : i32
      %get3A_1437 = arith.index_cast %add3A_1436 : i32 to index
      %get3A_1438 = arith.constant 16 : index
      %get3A_1439 = tpu.vector_load %arg6[%get3A_1437, %get3A_1438] {strides = array<i32>} : memref<640x64xf32, #tpu.memory_space<vmem>>, vector<1x16xf32>,
      %get3A_1440 = vector.shape_cast %get3A_1439 : vector<1x16xf32> to vector<16xf32>
      %add3A_1441 = arith.constant 19 : i32
      %add3A_1442 = arith.addi %mul3A_972, %add3A_1441 : i32
      %get3A_1443 = arith.index_cast %add3A_1442 : i32 to index
      %get3A_1444 = arith.constant 32 : index
      %get3A_1445 = tpu.vector_load %arg6[%get3A_1443, %get3A_1444] {strides = array<i32>} : memref<640x64xf32, #tpu.memory_space<vmem>>, vector<1x16xf32>,
      %get3A_1446 = vector.shape_cast %get3A_1445 : vector<1x16xf32> to vector<16xf32>
      %add3A_1447 = arith.constant 19 : i32
      %add3A_1448 = arith.addi %mul3A_972, %add3A_1447 : i32
      %get3A_1449 = arith.index_cast %add3A_1448 : i32 to index
      %get3A_1450 = arith.constant 48 : index
      %get3A_1451 = tpu.vector_load %arg6[%get3A_1449, %get3A_1450] {strides = array<i32>} : memref<640x64xf32, #tpu.memory_space<vmem>>, vector<1x16xf32>,
      %get3A_1452 = vector.shape_cast %get3A_1451 : vector<1x16xf32> to vector<16xf32>
      %add3A_1453 = arith.addf %get3A_978, %get3A_1002 : vector<16xf32>
      %add3A_1454 = arith.addf %get3A_1026, %get3A_1050 : vector<16xf32>
      %add3A_1455 = arith.addf %get3A_1074, %get3A_1098 : vector<16xf32>
      %add3A_1456 = arith.addf %get3A_1122, %get3A_1146 : vector<16xf32>
      %add3A_1457 = arith.addf %get3A_1170, %get3A_1194 : vector<16xf32>
      %add3A_1458 = arith.addf %get3A_1218, %get3A_1242 : vector<16xf32>
      %add3A_1459 = arith.addf %get3A_1266, %get3A_1290 : vector<16xf32>
      %add3A_1460 = arith.addf %get3A_1314, %get3A_1338 : vector<16xf32>
      %add3A_1461 = arith.addf %get3A_1362, %get3A_1386 : vector<16xf32>
      %add3A_1462 = arith.addf %get3A_1410, %get3A_1434 : vector<16xf32>
      %add3A_1463 = arith.addf %add3A_1453, %add3A_1454 : vector<16xf32>
      %add3A_1464 = arith.addf %add3A_1455, %add3A_1456 : vector<16xf32>
      %add3A_1465 = arith.addf %add3A_1457, %add3A_1458 : vector<16xf32>
      %add3A_1466 = arith.addf %add3A_1459, %add3A_1460 : vector<16xf32>
      %add3A_1467 = arith.addf %add3A_1461, %add3A_1462 : vector<16xf32>
      %add3A_1468 = arith.addf %add3A_1463, %add3A_1464 : vector<16xf32>
      %add3A_1469 = arith.addf %add3A_1465, %add3A_1466 : vector<16xf32>
      %add3A_1470 = arith.addf %add3A_1468, %add3A_1469 : vector<16xf32>
      %add3A_1471 = arith.addf %add3A_1470, %add3A_1467 : vector<16xf32>
      %swap3A_1472 = arith.index_cast %scan3A_970 : i32 to index
      %swap3A_1473 = arith.constant 0 : index
      %swap3A_1474 = tpu.vector_load %arg8[%swap3A_1472, %swap3A_1473] {strides = array<i32>} : memref<32x64xf32, #tpu.memory_space<vmem>>, vector<1x16xf32>,
      %swap3A_1475 = vector.shape_cast %swap3A_1474 : vector<1x16xf32> to vector<16xf32>
      %swap3A_1476 = vector.shape_cast %add3A_1471 : vector<16xf32> to vector<1x16xf32>
      tpu.vector_store %arg8[%swap3A_1472, %swap3A_1473], %swap3A_1476 {strides = array<i32>} : memref<32x64xf32, #tpu.memory_space<vmem>>, vector<1x16xf32>,
      %add3A_1477 = arith.addf %get3A_984, %get3A_1008 : vector<16xf32>
      %add3A_1478 = arith.addf %get3A_1032, %get3A_1056 : vector<16xf32>
      %add3A_1479 = arith.addf %get3A_1080, %get3A_1104 : vector<16xf32>
      %add3A_1480 = arith.addf %get3A_1128, %get3A_1152 : vector<16xf32>
      %add3A_1481 = arith.addf %get3A_1176, %get3A_1200 : vector<16xf32>
      %add3A_1482 = arith.addf %get3A_1224, %get3A_1248 : vector<16xf32>
      %add3A_1483 = arith.addf %get3A_1272, %get3A_1296 : vector<16xf32>
      %add3A_1484 = arith.addf %get3A_1320, %get3A_1344 : vector<16xf32>
      %add3A_1485 = arith.addf %get3A_1368, %get3A_1392 : vector<16xf32>
      %add3A_1486 = arith.addf %get3A_1416, %get3A_1440 : vector<16xf32>
      %add3A_1487 = arith.addf %add3A_1477, %add3A_1478 : vector<16xf32>
      %add3A_1488 = arith.addf %add3A_1479, %add3A_1480 : vector<16xf32>
      %add3A_1489 = arith.addf %add3A_1481, %add3A_1482 : vector<16xf32>
      %add3A_1490 = arith.addf %add3A_1483, %add3A_1484 : vector<16xf32>
      %add3A_1491 = arith.addf %add3A_1485, %add3A_1486 : vector<16xf32>
      %add3A_1492 = arith.addf %add3A_1487, %add3A_1488 : vector<16xf32>
      %add3A_1493 = arith.addf %add3A_1489, %add3A_1490 : vector<16xf32>
      %add3A_1494 = arith.addf %add3A_1492, %add3A_1493 : vector<16xf32>
      %add3A_1495 = arith.addf %add3A_1494, %add3A_1491 : vector<16xf32>
      %swap3A_1496 = arith.index_cast %scan3A_970 : i32 to index
      %swap3A_1497 = arith.constant 16 : index
      %swap3A_1498 = tpu.vector_load %arg8[%swap3A_1496, %swap3A_1497] {strides = array<i32>} : memref<32x64xf32, #tpu.memory_space<vmem>>, vector<1x16xf32>,
      %swap3A_1499 = vector.shape_cast %swap3A_1498 : vector<1x16xf32> to vector<16xf32>
      %swap3A_1500 = vector.shape_cast %add3A_1495 : vector<16xf32> to vector<1x16xf32>
      tpu.vector_store %arg8[%swap3A_1496, %swap3A_1497], %swap3A_1500 {strides = array<i32>} : memref<32x64xf32, #tpu.memory_space<vmem>>, vector<1x16xf32>,
      %add3A_1501 = arith.addf %get3A_990, %get3A_1014 : vector<16xf32>
      %add3A_1502 = arith.addf %get3A_1038, %get3A_1062 : vector<16xf32>
      %add3A_1503 = arith.addf %get3A_1086, %get3A_1110 : vector<16xf32>
      %add3A_1504 = arith.addf %get3A_1134, %get3A_1158 : vector<16xf32>
      %add3A_1505 = arith.addf %get3A_1182, %get3A_1206 : vector<16xf32>
      %add3A_1506 = arith.addf %get3A_1230, %get3A_1254 : vector<16xf32>
      %add3A_1507 = arith.addf %get3A_1278, %get3A_1302 : vector<16xf32>
      %add3A_1508 = arith.addf %get3A_1326, %get3A_1350 : vector<16xf32>
      %add3A_1509 = arith.addf %get3A_1374, %get3A_1398 : vector<16xf32>
      %add3A_1510 = arith.addf %get3A_1422, %get3A_1446 : vector<16xf32>
      %add3A_1511 = arith.addf %add3A_1501, %add3A_1502 : vector<16xf32>
      %add3A_1512 = arith.addf %add3A_1503, %add3A_1504 : vector<16xf32>
      %add3A_1513 = arith.addf %add3A_1505, %add3A_1506 : vector<16xf32>
      %add3A_1514 = arith.addf %add3A_1507, %add3A_1508 : vector<16xf32>
      %add3A_1515 = arith.addf %add3A_1509, %add3A_1510 : vector<16xf32>
      %add3A_1516 = arith.addf %add3A_1511, %add3A_1512 : vector<16xf32>
      %add3A_1517 = arith.addf %add3A_1513, %add3A_1514 : vector<16xf32>
      %add3A_1518 = arith.addf %add3A_1516, %add3A_1517 : vector<16xf32>
      %add3A_1519 = arith.addf %add3A_1518, %add3A_1515 : vector<16xf32>
      %swap3A_1520 = arith.index_cast %scan3A_970 : i32 to index
      %swap3A_1521 = arith.constant 32 : index
      %swap3A_1522 = tpu.vector_load %arg8[%swap3A_1520, %swap3A_1521] {strides = array<i32>} : memref<32x64xf32, #tpu.memory_space<vmem>>, vector<1x16xf32>,
      %swap3A_1523 = vector.shape_cast %swap3A_1522 : vector<1x16xf32> to vector<16xf32>
      %swap3A_1524 = vector.shape_cast %add3A_1519 : vector<16xf32> to vector<1x16xf32>
      tpu.vector_store %arg8[%swap3A_1520, %swap3A_1521], %swap3A_1524 {strides = array<i32>} : memref<32x64xf32, #tpu.memory_space<vmem>>, vector<1x16xf32>,
      %add3A_1525 = arith.addf %get3A_996, %get3A_1020 : vector<16xf32>
      %add3A_1526 = arith.addf %get3A_1044, %get3A_1068 : vector<16xf32>
      %add3A_1527 = arith.addf %get3A_1092, %get3A_1116 : vector<16xf32>
      %add3A_1528 = arith.addf %get3A_1140, %get3A_1164 : vector<16xf32>
      %add3A_1529 = arith.addf %get3A_1188, %get3A_1212 : vector<16xf32>
      %add3A_1530 = arith.addf %get3A_1236, %get3A_1260 : vector<16xf32>
      %add3A_1531 = arith.addf %get3A_1284, %get3A_1308 : vector<16xf32>
      %add3A_1532 = arith.addf %get3A_1332, %get3A_1356 : vector<16xf32>
      %add3A_1533 = arith.addf %get3A_1380, %get3A_1404 : vector<16xf32>
      %add3A_1534 = arith.addf %get3A_1428, %get3A_1452 : vector<16xf32>
      %add3A_1535 = arith.addf %add3A_1525, %add3A_1526 : vector<16xf32>
      %add3A_1536 = arith.addf %add3A_1527, %add3A_1528 : vector<16xf32>
      %add3A_1537 = arith.addf %add3A_1529, %add3A_1530 : vector<16xf32>
      %add3A_1538 = arith.addf %add3A_1531, %add3A_1532 : vector<16xf32>
      %add3A_1539 = arith.addf %add3A_1533, %add3A_1534 : vector<16xf32>
      %add3A_1540 = arith.addf %add3A_1535, %add3A_1536 : vector<16xf32>
      %add3A_1541 = arith.addf %add3A_1537, %add3A_1538 : vector<16xf32>
      %add3A_1542 = arith.addf %add3A_1540, %add3A_1541 : vector<16xf32>
      %add3A_1543 = arith.addf %add3A_1542, %add3A_1539 : vector<16xf32>
      %swap3A_1544 = arith.index_cast %scan3A_970 : i32 to index
      %swap3A_1545 = arith.constant 48 : index
      %swap3A_1546 = tpu.vector_load %arg8[%swap3A_1544, %swap3A_1545] {strides = array<i32>} : memref<32x64xf32, #tpu.memory_space<vmem>>, vector<1x16xf32>,
      %swap3A_1547 = vector.shape_cast %swap3A_1546 : vector<1x16xf32> to vector<16xf32>
      %swap3A_1548 = vector.shape_cast %add3A_1543 : vector<16xf32> to vector<1x16xf32>
      tpu.vector_store %arg8[%swap3A_1544, %swap3A_1545], %swap3A_1548 {strides = array<i32>} : memref<32x64xf32, #tpu.memory_space<vmem>>, vector<1x16xf32>,
    }
    %scan3A_317 = arith.constant 32 : i32
    %mul3A_318 = arith.constant 128 : i32
    %mul3A_319 = arith.muli %add3A, %mul3A_318 : i32
    %add3A_320 = arith.constant 64 : i32
    %add3A_321 = arith.addi %mul3A_319, %add3A_320 : i32
    %dma_start3A_322 = arith.constant 0 : i32
    %dma_start3A_323 = tpu.memref_slice %arg4[%add3A_321, %dma_start3A_322] : memref<4096x64xf32, #tpu.memory_space<hbm>> -> memref<32x64xf32, #tpu.memory_space<hbm>>
    %dma_start3A_324 = arith.constant 0 : i32
    %dma_start3A_325 = tpu.memref_slice %arg4[%add3A_321, %dma_start3A_324] : memref<4096x64xf32, #tpu.memory_space<hbm>> -> memref<32x64xf32, #tpu.memory_space<hbm>>
    tpu.enqueue_dma source(%arg8 : memref<32x64xf32, #tpu.memory_space<vmem>>) target(%dma_start3A_325 : memref<32x64xf32, #tpu.memory_space<hbm>>) target_semaphore(%arg12 : memref<!tpu.dma_semaphore, #tpu.memory_space<semaphore_mem>>)
    %dma_wait3A_326 = arith.constant 0 : i32
    %dma_wait3A_327 = arith.constant 0 : i32
    %dma_wait3A_328 = tpu.memref_slice %arg7[%dma_wait3A_326, %dma_wait3A_327] : memref<640x64xf32, #tpu.memory_space<vmem>> -> memref<128x64xf32, #tpu.memory_space<vmem>>
    %dma_wait3A_329 = arith.constant 1920 : i32
    %dma_wait3A_330 = tpu.memref_slice %arg5[%dma_wait3A_329] : memref<2560xi32, #tpu.memory_space<vmem>> -> memref<128xi32, #tpu.memory_space<vmem>>
    %dma_wait3A_331 = arith.constant 0 : i32
    %dma_wait3A_332 = arith.constant 0 : i32
    %dma_wait3A_333 = tpu.memref_slice %arg2[%dma_wait3A_331, %dma_wait3A_332] : memref<100000x64xf32, #tpu.memory_space<hbm>> -> memref<100000x64xf32, #tpu.memory_space<hbm>>
    tpu.wait_indirect_dma semaphore(%arg11 : memref<!tpu.dma_semaphore, #tpu.memory_space<semaphore_mem>>) src(%dma_wait3A_333 : memref<100000x64xf32, #tpu.memory_space<hbm>>) dst(%dma_wait3A_328 : memref<128x64xf32, #tpu.memory_space<vmem>>)
    %dma_wait3A_334 = arith.constant 128 : i32
    %dma_wait3A_335 = arith.constant 0 : i32
    %dma_wait3A_336 = tpu.memref_slice %arg7[%dma_wait3A_334, %dma_wait3A_335] : memref<640x64xf32, #tpu.memory_space<vmem>> -> memref<128x64xf32, #tpu.memory_space<vmem>>
    %dma_wait3A_337 = arith.constant 2048 : i32
    %dma_wait3A_338 = tpu.memref_slice %arg5[%dma_wait3A_337] : memref<2560xi32, #tpu.memory_space<vmem>> -> memref<128xi32, #tpu.memory_space<vmem>>
    %dma_wait3A_339 = arith.constant 0 : i32
    %dma_wait3A_340 = arith.constant 0 : i32
    %dma_wait3A_341 = tpu.memref_slice %arg2[%dma_wait3A_339, %dma_wait3A_340] : memref<100000x64xf32, #tpu.memory_space<hbm>> -> memref<100000x64xf32, #tpu.memory_space<hbm>>
    tpu.wait_indirect_dma semaphore(%arg11 : memref<!tpu.dma_semaphore, #tpu.memory_space<semaphore_mem>>) src(%dma_wait3A_341 : memref<100000x64xf32, #tpu.memory_space<hbm>>) dst(%dma_wait3A_336 : memref<128x64xf32, #tpu.memory_space<vmem>>)
    %dma_wait3A_342 = arith.constant 256 : i32
    %dma_wait3A_343 = arith.constant 0 : i32
    %dma_wait3A_344 = tpu.memref_slice %arg7[%dma_wait3A_342, %dma_wait3A_343] : memref<640x64xf32, #tpu.memory_space<vmem>> -> memref<128x64xf32, #tpu.memory_space<vmem>>
    %dma_wait3A_345 = arith.constant 2176 : i32
    %dma_wait3A_346 = tpu.memref_slice %arg5[%dma_wait3A_345] : memref<2560xi32, #tpu.memory_space<vmem>> -> memref<128xi32, #tpu.memory_space<vmem>>
    %dma_wait3A_347 = arith.constant 0 : i32
    %dma_wait3A_348 = arith.constant 0 : i32
    %dma_wait3A_349 = tpu.memref_slice %arg2[%dma_wait3A_347, %dma_wait3A_348] : memref<100000x64xf32, #tpu.memory_space<hbm>> -> memref<100000x64xf32, #tpu.memory_space<hbm>>
    tpu.wait_indirect_dma semaphore(%arg11 : memref<!tpu.dma_semaphore, #tpu.memory_space<semaphore_mem>>) src(%dma_wait3A_349 : memref<100000x64xf32, #tpu.memory_space<hbm>>) dst(%dma_wait3A_344 : memref<128x64xf32, #tpu.memory_space<vmem>>)
    %dma_wait3A_350 = arith.constant 384 : i32
    %dma_wait3A_351 = arith.constant 0 : i32
    %dma_wait3A_352 = tpu.memref_slice %arg7[%dma_wait3A_350, %dma_wait3A_351] : memref<640x64xf32, #tpu.memory_space<vmem>> -> memref<128x64xf32, #tpu.memory_space<vmem>>
    %dma_wait3A_353 = arith.constant 2304 : i32
    %dma_wait3A_354 = tpu.memref_slice %arg5[%dma_wait3A_353] : memref<2560xi32, #tpu.memory_space<vmem>> -> memref<128xi32, #tpu.memory_space<vmem>>
    %dma_wait3A_355 = arith.constant 0 : i32
    %dma_wait3A_356 = arith.constant 0 : i32
    %dma_wait3A_357 = tpu.memref_slice %arg2[%dma_wait3A_355, %dma_wait3A_356] : memref<100000x64xf32, #tpu.memory_space<hbm>> -> memref<100000x64xf32, #tpu.memory_space<hbm>>
    tpu.wait_indirect_dma semaphore(%arg11 : memref<!tpu.dma_semaphore, #tpu.memory_space<semaphore_mem>>) src(%dma_wait3A_357 : memref<100000x64xf32, #tpu.memory_space<hbm>>) dst(%dma_wait3A_352 : memref<128x64xf32, #tpu.memory_space<vmem>>)
    %dma_wait3A_358 = arith.constant 512 : i32
    %dma_wait3A_359 = arith.constant 0 : i32
    %dma_wait3A_360 = tpu.memref_slice %arg7[%dma_wait3A_358, %dma_wait3A_359] : memref<640x64xf32, #tpu.memory_space<vmem>> -> memref<128x64xf32, #tpu.memory_space<vmem>>
    %dma_wait3A_361 = arith.constant 2432 : i32
    %dma_wait3A_362 = tpu.memref_slice %arg5[%dma_wait3A_361] : memref<2560xi32, #tpu.memory_space<vmem>> -> memref<128xi32, #tpu.memory_space<vmem>>
    %dma_wait3A_363 = arith.constant 0 : i32
    %dma_wait3A_364 = arith.constant 0 : i32
    %dma_wait3A_365 = tpu.memref_slice %arg2[%dma_wait3A_363, %dma_wait3A_364] : memref<100000x64xf32, #tpu.memory_space<hbm>> -> memref<100000x64xf32, #tpu.memory_space<hbm>>
    tpu.wait_indirect_dma semaphore(%arg11 : memref<!tpu.dma_semaphore, #tpu.memory_space<semaphore_mem>>) src(%dma_wait3A_365 : memref<100000x64xf32, #tpu.memory_space<hbm>>) dst(%dma_wait3A_360 : memref<128x64xf32, #tpu.memory_space<vmem>>)
    %dma_wait3A_366 = arith.constant 0 : i32
    %dma_wait3A_367 = tpu.memref_slice %arg4[%add3A_223, %dma_wait3A_366] : memref<4096x64xf32, #tpu.memory_space<hbm>> -> memref<32x64xf32, #tpu.memory_space<hbm>>
    %dma_wait3A_368 = arith.constant 0 : i32
    %dma_wait3A_369 = tpu.memref_slice %arg4[%add3A_223, %dma_wait3A_368] : memref<4096x64xf32, #tpu.memory_space<hbm>> -> memref<32x64xf32, #tpu.memory_space<hbm>>
    tpu.wait_dma2 semaphore(%arg13 : memref<!tpu.dma_semaphore, #tpu.memory_space<semaphore_mem>>) src(%arg9 : memref<32x64xf32, #tpu.memory_space<vmem>>) dst(%dma_wait3A_369 : memref<32x64xf32, #tpu.memory_space<hbm>>)
    %scan3A_370 = arith.constant 0 : i32
    %scan3A_371 = arith.constant 0 : i32
    %scan3A_372 = arith.constant 32 : i32
    %scan3A_373 = arith.addi %scan3A_371, %scan3A_372 : i32
    %scan3A_374 = arith.constant 2 : i32
    scf.for %scan3A_392 = %scan3A_371 to %scan3A_373 step %scan3A_374  : i32 {
      %mul3A_393 = arith.constant 20 : i32
      %mul3A_394 = arith.muli %scan3A_392, %mul3A_393 : i32
      %add3A_395 = arith.constant 0 : i32
      %add3A_396 = arith.addi %mul3A_394, %add3A_395 : i32
      %get3A = arith.index_cast %add3A_396 : i32 to index
      %get3A_397 = arith.constant 0 : index
      %get3A_398 = tpu.vector_load %arg7[%get3A, %get3A_397] {strides = array<i32>} : memref<640x64xf32, #tpu.memory_space<vmem>>, vector<1x16xf32>,
      %get3A_399 = vector.shape_cast %get3A_398 : vector<1x16xf32> to vector<16xf32>
      %add3A_400 = arith.constant 0 : i32
      %add3A_401 = arith.addi %mul3A_394, %add3A_400 : i32
      %get3A_402 = arith.index_cast %add3A_401 : i32 to index
      %get3A_403 = arith.constant 16 : index
      %get3A_404 = tpu.vector_load %arg7[%get3A_402, %get3A_403] {strides = array<i32>} : memref<640x64xf32, #tpu.memory_space<vmem>>, vector<1x16xf32>,
      %get3A_405 = vector.shape_cast %get3A_404 : vector<1x16xf32> to vector<16xf32>
      %add3A_406 = arith.constant 0 : i32
      %add3A_407 = arith.addi %mul3A_394, %add3A_406 : i32
      %get3A_408 = arith.index_cast %add3A_407 : i32 to index
      %get3A_409 = arith.constant 32 : index
      %get3A_410 = tpu.vector_load %arg7[%get3A_408, %get3A_409] {strides = array<i32>} : memref<640x64xf32, #tpu.memory_space<vmem>>, vector<1x16xf32>,
      %get3A_411 = vector.shape_cast %get3A_410 : vector<1x16xf32> to vector<16xf32>
      %add3A_412 = arith.constant 0 : i32
      %add3A_413 = arith.addi %mul3A_394, %add3A_412 : i32
      %get3A_414 = arith.index_cast %add3A_413 : i32 to index
      %get3A_415 = arith.constant 48 : index
      %get3A_416 = tpu.vector_load %arg7[%get3A_414, %get3A_415] {strides = array<i32>} : memref<640x64xf32, #tpu.memory_space<vmem>>, vector<1x16xf32>,
      %get3A_417 = vector.shape_cast %get3A_416 : vector<1x16xf32> to vector<16xf32>
      %add3A_418 = arith.constant 1 : i32
      %add3A_419 = arith.addi %mul3A_394, %add3A_418 : i32
      %get3A_420 = arith.index_cast %add3A_419 : i32 to index
      %get3A_421 = arith.constant 0 : index
      %get3A_422 = tpu.vector_load %arg7[%get3A_420, %get3A_421] {strides = array<i32>} : memref<640x64xf32, #tpu.memory_space<vmem>>, vector<1x16xf32>,
      %get3A_423 = vector.shape_cast %get3A_422 : vector<1x16xf32> to vector<16xf32>
      %add3A_424 = arith.constant 1 : i32
      %add3A_425 = arith.addi %mul3A_394, %add3A_424 : i32
      %get3A_426 = arith.index_cast %add3A_425 : i32 to index
      %get3A_427 = arith.constant 16 : index
      %get3A_428 = tpu.vector_load %arg7[%get3A_426, %get3A_427] {strides = array<i32>} : memref<640x64xf32, #tpu.memory_space<vmem>>, vector<1x16xf32>,
      %get3A_429 = vector.shape_cast %get3A_428 : vector<1x16xf32> to vector<16xf32>
      %add3A_430 = arith.constant 1 : i32
      %add3A_431 = arith.addi %mul3A_394, %add3A_430 : i32
      %get3A_432 = arith.index_cast %add3A_431 : i32 to index
      %get3A_433 = arith.constant 32 : index
      %get3A_434 = tpu.vector_load %arg7[%get3A_432, %get3A_433] {strides = array<i32>} : memref<640x64xf32, #tpu.memory_space<vmem>>, vector<1x16xf32>,
      %get3A_435 = vector.shape_cast %get3A_434 : vector<1x16xf32> to vector<16xf32>
      %add3A_436 = arith.constant 1 : i32
      %add3A_437 = arith.addi %mul3A_394, %add3A_436 : i32
      %get3A_438 = arith.index_cast %add3A_437 : i32 to index
      %get3A_439 = arith.constant 48 : index
      %get3A_440 = tpu.vector_load %arg7[%get3A_438, %get3A_439] {strides = array<i32>} : memref<640x64xf32, #tpu.memory_space<vmem>>, vector<1x16xf32>,
      %get3A_441 = vector.shape_cast %get3A_440 : vector<1x16xf32> to vector<16xf32>
      %add3A_442 = arith.constant 2 : i32
      %add3A_443 = arith.addi %mul3A_394, %add3A_442 : i32
      %get3A_444 = arith.index_cast %add3A_443 : i32 to index
      %get3A_445 = arith.constant 0 : index
      %get3A_446 = tpu.vector_load %arg7[%get3A_444, %get3A_445] {strides = array<i32>} : memref<640x64xf32, #tpu.memory_space<vmem>>, vector<1x16xf32>,
      %get3A_447 = vector.shape_cast %get3A_446 : vector<1x16xf32> to vector<16xf32>
      %add3A_448 = arith.constant 2 : i32
      %add3A_449 = arith.addi %mul3A_394, %add3A_448 : i32
      %get3A_450 = arith.index_cast %add3A_449 : i32 to index
      %get3A_451 = arith.constant 16 : index
      %get3A_452 = tpu.vector_load %arg7[%get3A_450, %get3A_451] {strides = array<i32>} : memref<640x64xf32, #tpu.memory_space<vmem>>, vector<1x16xf32>,
      %get3A_453 = vector.shape_cast %get3A_452 : vector<1x16xf32> to vector<16xf32>
      %add3A_454 = arith.constant 2 : i32
      %add3A_455 = arith.addi %mul3A_394, %add3A_454 : i32
      %get3A_456 = arith.index_cast %add3A_455 : i32 to index
      %get3A_457 = arith.constant 32 : index
      %get3A_458 = tpu.vector_load %arg7[%get3A_456, %get3A_457] {strides = array<i32>} : memref<640x64xf32, #tpu.memory_space<vmem>>, vector<1x16xf32>,
      %get3A_459 = vector.shape_cast %get3A_458 : vector<1x16xf32> to vector<16xf32>
      %add3A_460 = arith.constant 2 : i32
      %add3A_461 = arith.addi %mul3A_394, %add3A_460 : i32
      %get3A_462 = arith.index_cast %add3A_461 : i32 to index
      %get3A_463 = arith.constant 48 : index
      %get3A_464 = tpu.vector_load %arg7[%get3A_462, %get3A_463] {strides = array<i32>} : memref<640x64xf32, #tpu.memory_space<vmem>>, vector<1x16xf32>,
      %get3A_465 = vector.shape_cast %get3A_464 : vector<1x16xf32> to vector<16xf32>
      %add3A_466 = arith.constant 3 : i32
      %add3A_467 = arith.addi %mul3A_394, %add3A_466 : i32
      %get3A_468 = arith.index_cast %add3A_467 : i32 to index
      %get3A_469 = arith.constant 0 : index
      %get3A_470 = tpu.vector_load %arg7[%get3A_468, %get3A_469] {strides = array<i32>} : memref<640x64xf32, #tpu.memory_space<vmem>>, vector<1x16xf32>,
      %get3A_471 = vector.shape_cast %get3A_470 : vector<1x16xf32> to vector<16xf32>
      %add3A_472 = arith.constant 3 : i32
      %add3A_473 = arith.addi %mul3A_394, %add3A_472 : i32
      %get3A_474 = arith.index_cast %add3A_473 : i32 to index
      %get3A_475 = arith.constant 16 : index
      %get3A_476 = tpu.vector_load %arg7[%get3A_474, %get3A_475] {strides = array<i32>} : memref<640x64xf32, #tpu.memory_space<vmem>>, vector<1x16xf32>,
      %get3A_477 = vector.shape_cast %get3A_476 : vector<1x16xf32> to vector<16xf32>
      %add3A_478 = arith.constant 3 : i32
      %add3A_479 = arith.addi %mul3A_394, %add3A_478 : i32
      %get3A_480 = arith.index_cast %add3A_479 : i32 to index
      %get3A_481 = arith.constant 32 : index
      %get3A_482 = tpu.vector_load %arg7[%get3A_480, %get3A_481] {strides = array<i32>} : memref<640x64xf32, #tpu.memory_space<vmem>>, vector<1x16xf32>,
      %get3A_483 = vector.shape_cast %get3A_482 : vector<1x16xf32> to vector<16xf32>
      %add3A_484 = arith.constant 3 : i32
      %add3A_485 = arith.addi %mul3A_394, %add3A_484 : i32
      %get3A_486 = arith.index_cast %add3A_485 : i32 to index
      %get3A_487 = arith.constant 48 : index
      %get3A_488 = tpu.vector_load %arg7[%get3A_486, %get3A_487] {strides = array<i32>} : memref<640x64xf32, #tpu.memory_space<vmem>>, vector<1x16xf32>,
      %get3A_489 = vector.shape_cast %get3A_488 : vector<1x16xf32> to vector<16xf32>
      %add3A_490 = arith.constant 4 : i32
      %add3A_491 = arith.addi %mul3A_394, %add3A_490 : i32
      %get3A_492 = arith.index_cast %add3A_491 : i32 to index
      %get3A_493 = arith.constant 0 : index
      %get3A_494 = tpu.vector_load %arg7[%get3A_492, %get3A_493] {strides = array<i32>} : memref<640x64xf32, #tpu.memory_space<vmem>>, vector<1x16xf32>,
      %get3A_495 = vector.shape_cast %get3A_494 : vector<1x16xf32> to vector<16xf32>
      %add3A_496 = arith.constant 4 : i32
      %add3A_497 = arith.addi %mul3A_394, %add3A_496 : i32
      %get3A_498 = arith.index_cast %add3A_497 : i32 to index
      %get3A_499 = arith.constant 16 : index
      %get3A_500 = tpu.vector_load %arg7[%get3A_498, %get3A_499] {strides = array<i32>} : memref<640x64xf32, #tpu.memory_space<vmem>>, vector<1x16xf32>,
      %get3A_501 = vector.shape_cast %get3A_500 : vector<1x16xf32> to vector<16xf32>
      %add3A_502 = arith.constant 4 : i32
      %add3A_503 = arith.addi %mul3A_394, %add3A_502 : i32
      %get3A_504 = arith.index_cast %add3A_503 : i32 to index
      %get3A_505 = arith.constant 32 : index
      %get3A_506 = tpu.vector_load %arg7[%get3A_504, %get3A_505] {strides = array<i32>} : memref<640x64xf32, #tpu.memory_space<vmem>>, vector<1x16xf32>,
      %get3A_507 = vector.shape_cast %get3A_506 : vector<1x16xf32> to vector<16xf32>
      %add3A_508 = arith.constant 4 : i32
      %add3A_509 = arith.addi %mul3A_394, %add3A_508 : i32
      %get3A_510 = arith.index_cast %add3A_509 : i32 to index
      %get3A_511 = arith.constant 48 : index
      %get3A_512 = tpu.vector_load %arg7[%get3A_510, %get3A_511] {strides = array<i32>} : memref<640x64xf32, #tpu.memory_space<vmem>>, vector<1x16xf32>,
      %get3A_513 = vector.shape_cast %get3A_512 : vector<1x16xf32> to vector<16xf32>
      %add3A_514 = arith.constant 5 : i32
      %add3A_515 = arith.addi %mul3A_394, %add3A_514 : i32
      %get3A_516 = arith.index_cast %add3A_515 : i32 to index
      %get3A_517 = arith.constant 0 : index
      %get3A_518 = tpu.vector_load %arg7[%get3A_516, %get3A_517] {strides = array<i32>} : memref<640x64xf32, #tpu.memory_space<vmem>>, vector<1x16xf32>,
      %get3A_519 = vector.shape_cast %get3A_518 : vector<1x16xf32> to vector<16xf32>
      %add3A_520 = arith.constant 5 : i32
      %add3A_521 = arith.addi %mul3A_394, %add3A_520 : i32
      %get3A_522 = arith.index_cast %add3A_521 : i32 to index
      %get3A_523 = arith.constant 16 : index
      %get3A_524 = tpu.vector_load %arg7[%get3A_522, %get3A_523] {strides = array<i32>} : memref<640x64xf32, #tpu.memory_space<vmem>>, vector<1x16xf32>,
      %get3A_525 = vector.shape_cast %get3A_524 : vector<1x16xf32> to vector<16xf32>
      %add3A_526 = arith.constant 5 : i32
      %add3A_527 = arith.addi %mul3A_394, %add3A_526 : i32
      %get3A_528 = arith.index_cast %add3A_527 : i32 to index
      %get3A_529 = arith.constant 32 : index
      %get3A_530 = tpu.vector_load %arg7[%get3A_528, %get3A_529] {strides = array<i32>} : memref<640x64xf32, #tpu.memory_space<vmem>>, vector<1x16xf32>,
      %get3A_531 = vector.shape_cast %get3A_530 : vector<1x16xf32> to vector<16xf32>
      %add3A_532 = arith.constant 5 : i32
      %add3A_533 = arith.addi %mul3A_394, %add3A_532 : i32
      %get3A_534 = arith.index_cast %add3A_533 : i32 to index
      %get3A_535 = arith.constant 48 : index
      %get3A_536 = tpu.vector_load %arg7[%get3A_534, %get3A_535] {strides = array<i32>} : memref<640x64xf32, #tpu.memory_space<vmem>>, vector<1x16xf32>,
      %get3A_537 = vector.shape_cast %get3A_536 : vector<1x16xf32> to vector<16xf32>
      %add3A_538 = arith.constant 6 : i32
      %add3A_539 = arith.addi %mul3A_394, %add3A_538 : i32
      %get3A_540 = arith.index_cast %add3A_539 : i32 to index
      %get3A_541 = arith.constant 0 : index
      %get3A_542 = tpu.vector_load %arg7[%get3A_540, %get3A_541] {strides = array<i32>} : memref<640x64xf32, #tpu.memory_space<vmem>>, vector<1x16xf32>,
      %get3A_543 = vector.shape_cast %get3A_542 : vector<1x16xf32> to vector<16xf32>
      %add3A_544 = arith.constant 6 : i32
      %add3A_545 = arith.addi %mul3A_394, %add3A_544 : i32
      %get3A_546 = arith.index_cast %add3A_545 : i32 to index
      %get3A_547 = arith.constant 16 : index
      %get3A_548 = tpu.vector_load %arg7[%get3A_546, %get3A_547] {strides = array<i32>} : memref<640x64xf32, #tpu.memory_space<vmem>>, vector<1x16xf32>,
      %get3A_549 = vector.shape_cast %get3A_548 : vector<1x16xf32> to vector<16xf32>
      %add3A_550 = arith.constant 6 : i32
      %add3A_551 = arith.addi %mul3A_394, %add3A_550 : i32
      %get3A_552 = arith.index_cast %add3A_551 : i32 to index
      %get3A_553 = arith.constant 32 : index
      %get3A_554 = tpu.vector_load %arg7[%get3A_552, %get3A_553] {strides = array<i32>} : memref<640x64xf32, #tpu.memory_space<vmem>>, vector<1x16xf32>,
      %get3A_555 = vector.shape_cast %get3A_554 : vector<1x16xf32> to vector<16xf32>
      %add3A_556 = arith.constant 6 : i32
      %add3A_557 = arith.addi %mul3A_394, %add3A_556 : i32
      %get3A_558 = arith.index_cast %add3A_557 : i32 to index
      %get3A_559 = arith.constant 48 : index
      %get3A_560 = tpu.vector_load %arg7[%get3A_558, %get3A_559] {strides = array<i32>} : memref<640x64xf32, #tpu.memory_space<vmem>>, vector<1x16xf32>,
      %get3A_561 = vector.shape_cast %get3A_560 : vector<1x16xf32> to vector<16xf32>
      %add3A_562 = arith.constant 7 : i32
      %add3A_563 = arith.addi %mul3A_394, %add3A_562 : i32
      %get3A_564 = arith.index_cast %add3A_563 : i32 to index
      %get3A_565 = arith.constant 0 : index
      %get3A_566 = tpu.vector_load %arg7[%get3A_564, %get3A_565] {strides = array<i32>} : memref<640x64xf32, #tpu.memory_space<vmem>>, vector<1x16xf32>,
      %get3A_567 = vector.shape_cast %get3A_566 : vector<1x16xf32> to vector<16xf32>
      %add3A_568 = arith.constant 7 : i32
      %add3A_569 = arith.addi %mul3A_394, %add3A_568 : i32
      %get3A_570 = arith.index_cast %add3A_569 : i32 to index
      %get3A_571 = arith.constant 16 : index
      %get3A_572 = tpu.vector_load %arg7[%get3A_570, %get3A_571] {strides = array<i32>} : memref<640x64xf32, #tpu.memory_space<vmem>>, vector<1x16xf32>,
      %get3A_573 = vector.shape_cast %get3A_572 : vector<1x16xf32> to vector<16xf32>
      %add3A_574 = arith.constant 7 : i32
      %add3A_575 = arith.addi %mul3A_394, %add3A_574 : i32
      %get3A_576 = arith.index_cast %add3A_575 : i32 to index
      %get3A_577 = arith.constant 32 : index
      %get3A_578 = tpu.vector_load %arg7[%get3A_576, %get3A_577] {strides = array<i32>} : memref<640x64xf32, #tpu.memory_space<vmem>>, vector<1x16xf32>,
      %get3A_579 = vector.shape_cast %get3A_578 : vector<1x16xf32> to vector<16xf32>
      %add3A_580 = arith.constant 7 : i32
      %add3A_581 = arith.addi %mul3A_394, %add3A_580 : i32
      %get3A_582 = arith.index_cast %add3A_581 : i32 to index
      %get3A_583 = arith.constant 48 : index
      %get3A_584 = tpu.vector_load %arg7[%get3A_582, %get3A_583] {strides = array<i32>} : memref<640x64xf32, #tpu.memory_space<vmem>>, vector<1x16xf32>,
      %get3A_585 = vector.shape_cast %get3A_584 : vector<1x16xf32> to vector<16xf32>
      %add3A_586 = arith.constant 8 : i32
      %add3A_587 = arith.addi %mul3A_394, %add3A_586 : i32
      %get3A_588 = arith.index_cast %add3A_587 : i32 to index
      %get3A_589 = arith.constant 0 : index
      %get3A_590 = tpu.vector_load %arg7[%get3A_588, %get3A_589] {strides = array<i32>} : memref<640x64xf32, #tpu.memory_space<vmem>>, vector<1x16xf32>,
      %get3A_591 = vector.shape_cast %get3A_590 : vector<1x16xf32> to vector<16xf32>
      %add3A_592 = arith.constant 8 : i32
      %add3A_593 = arith.addi %mul3A_394, %add3A_592 : i32
      %get3A_594 = arith.index_cast %add3A_593 : i32 to index
      %get3A_595 = arith.constant 16 : index
      %get3A_596 = tpu.vector_load %arg7[%get3A_594, %get3A_595] {strides = array<i32>} : memref<640x64xf32, #tpu.memory_space<vmem>>, vector<1x16xf32>,
      %get3A_597 = vector.shape_cast %get3A_596 : vector<1x16xf32> to vector<16xf32>
      %add3A_598 = arith.constant 8 : i32
      %add3A_599 = arith.addi %mul3A_394, %add3A_598 : i32
      %get3A_600 = arith.index_cast %add3A_599 : i32 to index
      %get3A_601 = arith.constant 32 : index
      %get3A_602 = tpu.vector_load %arg7[%get3A_600, %get3A_601] {strides = array<i32>} : memref<640x64xf32, #tpu.memory_space<vmem>>, vector<1x16xf32>,
      %get3A_603 = vector.shape_cast %get3A_602 : vector<1x16xf32> to vector<16xf32>
      %add3A_604 = arith.constant 8 : i32
      %add3A_605 = arith.addi %mul3A_394, %add3A_604 : i32
      %get3A_606 = arith.index_cast %add3A_605 : i32 to index
      %get3A_607 = arith.constant 48 : index
      %get3A_608 = tpu.vector_load %arg7[%get3A_606, %get3A_607] {strides = array<i32>} : memref<640x64xf32, #tpu.memory_space<vmem>>, vector<1x16xf32>,
      %get3A_609 = vector.shape_cast %get3A_608 : vector<1x16xf32> to vector<16xf32>
      %add3A_610 = arith.constant 9 : i32
      %add3A_611 = arith.addi %mul3A_394, %add3A_610 : i32
      %get3A_612 = arith.index_cast %add3A_611 : i32 to index
      %get3A_613 = arith.constant 0 : index
      %get3A_614 = tpu.vector_load %arg7[%get3A_612, %get3A_613] {strides = array<i32>} : memref<640x64xf32, #tpu.memory_space<vmem>>, vector<1x16xf32>,
      %get3A_615 = vector.shape_cast %get3A_614 : vector<1x16xf32> to vector<16xf32>
      %add3A_616 = arith.constant 9 : i32
      %add3A_617 = arith.addi %mul3A_394, %add3A_616 : i32
      %get3A_618 = arith.index_cast %add3A_617 : i32 to index
      %get3A_619 = arith.constant 16 : index
      %get3A_620 = tpu.vector_load %arg7[%get3A_618, %get3A_619] {strides = array<i32>} : memref<640x64xf32, #tpu.memory_space<vmem>>, vector<1x16xf32>,
      %get3A_621 = vector.shape_cast %get3A_620 : vector<1x16xf32> to vector<16xf32>
      %add3A_622 = arith.constant 9 : i32
      %add3A_623 = arith.addi %mul3A_394, %add3A_622 : i32
      %get3A_624 = arith.index_cast %add3A_623 : i32 to index
      %get3A_625 = arith.constant 32 : index
      %get3A_626 = tpu.vector_load %arg7[%get3A_624, %get3A_625] {strides = array<i32>} : memref<640x64xf32, #tpu.memory_space<vmem>>, vector<1x16xf32>,
      %get3A_627 = vector.shape_cast %get3A_626 : vector<1x16xf32> to vector<16xf32>
      %add3A_628 = arith.constant 9 : i32
      %add3A_629 = arith.addi %mul3A_394, %add3A_628 : i32
      %get3A_630 = arith.index_cast %add3A_629 : i32 to index
      %get3A_631 = arith.constant 48 : index
      %get3A_632 = tpu.vector_load %arg7[%get3A_630, %get3A_631] {strides = array<i32>} : memref<640x64xf32, #tpu.memory_space<vmem>>, vector<1x16xf32>,
      %get3A_633 = vector.shape_cast %get3A_632 : vector<1x16xf32> to vector<16xf32>
      %add3A_634 = arith.constant 10 : i32
      %add3A_635 = arith.addi %mul3A_394, %add3A_634 : i32
      %get3A_636 = arith.index_cast %add3A_635 : i32 to index
      %get3A_637 = arith.constant 0 : index
      %get3A_638 = tpu.vector_load %arg7[%get3A_636, %get3A_637] {strides = array<i32>} : memref<640x64xf32, #tpu.memory_space<vmem>>, vector<1x16xf32>,
      %get3A_639 = vector.shape_cast %get3A_638 : vector<1x16xf32> to vector<16xf32>
      %add3A_640 = arith.constant 10 : i32
      %add3A_641 = arith.addi %mul3A_394, %add3A_640 : i32
      %get3A_642 = arith.index_cast %add3A_641 : i32 to index
      %get3A_643 = arith.constant 16 : index
      %get3A_644 = tpu.vector_load %arg7[%get3A_642, %get3A_643] {strides = array<i32>} : memref<640x64xf32, #tpu.memory_space<vmem>>, vector<1x16xf32>,
      %get3A_645 = vector.shape_cast %get3A_644 : vector<1x16xf32> to vector<16xf32>
      %add3A_646 = arith.constant 10 : i32
      %add3A_647 = arith.addi %mul3A_394, %add3A_646 : i32
      %get3A_648 = arith.index_cast %add3A_647 : i32 to index
      %get3A_649 = arith.constant 32 : index
      %get3A_650 = tpu.vector_load %arg7[%get3A_648, %get3A_649] {strides = array<i32>} : memref<640x64xf32, #tpu.memory_space<vmem>>, vector<1x16xf32>,
      %get3A_651 = vector.shape_cast %get3A_650 : vector<1x16xf32> to vector<16xf32>
      %add3A_652 = arith.constant 10 : i32
      %add3A_653 = arith.addi %mul3A_394, %add3A_652 : i32
      %get3A_654 = arith.index_cast %add3A_653 : i32 to index
      %get3A_655 = arith.constant 48 : index
      %get3A_656 = tpu.vector_load %arg7[%get3A_654, %get3A_655] {strides = array<i32>} : memref<640x64xf32, #tpu.memory_space<vmem>>, vector<1x16xf32>,
      %get3A_657 = vector.shape_cast %get3A_656 : vector<1x16xf32> to vector<16xf32>
      %add3A_658 = arith.constant 11 : i32
      %add3A_659 = arith.addi %mul3A_394, %add3A_658 : i32
      %get3A_660 = arith.index_cast %add3A_659 : i32 to index
      %get3A_661 = arith.constant 0 : index
      %get3A_662 = tpu.vector_load %arg7[%get3A_660, %get3A_661] {strides = array<i32>} : memref<640x64xf32, #tpu.memory_space<vmem>>, vector<1x16xf32>,
      %get3A_663 = vector.shape_cast %get3A_662 : vector<1x16xf32> to vector<16xf32>
      %add3A_664 = arith.constant 11 : i32
      %add3A_665 = arith.addi %mul3A_394, %add3A_664 : i32
      %get3A_666 = arith.index_cast %add3A_665 : i32 to index
      %get3A_667 = arith.constant 16 : index
      %get3A_668 = tpu.vector_load %arg7[%get3A_666, %get3A_667] {strides = array<i32>} : memref<640x64xf32, #tpu.memory_space<vmem>>, vector<1x16xf32>,
      %get3A_669 = vector.shape_cast %get3A_668 : vector<1x16xf32> to vector<16xf32>
      %add3A_670 = arith.constant 11 : i32
      %add3A_671 = arith.addi %mul3A_394, %add3A_670 : i32
      %get3A_672 = arith.index_cast %add3A_671 : i32 to index
      %get3A_673 = arith.constant 32 : index
      %get3A_674 = tpu.vector_load %arg7[%get3A_672, %get3A_673] {strides = array<i32>} : memref<640x64xf32, #tpu.memory_space<vmem>>, vector<1x16xf32>,
      %get3A_675 = vector.shape_cast %get3A_674 : vector<1x16xf32> to vector<16xf32>
      %add3A_676 = arith.constant 11 : i32
      %add3A_677 = arith.addi %mul3A_394, %add3A_676 : i32
      %get3A_678 = arith.index_cast %add3A_677 : i32 to index
      %get3A_679 = arith.constant 48 : index
      %get3A_680 = tpu.vector_load %arg7[%get3A_678, %get3A_679] {strides = array<i32>} : memref<640x64xf32, #tpu.memory_space<vmem>>, vector<1x16xf32>,
      %get3A_681 = vector.shape_cast %get3A_680 : vector<1x16xf32> to vector<16xf32>
      %add3A_682 = arith.constant 12 : i32
      %add3A_683 = arith.addi %mul3A_394, %add3A_682 : i32
      %get3A_684 = arith.index_cast %add3A_683 : i32 to index
      %get3A_685 = arith.constant 0 : index
      %get3A_686 = tpu.vector_load %arg7[%get3A_684, %get3A_685] {strides = array<i32>} : memref<640x64xf32, #tpu.memory_space<vmem>>, vector<1x16xf32>,
      %get3A_687 = vector.shape_cast %get3A_686 : vector<1x16xf32> to vector<16xf32>
      %add3A_688 = arith.constant 12 : i32
      %add3A_689 = arith.addi %mul3A_394, %add3A_688 : i32
      %get3A_690 = arith.index_cast %add3A_689 : i32 to index
      %get3A_691 = arith.constant 16 : index
      %get3A_692 = tpu.vector_load %arg7[%get3A_690, %get3A_691] {strides = array<i32>} : memref<640x64xf32, #tpu.memory_space<vmem>>, vector<1x16xf32>,
      %get3A_693 = vector.shape_cast %get3A_692 : vector<1x16xf32> to vector<16xf32>
      %add3A_694 = arith.constant 12 : i32
      %add3A_695 = arith.addi %mul3A_394, %add3A_694 : i32
      %get3A_696 = arith.index_cast %add3A_695 : i32 to index
      %get3A_697 = arith.constant 32 : index
      %get3A_698 = tpu.vector_load %arg7[%get3A_696, %get3A_697] {strides = array<i32>} : memref<640x64xf32, #tpu.memory_space<vmem>>, vector<1x16xf32>,
      %get3A_699 = vector.shape_cast %get3A_698 : vector<1x16xf32> to vector<16xf32>
      %add3A_700 = arith.constant 12 : i32
      %add3A_701 = arith.addi %mul3A_394, %add3A_700 : i32
      %get3A_702 = arith.index_cast %add3A_701 : i32 to index
      %get3A_703 = arith.constant 48 : index
      %get3A_704 = tpu.vector_load %arg7[%get3A_702, %get3A_703] {strides = array<i32>} : memref<640x64xf32, #tpu.memory_space<vmem>>, vector<1x16xf32>,
      %get3A_705 = vector.shape_cast %get3A_704 : vector<1x16xf32> to vector<16xf32>
      %add3A_706 = arith.constant 13 : i32
      %add3A_707 = arith.addi %mul3A_394, %add3A_706 : i32
      %get3A_708 = arith.index_cast %add3A_707 : i32 to index
      %get3A_709 = arith.constant 0 : index
      %get3A_710 = tpu.vector_load %arg7[%get3A_708, %get3A_709] {strides = array<i32>} : memref<640x64xf32, #tpu.memory_space<vmem>>, vector<1x16xf32>,
      %get3A_711 = vector.shape_cast %get3A_710 : vector<1x16xf32> to vector<16xf32>
      %add3A_712 = arith.constant 13 : i32
      %add3A_713 = arith.addi %mul3A_394, %add3A_712 : i32
      %get3A_714 = arith.index_cast %add3A_713 : i32 to index
      %get3A_715 = arith.constant 16 : index
      %get3A_716 = tpu.vector_load %arg7[%get3A_714, %get3A_715] {strides = array<i32>} : memref<640x64xf32, #tpu.memory_space<vmem>>, vector<1x16xf32>,
      %get3A_717 = vector.shape_cast %get3A_716 : vector<1x16xf32> to vector<16xf32>
      %add3A_718 = arith.constant 13 : i32
      %add3A_719 = arith.addi %mul3A_394, %add3A_718 : i32
      %get3A_720 = arith.index_cast %add3A_719 : i32 to index
      %get3A_721 = arith.constant 32 : index
      %get3A_722 = tpu.vector_load %arg7[%get3A_720, %get3A_721] {strides = array<i32>} : memref<640x64xf32, #tpu.memory_space<vmem>>, vector<1x16xf32>,
      %get3A_723 = vector.shape_cast %get3A_722 : vector<1x16xf32> to vector<16xf32>
      %add3A_724 = arith.constant 13 : i32
      %add3A_725 = arith.addi %mul3A_394, %add3A_724 : i32
      %get3A_726 = arith.index_cast %add3A_725 : i32 to index
      %get3A_727 = arith.constant 48 : index
      %get3A_728 = tpu.vector_load %arg7[%get3A_726, %get3A_727] {strides = array<i32>} : memref<640x64xf32, #tpu.memory_space<vmem>>, vector<1x16xf32>,
      %get3A_729 = vector.shape_cast %get3A_728 : vector<1x16xf32> to vector<16xf32>
      %add3A_730 = arith.constant 14 : i32
      %add3A_731 = arith.addi %mul3A_394, %add3A_730 : i32
      %get3A_732 = arith.index_cast %add3A_731 : i32 to index
      %get3A_733 = arith.constant 0 : index
      %get3A_734 = tpu.vector_load %arg7[%get3A_732, %get3A_733] {strides = array<i32>} : memref<640x64xf32, #tpu.memory_space<vmem>>, vector<1x16xf32>,
      %get3A_735 = vector.shape_cast %get3A_734 : vector<1x16xf32> to vector<16xf32>
      %add3A_736 = arith.constant 14 : i32
      %add3A_737 = arith.addi %mul3A_394, %add3A_736 : i32
      %get3A_738 = arith.index_cast %add3A_737 : i32 to index
      %get3A_739 = arith.constant 16 : index
      %get3A_740 = tpu.vector_load %arg7[%get3A_738, %get3A_739] {strides = array<i32>} : memref<640x64xf32, #tpu.memory_space<vmem>>, vector<1x16xf32>,
      %get3A_741 = vector.shape_cast %get3A_740 : vector<1x16xf32> to vector<16xf32>
      %add3A_742 = arith.constant 14 : i32
      %add3A_743 = arith.addi %mul3A_394, %add3A_742 : i32
      %get3A_744 = arith.index_cast %add3A_743 : i32 to index
      %get3A_745 = arith.constant 32 : index
      %get3A_746 = tpu.vector_load %arg7[%get3A_744, %get3A_745] {strides = array<i32>} : memref<640x64xf32, #tpu.memory_space<vmem>>, vector<1x16xf32>,
      %get3A_747 = vector.shape_cast %get3A_746 : vector<1x16xf32> to vector<16xf32>
      %add3A_748 = arith.constant 14 : i32
      %add3A_749 = arith.addi %mul3A_394, %add3A_748 : i32
      %get3A_750 = arith.index_cast %add3A_749 : i32 to index
      %get3A_751 = arith.constant 48 : index
      %get3A_752 = tpu.vector_load %arg7[%get3A_750, %get3A_751] {strides = array<i32>} : memref<640x64xf32, #tpu.memory_space<vmem>>, vector<1x16xf32>,
      %get3A_753 = vector.shape_cast %get3A_752 : vector<1x16xf32> to vector<16xf32>
      %add3A_754 = arith.constant 15 : i32
      %add3A_755 = arith.addi %mul3A_394, %add3A_754 : i32
      %get3A_756 = arith.index_cast %add3A_755 : i32 to index
      %get3A_757 = arith.constant 0 : index
      %get3A_758 = tpu.vector_load %arg7[%get3A_756, %get3A_757] {strides = array<i32>} : memref<640x64xf32, #tpu.memory_space<vmem>>, vector<1x16xf32>,
      %get3A_759 = vector.shape_cast %get3A_758 : vector<1x16xf32> to vector<16xf32>
      %add3A_760 = arith.constant 15 : i32
      %add3A_761 = arith.addi %mul3A_394, %add3A_760 : i32
      %get3A_762 = arith.index_cast %add3A_761 : i32 to index
      %get3A_763 = arith.constant 16 : index
      %get3A_764 = tpu.vector_load %arg7[%get3A_762, %get3A_763] {strides = array<i32>} : memref<640x64xf32, #tpu.memory_space<vmem>>, vector<1x16xf32>,
      %get3A_765 = vector.shape_cast %get3A_764 : vector<1x16xf32> to vector<16xf32>
      %add3A_766 = arith.constant 15 : i32
      %add3A_767 = arith.addi %mul3A_394, %add3A_766 : i32
      %get3A_768 = arith.index_cast %add3A_767 : i32 to index
      %get3A_769 = arith.constant 32 : index
      %get3A_770 = tpu.vector_load %arg7[%get3A_768, %get3A_769] {strides = array<i32>} : memref<640x64xf32, #tpu.memory_space<vmem>>, vector<1x16xf32>,
      %get3A_771 = vector.shape_cast %get3A_770 : vector<1x16xf32> to vector<16xf32>
      %add3A_772 = arith.constant 15 : i32
      %add3A_773 = arith.addi %mul3A_394, %add3A_772 : i32
      %get3A_774 = arith.index_cast %add3A_773 : i32 to index
      %get3A_775 = arith.constant 48 : index
      %get3A_776 = tpu.vector_load %arg7[%get3A_774, %get3A_775] {strides = array<i32>} : memref<640x64xf32, #tpu.memory_space<vmem>>, vector<1x16xf32>,
      %get3A_777 = vector.shape_cast %get3A_776 : vector<1x16xf32> to vector<16xf32>
      %add3A_778 = arith.constant 16 : i32
      %add3A_779 = arith.addi %mul3A_394, %add3A_778 : i32
      %get3A_780 = arith.index_cast %add3A_779 : i32 to index
      %get3A_781 = arith.constant 0 : index
      %get3A_782 = tpu.vector_load %arg7[%get3A_780, %get3A_781] {strides = array<i32>} : memref<640x64xf32, #tpu.memory_space<vmem>>, vector<1x16xf32>,
      %get3A_783 = vector.shape_cast %get3A_782 : vector<1x16xf32> to vector<16xf32>
      %add3A_784 = arith.constant 16 : i32
      %add3A_785 = arith.addi %mul3A_394, %add3A_784 : i32
      %get3A_786 = arith.index_cast %add3A_785 : i32 to index
      %get3A_787 = arith.constant 16 : index
      %get3A_788 = tpu.vector_load %arg7[%get3A_786, %get3A_787] {strides = array<i32>} : memref<640x64xf32, #tpu.memory_space<vmem>>, vector<1x16xf32>,
      %get3A_789 = vector.shape_cast %get3A_788 : vector<1x16xf32> to vector<16xf32>
      %add3A_790 = arith.constant 16 : i32
      %add3A_791 = arith.addi %mul3A_394, %add3A_790 : i32
      %get3A_792 = arith.index_cast %add3A_791 : i32 to index
      %get3A_793 = arith.constant 32 : index
      %get3A_794 = tpu.vector_load %arg7[%get3A_792, %get3A_793] {strides = array<i32>} : memref<640x64xf32, #tpu.memory_space<vmem>>, vector<1x16xf32>,
      %get3A_795 = vector.shape_cast %get3A_794 : vector<1x16xf32> to vector<16xf32>
      %add3A_796 = arith.constant 16 : i32
      %add3A_797 = arith.addi %mul3A_394, %add3A_796 : i32
      %get3A_798 = arith.index_cast %add3A_797 : i32 to index
      %get3A_799 = arith.constant 48 : index
      %get3A_800 = tpu.vector_load %arg7[%get3A_798, %get3A_799] {strides = array<i32>} : memref<640x64xf32, #tpu.memory_space<vmem>>, vector<1x16xf32>,
      %get3A_801 = vector.shape_cast %get3A_800 : vector<1x16xf32> to vector<16xf32>
      %add3A_802 = arith.constant 17 : i32
      %add3A_803 = arith.addi %mul3A_394, %add3A_802 : i32
      %get3A_804 = arith.index_cast %add3A_803 : i32 to index
      %get3A_805 = arith.constant 0 : index
      %get3A_806 = tpu.vector_load %arg7[%get3A_804, %get3A_805] {strides = array<i32>} : memref<640x64xf32, #tpu.memory_space<vmem>>, vector<1x16xf32>,
      %get3A_807 = vector.shape_cast %get3A_806 : vector<1x16xf32> to vector<16xf32>
      %add3A_808 = arith.constant 17 : i32
      %add3A_809 = arith.addi %mul3A_394, %add3A_808 : i32
      %get3A_810 = arith.index_cast %add3A_809 : i32 to index
      %get3A_811 = arith.constant 16 : index
      %get3A_812 = tpu.vector_load %arg7[%get3A_810, %get3A_811] {strides = array<i32>} : memref<640x64xf32, #tpu.memory_space<vmem>>, vector<1x16xf32>,
      %get3A_813 = vector.shape_cast %get3A_812 : vector<1x16xf32> to vector<16xf32>
      %add3A_814 = arith.constant 17 : i32
      %add3A_815 = arith.addi %mul3A_394, %add3A_814 : i32
      %get3A_816 = arith.index_cast %add3A_815 : i32 to index
      %get3A_817 = arith.constant 32 : index
      %get3A_818 = tpu.vector_load %arg7[%get3A_816, %get3A_817] {strides = array<i32>} : memref<640x64xf32, #tpu.memory_space<vmem>>, vector<1x16xf32>,
      %get3A_819 = vector.shape_cast %get3A_818 : vector<1x16xf32> to vector<16xf32>
      %add3A_820 = arith.constant 17 : i32
      %add3A_821 = arith.addi %mul3A_394, %add3A_820 : i32
      %get3A_822 = arith.index_cast %add3A_821 : i32 to index
      %get3A_823 = arith.constant 48 : index
      %get3A_824 = tpu.vector_load %arg7[%get3A_822, %get3A_823] {strides = array<i32>} : memref<640x64xf32, #tpu.memory_space<vmem>>, vector<1x16xf32>,
      %get3A_825 = vector.shape_cast %get3A_824 : vector<1x16xf32> to vector<16xf32>
      %add3A_826 = arith.constant 18 : i32
      %add3A_827 = arith.addi %mul3A_394, %add3A_826 : i32
      %get3A_828 = arith.index_cast %add3A_827 : i32 to index
      %get3A_829 = arith.constant 0 : index
      %get3A_830 = tpu.vector_load %arg7[%get3A_828, %get3A_829] {strides = array<i32>} : memref<640x64xf32, #tpu.memory_space<vmem>>, vector<1x16xf32>,
      %get3A_831 = vector.shape_cast %get3A_830 : vector<1x16xf32> to vector<16xf32>
      %add3A_832 = arith.constant 18 : i32
      %add3A_833 = arith.addi %mul3A_394, %add3A_832 : i32
      %get3A_834 = arith.index_cast %add3A_833 : i32 to index
      %get3A_835 = arith.constant 16 : index
      %get3A_836 = tpu.vector_load %arg7[%get3A_834, %get3A_835] {strides = array<i32>} : memref<640x64xf32, #tpu.memory_space<vmem>>, vector<1x16xf32>,
      %get3A_837 = vector.shape_cast %get3A_836 : vector<1x16xf32> to vector<16xf32>
      %add3A_838 = arith.constant 18 : i32
      %add3A_839 = arith.addi %mul3A_394, %add3A_838 : i32
      %get3A_840 = arith.index_cast %add3A_839 : i32 to index
      %get3A_841 = arith.constant 32 : index
      %get3A_842 = tpu.vector_load %arg7[%get3A_840, %get3A_841] {strides = array<i32>} : memref<640x64xf32, #tpu.memory_space<vmem>>, vector<1x16xf32>,
      %get3A_843 = vector.shape_cast %get3A_842 : vector<1x16xf32> to vector<16xf32>
      %add3A_844 = arith.constant 18 : i32
      %add3A_845 = arith.addi %mul3A_394, %add3A_844 : i32
      %get3A_846 = arith.index_cast %add3A_845 : i32 to index
      %get3A_847 = arith.constant 48 : index
      %get3A_848 = tpu.vector_load %arg7[%get3A_846, %get3A_847] {strides = array<i32>} : memref<640x64xf32, #tpu.memory_space<vmem>>, vector<1x16xf32>,
      %get3A_849 = vector.shape_cast %get3A_848 : vector<1x16xf32> to vector<16xf32>
      %add3A_850 = arith.constant 19 : i32
      %add3A_851 = arith.addi %mul3A_394, %add3A_850 : i32
      %get3A_852 = arith.index_cast %add3A_851 : i32 to index
      %get3A_853 = arith.constant 0 : index
      %get3A_854 = tpu.vector_load %arg7[%get3A_852, %get3A_853] {strides = array<i32>} : memref<640x64xf32, #tpu.memory_space<vmem>>, vector<1x16xf32>,
      %get3A_855 = vector.shape_cast %get3A_854 : vector<1x16xf32> to vector<16xf32>
      %add3A_856 = arith.constant 19 : i32
      %add3A_857 = arith.addi %mul3A_394, %add3A_856 : i32
      %get3A_858 = arith.index_cast %add3A_857 : i32 to index
      %get3A_859 = arith.constant 16 : index
      %get3A_860 = tpu.vector_load %arg7[%get3A_858, %get3A_859] {strides = array<i32>} : memref<640x64xf32, #tpu.memory_space<vmem>>, vector<1x16xf32>,
      %get3A_861 = vector.shape_cast %get3A_860 : vector<1x16xf32> to vector<16xf32>
      %add3A_862 = arith.constant 19 : i32
      %add3A_863 = arith.addi %mul3A_394, %add3A_862 : i32
      %get3A_864 = arith.index_cast %add3A_863 : i32 to index
      %get3A_865 = arith.constant 32 : index
      %get3A_866 = tpu.vector_load %arg7[%get3A_864, %get3A_865] {strides = array<i32>} : memref<640x64xf32, #tpu.memory_space<vmem>>, vector<1x16xf32>,
      %get3A_867 = vector.shape_cast %get3A_866 : vector<1x16xf32> to vector<16xf32>
      %add3A_868 = arith.constant 19 : i32
      %add3A_869 = arith.addi %mul3A_394, %add3A_868 : i32
      %get3A_870 = arith.index_cast %add3A_869 : i32 to index
      %get3A_871 = arith.constant 48 : index
      %get3A_872 = tpu.vector_load %arg7[%get3A_870, %get3A_871] {strides = array<i32>} : memref<640x64xf32, #tpu.memory_space<vmem>>, vector<1x16xf32>,
      %get3A_873 = vector.shape_cast %get3A_872 : vector<1x16xf32> to vector<16xf32>
      %add3A_874 = arith.addf %get3A_399, %get3A_423 : vector<16xf32>
      %add3A_875 = arith.addf %get3A_447, %get3A_471 : vector<16xf32>
      %add3A_876 = arith.addf %get3A_495, %get3A_519 : vector<16xf32>
      %add3A_877 = arith.addf %get3A_543, %get3A_567 : vector<16xf32>
      %add3A_878 = arith.addf %get3A_591, %get3A_615 : vector<16xf32>
      %add3A_879 = arith.addf %get3A_639, %get3A_663 : vector<16xf32>
      %add3A_880 = arith.addf %get3A_687, %get3A_711 : vector<16xf32>
      %add3A_881 = arith.addf %get3A_735, %get3A_759 : vector<16xf32>
      %add3A_882 = arith.addf %get3A_783, %get3A_807 : vector<16xf32>
      %add3A_883 = arith.addf %get3A_831, %get3A_855 : vector<16xf32>
      %add3A_884 = arith.addf %add3A_874, %add3A_875 : vector<16xf32>
      %add3A_885 = arith.addf %add3A_876, %add3A_877 : vector<16xf32>
      %add3A_886 = arith.addf %add3A_878, %add3A_879 : vector<16xf32>
      %add3A_887 = arith.addf %add3A_880, %add3A_881 : vector<16xf32>
      %add3A_888 = arith.addf %add3A_882, %add3A_883 : vector<16xf32>
      %add3A_889 = arith.addf %add3A_884, %add3A_885 : vector<16xf32>
      %add3A_890 = arith.addf %add3A_886, %add3A_887 : vector<16xf32>
      %add3A_891 = arith.addf %add3A_889, %add3A_890 : vector<16xf32>
      %add3A_892 = arith.addf %add3A_891, %add3A_888 : vector<16xf32>
      %swap3A = arith.index_cast %scan3A_392 : i32 to index
      %swap3A_893 = arith.constant 0 : index
      %swap3A_894 = tpu.vector_load %arg9[%swap3A, %swap3A_893] {strides = array<i32>} : memref<32x64xf32, #tpu.memory_space<vmem>>, vector<1x16xf32>,
      %swap3A_895 = vector.shape_cast %swap3A_894 : vector<1x16xf32> to vector<16xf32>
      %swap3A_896 = vector.shape_cast %add3A_892 : vector<16xf32> to vector<1x16xf32>
      tpu.vector_store %arg9[%swap3A, %swap3A_893], %swap3A_896 {strides = array<i32>} : memref<32x64xf32, #tpu.memory_space<vmem>>, vector<1x16xf32>,
      %add3A_897 = arith.addf %get3A_405, %get3A_429 : vector<16xf32>
      %add3A_898 = arith.addf %get3A_453, %get3A_477 : vector<16xf32>
      %add3A_899 = arith.addf %get3A_501, %get3A_525 : vector<16xf32>
      %add3A_900 = arith.addf %get3A_549, %get3A_573 : vector<16xf32>
      %add3A_901 = arith.addf %get3A_597, %get3A_621 : vector<16xf32>
      %add3A_902 = arith.addf %get3A_645, %get3A_669 : vector<16xf32>
      %add3A_903 = arith.addf %get3A_693, %get3A_717 : vector<16xf32>
      %add3A_904 = arith.addf %get3A_741, %get3A_765 : vector<16xf32>
      %add3A_905 = arith.addf %get3A_789, %get3A_813 : vector<16xf32>
      %add3A_906 = arith.addf %get3A_837, %get3A_861 : vector<16xf32>
      %add3A_907 = arith.addf %add3A_897, %add3A_898 : vector<16xf32>
      %add3A_908 = arith.addf %add3A_899, %add3A_900 : vector<16xf32>
      %add3A_909 = arith.addf %add3A_901, %add3A_902 : vector<16xf32>
      %add3A_910 = arith.addf %add3A_903, %add3A_904 : vector<16xf32>
      %add3A_911 = arith.addf %add3A_905, %add3A_906 : vector<16xf32>
      %add3A_912 = arith.addf %add3A_907, %add3A_908 : vector<16xf32>
      %add3A_913 = arith.addf %add3A_909, %add3A_910 : vector<16xf32>
      %add3A_914 = arith.addf %add3A_912, %add3A_913 : vector<16xf32>
      %add3A_915 = arith.addf %add3A_914, %add3A_911 : vector<16xf32>
      %swap3A_916 = arith.index_cast %scan3A_392 : i32 to index
      %swap3A_917 = arith.constant 16 : index
      %swap3A_918 = tpu.vector_load %arg9[%swap3A_916, %swap3A_917] {strides = array<i32>} : memref<32x64xf32, #tpu.memory_space<vmem>>, vector<1x16xf32>,
      %swap3A_919 = vector.shape_cast %swap3A_918 : vector<1x16xf32> to vector<16xf32>
      %swap3A_920 = vector.shape_cast %add3A_915 : vector<16xf32> to vector<1x16xf32>
      tpu.vector_store %arg9[%swap3A_916, %swap3A_917], %swap3A_920 {strides = array<i32>} : memref<32x64xf32, #tpu.memory_space<vmem>>, vector<1x16xf32>,
      %add3A_921 = arith.addf %get3A_411, %get3A_435 : vector<16xf32>
      %add3A_922 = arith.addf %get3A_459, %get3A_483 : vector<16xf32>
      %add3A_923 = arith.addf %get3A_507, %get3A_531 : vector<16xf32>
      %add3A_924 = arith.addf %get3A_555, %get3A_579 : vector<16xf32>
      %add3A_925 = arith.addf %get3A_603, %get3A_627 : vector<16xf32>
      %add3A_926 = arith.addf %get3A_651, %get3A_675 : vector<16xf32>
      %add3A_927 = arith.addf %get3A_699, %get3A_723 : vector<16xf32>
      %add3A_928 = arith.addf %get3A_747, %get3A_771 : vector<16xf32>
      %add3A_929 = arith.addf %get3A_795, %get3A_819 : vector<16xf32>
      %add3A_930 = arith.addf %get3A_843, %get3A_867 : vector<16xf32>
      %add3A_931 = arith.addf %add3A_921, %add3A_922 : vector<16xf32>
      %add3A_932 = arith.addf %add3A_923, %add3A_924 : vector<16xf32>
      %add3A_933 = arith.addf %add3A_925, %add3A_926 : vector<16xf32>
      %add3A_934 = arith.addf %add3A_927, %add3A_928 : vector<16xf32>
      %add3A_935 = arith.addf %add3A_929, %add3A_930 : vector<16xf32>
      %add3A_936 = arith.addf %add3A_931, %add3A_932 : vector<16xf32>
      %add3A_937 = arith.addf %add3A_933, %add3A_934 : vector<16xf32>
      %add3A_938 = arith.addf %add3A_936, %add3A_937 : vector<16xf32>
      %add3A_939 = arith.addf %add3A_938, %add3A_935 : vector<16xf32>
      %swap3A_940 = arith.index_cast %scan3A_392 : i32 to index
      %swap3A_941 = arith.constant 32 : index
      %swap3A_942 = tpu.vector_load %arg9[%swap3A_940, %swap3A_941] {strides = array<i32>} : memref<32x64xf32, #tpu.memory_space<vmem>>, vector<1x16xf32>,
      %swap3A_943 = vector.shape_cast %swap3A_942 : vector<1x16xf32> to vector<16xf32>
      %swap3A_944 = vector.shape_cast %add3A_939 : vector<16xf32> to vector<1x16xf32>
      tpu.vector_store %arg9[%swap3A_940, %swap3A_941], %swap3A_944 {strides = array<i32>} : memref<32x64xf32, #tpu.memory_space<vmem>>, vector<1x16xf32>,
      %add3A_945 = arith.addf %get3A_417, %get3A_441 : vector<16xf32>
      %add3A_946 = arith.addf %get3A_465, %get3A_489 : vector<16xf32>
      %add3A_947 = arith.addf %get3A_513, %get3A_537 : vector<16xf32>
      %add3A_948 = arith.addf %get3A_561, %get3A_585 : vector<16xf32>
      %add3A_949 = arith.addf %get3A_609, %get3A_633 : vector<16xf32>
      %add3A_950 = arith.addf %get3A_657, %get3A_681 : vector<16xf32>
      %add3A_951 = arith.addf %get3A_705, %get3A_729 : vector<16xf32>
      %add3A_952 = arith.addf %get3A_753, %get3A_777 : vector<16xf32>
      %add3A_953 = arith.addf %get3A_801, %get3A_825 : vector<16xf32>
      %add3A_954 = arith.addf %get3A_849, %get3A_873 : vector<16xf32>
      %add3A_955 = arith.addf %add3A_945, %add3A_946 : vector<16xf32>
      %add3A_956 = arith.addf %add3A_947, %add3A_948 : vector<16xf32>
      %add3A_957 = arith.addf %add3A_949, %add3A_950 : vector<16xf32>
      %add3A_958 = arith.addf %add3A_951, %add3A_952 : vector<16xf32>
      %add3A_959 = arith.addf %add3A_953, %add3A_954 : vector<16xf32>
      %add3A_960 = arith.addf %add3A_955, %add3A_956 : vector<16xf32>
      %add3A_961 = arith.addf %add3A_957, %add3A_958 : vector<16xf32>
      %add3A_962 = arith.addf %add3A_960, %add3A_961 : vector<16xf32>
      %add3A_963 = arith.addf %add3A_962, %add3A_959 : vector<16xf32>
      %swap3A_964 = arith.index_cast %scan3A_392 : i32 to index
      %swap3A_965 = arith.constant 48 : index
      %swap3A_966 = tpu.vector_load %arg9[%swap3A_964, %swap3A_965] {strides = array<i32>} : memref<32x64xf32, #tpu.memory_space<vmem>>, vector<1x16xf32>,
      %swap3A_967 = vector.shape_cast %swap3A_966 : vector<1x16xf32> to vector<16xf32>
      %swap3A_968 = vector.shape_cast %add3A_963 : vector<16xf32> to vector<1x16xf32>
      tpu.vector_store %arg9[%swap3A_964, %swap3A_965], %swap3A_968 {strides = array<i32>} : memref<32x64xf32, #tpu.memory_space<vmem>>, vector<1x16xf32>,
      %scan3A_969 = arith.constant 1 : i32
      %scan3A_970 = arith.addi %scan3A_392, %scan3A_969 : i32
      %mul3A_971 = arith.constant 20 : i32
      %mul3A_972 = arith.muli %scan3A_970, %mul3A_971 : i32
      %add3A_973 = arith.constant 0 : i32
      %add3A_974 = arith.addi %mul3A_972, %add3A_973 : i32
      %get3A_975 = arith.index_cast %add3A_974 : i32 to index
      %get3A_976 = arith.constant 0 : index
      %get3A_977 = tpu.vector_load %arg7[%get3A_975, %get3A_976] {strides = array<i32>} : memref<640x64xf32, #tpu.memory_space<vmem>>, vector<1x16xf32>,
      %get3A_978 = vector.shape_cast %get3A_977 : vector<1x16xf32> to vector<16xf32>
      %add3A_979 = arith.constant 0 : i32
      %add3A_980 = arith.addi %mul3A_972, %add3A_979 : i32
      %get3A_981 = arith.index_cast %add3A_980 : i32 to index
      %get3A_982 = arith.constant 16 : index
      %get3A_983 = tpu.vector_load %arg7[%get3A_981, %get3A_982] {strides = array<i32>} : memref<640x64xf32, #tpu.memory_space<vmem>>, vector<1x16xf32>,
      %get3A_984 = vector.shape_cast %get3A_983 : vector<1x16xf32> to vector<16xf32>
      %add3A_985 = arith.constant 0 : i32
      %add3A_986 = arith.addi %mul3A_972, %add3A_985 : i32
      %get3A_987 = arith.index_cast %add3A_986 : i32 to index
      %get3A_988 = arith.constant 32 : index
      %get3A_989 = tpu.vector_load %arg7[%get3A_987, %get3A_988] {strides = array<i32>} : memref<640x64xf32, #tpu.memory_space<vmem>>, vector<1x16xf32>,
      %get3A_990 = vector.shape_cast %get3A_989 : vector<1x16xf32> to vector<16xf32>
      %add3A_991 = arith.constant 0 : i32
      %add3A_992 = arith.addi %mul3A_972, %add3A_991 : i32
      %get3A_993 = arith.index_cast %add3A_992 : i32 to index
      %get3A_994 = arith.constant 48 : index
      %get3A_995 = tpu.vector_load %arg7[%get3A_993, %get3A_994] {strides = array<i32>} : memref<640x64xf32, #tpu.memory_space<vmem>>, vector<1x16xf32>,
      %get3A_996 = vector.shape_cast %get3A_995 : vector<1x16xf32> to vector<16xf32>
      %add3A_997 = arith.constant 1 : i32
      %add3A_998 = arith.addi %mul3A_972, %add3A_997 : i32
      %get3A_999 = arith.index_cast %add3A_998 : i32 to index
      %get3A_1000 = arith.constant 0 : index
      %get3A_1001 = tpu.vector_load %arg7[%get3A_999, %get3A_1000] {strides = array<i32>} : memref<640x64xf32, #tpu.memory_space<vmem>>, vector<1x16xf32>,
      %get3A_1002 = vector.shape_cast %get3A_1001 : vector<1x16xf32> to vector<16xf32>
      %add3A_1003 = arith.constant 1 : i32
      %add3A_1004 = arith.addi %mul3A_972, %add3A_1003 : i32
      %get3A_1005 = arith.index_cast %add3A_1004 : i32 to index
      %get3A_1006 = arith.constant 16 : index
      %get3A_1007 = tpu.vector_load %arg7[%get3A_1005, %get3A_1006] {strides = array<i32>} : memref<640x64xf32, #tpu.memory_space<vmem>>, vector<1x16xf32>,
      %get3A_1008 = vector.shape_cast %get3A_1007 : vector<1x16xf32> to vector<16xf32>
      %add3A_1009 = arith.constant 1 : i32
      %add3A_1010 = arith.addi %mul3A_972, %add3A_1009 : i32
      %get3A_1011 = arith.index_cast %add3A_1010 : i32 to index
      %get3A_1012 = arith.constant 32 : index
      %get3A_1013 = tpu.vector_load %arg7[%get3A_1011, %get3A_1012] {strides = array<i32>} : memref<640x64xf32, #tpu.memory_space<vmem>>, vector<1x16xf32>,
      %get3A_1014 = vector.shape_cast %get3A_1013 : vector<1x16xf32> to vector<16xf32>
      %add3A_1015 = arith.constant 1 : i32
      %add3A_1016 = arith.addi %mul3A_972, %add3A_1015 : i32
      %get3A_1017 = arith.index_cast %add3A_1016 : i32 to index
      %get3A_1018 = arith.constant 48 : index
      %get3A_1019 = tpu.vector_load %arg7[%get3A_1017, %get3A_1018] {strides = array<i32>} : memref<640x64xf32, #tpu.memory_space<vmem>>, vector<1x16xf32>,
      %get3A_1020 = vector.shape_cast %get3A_1019 : vector<1x16xf32> to vector<16xf32>
      %add3A_1021 = arith.constant 2 : i32
      %add3A_1022 = arith.addi %mul3A_972, %add3A_1021 : i32
      %get3A_1023 = arith.index_cast %add3A_1022 : i32 to index
      %get3A_1024 = arith.constant 0 : index
      %get3A_1025 = tpu.vector_load %arg7[%get3A_1023, %get3A_1024] {strides = array<i32>} : memref<640x64xf32, #tpu.memory_space<vmem>>, vector<1x16xf32>,
      %get3A_1026 = vector.shape_cast %get3A_1025 : vector<1x16xf32> to vector<16xf32>
      %add3A_1027 = arith.constant 2 : i32
      %add3A_1028 = arith.addi %mul3A_972, %add3A_1027 : i32
      %get3A_1029 = arith.index_cast %add3A_1028 : i32 to index
      %get3A_1030 = arith.constant 16 : index
      %get3A_1031 = tpu.vector_load %arg7[%get3A_1029, %get3A_1030] {strides = array<i32>} : memref<640x64xf32, #tpu.memory_space<vmem>>, vector<1x16xf32>,
      %get3A_1032 = vector.shape_cast %get3A_1031 : vector<1x16xf32> to vector<16xf32>
      %add3A_1033 = arith.constant 2 : i32
      %add3A_1034 = arith.addi %mul3A_972, %add3A_1033 : i32
      %get3A_1035 = arith.index_cast %add3A_1034 : i32 to index
      %get3A_1036 = arith.constant 32 : index
      %get3A_1037 = tpu.vector_load %arg7[%get3A_1035, %get3A_1036] {strides = array<i32>} : memref<640x64xf32, #tpu.memory_space<vmem>>, vector<1x16xf32>,
      %get3A_1038 = vector.shape_cast %get3A_1037 : vector<1x16xf32> to vector<16xf32>
      %add3A_1039 = arith.constant 2 : i32
      %add3A_1040 = arith.addi %mul3A_972, %add3A_1039 : i32
      %get3A_1041 = arith.index_cast %add3A_1040 : i32 to index
      %get3A_1042 = arith.constant 48 : index
      %get3A_1043 = tpu.vector_load %arg7[%get3A_1041, %get3A_1042] {strides = array<i32>} : memref<640x64xf32, #tpu.memory_space<vmem>>, vector<1x16xf32>,
      %get3A_1044 = vector.shape_cast %get3A_1043 : vector<1x16xf32> to vector<16xf32>
      %add3A_1045 = arith.constant 3 : i32
      %add3A_1046 = arith.addi %mul3A_972, %add3A_1045 : i32
      %get3A_1047 = arith.index_cast %add3A_1046 : i32 to index
      %get3A_1048 = arith.constant 0 : index
      %get3A_1049 = tpu.vector_load %arg7[%get3A_1047, %get3A_1048] {strides = array<i32>} : memref<640x64xf32, #tpu.memory_space<vmem>>, vector<1x16xf32>,
      %get3A_1050 = vector.shape_cast %get3A_1049 : vector<1x16xf32> to vector<16xf32>
      %add3A_1051 = arith.constant 3 : i32
      %add3A_1052 = arith.addi %mul3A_972, %add3A_1051 : i32
      %get3A_1053 = arith.index_cast %add3A_1052 : i32 to index
      %get3A_1054 = arith.constant 16 : index
      %get3A_1055 = tpu.vector_load %arg7[%get3A_1053, %get3A_1054] {strides = array<i32>} : memref<640x64xf32, #tpu.memory_space<vmem>>, vector<1x16xf32>,
      %get3A_1056 = vector.shape_cast %get3A_1055 : vector<1x16xf32> to vector<16xf32>
      %add3A_1057 = arith.constant 3 : i32
      %add3A_1058 = arith.addi %mul3A_972, %add3A_1057 : i32
      %get3A_1059 = arith.index_cast %add3A_1058 : i32 to index
      %get3A_1060 = arith.constant 32 : index
      %get3A_1061 = tpu.vector_load %arg7[%get3A_1059, %get3A_1060] {strides = array<i32>} : memref<640x64xf32, #tpu.memory_space<vmem>>, vector<1x16xf32>,
      %get3A_1062 = vector.shape_cast %get3A_1061 : vector<1x16xf32> to vector<16xf32>
      %add3A_1063 = arith.constant 3 : i32
      %add3A_1064 = arith.addi %mul3A_972, %add3A_1063 : i32
      %get3A_1065 = arith.index_cast %add3A_1064 : i32 to index
      %get3A_1066 = arith.constant 48 : index
      %get3A_1067 = tpu.vector_load %arg7[%get3A_1065, %get3A_1066] {strides = array<i32>} : memref<640x64xf32, #tpu.memory_space<vmem>>, vector<1x16xf32>,
      %get3A_1068 = vector.shape_cast %get3A_1067 : vector<1x16xf32> to vector<16xf32>
      %add3A_1069 = arith.constant 4 : i32
      %add3A_1070 = arith.addi %mul3A_972, %add3A_1069 : i32
      %get3A_1071 = arith.index_cast %add3A_1070 : i32 to index
      %get3A_1072 = arith.constant 0 : index
      %get3A_1073 = tpu.vector_load %arg7[%get3A_1071, %get3A_1072] {strides = array<i32>} : memref<640x64xf32, #tpu.memory_space<vmem>>, vector<1x16xf32>,
      %get3A_1074 = vector.shape_cast %get3A_1073 : vector<1x16xf32> to vector<16xf32>
      %add3A_1075 = arith.constant 4 : i32
      %add3A_1076 = arith.addi %mul3A_972, %add3A_1075 : i32
      %get3A_1077 = arith.index_cast %add3A_1076 : i32 to index
      %get3A_1078 = arith.constant 16 : index
      %get3A_1079 = tpu.vector_load %arg7[%get3A_1077, %get3A_1078] {strides = array<i32>} : memref<640x64xf32, #tpu.memory_space<vmem>>, vector<1x16xf32>,
      %get3A_1080 = vector.shape_cast %get3A_1079 : vector<1x16xf32> to vector<16xf32>
      %add3A_1081 = arith.constant 4 : i32
      %add3A_1082 = arith.addi %mul3A_972, %add3A_1081 : i32
      %get3A_1083 = arith.index_cast %add3A_1082 : i32 to index
      %get3A_1084 = arith.constant 32 : index
      %get3A_1085 = tpu.vector_load %arg7[%get3A_1083, %get3A_1084] {strides = array<i32>} : memref<640x64xf32, #tpu.memory_space<vmem>>, vector<1x16xf32>,
      %get3A_1086 = vector.shape_cast %get3A_1085 : vector<1x16xf32> to vector<16xf32>
      %add3A_1087 = arith.constant 4 : i32
      %add3A_1088 = arith.addi %mul3A_972, %add3A_1087 : i32
      %get3A_1089 = arith.index_cast %add3A_1088 : i32 to index
      %get3A_1090 = arith.constant 48 : index
      %get3A_1091 = tpu.vector_load %arg7[%get3A_1089, %get3A_1090] {strides = array<i32>} : memref<640x64xf32, #tpu.memory_space<vmem>>, vector<1x16xf32>,
      %get3A_1092 = vector.shape_cast %get3A_1091 : vector<1x16xf32> to vector<16xf32>
      %add3A_1093 = arith.constant 5 : i32
      %add3A_1094 = arith.addi %mul3A_972, %add3A_1093 : i32
      %get3A_1095 = arith.index_cast %add3A_1094 : i32 to index
      %get3A_1096 = arith.constant 0 : index
      %get3A_1097 = tpu.vector_load %arg7[%get3A_1095, %get3A_1096] {strides = array<i32>} : memref<640x64xf32, #tpu.memory_space<vmem>>, vector<1x16xf32>,
      %get3A_1098 = vector.shape_cast %get3A_1097 : vector<1x16xf32> to vector<16xf32>
      %add3A_1099 = arith.constant 5 : i32
      %add3A_1100 = arith.addi %mul3A_972, %add3A_1099 : i32
      %get3A_1101 = arith.index_cast %add3A_1100 : i32 to index
      %get3A_1102 = arith.constant 16 : index
      %get3A_1103 = tpu.vector_load %arg7[%get3A_1101, %get3A_1102] {strides = array<i32>} : memref<640x64xf32, #tpu.memory_space<vmem>>, vector<1x16xf32>,
      %get3A_1104 = vector.shape_cast %get3A_1103 : vector<1x16xf32> to vector<16xf32>
      %add3A_1105 = arith.constant 5 : i32
      %add3A_1106 = arith.addi %mul3A_972, %add3A_1105 : i32
      %get3A_1107 = arith.index_cast %add3A_1106 : i32 to index
      %get3A_1108 = arith.constant 32 : index
      %get3A_1109 = tpu.vector_load %arg7[%get3A_1107, %get3A_1108] {strides = array<i32>} : memref<640x64xf32, #tpu.memory_space<vmem>>, vector<1x16xf32>,
      %get3A_1110 = vector.shape_cast %get3A_1109 : vector<1x16xf32> to vector<16xf32>
      %add3A_1111 = arith.constant 5 : i32
      %add3A_1112 = arith.addi %mul3A_972, %add3A_1111 : i32
      %get3A_1113 = arith.index_cast %add3A_1112 : i32 to index
      %get3A_1114 = arith.constant 48 : index
      %get3A_1115 = tpu.vector_load %arg7[%get3A_1113, %get3A_1114] {strides = array<i32>} : memref<640x64xf32, #tpu.memory_space<vmem>>, vector<1x16xf32>,
      %get3A_1116 = vector.shape_cast %get3A_1115 : vector<1x16xf32> to vector<16xf32>
      %add3A_1117 = arith.constant 6 : i32
      %add3A_1118 = arith.addi %mul3A_972, %add3A_1117 : i32
      %get3A_1119 = arith.index_cast %add3A_1118 : i32 to index
      %get3A_1120 = arith.constant 0 : index
      %get3A_1121 = tpu.vector_load %arg7[%get3A_1119, %get3A_1120] {strides = array<i32>} : memref<640x64xf32, #tpu.memory_space<vmem>>, vector<1x16xf32>,
      %get3A_1122 = vector.shape_cast %get3A_1121 : vector<1x16xf32> to vector<16xf32>
      %add3A_1123 = arith.constant 6 : i32
      %add3A_1124 = arith.addi %mul3A_972, %add3A_1123 : i32
      %get3A_1125 = arith.index_cast %add3A_1124 : i32 to index
      %get3A_1126 = arith.constant 16 : index
      %get3A_1127 = tpu.vector_load %arg7[%get3A_1125, %get3A_1126] {strides = array<i32>} : memref<640x64xf32, #tpu.memory_space<vmem>>, vector<1x16xf32>,
      %get3A_1128 = vector.shape_cast %get3A_1127 : vector<1x16xf32> to vector<16xf32>
      %add3A_1129 = arith.constant 6 : i32
      %add3A_1130 = arith.addi %mul3A_972, %add3A_1129 : i32
      %get3A_1131 = arith.index_cast %add3A_1130 : i32 to index
      %get3A_1132 = arith.constant 32 : index
      %get3A_1133 = tpu.vector_load %arg7[%get3A_1131, %get3A_1132] {strides = array<i32>} : memref<640x64xf32, #tpu.memory_space<vmem>>, vector<1x16xf32>,
      %get3A_1134 = vector.shape_cast %get3A_1133 : vector<1x16xf32> to vector<16xf32>
      %add3A_1135 = arith.constant 6 : i32
      %add3A_1136 = arith.addi %mul3A_972, %add3A_1135 : i32
      %get3A_1137 = arith.index_cast %add3A_1136 : i32 to index
      %get3A_1138 = arith.constant 48 : index
      %get3A_1139 = tpu.vector_load %arg7[%get3A_1137, %get3A_1138] {strides = array<i32>} : memref<640x64xf32, #tpu.memory_space<vmem>>, vector<1x16xf32>,
      %get3A_1140 = vector.shape_cast %get3A_1139 : vector<1x16xf32> to vector<16xf32>
      %add3A_1141 = arith.constant 7 : i32
      %add3A_1142 = arith.addi %mul3A_972, %add3A_1141 : i32
      %get3A_1143 = arith.index_cast %add3A_1142 : i32 to index
      %get3A_1144 = arith.constant 0 : index
      %get3A_1145 = tpu.vector_load %arg7[%get3A_1143, %get3A_1144] {strides = array<i32>} : memref<640x64xf32, #tpu.memory_space<vmem>>, vector<1x16xf32>,
      %get3A_1146 = vector.shape_cast %get3A_1145 : vector<1x16xf32> to vector<16xf32>
      %add3A_1147 = arith.constant 7 : i32
      %add3A_1148 = arith.addi %mul3A_972, %add3A_1147 : i32
      %get3A_1149 = arith.index_cast %add3A_1148 : i32 to index
      %get3A_1150 = arith.constant 16 : index
      %get3A_1151 = tpu.vector_load %arg7[%get3A_1149, %get3A_1150] {strides = array<i32>} : memref<640x64xf32, #tpu.memory_space<vmem>>, vector<1x16xf32>,
      %get3A_1152 = vector.shape_cast %get3A_1151 : vector<1x16xf32> to vector<16xf32>
      %add3A_1153 = arith.constant 7 : i32
      %add3A_1154 = arith.addi %mul3A_972, %add3A_1153 : i32
      %get3A_1155 = arith.index_cast %add3A_1154 : i32 to index
      %get3A_1156 = arith.constant 32 : index
      %get3A_1157 = tpu.vector_load %arg7[%get3A_1155, %get3A_1156] {strides = array<i32>} : memref<640x64xf32, #tpu.memory_space<vmem>>, vector<1x16xf32>,
      %get3A_1158 = vector.shape_cast %get3A_1157 : vector<1x16xf32> to vector<16xf32>
      %add3A_1159 = arith.constant 7 : i32
      %add3A_1160 = arith.addi %mul3A_972, %add3A_1159 : i32
      %get3A_1161 = arith.index_cast %add3A_1160 : i32 to index
      %get3A_1162 = arith.constant 48 : index
      %get3A_1163 = tpu.vector_load %arg7[%get3A_1161, %get3A_1162] {strides = array<i32>} : memref<640x64xf32, #tpu.memory_space<vmem>>, vector<1x16xf32>,
      %get3A_1164 = vector.shape_cast %get3A_1163 : vector<1x16xf32> to vector<16xf32>
      %add3A_1165 = arith.constant 8 : i32
      %add3A_1166 = arith.addi %mul3A_972, %add3A_1165 : i32
      %get3A_1167 = arith.index_cast %add3A_1166 : i32 to index
      %get3A_1168 = arith.constant 0 : index
      %get3A_1169 = tpu.vector_load %arg7[%get3A_1167, %get3A_1168] {strides = array<i32>} : memref<640x64xf32, #tpu.memory_space<vmem>>, vector<1x16xf32>,
      %get3A_1170 = vector.shape_cast %get3A_1169 : vector<1x16xf32> to vector<16xf32>
      %add3A_1171 = arith.constant 8 : i32
      %add3A_1172 = arith.addi %mul3A_972, %add3A_1171 : i32
      %get3A_1173 = arith.index_cast %add3A_1172 : i32 to index
      %get3A_1174 = arith.constant 16 : index
      %get3A_1175 = tpu.vector_load %arg7[%get3A_1173, %get3A_1174] {strides = array<i32>} : memref<640x64xf32, #tpu.memory_space<vmem>>, vector<1x16xf32>,
      %get3A_1176 = vector.shape_cast %get3A_1175 : vector<1x16xf32> to vector<16xf32>
      %add3A_1177 = arith.constant 8 : i32
      %add3A_1178 = arith.addi %mul3A_972, %add3A_1177 : i32
      %get3A_1179 = arith.index_cast %add3A_1178 : i32 to index
      %get3A_1180 = arith.constant 32 : index
      %get3A_1181 = tpu.vector_load %arg7[%get3A_1179, %get3A_1180] {strides = array<i32>} : memref<640x64xf32, #tpu.memory_space<vmem>>, vector<1x16xf32>,
      %get3A_1182 = vector.shape_cast %get3A_1181 : vector<1x16xf32> to vector<16xf32>
      %add3A_1183 = arith.constant 8 : i32
      %add3A_1184 = arith.addi %mul3A_972, %add3A_1183 : i32
      %get3A_1185 = arith.index_cast %add3A_1184 : i32 to index
      %get3A_1186 = arith.constant 48 : index
      %get3A_1187 = tpu.vector_load %arg7[%get3A_1185, %get3A_1186] {strides = array<i32>} : memref<640x64xf32, #tpu.memory_space<vmem>>, vector<1x16xf32>,
      %get3A_1188 = vector.shape_cast %get3A_1187 : vector<1x16xf32> to vector<16xf32>
      %add3A_1189 = arith.constant 9 : i32
      %add3A_1190 = arith.addi %mul3A_972, %add3A_1189 : i32
      %get3A_1191 = arith.index_cast %add3A_1190 : i32 to index
      %get3A_1192 = arith.constant 0 : index
      %get3A_1193 = tpu.vector_load %arg7[%get3A_1191, %get3A_1192] {strides = array<i32>} : memref<640x64xf32, #tpu.memory_space<vmem>>, vector<1x16xf32>,
      %get3A_1194 = vector.shape_cast %get3A_1193 : vector<1x16xf32> to vector<16xf32>
      %add3A_1195 = arith.constant 9 : i32
      %add3A_1196 = arith.addi %mul3A_972, %add3A_1195 : i32
      %get3A_1197 = arith.index_cast %add3A_1196 : i32 to index
      %get3A_1198 = arith.constant 16 : index
      %get3A_1199 = tpu.vector_load %arg7[%get3A_1197, %get3A_1198] {strides = array<i32>} : memref<640x64xf32, #tpu.memory_space<vmem>>, vector<1x16xf32>,
      %get3A_1200 = vector.shape_cast %get3A_1199 : vector<1x16xf32> to vector<16xf32>
      %add3A_1201 = arith.constant 9 : i32
      %add3A_1202 = arith.addi %mul3A_972, %add3A_1201 : i32
      %get3A_1203 = arith.index_cast %add3A_1202 : i32 to index
      %get3A_1204 = arith.constant 32 : index
      %get3A_1205 = tpu.vector_load %arg7[%get3A_1203, %get3A_1204] {strides = array<i32>} : memref<640x64xf32, #tpu.memory_space<vmem>>, vector<1x16xf32>,
      %get3A_1206 = vector.shape_cast %get3A_1205 : vector<1x16xf32> to vector<16xf32>
      %add3A_1207 = arith.constant 9 : i32
      %add3A_1208 = arith.addi %mul3A_972, %add3A_1207 : i32
      %get3A_1209 = arith.index_cast %add3A_1208 : i32 to index
      %get3A_1210 = arith.constant 48 : index
      %get3A_1211 = tpu.vector_load %arg7[%get3A_1209, %get3A_1210] {strides = array<i32>} : memref<640x64xf32, #tpu.memory_space<vmem>>, vector<1x16xf32>,
      %get3A_1212 = vector.shape_cast %get3A_1211 : vector<1x16xf32> to vector<16xf32>
      %add3A_1213 = arith.constant 10 : i32
      %add3A_1214 = arith.addi %mul3A_972, %add3A_1213 : i32
      %get3A_1215 = arith.index_cast %add3A_1214 : i32 to index
      %get3A_1216 = arith.constant 0 : index
      %get3A_1217 = tpu.vector_load %arg7[%get3A_1215, %get3A_1216] {strides = array<i32>} : memref<640x64xf32, #tpu.memory_space<vmem>>, vector<1x16xf32>,
      %get3A_1218 = vector.shape_cast %get3A_1217 : vector<1x16xf32> to vector<16xf32>
      %add3A_1219 = arith.constant 10 : i32
      %add3A_1220 = arith.addi %mul3A_972, %add3A_1219 : i32
      %get3A_1221 = arith.index_cast %add3A_1220 : i32 to index
      %get3A_1222 = arith.constant 16 : index
      %get3A_1223 = tpu.vector_load %arg7[%get3A_1221, %get3A_1222] {strides = array<i32>} : memref<640x64xf32, #tpu.memory_space<vmem>>, vector<1x16xf32>,
      %get3A_1224 = vector.shape_cast %get3A_1223 : vector<1x16xf32> to vector<16xf32>
      %add3A_1225 = arith.constant 10 : i32
      %add3A_1226 = arith.addi %mul3A_972, %add3A_1225 : i32
      %get3A_1227 = arith.index_cast %add3A_1226 : i32 to index
      %get3A_1228 = arith.constant 32 : index
      %get3A_1229 = tpu.vector_load %arg7[%get3A_1227, %get3A_1228] {strides = array<i32>} : memref<640x64xf32, #tpu.memory_space<vmem>>, vector<1x16xf32>,
      %get3A_1230 = vector.shape_cast %get3A_1229 : vector<1x16xf32> to vector<16xf32>
      %add3A_1231 = arith.constant 10 : i32
      %add3A_1232 = arith.addi %mul3A_972, %add3A_1231 : i32
      %get3A_1233 = arith.index_cast %add3A_1232 : i32 to index
      %get3A_1234 = arith.constant 48 : index
      %get3A_1235 = tpu.vector_load %arg7[%get3A_1233, %get3A_1234] {strides = array<i32>} : memref<640x64xf32, #tpu.memory_space<vmem>>, vector<1x16xf32>,
      %get3A_1236 = vector.shape_cast %get3A_1235 : vector<1x16xf32> to vector<16xf32>
      %add3A_1237 = arith.constant 11 : i32
      %add3A_1238 = arith.addi %mul3A_972, %add3A_1237 : i32
      %get3A_1239 = arith.index_cast %add3A_1238 : i32 to index
      %get3A_1240 = arith.constant 0 : index
      %get3A_1241 = tpu.vector_load %arg7[%get3A_1239, %get3A_1240] {strides = array<i32>} : memref<640x64xf32, #tpu.memory_space<vmem>>, vector<1x16xf32>,
      %get3A_1242 = vector.shape_cast %get3A_1241 : vector<1x16xf32> to vector<16xf32>
      %add3A_1243 = arith.constant 11 : i32
      %add3A_1244 = arith.addi %mul3A_972, %add3A_1243 : i32
      %get3A_1245 = arith.index_cast %add3A_1244 : i32 to index
      %get3A_1246 = arith.constant 16 : index
      %get3A_1247 = tpu.vector_load %arg7[%get3A_1245, %get3A_1246] {strides = array<i32>} : memref<640x64xf32, #tpu.memory_space<vmem>>, vector<1x16xf32>,
      %get3A_1248 = vector.shape_cast %get3A_1247 : vector<1x16xf32> to vector<16xf32>
      %add3A_1249 = arith.constant 11 : i32
      %add3A_1250 = arith.addi %mul3A_972, %add3A_1249 : i32
      %get3A_1251 = arith.index_cast %add3A_1250 : i32 to index
      %get3A_1252 = arith.constant 32 : index
      %get3A_1253 = tpu.vector_load %arg7[%get3A_1251, %get3A_1252] {strides = array<i32>} : memref<640x64xf32, #tpu.memory_space<vmem>>, vector<1x16xf32>,
      %get3A_1254 = vector.shape_cast %get3A_1253 : vector<1x16xf32> to vector<16xf32>
      %add3A_1255 = arith.constant 11 : i32
      %add3A_1256 = arith.addi %mul3A_972, %add3A_1255 : i32
      %get3A_1257 = arith.index_cast %add3A_1256 : i32 to index
      %get3A_1258 = arith.constant 48 : index
      %get3A_1259 = tpu.vector_load %arg7[%get3A_1257, %get3A_1258] {strides = array<i32>} : memref<640x64xf32, #tpu.memory_space<vmem>>, vector<1x16xf32>,
      %get3A_1260 = vector.shape_cast %get3A_1259 : vector<1x16xf32> to vector<16xf32>
      %add3A_1261 = arith.constant 12 : i32
      %add3A_1262 = arith.addi %mul3A_972, %add3A_1261 : i32
      %get3A_1263 = arith.index_cast %add3A_1262 : i32 to index
      %get3A_1264 = arith.constant 0 : index
      %get3A_1265 = tpu.vector_load %arg7[%get3A_1263, %get3A_1264] {strides = array<i32>} : memref<640x64xf32, #tpu.memory_space<vmem>>, vector<1x16xf32>,
      %get3A_1266 = vector.shape_cast %get3A_1265 : vector<1x16xf32> to vector<16xf32>
      %add3A_1267 = arith.constant 12 : i32
      %add3A_1268 = arith.addi %mul3A_972, %add3A_1267 : i32
      %get3A_1269 = arith.index_cast %add3A_1268 : i32 to index
      %get3A_1270 = arith.constant 16 : index
      %get3A_1271 = tpu.vector_load %arg7[%get3A_1269, %get3A_1270] {strides = array<i32>} : memref<640x64xf32, #tpu.memory_space<vmem>>, vector<1x16xf32>,
      %get3A_1272 = vector.shape_cast %get3A_1271 : vector<1x16xf32> to vector<16xf32>
      %add3A_1273 = arith.constant 12 : i32
      %add3A_1274 = arith.addi %mul3A_972, %add3A_1273 : i32
      %get3A_1275 = arith.index_cast %add3A_1274 : i32 to index
      %get3A_1276 = arith.constant 32 : index
      %get3A_1277 = tpu.vector_load %arg7[%get3A_1275, %get3A_1276] {strides = array<i32>} : memref<640x64xf32, #tpu.memory_space<vmem>>, vector<1x16xf32>,
      %get3A_1278 = vector.shape_cast %get3A_1277 : vector<1x16xf32> to vector<16xf32>
      %add3A_1279 = arith.constant 12 : i32
      %add3A_1280 = arith.addi %mul3A_972, %add3A_1279 : i32
      %get3A_1281 = arith.index_cast %add3A_1280 : i32 to index
      %get3A_1282 = arith.constant 48 : index
      %get3A_1283 = tpu.vector_load %arg7[%get3A_1281, %get3A_1282] {strides = array<i32>} : memref<640x64xf32, #tpu.memory_space<vmem>>, vector<1x16xf32>,
      %get3A_1284 = vector.shape_cast %get3A_1283 : vector<1x16xf32> to vector<16xf32>
      %add3A_1285 = arith.constant 13 : i32
      %add3A_1286 = arith.addi %mul3A_972, %add3A_1285 : i32
      %get3A_1287 = arith.index_cast %add3A_1286 : i32 to index
      %get3A_1288 = arith.constant 0 : index
      %get3A_1289 = tpu.vector_load %arg7[%get3A_1287, %get3A_1288] {strides = array<i32>} : memref<640x64xf32, #tpu.memory_space<vmem>>, vector<1x16xf32>,
      %get3A_1290 = vector.shape_cast %get3A_1289 : vector<1x16xf32> to vector<16xf32>
      %add3A_1291 = arith.constant 13 : i32
      %add3A_1292 = arith.addi %mul3A_972, %add3A_1291 : i32
      %get3A_1293 = arith.index_cast %add3A_1292 : i32 to index
      %get3A_1294 = arith.constant 16 : index
      %get3A_1295 = tpu.vector_load %arg7[%get3A_1293, %get3A_1294] {strides = array<i32>} : memref<640x64xf32, #tpu.memory_space<vmem>>, vector<1x16xf32>,
      %get3A_1296 = vector.shape_cast %get3A_1295 : vector<1x16xf32> to vector<16xf32>
      %add3A_1297 = arith.constant 13 : i32
      %add3A_1298 = arith.addi %mul3A_972, %add3A_1297 : i32
      %get3A_1299 = arith.index_cast %add3A_1298 : i32 to index
      %get3A_1300 = arith.constant 32 : index
      %get3A_1301 = tpu.vector_load %arg7[%get3A_1299, %get3A_1300] {strides = array<i32>} : memref<640x64xf32, #tpu.memory_space<vmem>>, vector<1x16xf32>,
      %get3A_1302 = vector.shape_cast %get3A_1301 : vector<1x16xf32> to vector<16xf32>
      %add3A_1303 = arith.constant 13 : i32
      %add3A_1304 = arith.addi %mul3A_972, %add3A_1303 : i32
      %get3A_1305 = arith.index_cast %add3A_1304 : i32 to index
      %get3A_1306 = arith.constant 48 : index
      %get3A_1307 = tpu.vector_load %arg7[%get3A_1305, %get3A_1306] {strides = array<i32>} : memref<640x64xf32, #tpu.memory_space<vmem>>, vector<1x16xf32>,
      %get3A_1308 = vector.shape_cast %get3A_1307 : vector<1x16xf32> to vector<16xf32>
      %add3A_1309 = arith.constant 14 : i32
      %add3A_1310 = arith.addi %mul3A_972, %add3A_1309 : i32
      %get3A_1311 = arith.index_cast %add3A_1310 : i32 to index
      %get3A_1312 = arith.constant 0 : index
      %get3A_1313 = tpu.vector_load %arg7[%get3A_1311, %get3A_1312] {strides = array<i32>} : memref<640x64xf32, #tpu.memory_space<vmem>>, vector<1x16xf32>,
      %get3A_1314 = vector.shape_cast %get3A_1313 : vector<1x16xf32> to vector<16xf32>
      %add3A_1315 = arith.constant 14 : i32
      %add3A_1316 = arith.addi %mul3A_972, %add3A_1315 : i32
      %get3A_1317 = arith.index_cast %add3A_1316 : i32 to index
      %get3A_1318 = arith.constant 16 : index
      %get3A_1319 = tpu.vector_load %arg7[%get3A_1317, %get3A_1318] {strides = array<i32>} : memref<640x64xf32, #tpu.memory_space<vmem>>, vector<1x16xf32>,
      %get3A_1320 = vector.shape_cast %get3A_1319 : vector<1x16xf32> to vector<16xf32>
      %add3A_1321 = arith.constant 14 : i32
      %add3A_1322 = arith.addi %mul3A_972, %add3A_1321 : i32
      %get3A_1323 = arith.index_cast %add3A_1322 : i32 to index
      %get3A_1324 = arith.constant 32 : index
      %get3A_1325 = tpu.vector_load %arg7[%get3A_1323, %get3A_1324] {strides = array<i32>} : memref<640x64xf32, #tpu.memory_space<vmem>>, vector<1x16xf32>,
      %get3A_1326 = vector.shape_cast %get3A_1325 : vector<1x16xf32> to vector<16xf32>
      %add3A_1327 = arith.constant 14 : i32
      %add3A_1328 = arith.addi %mul3A_972, %add3A_1327 : i32
      %get3A_1329 = arith.index_cast %add3A_1328 : i32 to index
      %get3A_1330 = arith.constant 48 : index
      %get3A_1331 = tpu.vector_load %arg7[%get3A_1329, %get3A_1330] {strides = array<i32>} : memref<640x64xf32, #tpu.memory_space<vmem>>, vector<1x16xf32>,
      %get3A_1332 = vector.shape_cast %get3A_1331 : vector<1x16xf32> to vector<16xf32>
      %add3A_1333 = arith.constant 15 : i32
      %add3A_1334 = arith.addi %mul3A_972, %add3A_1333 : i32
      %get3A_1335 = arith.index_cast %add3A_1334 : i32 to index
      %get3A_1336 = arith.constant 0 : index
      %get3A_1337 = tpu.vector_load %arg7[%get3A_1335, %get3A_1336] {strides = array<i32>} : memref<640x64xf32, #tpu.memory_space<vmem>>, vector<1x16xf32>,
      %get3A_1338 = vector.shape_cast %get3A_1337 : vector<1x16xf32> to vector<16xf32>
      %add3A_1339 = arith.constant 15 : i32
      %add3A_1340 = arith.addi %mul3A_972, %add3A_1339 : i32
      %get3A_1341 = arith.index_cast %add3A_1340 : i32 to index
      %get3A_1342 = arith.constant 16 : index
      %get3A_1343 = tpu.vector_load %arg7[%get3A_1341, %get3A_1342] {strides = array<i32>} : memref<640x64xf32, #tpu.memory_space<vmem>>, vector<1x16xf32>,
      %get3A_1344 = vector.shape_cast %get3A_1343 : vector<1x16xf32> to vector<16xf32>
      %add3A_1345 = arith.constant 15 : i32
      %add3A_1346 = arith.addi %mul3A_972, %add3A_1345 : i32
      %get3A_1347 = arith.index_cast %add3A_1346 : i32 to index
      %get3A_1348 = arith.constant 32 : index
      %get3A_1349 = tpu.vector_load %arg7[%get3A_1347, %get3A_1348] {strides = array<i32>} : memref<640x64xf32, #tpu.memory_space<vmem>>, vector<1x16xf32>,
      %get3A_1350 = vector.shape_cast %get3A_1349 : vector<1x16xf32> to vector<16xf32>
      %add3A_1351 = arith.constant 15 : i32
      %add3A_1352 = arith.addi %mul3A_972, %add3A_1351 : i32
      %get3A_1353 = arith.index_cast %add3A_1352 : i32 to index
      %get3A_1354 = arith.constant 48 : index
      %get3A_1355 = tpu.vector_load %arg7[%get3A_1353, %get3A_1354] {strides = array<i32>} : memref<640x64xf32, #tpu.memory_space<vmem>>, vector<1x16xf32>,
      %get3A_1356 = vector.shape_cast %get3A_1355 : vector<1x16xf32> to vector<16xf32>
      %add3A_1357 = arith.constant 16 : i32
      %add3A_1358 = arith.addi %mul3A_972, %add3A_1357 : i32
      %get3A_1359 = arith.index_cast %add3A_1358 : i32 to index
      %get3A_1360 = arith.constant 0 : index
      %get3A_1361 = tpu.vector_load %arg7[%get3A_1359, %get3A_1360] {strides = array<i32>} : memref<640x64xf32, #tpu.memory_space<vmem>>, vector<1x16xf32>,
      %get3A_1362 = vector.shape_cast %get3A_1361 : vector<1x16xf32> to vector<16xf32>
      %add3A_1363 = arith.constant 16 : i32
      %add3A_1364 = arith.addi %mul3A_972, %add3A_1363 : i32
      %get3A_1365 = arith.index_cast %add3A_1364 : i32 to index
      %get3A_1366 = arith.constant 16 : index
      %get3A_1367 = tpu.vector_load %arg7[%get3A_1365, %get3A_1366] {strides = array<i32>} : memref<640x64xf32, #tpu.memory_space<vmem>>, vector<1x16xf32>,
      %get3A_1368 = vector.shape_cast %get3A_1367 : vector<1x16xf32> to vector<16xf32>
      %add3A_1369 = arith.constant 16 : i32
      %add3A_1370 = arith.addi %mul3A_972, %add3A_1369 : i32
      %get3A_1371 = arith.index_cast %add3A_1370 : i32 to index
      %get3A_1372 = arith.constant 32 : index
      %get3A_1373 = tpu.vector_load %arg7[%get3A_1371, %get3A_1372] {strides = array<i32>} : memref<640x64xf32, #tpu.memory_space<vmem>>, vector<1x16xf32>,
      %get3A_1374 = vector.shape_cast %get3A_1373 : vector<1x16xf32> to vector<16xf32>
      %add3A_1375 = arith.constant 16 : i32
      %add3A_1376 = arith.addi %mul3A_972, %add3A_1375 : i32
      %get3A_1377 = arith.index_cast %add3A_1376 : i32 to index
      %get3A_1378 = arith.constant 48 : index
      %get3A_1379 = tpu.vector_load %arg7[%get3A_1377, %get3A_1378] {strides = array<i32>} : memref<640x64xf32, #tpu.memory_space<vmem>>, vector<1x16xf32>,
      %get3A_1380 = vector.shape_cast %get3A_1379 : vector<1x16xf32> to vector<16xf32>
      %add3A_1381 = arith.constant 17 : i32
      %add3A_1382 = arith.addi %mul3A_972, %add3A_1381 : i32
      %get3A_1383 = arith.index_cast %add3A_1382 : i32 to index
      %get3A_1384 = arith.constant 0 : index
      %get3A_1385 = tpu.vector_load %arg7[%get3A_1383, %get3A_1384] {strides = array<i32>} : memref<640x64xf32, #tpu.memory_space<vmem>>, vector<1x16xf32>,
      %get3A_1386 = vector.shape_cast %get3A_1385 : vector<1x16xf32> to vector<16xf32>
      %add3A_1387 = arith.constant 17 : i32
      %add3A_1388 = arith.addi %mul3A_972, %add3A_1387 : i32
      %get3A_1389 = arith.index_cast %add3A_1388 : i32 to index
      %get3A_1390 = arith.constant 16 : index
      %get3A_1391 = tpu.vector_load %arg7[%get3A_1389, %get3A_1390] {strides = array<i32>} : memref<640x64xf32, #tpu.memory_space<vmem>>, vector<1x16xf32>,
      %get3A_1392 = vector.shape_cast %get3A_1391 : vector<1x16xf32> to vector<16xf32>
      %add3A_1393 = arith.constant 17 : i32
      %add3A_1394 = arith.addi %mul3A_972, %add3A_1393 : i32
      %get3A_1395 = arith.index_cast %add3A_1394 : i32 to index
      %get3A_1396 = arith.constant 32 : index
      %get3A_1397 = tpu.vector_load %arg7[%get3A_1395, %get3A_1396] {strides = array<i32>} : memref<640x64xf32, #tpu.memory_space<vmem>>, vector<1x16xf32>,
      %get3A_1398 = vector.shape_cast %get3A_1397 : vector<1x16xf32> to vector<16xf32>
      %add3A_1399 = arith.constant 17 : i32
      %add3A_1400 = arith.addi %mul3A_972, %add3A_1399 : i32
      %get3A_1401 = arith.index_cast %add3A_1400 : i32 to index
      %get3A_1402 = arith.constant 48 : index
      %get3A_1403 = tpu.vector_load %arg7[%get3A_1401, %get3A_1402] {strides = array<i32>} : memref<640x64xf32, #tpu.memory_space<vmem>>, vector<1x16xf32>,
      %get3A_1404 = vector.shape_cast %get3A_1403 : vector<1x16xf32> to vector<16xf32>
      %add3A_1405 = arith.constant 18 : i32
      %add3A_1406 = arith.addi %mul3A_972, %add3A_1405 : i32
      %get3A_1407 = arith.index_cast %add3A_1406 : i32 to index
      %get3A_1408 = arith.constant 0 : index
      %get3A_1409 = tpu.vector_load %arg7[%get3A_1407, %get3A_1408] {strides = array<i32>} : memref<640x64xf32, #tpu.memory_space<vmem>>, vector<1x16xf32>,
      %get3A_1410 = vector.shape_cast %get3A_1409 : vector<1x16xf32> to vector<16xf32>
      %add3A_1411 = arith.constant 18 : i32
      %add3A_1412 = arith.addi %mul3A_972, %add3A_1411 : i32
      %get3A_1413 = arith.index_cast %add3A_1412 : i32 to index
      %get3A_1414 = arith.constant 16 : index
      %get3A_1415 = tpu.vector_load %arg7[%get3A_1413, %get3A_1414] {strides = array<i32>} : memref<640x64xf32, #tpu.memory_space<vmem>>, vector<1x16xf32>,
      %get3A_1416 = vector.shape_cast %get3A_1415 : vector<1x16xf32> to vector<16xf32>
      %add3A_1417 = arith.constant 18 : i32
      %add3A_1418 = arith.addi %mul3A_972, %add3A_1417 : i32
      %get3A_1419 = arith.index_cast %add3A_1418 : i32 to index
      %get3A_1420 = arith.constant 32 : index
      %get3A_1421 = tpu.vector_load %arg7[%get3A_1419, %get3A_1420] {strides = array<i32>} : memref<640x64xf32, #tpu.memory_space<vmem>>, vector<1x16xf32>,
      %get3A_1422 = vector.shape_cast %get3A_1421 : vector<1x16xf32> to vector<16xf32>
      %add3A_1423 = arith.constant 18 : i32
      %add3A_1424 = arith.addi %mul3A_972, %add3A_1423 : i32
      %get3A_1425 = arith.index_cast %add3A_1424 : i32 to index
      %get3A_1426 = arith.constant 48 : index
      %get3A_1427 = tpu.vector_load %arg7[%get3A_1425, %get3A_1426] {strides = array<i32>} : memref<640x64xf32, #tpu.memory_space<vmem>>, vector<1x16xf32>,
      %get3A_1428 = vector.shape_cast %get3A_1427 : vector<1x16xf32> to vector<16xf32>
      %add3A_1429 = arith.constant 19 : i32
      %add3A_1430 = arith.addi %mul3A_972, %add3A_1429 : i32
      %get3A_1431 = arith.index_cast %add3A_1430 : i32 to index
      %get3A_1432 = arith.constant 0 : index
      %get3A_1433 = tpu.vector_load %arg7[%get3A_1431, %get3A_1432] {strides = array<i32>} : memref<640x64xf32, #tpu.memory_space<vmem>>, vector<1x16xf32>,
      %get3A_1434 = vector.shape_cast %get3A_1433 : vector<1x16xf32> to vector<16xf32>
      %add3A_1435 = arith.constant 19 : i32
      %add3A_1436 = arith.addi %mul3A_972, %add3A_1435 : i32
      %get3A_1437 = arith.index_cast %add3A_1436 : i32 to index
      %get3A_1438 = arith.constant 16 : index
      %get3A_1439 = tpu.vector_load %arg7[%get3A_1437, %get3A_1438] {strides = array<i32>} : memref<640x64xf32, #tpu.memory_space<vmem>>, vector<1x16xf32>,
      %get3A_1440 = vector.shape_cast %get3A_1439 : vector<1x16xf32> to vector<16xf32>
      %add3A_1441 = arith.constant 19 : i32
      %add3A_1442 = arith.addi %mul3A_972, %add3A_1441 : i32
      %get3A_1443 = arith.index_cast %add3A_1442 : i32 to index
      %get3A_1444 = arith.constant 32 : index
      %get3A_1445 = tpu.vector_load %arg7[%get3A_1443, %get3A_1444] {strides = array<i32>} : memref<640x64xf32, #tpu.memory_space<vmem>>, vector<1x16xf32>,
      %get3A_1446 = vector.shape_cast %get3A_1445 : vector<1x16xf32> to vector<16xf32>
      %add3A_1447 = arith.constant 19 : i32
      %add3A_1448 = arith.addi %mul3A_972, %add3A_1447 : i32
      %get3A_1449 = arith.index_cast %add3A_1448 : i32 to index
      %get3A_1450 = arith.constant 48 : index
      %get3A_1451 = tpu.vector_load %arg7[%get3A_1449, %get3A_1450] {strides = array<i32>} : memref<640x64xf32, #tpu.memory_space<vmem>>, vector<1x16xf32>,
      %get3A_1452 = vector.shape_cast %get3A_1451 : vector<1x16xf32> to vector<16xf32>
      %add3A_1453 = arith.addf %get3A_978, %get3A_1002 : vector<16xf32>
      %add3A_1454 = arith.addf %get3A_1026, %get3A_1050 : vector<16xf32>
      %add3A_1455 = arith.addf %get3A_1074, %get3A_1098 : vector<16xf32>
      %add3A_1456 = arith.addf %get3A_1122, %get3A_1146 : vector<16xf32>
      %add3A_1457 = arith.addf %get3A_1170, %get3A_1194 : vector<16xf32>
      %add3A_1458 = arith.addf %get3A_1218, %get3A_1242 : vector<16xf32>
      %add3A_1459 = arith.addf %get3A_1266, %get3A_1290 : vector<16xf32>
      %add3A_1460 = arith.addf %get3A_1314, %get3A_1338 : vector<16xf32>
      %add3A_1461 = arith.addf %get3A_1362, %get3A_1386 : vector<16xf32>
      %add3A_1462 = arith.addf %get3A_1410, %get3A_1434 : vector<16xf32>
      %add3A_1463 = arith.addf %add3A_1453, %add3A_1454 : vector<16xf32>
      %add3A_1464 = arith.addf %add3A_1455, %add3A_1456 : vector<16xf32>
      %add3A_1465 = arith.addf %add3A_1457, %add3A_1458 : vector<16xf32>
      %add3A_1466 = arith.addf %add3A_1459, %add3A_1460 : vector<16xf32>
      %add3A_1467 = arith.addf %add3A_1461, %add3A_1462 : vector<16xf32>
      %add3A_1468 = arith.addf %add3A_1463, %add3A_1464 : vector<16xf32>
      %add3A_1469 = arith.addf %add3A_1465, %add3A_1466 : vector<16xf32>
      %add3A_1470 = arith.addf %add3A_1468, %add3A_1469 : vector<16xf32>
      %add3A_1471 = arith.addf %add3A_1470, %add3A_1467 : vector<16xf32>
      %swap3A_1472 = arith.index_cast %scan3A_970 : i32 to index
      %swap3A_1473 = arith.constant 0 : index
      %swap3A_1474 = tpu.vector_load %arg9[%swap3A_1472, %swap3A_1473] {strides = array<i32>} : memref<32x64xf32, #tpu.memory_space<vmem>>, vector<1x16xf32>,
      %swap3A_1475 = vector.shape_cast %swap3A_1474 : vector<1x16xf32> to vector<16xf32>
      %swap3A_1476 = vector.shape_cast %add3A_1471 : vector<16xf32> to vector<1x16xf32>
      tpu.vector_store %arg9[%swap3A_1472, %swap3A_1473], %swap3A_1476 {strides = array<i32>} : memref<32x64xf32, #tpu.memory_space<vmem>>, vector<1x16xf32>,
      %add3A_1477 = arith.addf %get3A_984, %get3A_1008 : vector<16xf32>
      %add3A_1478 = arith.addf %get3A_1032, %get3A_1056 : vector<16xf32>
      %add3A_1479 = arith.addf %get3A_1080, %get3A_1104 : vector<16xf32>
      %add3A_1480 = arith.addf %get3A_1128, %get3A_1152 : vector<16xf32>
      %add3A_1481 = arith.addf %get3A_1176, %get3A_1200 : vector<16xf32>
      %add3A_1482 = arith.addf %get3A_1224, %get3A_1248 : vector<16xf32>
      %add3A_1483 = arith.addf %get3A_1272, %get3A_1296 : vector<16xf32>
      %add3A_1484 = arith.addf %get3A_1320, %get3A_1344 : vector<16xf32>
      %add3A_1485 = arith.addf %get3A_1368, %get3A_1392 : vector<16xf32>
      %add3A_1486 = arith.addf %get3A_1416, %get3A_1440 : vector<16xf32>
      %add3A_1487 = arith.addf %add3A_1477, %add3A_1478 : vector<16xf32>
      %add3A_1488 = arith.addf %add3A_1479, %add3A_1480 : vector<16xf32>
      %add3A_1489 = arith.addf %add3A_1481, %add3A_1482 : vector<16xf32>
      %add3A_1490 = arith.addf %add3A_1483, %add3A_1484 : vector<16xf32>
      %add3A_1491 = arith.addf %add3A_1485, %add3A_1486 : vector<16xf32>
      %add3A_1492 = arith.addf %add3A_1487, %add3A_1488 : vector<16xf32>
      %add3A_1493 = arith.addf %add3A_1489, %add3A_1490 : vector<16xf32>
      %add3A_1494 = arith.addf %add3A_1492, %add3A_1493 : vector<16xf32>
      %add3A_1495 = arith.addf %add3A_1494, %add3A_1491 : vector<16xf32>
      %swap3A_1496 = arith.index_cast %scan3A_970 : i32 to index
      %swap3A_1497 = arith.constant 16 : index
      %swap3A_1498 = tpu.vector_load %arg9[%swap3A_1496, %swap3A_1497] {strides = array<i32>} : memref<32x64xf32, #tpu.memory_space<vmem>>, vector<1x16xf32>,
      %swap3A_1499 = vector.shape_cast %swap3A_1498 : vector<1x16xf32> to vector<16xf32>
      %swap3A_1500 = vector.shape_cast %add3A_1495 : vector<16xf32> to vector<1x16xf32>
      tpu.vector_store %arg9[%swap3A_1496, %swap3A_1497], %swap3A_1500 {strides = array<i32>} : memref<32x64xf32, #tpu.memory_space<vmem>>, vector<1x16xf32>,
      %add3A_1501 = arith.addf %get3A_990, %get3A_1014 : vector<16xf32>
      %add3A_1502 = arith.addf %get3A_1038, %get3A_1062 : vector<16xf32>
      %add3A_1503 = arith.addf %get3A_1086, %get3A_1110 : vector<16xf32>
      %add3A_1504 = arith.addf %get3A_1134, %get3A_1158 : vector<16xf32>
      %add3A_1505 = arith.addf %get3A_1182, %get3A_1206 : vector<16xf32>
      %add3A_1506 = arith.addf %get3A_1230, %get3A_1254 : vector<16xf32>
      %add3A_1507 = arith.addf %get3A_1278, %get3A_1302 : vector<16xf32>
      %add3A_1508 = arith.addf %get3A_1326, %get3A_1350 : vector<16xf32>
      %add3A_1509 = arith.addf %get3A_1374, %get3A_1398 : vector<16xf32>
      %add3A_1510 = arith.addf %get3A_1422, %get3A_1446 : vector<16xf32>
      %add3A_1511 = arith.addf %add3A_1501, %add3A_1502 : vector<16xf32>
      %add3A_1512 = arith.addf %add3A_1503, %add3A_1504 : vector<16xf32>
      %add3A_1513 = arith.addf %add3A_1505, %add3A_1506 : vector<16xf32>
      %add3A_1514 = arith.addf %add3A_1507, %add3A_1508 : vector<16xf32>
      %add3A_1515 = arith.addf %add3A_1509, %add3A_1510 : vector<16xf32>
      %add3A_1516 = arith.addf %add3A_1511, %add3A_1512 : vector<16xf32>
      %add3A_1517 = arith.addf %add3A_1513, %add3A_1514 : vector<16xf32>
      %add3A_1518 = arith.addf %add3A_1516, %add3A_1517 : vector<16xf32>
      %add3A_1519 = arith.addf %add3A_1518, %add3A_1515 : vector<16xf32>
      %swap3A_1520 = arith.index_cast %scan3A_970 : i32 to index
      %swap3A_1521 = arith.constant 32 : index
      %swap3A_1522 = tpu.vector_load %arg9[%swap3A_1520, %swap3A_1521] {strides = array<i32>} : memref<32x64xf32, #tpu.memory_space<vmem>>, vector<1x16xf32>,
      %swap3A_1523 = vector.shape_cast %swap3A_1522 : vector<1x16xf32> to vector<16xf32>
      %swap3A_1524 = vector.shape_cast %add3A_1519 : vector<16xf32> to vector<1x16xf32>
      tpu.vector_store %arg9[%swap3A_1520, %swap3A_1521], %swap3A_1524 {strides = array<i32>} : memref<32x64xf32, #tpu.memory_space<vmem>>, vector<1x16xf32>,
      %add3A_1525 = arith.addf %get3A_996, %get3A_1020 : vector<16xf32>
      %add3A_1526 = arith.addf %get3A_1044, %get3A_1068 : vector<16xf32>
      %add3A_1527 = arith.addf %get3A_1092, %get3A_1116 : vector<16xf32>
      %add3A_1528 = arith.addf %get3A_1140, %get3A_1164 : vector<16xf32>
      %add3A_1529 = arith.addf %get3A_1188, %get3A_1212 : vector<16xf32>
      %add3A_1530 = arith.addf %get3A_1236, %get3A_1260 : vector<16xf32>
      %add3A_1531 = arith.addf %get3A_1284, %get3A_1308 : vector<16xf32>
      %add3A_1532 = arith.addf %get3A_1332, %get3A_1356 : vector<16xf32>
      %add3A_1533 = arith.addf %get3A_1380, %get3A_1404 : vector<16xf32>
      %add3A_1534 = arith.addf %get3A_1428, %get3A_1452 : vector<16xf32>
      %add3A_1535 = arith.addf %add3A_1525, %add3A_1526 : vector<16xf32>
      %add3A_1536 = arith.addf %add3A_1527, %add3A_1528 : vector<16xf32>
      %add3A_1537 = arith.addf %add3A_1529, %add3A_1530 : vector<16xf32>
      %add3A_1538 = arith.addf %add3A_1531, %add3A_1532 : vector<16xf32>
      %add3A_1539 = arith.addf %add3A_1533, %add3A_1534 : vector<16xf32>
      %add3A_1540 = arith.addf %add3A_1535, %add3A_1536 : vector<16xf32>
      %add3A_1541 = arith.addf %add3A_1537, %add3A_1538 : vector<16xf32>
      %add3A_1542 = arith.addf %add3A_1540, %add3A_1541 : vector<16xf32>
      %add3A_1543 = arith.addf %add3A_1542, %add3A_1539 : vector<16xf32>
      %swap3A_1544 = arith.index_cast %scan3A_970 : i32 to index
      %swap3A_1545 = arith.constant 48 : index
      %swap3A_1546 = tpu.vector_load %arg9[%swap3A_1544, %swap3A_1545] {strides = array<i32>} : memref<32x64xf32, #tpu.memory_space<vmem>>, vector<1x16xf32>,
      %swap3A_1547 = vector.shape_cast %swap3A_1546 : vector<1x16xf32> to vector<16xf32>
      %swap3A_1548 = vector.shape_cast %add3A_1543 : vector<16xf32> to vector<1x16xf32>
      tpu.vector_store %arg9[%swap3A_1544, %swap3A_1545], %swap3A_1548 {strides = array<i32>} : memref<32x64xf32, #tpu.memory_space<vmem>>, vector<1x16xf32>,
    }
    %scan3A_375 = arith.constant 32 : i32
    %mul3A_376 = arith.constant 128 : i32
    %mul3A_377 = arith.muli %add3A, %mul3A_376 : i32
    %add3A_378 = arith.constant 96 : i32
    %add3A_379 = arith.addi %mul3A_377, %add3A_378 : i32
    %dma_start3A_380 = arith.constant 0 : i32
    %dma_start3A_381 = tpu.memref_slice %arg4[%add3A_379, %dma_start3A_380] : memref<4096x64xf32, #tpu.memory_space<hbm>> -> memref<32x64xf32, #tpu.memory_space<hbm>>
    %dma_start3A_382 = arith.constant 0 : i32
    %dma_start3A_383 = tpu.memref_slice %arg4[%add3A_379, %dma_start3A_382] : memref<4096x64xf32, #tpu.memory_space<hbm>> -> memref<32x64xf32, #tpu.memory_space<hbm>>
    tpu.enqueue_dma source(%arg9 : memref<32x64xf32, #tpu.memory_space<vmem>>) target(%dma_start3A_383 : memref<32x64xf32, #tpu.memory_space<hbm>>) target_semaphore(%arg13 : memref<!tpu.dma_semaphore, #tpu.memory_space<semaphore_mem>>)
    %dma_wait3A_384 = arith.constant 0 : i32
    %dma_wait3A_385 = tpu.memref_slice %arg4[%add3A_321, %dma_wait3A_384] : memref<4096x64xf32, #tpu.memory_space<hbm>> -> memref<32x64xf32, #tpu.memory_space<hbm>>
    %dma_wait3A_386 = arith.constant 0 : i32
    %dma_wait3A_387 = tpu.memref_slice %arg4[%add3A_321, %dma_wait3A_386] : memref<4096x64xf32, #tpu.memory_space<hbm>> -> memref<32x64xf32, #tpu.memory_space<hbm>>
    tpu.wait_dma2 semaphore(%arg12 : memref<!tpu.dma_semaphore, #tpu.memory_space<semaphore_mem>>) src(%arg8 : memref<32x64xf32, #tpu.memory_space<vmem>>) dst(%dma_wait3A_387 : memref<32x64xf32, #tpu.memory_space<hbm>>)
    %dma_wait3A_388 = arith.constant 0 : i32
    %dma_wait3A_389 = tpu.memref_slice %arg4[%add3A_379, %dma_wait3A_388] : memref<4096x64xf32, #tpu.memory_space<hbm>> -> memref<32x64xf32, #tpu.memory_space<hbm>>
    %dma_wait3A_390 = arith.constant 0 : i32
    %dma_wait3A_391 = tpu.memref_slice %arg4[%add3A_379, %dma_wait3A_390] : memref<4096x64xf32, #tpu.memory_space<hbm>> -> memref<32x64xf32, #tpu.memory_space<hbm>>
    tpu.wait_dma2 semaphore(%arg13 : memref<!tpu.dma_semaphore, #tpu.memory_space<semaphore_mem>>) src(%arg9 : memref<32x64xf32, #tpu.memory_space<vmem>>) dst(%dma_wait3A_391 : memref<32x64xf32, #tpu.memory_space<hbm>>)
    return
  }
}

</mosaic_0001>

<sc_bundles>
// kernel: kernel.3.cloned.1.call-start
scs
__scs_entry_jumppad:
0x0: {  	(pc) =	sbr.rel $0x88, $3  }
0x1: {  	(tag) =	ssettag $0x0;
	lr =	simm.s32 $0x1  }
0x2: {  	[smem:$0x3F9F] =	sst lr;
	_ =	strace $0xD0000000  }
0x3: {  	_ = 	snop  }
0x4: {  	_ = 	snop  }
0x5: {  	_ = 	snop  }
0x6: {  	_ = 	snop  }
0x7: {  	_ = 	snop  }
__scs_overlays_trampoline_lowered:
0x8: {  	[smem:$0x3FAE] =	sst s0  }
0x9: {  	[smem:$0x3FAF] =	sst s1  }
0xa: {  	[smem:$0x3FB0] =	sst s2  }
0xb: {  	[smem:$0x3FB1] =	sst s3  }
0xc: {  	[smem:$0x3FB2] =	sst s4  }
0xd: {  	[smem:$0x3FB3] =	sst s5  }
0xe: {  	[smem:$0x3FB4] =	sst s6  }
0xf: {  	[smem:$0x3FB5] =	sst s7  }
0x10: {  	[smem:$0x3FB6] =	sst s8  }
0x11: {  	[smem:$0x3FB7] =	sst s9;
	s0 =	simm.s32 @!p0 $0x0  }
0x12: {  	s1 =	sld [smem:$0x3F9D];
	s0 =	simm.s32 @p0 $0x1  }
0x13: {  	[smem:$0x3FB8] =	sst s0;
	s0 =	simm.s32 @!p1 $0x0  }
0x14: {  	s2 =	sld [smem:$0x3F9C];
	s0 =	simm.s32 @p1 $0x1  }
0x15: {  	[smem:$0x3FB9] =	sst s0;
	s0 =	simm.s32 @!p2 $0x0  }
0x16: {  	s3 =	sld [smem:$0x3FDB];
	s0 =	simm.s32 @p2 $0x1  }
0x17: {  	s4 =	simm.s32 $0x1BF5;
	[smem:$0x3FBB] =	sst s0  }
0x18: {  	s0 =	sld [smem:$0x3F9E];
	_ =	swait.ge [sflag:s4], $0x0  }
0x19: {  	s7 =	sld [smem:$0x3F9F]  }
0x1a: {  	s8 =	sadd.s32 $0xFFFFE003, lr  }
0x1b: {  	s9 =	sadd.s32 $0xFFFFFEF7, lr;
	s5 =	simm.s32 $0xFFFFFFFF;
	p2 =	slt.u32 s8, $0xFFFFF086  }
0x1c: {  	p1 =	slt.u32 s9, $0xF7A;
	s5 =	simm.s32 @!p2 $0x0  }
0x1d: {  	s5 =	simm.s32 @p1 $0x1;
	p0 =	seq.s32 s7, s2  }
0x1e: {  	s7 =	smul.u32 @!p0 $0xF7A, s2;
	p2 =	seq.s32 @!p0 s5, $0x0  }
0x1f: {  	s9 =	smul.u32 $0xF7A, s1;
	s8 =	simm.s32 @!p0 $0x1BF5;
	p2 =	por !p2, p0  }
0x20: {  	[sflag:s8] =	ssyncset.s32 @!p0 $0xFFFFF086;
	s6 =	sadd.s32 @!p0 s3, s7;
	s7 =	simm.s32 @!p0 $0x108  }
0x21: {  	s3 =	sadd.s32 s3, s9;
	s6 =	sadd.s32 @!p0 $0x88, s6;
	s7 =	simm.s32 @p2 $0x1082  }
0x22: {  	[simem:s7], [sflag:s8] =	dma.local @!p0 [hbm:s6], $0xF7A  }
0x23: {  	s9 =	sor.u32 $0xD0000000, s2;
	s6 =	simm.s32 $0x108;
	_ =	swait.ge @!p0 [sflag:s8], $0x0  }
0x24: {  	s3 =	sadd.s32 $0x88, s3;
	s6 =	simm.s32 @!p1 $0x1082;
	[sflag:s4] =	ssyncset.s32 $0xFFFFF086  }
0x25: {  	[simem:s6], [sflag:s4] =	dma.local [hbm:s3], $0xF7A  }
0x26: {  	[smem:$0x3F9F] =	sst s1;
	(tag) =	ssettag s2;
	_ =	strace s9  }
0x27: {  	s1 =	sld [smem:$0x3FAF]  }
0x28: {  	s2 =	sld [smem:$0x3FB0]  }
0x29: {  	s4 =	sld [smem:$0x3FB2]  }
0x2a: {  	p0 =	seq.s32 s5, $0x0;
	s5 =	sld [smem:$0x3FB3]  }
0x2b: {  	s6 =	sld [smem:$0x3FB4]  }
0x2c: {  	s7 =	sld [smem:$0x3FB5]  }
0x2d: {  	s3 =	simm.s32 $0x108;
	s8 =	sld [smem:$0x3FB6]  }
0x2e: {  	s3 =	simm.s32 @!p0 $0x1082;
	s9 =	sld [smem:$0x3FB7]  }
0x2f: {  	lr =	sadd.s32 s0, s3;
	s0 =	sld [smem:$0x3FAE]  }
0x30: {  	s3 =	sld [smem:$0x3FB1]  }
0x31: {  	[smem:$0x3FBA] =	sst s10  }
0x32: {  	s10 =	sld [smem:$0x3FB8];
	_ =	sdelay $0x3  }
0x33: {  	p0 =	seq.s32 s10, $0x1;
	s10 =	sld [smem:$0x3FBA];
	_ =	sdelay $0x3  }
0x34: {  	[smem:$0x3FBA] =	sst s10  }
0x35: {  	s10 =	sld [smem:$0x3FB9];
	_ =	sdelay $0x3  }
0x36: {  	p1 =	seq.s32 s10, $0x1;
	s10 =	sld [smem:$0x3FBA];
	_ =	sdelay $0x3  }
0x37: {  	[smem:$0x3FBA] =	sst s10  }
0x38: {  	s10 =	sld [smem:$0x3FBB]  }
0x39: {  	_ = 	snop;
	(pc) =	sbr.ind lr, $3  }
0x3a: {  	_ = 	snop  }
0x3b: {  	_ = 	snop  }
0x3c: {  	p2 =	seq.s32 s10, $0x1;
	s10 =	sld [smem:$0x3FBA]  }
0x3d: {  	_ =	shalt  }
0x3e: {  	_ =	shalt  }
0x3f: {  	_ =	shalt  }
0x40: {  	_ =	shalt  }
0x41: {  	_ =	shalt  }
0x42: {  	_ =	shalt  }
0x43: {  	_ =	shalt  }
0x44: {  	_ =	shalt  }
0x45: {  	_ =	shalt  }
0x46: {  	_ =	shalt  }
0x47: {  	_ =	shalt  }
0x48: {  	_ =	shalt  }
0x49: {  	_ =	shalt  }
0x4a: {  	_ =	shalt  }
0x4b: {  	_ =	shalt  }
0x4c: {  	_ =	shalt  }
0x4d: {  	_ =	shalt  }
0x4e: {  	_ =	shalt  }
0x4f: {  	_ =	shalt  }
0x50: {  	_ =	shalt  }
0x51: {  	_ =	shalt  }
0x52: {  	_ =	shalt  }
0x53: {  	_ =	shalt  }
0x54: {  	_ =	shalt  }
0x55: {  	_ =	shalt  }
0x56: {  	_ =	shalt  }
0x57: {  	_ =	shalt  }
0x58: {  	_ =	shalt  }
0x59: {  	_ =	shalt  }
0x5a: {  	_ =	shalt  }
0x5b: {  	_ =	shalt  }
0x5c: {  	_ =	shalt  }
0x5d: {  	_ =	shalt  }
0x5e: {  	_ =	shalt  }
0x5f: {  	_ =	shalt  }
0x60: {  	_ =	shalt  }
0x61: {  	_ =	shalt  }
0x62: {  	_ =	shalt  }
0x63: {  	_ =	shalt  }
0x64: {  	_ =	shalt  }
0x65: {  	_ =	shalt  }
0x66: {  	_ =	shalt  }
0x67: {  	_ =	shalt  }
0x68: {  	_ =	shalt  }
0x69: {  	_ =	shalt  }
0x6a: {  	_ =	shalt  }
0x6b: {  	_ =	shalt  }
0x6c: {  	_ =	shalt  }
0x6d: {  	_ =	shalt  }
0x6e: {  	_ =	shalt  }
0x6f: {  	_ =	shalt  }
0x70: {  	_ =	shalt  }
0x71: {  	_ =	shalt  }
0x72: {  	_ =	shalt  }
0x73: {  	_ =	shalt  }
0x74: {  	_ =	shalt  }
0x75: {  	_ =	shalt  }
0x76: {  	_ =	shalt  }
0x77: {  	_ =	shalt  }
0x78: {  	_ =	shalt  }
0x79: {  	_ =	shalt  }
0x7a: {  	_ =	shalt  }
0x7b: {  	_ =	shalt  }
0x7c: {  	_ =	shalt  }
0x7d: {  	_ =	shalt  }
0x7e: {  	_ =	shalt  }
0x7f: {  	_ =	shalt  }
0x80: {  	_ =	shalt  }
0x81: {  	_ =	shalt  }
0x82: {  	_ =	shalt  }
0x83: {  	_ =	shalt  }
0x84: {  	_ =	shalt  }
0x85: {  	_ =	shalt  }
0x86: {  	_ =	shalt  }
0x87: {  	_ =	shalt  }
.Lfunc_end0:
.L_simem_size_0:
called_computation_lowered:
.L_overlay_start_0:
0x88: {  	s2 =	sld [smem:$0x3FD9]  }
0x89: {  	s3 =	sld [smem:$0x3FFE];
	_ =	sdelay $0x1  }
0x8a: {  	s1 =	srdreg.scid  }
0x8b: {  	s0 =	sand.u32 $0x1, s1  }
0x8c: {  	s17 =	sshll.u32 s0, $0xA;
	s2 =	sadd.s32 s3, s2  }
0x8d: {  	s2 =	sadd.s32 s2, s17  }
0x8e: {  	[smem:$0x3FC6] =	sst s2  }
0x8f: {  	_ = 	snop  }
0x90: {  	s2 =	sld [smem:$0x3FC9]  }
0x91: {  	s18 =	sld [smem:$0x3FD0];
	(tm) =	ssettm $0x1  }
0x92: {  	s4 =	sld [smem:$0x3FFB];
	_ =	sdelay $0x3  }
0x93: {  	_ =	strace s4  }
0x94: {  	s4 =	sld [smem:$0x3FFC];
	_ =	sdelay $0x3  }
0x95: {  	_ =	strace s4  }
0x96: {  	s4 =	sld [smem:$0x3FFD];
	_ =	sdelay $0x3  }
0x97: {  	_ =	strace s4  }
0x98: {  	_ =	strace $0x8FFFFFFF  }
0x99: {  	s19 =	sld [smem:$0x3FDB];
	_ =	sdelay $0x1  }
0x9a: {  	s5 =	simm.s32 $_scs_section_size  }
0x9b: {  	s6 =	simm.s32 $_size__tile_overlayer_lowered;
	s7 =	simm.s32 $_tile_overlayer_lowered  }
0x9c: {  	s22 =	simm.s32 $0x1BFF;
	s21 =	sshll.u32 s7, $0x1;
	s4 =	sadd.s32 s5, s19  }
0x9d: {  	s8 =	simm.s32 $0x0;
	s20 =	sshll.u32 s6, $0x1;
	s6 =	sadd.s32 s21, s4  }
0x9e: {  	[timem:s8], [sflag:s22] =	dma.local [hbm:s6], s20  }
0x9f: {  	_ =	swait.ge [sflag:s22], s20  }
0xa0: {  	s5 =	ssub.s32 $0x0, s20;
	[sflag:s22] =	ssyncset.done $0x0  }
0xa1: {  	[sflag:s22] =	ssyncadd.s32 s5;
	_ =	sdelay $0x1  }
0xa2: {  	s23 =	simm.s32 $0x1B8B  }
0xa3: {  	_ =	swait.ge [sflag:s23], $0x1  }
0xa4: {  	[sflag:s23] =	ssyncset.done $0x0  }
0xa5: {  	s25 =	simm.s32 $0x1B8E;
	s24 =	sld [smem:$0x3FFE];
	[sflag:s23] =	ssyncadd.s32 $0xFFFFFFFF  }
0xa6: {  	s26 =	simm.s32 $execute0_lowered;
	[smem:$0x3FD2] =	sst s25  }
0xa7: {  	s6 =	sshll.u32 s26, $0x1;
	_ =	strace $0x80000046;
	[dreg:$0x1] =	wrdreg $0xFFFFFFFF  }
0xa8: {  	s28 =	simm.s32 $_size_execute0_lowered;
	s4 =	sadd.s32 s4, s6;
	[dreg:$0x0] =	wrdreg $0x0  }
0xa9: {  	s6 =	sshll.u32 s28, $0x1;
	[dreg:$0x2] =	wrdreg s4  }
0xaa: {  	[dreg:$0x3] =	wrdreg s6  }
0xab: {  	[dreg:$0x4] =	wrdreg $0xC0  }
0xac: {  	_ =	task [dreg:s8], $0x5FFFF  }
0xad: {  	[dreg:$0x1] =	wrdreg $0xFFFFFFFF  }
0xae: {  	[dreg:$0x0] =	wrdreg $0x60  }
0xaf: {  	[dreg:$0x2] =	wrdreg s24  }
0xb0: {  	[dreg:$0x3] =	wrdreg s2  }
0xb1: {  	[dreg:$0x4] =	wrdreg s18  }
0xb2: {  	[dreg:$0x5] =	wrdreg $0x9  }
0xb3: {  	_ =	task.clear_ibuf [dreg:s8], $0x6FFFF;
	_ =	strace $0x90000046  }
0xb4: {  	s29 =	simm.s32 $0x9;
	_ =	strace $0x80000048  }
0xb5: {  	_ =	swait.ge [sflag:s29], $0x1  }
0xb6: {  	[sflag:s29] =	ssyncadd.s32 $0xFFFFFFFF  }
0xb7: {  	_ =	strace $0x90000048  }
0xb8: {  	_ =	sfence  }
0xb9: {  	s30 =	sld [smem:$0x0];
	_ =	sdelay $0x2  }
0xba: {  	s31 =	sshll.u32 s1, $0xD;
	s1 =	sshrl.u32 s1, $0x2  }
0xbb: {  	s3 =	sand.u32 $0x4000, s31;
	s1 =	sadd.s32 s1, s30  }
0xbc: {  	s0 =	sor.u32 s3, s0;
	s1 =	sshll.u32 s1, $0x11  }
0xbd: {  	s0 =	sor.u32 s1, s0  }
0xbe: {  	s0 =	sadd.s32 $0x8F2B, s0  }
0xbf: {  	[sflag:s0] =	ssyncadd.remote.s32 $0x1  }
0xc0: {  	_ =	sfence.sel $0xFFFF  }
0xc1: {  	[dreg:$0x0] =	wrdreg $0xFFFFFFFF;
	(pc) =	sbr.abs _section_cstart, $3  }
0xc2: {  	[dreg:$0x1] =	wrdreg $0xFFFFFFFF  }
0xc3: {  	_ =	task.clear_ibuf [dreg:s8], $0x2FFFF;
	_ =	strace $0x9FFFFFFF  }
0xc4: {  	(tm) =	ssettm $0x7FFFFFFF  }
0xc5: {  	_ =	shalt  }
tec
execute0_lowered:
.L_overlay_start_1:
0x0: {  	(tag) =	ssettag $0x1  }
0x1: {  	s0 =	rddreg [dreg:$0x0]  }
0x2: {  	s1 =	rddreg [dreg:$0x1]  }
0x3: {  	s4 =	rddreg [dreg:$0x2];
	s2 =	simm.s32 $0x0  }
0x4: {  	s3 =	srdreg.scid;
	s5 =	stileid.u32;
	s10 =	simm.s32 $0x5  }
0x5: {  	s11 =	simm.s32 $0x80;
	s12 =	simm.s32 $0xA00;
	s13 =	simm.s32 $0x2A00  }
0x6: {  	s15 =	simm.s32 $0x4A00;
	s17 =	simm.s32 $0x6A00;
	s19 =	simm.s32 $0x8A00  }
0x7: {  	s21 =	simm.s32 $0xAA00;
	s23 =	simm.s32 $0xCA00;
	s25 =	simm.s32 $0xEA00  }
0x8: {  	s28 =	simm.s32 $0x10A00;
	s30 =	simm.s32 $0x12A00;
	s31 =	simm.s32 $0x1  }
0x9: {  	s22 =	simm.s32 $0x2;
	s24 =	simm.s32 $0x15200;
	s16 =	simm.s32 $0x980  }
0xa: {  	s18 =	simm.s32 $0x3;
	s20 =	simm.s32 $0x4;
	s3 =	sand.u32 $0x1, s3  }
0xb: {  	[smem:$0x7FF] =	sst s2;
	s5 =	sshll.u32 s5, $0x1;
	s6 =	ssub.s32 $0x2, s3  }
0xc: {  	_ =	strace $0x80000047;
	s3 =	sor.u32 s3, s5;
	s26 =	sshrl.u32 s6, $0x1  }
0xd: {  	s7 =	smul.u32 $0x140, s3;
	s8 =	sshll.u32 s3, $0xA;
	s3 =	sadd.s32 $0x186E00, s0  }
0xe: {  	s0 =	simm.s32 $0x14A00;
	s29 =	ssub.s32 s6, s26;
	s4 =	sadd.s32 s4, s8  }
0xf: {  	s26 =	simm.s32 $0x0;
	s5 =	sadd.s32 s1, s7;
	s6 =	sadd.s32 $0x100, s4  }
0x10: {  	s7 =	sadd.s32 $0x200, s4;
	s8 =	sadd.s32 $0x300, s4;
	s9 =	smax.u32 s29, $0x1  }
.LBB2_1:
0x11: {  	[tilespmem:s2], [sflag:$0x5] =	stream.linear.gather [hbm4b:s5+s2], $0xA00, $0x38;
	[tilespmem:$0x15A00] =	vst v63  }
0x12: {  	_ =	swait.ge [sflag:s10], $0xA00  }
0x13: {  	[sflag:s10] =	ssyncset.done $0x0  }
0x14: {  	[sflag:s10] =	ssyncadd.s32 $0xFFFFF600  }
0x15: {  	[tilespmem:s12], [sflag:$0x1] =	stream.indirect.gather [hbm4b:s3+s11], $0x40, s2, s11, $0xb8;
	[tilespmem:$0x15A00] =	vst v63  }
0x16: {  	_ = 	snop  }
0x17: {  	[tilespmem:s13], [sflag:$0x1] =	stream.indirect.gather [hbm4b:s3+s11], $0x40, s11, s11, $0xb8;
	[tilespmem:$0x15A00] =	vst v63  }
0x18: {  	s1 =	simm.s32 $0x100  }
0x19: {  	[tilespmem:s15], [sflag:$0x1] =	stream.indirect.gather [hbm4b:s3+s11], $0x40, s1, s11, $0xb8;
	[tilespmem:$0x15A00] =	vst v63  }
0x1a: {  	s14 =	simm.s32 $0x180  }
0x1b: {  	[tilespmem:s17], [sflag:$0x1] =	stream.indirect.gather [hbm4b:s3+s11], $0x40, s14, s11, $0xb8;
	[tilespmem:$0x15A00] =	vst v63  }
0x1c: {  	s14 =	simm.s32 $0x200  }
0x1d: {  	[tilespmem:s19], [sflag:$0x1] =	stream.indirect.gather [hbm4b:s3+s11], $0x40, s14, s11, $0xb8;
	[tilespmem:$0x15A00] =	vst v63  }
0x1e: {  	s14 =	simm.s32 $0x280  }
0x1f: {  	[tilespmem:s21], [sflag:$0x2] =	stream.indirect.gather [hbm4b:s3+s11], $0x40, s14, s11, $0xb8;
	[tilespmem:$0x15A00] =	vst v63  }
0x20: {  	s14 =	simm.s32 $0x300  }
0x21: {  	[tilespmem:s23], [sflag:$0x2] =	stream.indirect.gather [hbm4b:s3+s11], $0x40, s14, s11, $0xb8;
	[tilespmem:$0x15A00] =	vst v63  }
0x22: {  	s14 =	simm.s32 $0x380  }
0x23: {  	[tilespmem:s25], [sflag:$0x2] =	stream.indirect.gather [hbm4b:s3+s11], $0x40, s14, s11, $0xb8;
	[tilespmem:$0x15A00] =	vst v63  }
0x24: {  	s14 =	simm.s32 $0x400  }
0x25: {  	[tilespmem:s28], [sflag:$0x2] =	stream.indirect.gather [hbm4b:s3+s11], $0x40, s14, s11, $0xb8;
	[tilespmem:$0x15A00] =	vst v63  }
0x26: {  	s14 =	simm.s32 $0x480  }
0x27: {  	[tilespmem:s30], [sflag:$0x2] =	stream.indirect.gather [hbm4b:s3+s11], $0x40, s14, s11, $0xb8;
	[tilespmem:$0x15A00] =	vst v63  }
0x28: {  	_ =	swait.ge [sflag:s31], $0x2000  }
0x29: {  	[sflag:s31] =	ssyncset.done $0x0  }
0x2a: {  	[sflag:s31] =	ssyncadd.s32 $0xFFFFE000  }
0x2b: {  	_ =	swait.ge [sflag:s31], $0x2000  }
0x2c: {  	[sflag:s31] =	ssyncset.done $0x0  }
0x2d: {  	[sflag:s31] =	ssyncadd.s32 $0xFFFFE000  }
0x2e: {  	_ =	swait.ge [sflag:s31], $0x2000  }
0x2f: {  	[sflag:s31] =	ssyncset.done $0x0  }
0x30: {  	[sflag:s31] =	ssyncadd.s32 $0xFFFFE000  }
0x31: {  	_ =	swait.ge [sflag:s31], $0x2000  }
0x32: {  	[sflag:s31] =	ssyncset.done $0x0  }
0x33: {  	[sflag:s31] =	ssyncadd.s32 $0xFFFFE000  }
0x34: {  	_ =	swait.ge [sflag:s31], $0x2000  }
0x35: {  	s29 =	simm.s32 $0xFFFFFFFE;
	[sflag:s31] =	ssyncset.done $0x0  }
0x36: {  	s1 =	simm.s32 $0xF00;
	s14 =	simm.s32 $0x14A40;
	[sflag:s31] =	ssyncadd.s32 $0xFFFFE000  }
.LBB2_2:
0x37: {  	v1 =	vld [tilespmem:s1+$0xFFFFFB00]  }
0x38: {  	v2 =	vld [tilespmem:s1+$0xFFFFFB10]  }
0x39: {  	v3 =	vld [tilespmem:s1+$0xFFFFFB20]  }
0x3a: {  	v0 =	vld [tilespmem:s1+$0xFFFFFB30]  }
0x3b: {  	v4 =	vld [tilespmem:s1+$0xFFFFFB40]  }
0x3c: {  	v5 =	vld [tilespmem:s1+$0xFFFFFB50]  }
0x3d: {  	v6 =	vld [tilespmem:s1+$0xFFFFFB60]  }
0x3e: {  	v7 =	vld [tilespmem:s1+$0xFFFFFB70]  }
0x3f: {  	v8 =	vld [tilespmem:s1+$0xFFFFFB80]  }
0x40: {  	v9 =	vld [tilespmem:s1+$0xFFFFFB90]  }
0x41: {  	v10 =	vld [tilespmem:s1+$0xFFFFFBA0]  }
0x42: {  	v11 =	vld [tilespmem:s1+$0xFFFFFBB0]  }
0x43: {  	v12 =	vld [tilespmem:s1+$0xFFFFFBC0]  }
0x44: {  	v13 =	vld [tilespmem:s1+$0xFFFFFBD0]  }
0x45: {  	v14 =	vld [tilespmem:s1+$0xFFFFFBE0]  }
0x46: {  	v15 =	vld [tilespmem:s1+$0xFFFFFBF0]  }
0x47: {  	v16 =	vld [tilespmem:s1+$0xFFFFFC00]  }
0x48: {  	v17 =	vld [tilespmem:s1+$0xFFFFFC10]  }
0x49: {  	v18 =	vld [tilespmem:s1+$0xFFFFFC20]  }
0x4a: {  	v19 =	vld [tilespmem:s1+$0xFFFFFC30]  }
0x4b: {  	v20 =	vld [tilespmem:s1+$0xFFFFFC40]  }
0x4c: {  	v21 =	vld [tilespmem:s1+$0xFFFFFC50]  }
0x4d: {  	v22 =	vld [tilespmem:s1+$0xFFFFFC60]  }
0x4e: {  	v23 =	vld [tilespmem:s1+$0xFFFFFC70]  }
0x4f: {  	v24 =	vld [tilespmem:s1+$0xFFFFFC80]  }
0x50: {  	v25 =	vld [tilespmem:s1+$0xFFFFFC90]  }
0x51: {  	v26 =	vld [tilespmem:s1+$0xFFFFFCA0]  }
0x52: {  	v27 =	vld [tilespmem:s1+$0xFFFFFCB0]  }
0x53: {  	v28 =	vld [tilespmem:s1+$0xFFFFFCC0]  }
0x54: {  	v29 =	vld [tilespmem:s1+$0xFFFFFCD0]  }
0x55: {  	v30 =	vld [tilespmem:s1+$0xFFFFFCE0]  }
0x56: {  	v31 =	vld [tilespmem:s1+$0xFFFFFCF0]  }
0x57: {  	v32 =	vld [tilespmem:s1+$0xFFFFFD00]  }
0x58: {  	v33 =	vld [tilespmem:s1+$0xFFFFFD10]  }
0x59: {  	v34 =	vld [tilespmem:s1+$0xFFFFFD20]  }
0x5a: {  	v35 =	vld [tilespmem:s1+$0xFFFFFD30]  }
0x5b: {  	v36 =	vld [tilespmem:s1+$0xFFFFFD40]  }
0x5c: {  	v37 =	vld [tilespmem:s1+$0xFFFFFD50]  }
0x5d: {  	v38 =	vld [tilespmem:s1+$0xFFFFFD60]  }
0x5e: {  	v39 =	vld [tilespmem:s1+$0xFFFFFD70]  }
0x5f: {  	v40 =	vld [tilespmem:s1+$0xFFFFFD80]  }
0x60: {  	v42 =	vld [tilespmem:s1+$0xFFFFFDC0]  }
0x61: {  	v44 =	vld [tilespmem:s1+$0xFFFFFE00]  }
0x62: {  	v45 =	vld [tilespmem:s1+$0xFFFFFE40]  }
0x63: {  	v46 =	vld [tilespmem:s1+$0xFFFFFE80]  }
0x64: {  	v47 =	vld [tilespmem:s1+$0xFFFFFEC0]  }
0x65: {  	v48 =	vld [tilespmem:s1+$0xFFFFFF00]  }
0x66: {  	v49 =	vld [tilespmem:s1+$0xFFFFFF40]  }
0x67: {  	v51 =	vld [tilespmem:s1+$0xFFFFFF80]  }
0x68: {  	v52 =	vld [tilespmem:s1+$0xFFFFFFC0]  }
0x69: {  	v41 =	vld [tilespmem:s1+$0xFFFFFD90];
	v1 =	vadd.f32 v4, v1;
	v8 =	vadd.f32 v12, v8  }
0x6a: {  	v43 =	vld [tilespmem:s1+$0xFFFFFDD0];
	v16 =	vadd.f32 v20, v16;
	v53 =	vadd.f32 v28, v24  }
0x6b: {  	v58 =	vld [tilespmem:s1+$0xFFFFFE90];
	v54 =	vadd.f32 v36, v32;
	v55 =	vadd.f32 v42, v40  }
0x6c: {  	v60 =	vld [tilespmem:s1+$0xFFFFFED0];
	v56 =	vadd.f32 v45, v44;
	v57 =	vadd.f32 v47, v46  }
0x6d: {  	v63 =	vld [tilespmem:s1+$0xFFFFFF10];
	v45 =	vadd.f32 v49, v48;
	v4 =	vadd.f32 v52, v51  }
0x6e: {  	v50 =	vld [tilespmem:s1+$0xFFFFFFD0];
	v2 =	vadd.f32 v5, v2;
	v49 =	vadd.f32 v13, v9  }
0x6f: {  	v24 =	vld [tilespmem:s1+$0xFFFFFE10];
	v51 =	vadd.f32 v21, v17;
	v52 =	vadd.f32 v29, v25  }
0x70: {  	v36 =	vld [tilespmem:s1+$0xFFFFFE50];
	v3 =	vadd.f32 v6, v3;
	v40 =	vadd.f32 v22, v18  }
0x71: {  	v46 =	vld [tilespmem:s1+$0xFFFFFF50];
	v0 =	vadd.f32 v7, v0;
	v1 =	vadd.f32 v8, v1  }
0x72: {  	v48 =	vld [tilespmem:s1+$0xFFFFFF90];
	v59 =	vadd.f32 v53, v16;
	v61 =	vadd.f32 v55, v54  }
0x73: {  	v29 =	vld [tilespmem:s1+$0xFFFFFDB0];
	v62 =	vadd.f32 v57, v56;
	v54 =	vadd.f32 v37, v33  }
0x74: {  	v13 =	vld [tilespmem:s1+$0xFFFFFDF0];
	v55 =	vadd.f32 v43, v41;
	v16 =	vadd.f32 v60, v58  }
0x75: {  	v25 =	vld [tilespmem:s1+$0xFFFFFF20];
	v2 =	vadd.f32 v49, v2;
	v57 =	vadd.f32 v52, v51  }
0x76: {  	v28 =	vld [tilespmem:s1+$0xFFFFFF60];
	v4 =	vadd.f32 v4, v45;
	v41 =	vadd.f32 v30, v26  }
0x77: {  	v32 =	vld [tilespmem:s1+$0xFFFFFFA0];
	v43 =	vadd.f32 v38, v34;
	v1 =	vadd.f32 v59, v1  }
0x78: {  	v42 =	vld [tilespmem:s1+$0xFFFFFE30];
	v47 =	vadd.f32 v62, v61;
	v58 =	vadd.f32 v55, v54  }
0x79: {  	v44 =	vld [tilespmem:s1+$0xFFFFFE70];
	v2 =	vadd.f32 v57, v2;
	v55 =	vadd.f32 v23, v19  }
0x7a: {  	v53 =	vld [tilespmem:s1+$0xFFFFFDA0];
	v57 =	vadd.f32 v39, v35;
	v24 =	vadd.f32 v36, v24  }
0x7b: {  	v56 =	vld [tilespmem:s1+$0xFFFFFDE0];
	v12 =	vadd.f32 v46, v63;
	v9 =	vadd.f32 v50, v48  }
0x7c: {  	v60 =	vld [tilespmem:s1+$0xFFFFFE60];
	v36 =	vadd.f32 v14, v10;
	v46 =	vadd.f32 v41, v40  }
0x7d: {  	v37 =	vld [tilespmem:s1+$0xFFFFFFE0];
	v5 =	vadd.f32 v28, v25;
	v13 =	vadd.f32 v13, v29  }
0x7e: {  	v59 =	vld [tilespmem:s1+$0xFFFFFE20];
	v17 =	vadd.f32 v44, v42;
	v1 =	vadd.f32 v47, v1  }
0x7f: {  	v45 =	vld [tilespmem:s1+$0xFFFFFEB0];
	v16 =	vadd.f32 v16, v24;
	v9 =	vadd.f32 v9, v12  }
0x80: {  	v62 =	vld [tilespmem:s1+$0xFFFFFEA0];
	v21 =	vadd.f32 v56, v53;
	v3 =	vadd.f32 v36, v3  }
0x81: {  	v63 =	vld [tilespmem:s1+$0xFFFFFEE0];
	v53 =	vadd.f32 v15, v11;
	v56 =	vadd.f32 v31, v27  }
0x82: {  	v47 =	vld [tilespmem:s1+$0xFFFFFEF0];
	v1 =	vadd.f32 v4, v1;
	v4 =	vadd.f32 v37, v32  }
0x83: {  	v49 =	vld [tilespmem:s1+$0xFFFFFF30];
	v61 =	vadd.f32 v16, v58;
	v20 =	vadd.f32 v60, v59  }
0x84: {  	v52 =	vld [tilespmem:s1+$0xFFFFFFB0];
	v48 =	vadd.f32 v21, v43;
	v3 =	vadd.f32 v46, v3  }
0x85: {  	v50 =	vld [tilespmem:s1+$0xFFFFFF70];
	v0 =	vadd.f32 v53, v0;
	v58 =	vadd.f32 v56, v55  }
0x86: {  	v54 =	vld [tilespmem:s1+$0xFFFFFFF0];
	v59 =	vadd.f32 v13, v57;
	v8 =	vadd.f32 v63, v62  }
0x87: {  	v2 =	vadd.f32 v61, v2;
	v10 =	vadd.f32 v47, v45  }
0x88: {  	v0 =	vadd.f32 v58, v0;
	v8 =	vadd.f32 v8, v20  }
0x89: {  	v2 =	vadd.f32 v9, v2;
	v10 =	vadd.f32 v10, v17  }
0x8a: {  	v9 =	vadd.f32 v50, v49;
	v51 =	vadd.f32 v8, v48  }
0x8b: {  	v8 =	vadd.f32 v54, v52;
	v60 =	vadd.f32 v10, v59  }
0x8c: {  	v4 =	vadd.f32 v4, v5;
	v3 =	vadd.f32 v51, v3  }
0x8d: {  	v61 =	vadd.f32 v8, v9;
	v0 =	vadd.f32 v60, v0  }
0x8e: {  	[tilespmem:s14+$0xFFFFFFC0] =	vst v1;
	v62 =	vadd.f32 v4, v3  }
0x8f: {  	[tilespmem:s14+$0xFFFFFFD0] =	vst v2;
	v0 =	vadd.f32 v61, v0  }
0x90: {  	[tilespmem:s14+$0xFFFFFFE0] =	vst v62  }
0x91: {  	[tilespmem:s14+$0xFFFFFFF0] =	vst v0  }
0x92: {  	v1 =	vld [tilespmem:s1+$0x0]  }
0x93: {  	v2 =	vld [tilespmem:s1+$0x10]  }
0x94: {  	v3 =	vld [tilespmem:s1+$0x20]  }
0x95: {  	v0 =	vld [tilespmem:s1+$0x30]  }
0x96: {  	v4 =	vld [tilespmem:s1+$0x40]  }
0x97: {  	v5 =	vld [tilespmem:s1+$0x50]  }
0x98: {  	v6 =	vld [tilespmem:s1+$0x60]  }
0x99: {  	v7 =	vld [tilespmem:s1+$0x70]  }
0x9a: {  	v8 =	vld [tilespmem:s1+$0x80]  }
0x9b: {  	v9 =	vld [tilespmem:s1+$0x90]  }
0x9c: {  	v10 =	vld [tilespmem:s1+$0xA0]  }
0x9d: {  	v11 =	vld [tilespmem:s1+$0xB0]  }
0x9e: {  	v63 =	vld [tilespmem:s1+$0xC0]  }
0x9f: {  	v13 =	vld [tilespmem:s1+$0xD0]  }
0xa0: {  	v14 =	vld [tilespmem:s1+$0xE0]  }
0xa1: {  	v15 =	vld [tilespmem:s1+$0xF0]  }
0xa2: {  	v16 =	vld [tilespmem:s1+$0x100]  }
0xa3: {  	v17 =	vld [tilespmem:s1+$0x110]  }
0xa4: {  	v18 =	vld [tilespmem:s1+$0x120]  }
0xa5: {  	v19 =	vld [tilespmem:s1+$0x130]  }
0xa6: {  	v52 =	vld [tilespmem:s1+$0x140]  }
0xa7: {  	v21 =	vld [tilespmem:s1+$0x150]  }
0xa8: {  	v22 =	vld [tilespmem:s1+$0x160]  }
0xa9: {  	v23 =	vld [tilespmem:s1+$0x170]  }
0xaa: {  	v53 =	vld [tilespmem:s1+$0x180]  }
0xab: {  	v25 =	vld [tilespmem:s1+$0x190]  }
0xac: {  	v26 =	vld [tilespmem:s1+$0x1A0]  }
0xad: {  	v27 =	vld [tilespmem:s1+$0x1B0]  }
0xae: {  	v54 =	vld [tilespmem:s1+$0x1C0]  }
0xaf: {  	v29 =	vld [tilespmem:s1+$0x1D0]  }
0xb0: {  	v30 =	vld [tilespmem:s1+$0x1E0]  }
0xb1: {  	v31 =	vld [tilespmem:s1+$0x1F0]  }
0xb2: {  	v55 =	vld [tilespmem:s1+$0x200]  }
0xb3: {  	v33 =	vld [tilespmem:s1+$0x210]  }
0xb4: {  	v34 =	vld [tilespmem:s1+$0x220]  }
0xb5: {  	v35 =	vld [tilespmem:s1+$0x230]  }
0xb6: {  	v56 =	vld [tilespmem:s1+$0x240]  }
0xb7: {  	v37 =	vld [tilespmem:s1+$0x250]  }
0xb8: {  	v38 =	vld [tilespmem:s1+$0x260]  }
0xb9: {  	v39 =	vld [tilespmem:s1+$0x270]  }
0xba: {  	v57 =	vld [tilespmem:s1+$0x280]  }
0xbb: {  	v41 =	vld [tilespmem:s1+$0x290]  }
0xbc: {  	v58 =	vld [tilespmem:s1+$0x2C0]  }
0xbd: {  	v43 =	vld [tilespmem:s1+$0x2D0]  }
0xbe: {  	v59 =	vld [tilespmem:s1+$0x300]  }
0xbf: {  	v60 =	vld [tilespmem:s1+$0x340]  }
0xc0: {  	v61 =	vld [tilespmem:s1+$0x380]  }
0xc1: {  	v62 =	vld [tilespmem:s1+$0x3C0]  }
0xc2: {  	v48 =	vld [tilespmem:s1+$0x400]  }
0xc3: {  	v49 =	vld [tilespmem:s1+$0x440]  }
0xc4: {  	v44 =	vld [tilespmem:s1+$0x410]  }
0xc5: {  	v46 =	vld [tilespmem:s1+$0x450];
	v1 =	vadd.f32 v4, v1;
	v63 =	vadd.f32 v63, v8  }
0xc6: {  	v28 =	vld [tilespmem:s1+$0x2B0];
	v50 =	vadd.f32 v52, v16;
	v51 =	vadd.f32 v54, v53  }
0xc7: {  	v36 =	vld [tilespmem:s1+$0x4A0];
	v53 =	vadd.f32 v56, v55;
	v54 =	vadd.f32 v58, v57  }
0xc8: {  	v8 =	vld [tilespmem:s1+$0x480];
	v56 =	vadd.f32 v60, v59;
	v57 =	vadd.f32 v62, v61  }
0xc9: {  	v52 =	vld [tilespmem:s1+$0x4C0];
	v40 =	vadd.f32 v49, v48;
	v2 =	vadd.f32 v5, v2  }
0xca: {  	v55 =	vld [tilespmem:s1+$0x310];
	v47 =	vadd.f32 v13, v9;
	v49 =	vadd.f32 v21, v17  }
0xcb: {  	v58 =	vld [tilespmem:s1+$0x350];
	v16 =	vadd.f32 v46, v44;
	v3 =	vadd.f32 v6, v3  }
0xcc: {  	v60 =	vld [tilespmem:s1+$0x390];
	v42 =	vadd.f32 v38, v34;
	v0 =	vadd.f32 v7, v0  }
0xcd: {  	v48 =	vld [tilespmem:s1+$0x490];
	v1 =	vadd.f32 v63, v1;
	v59 =	vadd.f32 v51, v50  }
0xce: {  	v44 =	vld [tilespmem:s1+$0x370];
	v61 =	vadd.f32 v54, v53;
	v62 =	vadd.f32 v57, v56  }
0xcf: {  	v46 =	vld [tilespmem:s1+$0x3B0];
	v50 =	vadd.f32 v29, v25;
	v53 =	vadd.f32 v43, v41  }
0xd0: {  	v63 =	vld [tilespmem:s1+$0x3D0];
	v2 =	vadd.f32 v47, v2;
	v1 =	vadd.f32 v59, v1  }
0xd1: {  	v51 =	vld [tilespmem:s1+$0x4D0];
	v45 =	vadd.f32 v62, v61;
	v8 =	vadd.f32 v52, v8  }
0xd2: {  	v54 =	vld [tilespmem:s1+$0x2A0];
	v52 =	vadd.f32 v37, v33;
	v32 =	vadd.f32 v58, v55  }
0xd3: {  	v56 =	vld [tilespmem:s1+$0x2E0];
	v55 =	vadd.f32 v50, v49;
	v33 =	vadd.f32 v14, v10  }
0xd4: {  	v41 =	vld [tilespmem:s1+$0x4E0];
	v37 =	vadd.f32 v22, v18;
	v1 =	vadd.f32 v45, v1  }
0xd5: {  	v43 =	vld [tilespmem:s1+$0x330];
	v12 =	vadd.f32 v63, v60;
	v57 =	vadd.f32 v53, v52  }
0xd6: {  	v47 =	vld [tilespmem:s1+$0x3F0];
	v9 =	vadd.f32 v51, v48;
	v2 =	vadd.f32 v55, v2  }
0xd7: {  	v59 =	vld [tilespmem:s1+$0x320];
	v8 =	vadd.f32 v8, v40;
	v40 =	vadd.f32 v30, v26  }
0xd8: {  	v61 =	vld [tilespmem:s1+$0x360];
	v13 =	vadd.f32 v56, v54;
	v3 =	vadd.f32 v33, v3  }
0xd9: {  	v49 =	vld [tilespmem:s1+$0x430];
	v48 =	vadd.f32 v41, v36;
	v51 =	vadd.f32 v15, v11  }
0xda: {  	v50 =	vld [tilespmem:s1+$0x470];
	v53 =	vadd.f32 v23, v19;
	v54 =	vadd.f32 v31, v27  }
0xdb: {  	v62 =	vld [tilespmem:s1+$0x3A0];
	v56 =	vadd.f32 v39, v35;
	v10 =	vadd.f32 v47, v46  }
0xdc: {  	v58 =	vld [tilespmem:s1+$0x2F0];
	v12 =	vadd.f32 v12, v32;
	v9 =	vadd.f32 v9, v16  }
0xdd: {  	v63 =	vld [tilespmem:s1+$0x3E0];
	v1 =	vadd.f32 v8, v1;
	v45 =	vadd.f32 v40, v37  }
0xde: {  	v52 =	vld [tilespmem:s1+$0x4B0];
	v13 =	vadd.f32 v13, v42;
	v16 =	vadd.f32 v44, v43  }
0xdf: {  	v55 =	vld [tilespmem:s1+$0x4F0];
	v0 =	vadd.f32 v51, v0;
	v6 =	vadd.f32 v50, v49  }
0xe0: {  	v25 =	vld [tilespmem:s1+$0x420];
	v60 =	vadd.f32 v12, v57;
	v12 =	vadd.f32 v61, v59  }
0xe1: {  	v32 =	vld [tilespmem:s1+$0x460];
	v3 =	vadd.f32 v45, v3;
	v57 =	vadd.f32 v58, v28  }
0xe2: {  	v58 =	vadd.f32 v54, v53;
	v10 =	vadd.f32 v10, v16  }
0xe3: {  	v4 =	vadd.f32 v63, v62;
	v2 =	vadd.f32 v60, v2  }
0xe4: {  	v59 =	vadd.f32 v57, v56;
	v60 =	vadd.f32 v55, v52  }
0xe5: {  	v0 =	vadd.f32 v58, v0;
	v4 =	vadd.f32 v4, v12  }
0xe6: {  	v5 =	vadd.f32 v32, v25;
	v61 =	vadd.f32 v10, v59  }
0xe7: {  	s29 =	sadd.s32 $0x2, s29;
	v2 =	vadd.f32 v9, v2;
	v4 =	vadd.f32 v4, v13  }
0xe8: {  	p0 =	slt.u32 s29, $0x1E;
	v62 =	vadd.f32 v60, v6;
	v0 =	vadd.f32 v61, v0  }
.Ltmp0:
0xe9: {  	v5 =	vadd.f32 v48, v5;
	v3 =	vadd.f32 v4, v3;
	(pc) =	sbr.rel @p0 .LBB2_2-.Ltmp0, $4  }
0xea: {  	[tilespmem:s14+$0x0] =	vst v1;
	v0 =	vadd.f32 v62, v0  }
0xeb: {  	[tilespmem:s14+$0x10] =	vst v2;
	v63 =	vadd.f32 v5, v3  }
0xec: {  	[tilespmem:s14+$0x30] =	vst v0  }
0xed: {  	s1 =	sadd.s32 $0xA00, s1;
	[tilespmem:s14+$0x20] =	vst v63;
	s14 =	sadd.s32 $0x80, s14  }
0xee: {  	[hbm4b:s4+s2] =	stream.linear.scatter [tilespmem:s0], [sflag:$0x3], $0x800, $0x38;
	[tilespmem:$0x15A00] =	vst v63  }
0xef: {  	s1 =	simm.s32 $0x500  }
0xf0: {  	[tilespmem:s12], [sflag:$0x1] =	stream.indirect.gather [hbm4b:s3+s11], $0x40, s1, s11, $0xb8;
	[tilespmem:$0x15A00] =	vst v63  }
0xf1: {  	s14 =	simm.s32 $0x580  }
0xf2: {  	[tilespmem:s13], [sflag:$0x1] =	stream.indirect.gather [hbm4b:s3+s11], $0x40, s14, s11, $0xb8;
	[tilespmem:$0x15A00] =	vst v63  }
0xf3: {  	s14 =	simm.s32 $0x600  }
0xf4: {  	[tilespmem:s15], [sflag:$0x1] =	stream.indirect.gather [hbm4b:s3+s11], $0x40, s14, s11, $0xb8;
	[tilespmem:$0x15A00] =	vst v63  }
0xf5: {  	s14 =	simm.s32 $0x680  }
0xf6: {  	[tilespmem:s17], [sflag:$0x1] =	stream.indirect.gather [hbm4b:s3+s11], $0x40, s14, s11, $0xb8;
	[tilespmem:$0x15A00] =	vst v63  }
0xf7: {  	s14 =	simm.s32 $0x700  }
0xf8: {  	[tilespmem:s19], [sflag:$0x1] =	stream.indirect.gather [hbm4b:s3+s11], $0x40, s14, s11, $0xb8;
	[tilespmem:$0x15A00] =	vst v63  }
0xf9: {  	_ =	swait.ge [sflag:s22], $0x2000  }
0xfa: {  	[sflag:s22] =	ssyncset.done $0x0  }
0xfb: {  	[sflag:s22] =	ssyncadd.s32 $0xFFFFE000  }
0xfc: {  	_ =	swait.ge [sflag:s22], $0x2000  }
0xfd: {  	[sflag:s22] =	ssyncset.done $0x0  }
0xfe: {  	[sflag:s22] =	ssyncadd.s32 $0xFFFFE000  }
0xff: {  	_ =	swait.ge [sflag:s22], $0x2000  }
0x100: {  	[sflag:s22] =	ssyncset.done $0x0  }
0x101: {  	[sflag:s22] =	ssyncadd.s32 $0xFFFFE000  }
0x102: {  	_ =	swait.ge [sflag:s22], $0x2000  }
0x103: {  	[sflag:s22] =	ssyncset.done $0x0  }
0x104: {  	[sflag:s22] =	ssyncadd.s32 $0xFFFFE000  }
0x105: {  	_ =	swait.ge [sflag:s22], $0x2000  }
0x106: {  	s29 =	simm.s32 $0xFFFFFFFE;
	[sflag:s22] =	ssyncset.done $0x0  }
0x107: {  	s1 =	simm.s32 $0xAF00;
	s14 =	simm.s32 $0x15240;
	[sflag:s22] =	ssyncadd.s32 $0xFFFFE000  }
.LBB2_4:
0x108: {  	v1 =	vld [tilespmem:s1+$0xFFFFFB00]  }
0x109: {  	v2 =	vld [tilespmem:s1+$0xFFFFFB10]  }
0x10a: {  	v3 =	vld [tilespmem:s1+$0xFFFFFB20]  }
0x10b: {  	v0 =	vld [tilespmem:s1+$0xFFFFFB30]  }
0x10c: {  	v4 =	vld [tilespmem:s1+$0xFFFFFB40]  }
0x10d: {  	v5 =	vld [tilespmem:s1+$0xFFFFFB50]  }
0x10e: {  	v6 =	vld [tilespmem:s1+$0xFFFFFB60]  }
0x10f: {  	v7 =	vld [tilespmem:s1+$0xFFFFFB70]  }
0x110: {  	v8 =	vld [tilespmem:s1+$0xFFFFFB80]  }
0x111: {  	v9 =	vld [tilespmem:s1+$0xFFFFFB90]  }
0x112: {  	v10 =	vld [tilespmem:s1+$0xFFFFFBA0]  }
0x113: {  	v11 =	vld [tilespmem:s1+$0xFFFFFBB0]  }
0x114: {  	v12 =	vld [tilespmem:s1+$0xFFFFFBC0]  }
0x115: {  	v13 =	vld [tilespmem:s1+$0xFFFFFBD0]  }
0x116: {  	v14 =	vld [tilespmem:s1+$0xFFFFFBE0]  }
0x117: {  	v15 =	vld [tilespmem:s1+$0xFFFFFBF0]  }
0x118: {  	v16 =	vld [tilespmem:s1+$0xFFFFFC00]  }
0x119: {  	v17 =	vld [tilespmem:s1+$0xFFFFFC10]  }
0x11a: {  	v18 =	vld [tilespmem:s1+$0xFFFFFC20]  }
0x11b: {  	v19 =	vld [tilespmem:s1+$0xFFFFFC30]  }
0x11c: {  	v20 =	vld [tilespmem:s1+$0xFFFFFC40]  }
0x11d: {  	v21 =	vld [tilespmem:s1+$0xFFFFFC50]  }
0x11e: {  	v22 =	vld [tilespmem:s1+$0xFFFFFC60]  }
0x11f: {  	v23 =	vld [tilespmem:s1+$0xFFFFFC70]  }
0x120: {  	v24 =	vld [tilespmem:s1+$0xFFFFFC80]  }
0x121: {  	v25 =	vld [tilespmem:s1+$0xFFFFFC90]  }
0x122: {  	v26 =	vld [tilespmem:s1+$0xFFFFFCA0]  }
0x123: {  	v27 =	vld [tilespmem:s1+$0xFFFFFCB0]  }
0x124: {  	v28 =	vld [tilespmem:s1+$0xFFFFFCC0]  }
0x125: {  	v29 =	vld [tilespmem:s1+$0xFFFFFCD0]  }
0x126: {  	v30 =	vld [tilespmem:s1+$0xFFFFFCE0]  }
0x127: {  	v31 =	vld [tilespmem:s1+$0xFFFFFCF0]  }
0x128: {  	v32 =	vld [tilespmem:s1+$0xFFFFFD00]  }
0x129: {  	v33 =	vld [tilespmem:s1+$0xFFFFFD10]  }
0x12a: {  	v34 =	vld [tilespmem:s1+$0xFFFFFD20]  }
0x12b: {  	v35 =	vld [tilespmem:s1+$0xFFFFFD30]  }
0x12c: {  	v36 =	vld [tilespmem:s1+$0xFFFFFD40]  }
0x12d: {  	v37 =	vld [tilespmem:s1+$0xFFFFFD50]  }
0x12e: {  	v38 =	vld [tilespmem:s1+$0xFFFFFD60]  }
0x12f: {  	v39 =	vld [tilespmem:s1+$0xFFFFFD70]  }
0x130: {  	v40 =	vld [tilespmem:s1+$0xFFFFFD80]  }
0x131: {  	v42 =	vld [tilespmem:s1+$0xFFFFFDC0]  }
0x132: {  	v44 =	vld [tilespmem:s1+$0xFFFFFE00]  }
0x133: {  	v45 =	vld [tilespmem:s1+$0xFFFFFE40]  }
0x134: {  	v46 =	vld [tilespmem:s1+$0xFFFFFE80]  }
0x135: {  	v47 =	vld [tilespmem:s1+$0xFFFFFEC0]  }
0x136: {  	v48 =	vld [tilespmem:s1+$0xFFFFFF00]  }
0x137: {  	v49 =	vld [tilespmem:s1+$0xFFFFFF40]  }
0x138: {  	v51 =	vld [tilespmem:s1+$0xFFFFFF80]  }
0x139: {  	v52 =	vld [tilespmem:s1+$0xFFFFFFC0]  }
0x13a: {  	v41 =	vld [tilespmem:s1+$0xFFFFFD90];
	v1 =	vadd.f32 v4, v1;
	v8 =	vadd.f32 v12, v8  }
0x13b: {  	v43 =	vld [tilespmem:s1+$0xFFFFFDD0];
	v16 =	vadd.f32 v20, v16;
	v53 =	vadd.f32 v28, v24  }
0x13c: {  	v58 =	vld [tilespmem:s1+$0xFFFFFE90];
	v54 =	vadd.f32 v36, v32;
	v55 =	vadd.f32 v42, v40  }
0x13d: {  	v60 =	vld [tilespmem:s1+$0xFFFFFED0];
	v56 =	vadd.f32 v45, v44;
	v57 =	vadd.f32 v47, v46  }
0x13e: {  	v63 =	vld [tilespmem:s1+$0xFFFFFF10];
	v45 =	vadd.f32 v49, v48;
	v4 =	vadd.f32 v52, v51  }
0x13f: {  	v50 =	vld [tilespmem:s1+$0xFFFFFFD0];
	v2 =	vadd.f32 v5, v2;
	v49 =	vadd.f32 v13, v9  }
0x140: {  	v24 =	vld [tilespmem:s1+$0xFFFFFE10];
	v51 =	vadd.f32 v21, v17;
	v52 =	vadd.f32 v29, v25  }
0x141: {  	v36 =	vld [tilespmem:s1+$0xFFFFFE50];
	v3 =	vadd.f32 v6, v3;
	v40 =	vadd.f32 v22, v18  }
0x142: {  	v46 =	vld [tilespmem:s1+$0xFFFFFF50];
	v0 =	vadd.f32 v7, v0;
	v1 =	vadd.f32 v8, v1  }
0x143: {  	v48 =	vld [tilespmem:s1+$0xFFFFFF90];
	v59 =	vadd.f32 v53, v16;
	v61 =	vadd.f32 v55, v54  }
0x144: {  	v29 =	vld [tilespmem:s1+$0xFFFFFDB0];
	v62 =	vadd.f32 v57, v56;
	v54 =	vadd.f32 v37, v33  }
0x145: {  	v13 =	vld [tilespmem:s1+$0xFFFFFDF0];
	v55 =	vadd.f32 v43, v41;
	v16 =	vadd.f32 v60, v58  }
0x146: {  	v25 =	vld [tilespmem:s1+$0xFFFFFF20];
	v2 =	vadd.f32 v49, v2;
	v57 =	vadd.f32 v52, v51  }
0x147: {  	v28 =	vld [tilespmem:s1+$0xFFFFFF60];
	v4 =	vadd.f32 v4, v45;
	v41 =	vadd.f32 v30, v26  }
0x148: {  	v32 =	vld [tilespmem:s1+$0xFFFFFFA0];
	v43 =	vadd.f32 v38, v34;
	v1 =	vadd.f32 v59, v1  }
0x149: {  	v42 =	vld [tilespmem:s1+$0xFFFFFE30];
	v47 =	vadd.f32 v62, v61;
	v58 =	vadd.f32 v55, v54  }
0x14a: {  	v44 =	vld [tilespmem:s1+$0xFFFFFE70];
	v2 =	vadd.f32 v57, v2;
	v55 =	vadd.f32 v23, v19  }
0x14b: {  	v53 =	vld [tilespmem:s1+$0xFFFFFDA0];
	v57 =	vadd.f32 v39, v35;
	v24 =	vadd.f32 v36, v24  }
0x14c: {  	v56 =	vld [tilespmem:s1+$0xFFFFFDE0];
	v12 =	vadd.f32 v46, v63;
	v9 =	vadd.f32 v50, v48  }
0x14d: {  	v60 =	vld [tilespmem:s1+$0xFFFFFE60];
	v36 =	vadd.f32 v14, v10;
	v46 =	vadd.f32 v41, v40  }
0x14e: {  	v37 =	vld [tilespmem:s1+$0xFFFFFFE0];
	v5 =	vadd.f32 v28, v25;
	v13 =	vadd.f32 v13, v29  }
0x14f: {  	v59 =	vld [tilespmem:s1+$0xFFFFFE20];
	v17 =	vadd.f32 v44, v42;
	v1 =	vadd.f32 v47, v1  }
0x150: {  	v45 =	vld [tilespmem:s1+$0xFFFFFEB0];
	v16 =	vadd.f32 v16, v24;
	v9 =	vadd.f32 v9, v12  }
0x151: {  	v62 =	vld [tilespmem:s1+$0xFFFFFEA0];
	v21 =	vadd.f32 v56, v53;
	v3 =	vadd.f32 v36, v3  }
0x152: {  	v63 =	vld [tilespmem:s1+$0xFFFFFEE0];
	v53 =	vadd.f32 v15, v11;
	v56 =	vadd.f32 v31, v27  }
0x153: {  	v47 =	vld [tilespmem:s1+$0xFFFFFEF0];
	v1 =	vadd.f32 v4, v1;
	v4 =	vadd.f32 v37, v32  }
0x154: {  	v49 =	vld [tilespmem:s1+$0xFFFFFF30];
	v61 =	vadd.f32 v16, v58;
	v20 =	vadd.f32 v60, v59  }
0x155: {  	v52 =	vld [tilespmem:s1+$0xFFFFFFB0];
	v48 =	vadd.f32 v21, v43;
	v3 =	vadd.f32 v46, v3  }
0x156: {  	v50 =	vld [tilespmem:s1+$0xFFFFFF70];
	v0 =	vadd.f32 v53, v0;
	v58 =	vadd.f32 v56, v55  }
0x157: {  	v54 =	vld [tilespmem:s1+$0xFFFFFFF0];
	v59 =	vadd.f32 v13, v57;
	v8 =	vadd.f32 v63, v62  }
0x158: {  	v2 =	vadd.f32 v61, v2;
	v10 =	vadd.f32 v47, v45  }
0x159: {  	v0 =	vadd.f32 v58, v0;
	v8 =	vadd.f32 v8, v20  }
0x15a: {  	v2 =	vadd.f32 v9, v2;
	v10 =	vadd.f32 v10, v17  }
0x15b: {  	v9 =	vadd.f32 v50, v49;
	v51 =	vadd.f32 v8, v48  }
0x15c: {  	v8 =	vadd.f32 v54, v52;
	v60 =	vadd.f32 v10, v59  }
0x15d: {  	v4 =	vadd.f32 v4, v5;
	v3 =	vadd.f32 v51, v3  }
0x15e: {  	v61 =	vadd.f32 v8, v9;
	v0 =	vadd.f32 v60, v0  }
0x15f: {  	[tilespmem:s14+$0xFFFFFFC0] =	vst v1;
	v62 =	vadd.f32 v4, v3  }
0x160: {  	[tilespmem:s14+$0xFFFFFFD0] =	vst v2;
	v0 =	vadd.f32 v61, v0  }
0x161: {  	[tilespmem:s14+$0xFFFFFFE0] =	vst v62  }
0x162: {  	[tilespmem:s14+$0xFFFFFFF0] =	vst v0  }
0x163: {  	v1 =	vld [tilespmem:s1+$0x0]  }
0x164: {  	v2 =	vld [tilespmem:s1+$0x10]  }
0x165: {  	v3 =	vld [tilespmem:s1+$0x20]  }
0x166: {  	v0 =	vld [tilespmem:s1+$0x30]  }
0x167: {  	v4 =	vld [tilespmem:s1+$0x40]  }
0x168: {  	v5 =	vld [tilespmem:s1+$0x50]  }
0x169: {  	v6 =	vld [tilespmem:s1+$0x60]  }
0x16a: {  	v7 =	vld [tilespmem:s1+$0x70]  }
0x16b: {  	v8 =	vld [tilespmem:s1+$0x80]  }
0x16c: {  	v9 =	vld [tilespmem:s1+$0x90]  }
0x16d: {  	v10 =	vld [tilespmem:s1+$0xA0]  }
0x16e: {  	v11 =	vld [tilespmem:s1+$0xB0]  }
0x16f: {  	v63 =	vld [tilespmem:s1+$0xC0]  }
0x170: {  	v13 =	vld [tilespmem:s1+$0xD0]  }
0x171: {  	v14 =	vld [tilespmem:s1+$0xE0]  }
0x172: {  	v15 =	vld [tilespmem:s1+$0xF0]  }
0x173: {  	v16 =	vld [tilespmem:s1+$0x100]  }
0x174: {  	v17 =	vld [tilespmem:s1+$0x110]  }
0x175: {  	v18 =	vld [tilespmem:s1+$0x120]  }
0x176: {  	v19 =	vld [tilespmem:s1+$0x130]  }
0x177: {  	v52 =	vld [tilespmem:s1+$0x140]  }
0x178: {  	v21 =	vld [tilespmem:s1+$0x150]  }
0x179: {  	v22 =	vld [tilespmem:s1+$0x160]  }
0x17a: {  	v23 =	vld [tilespmem:s1+$0x170]  }
0x17b: {  	v53 =	vld [tilespmem:s1+$0x180]  }
0x17c: {  	v25 =	vld [tilespmem:s1+$0x190]  }
0x17d: {  	v26 =	vld [tilespmem:s1+$0x1A0]  }
0x17e: {  	v27 =	vld [tilespmem:s1+$0x1B0]  }
0x17f: {  	v54 =	vld [tilespmem:s1+$0x1C0]  }
0x180: {  	v29 =	vld [tilespmem:s1+$0x1D0]  }
0x181: {  	v30 =	vld [tilespmem:s1+$0x1E0]  }
0x182: {  	v31 =	vld [tilespmem:s1+$0x1F0]  }
0x183: {  	v55 =	vld [tilespmem:s1+$0x200]  }
0x184: {  	v33 =	vld [tilespmem:s1+$0x210]  }
0x185: {  	v34 =	vld [tilespmem:s1+$0x220]  }
0x186: {  	v35 =	vld [tilespmem:s1+$0x230]  }
0x187: {  	v56 =	vld [tilespmem:s1+$0x240]  }
0x188: {  	v37 =	vld [tilespmem:s1+$0x250]  }
0x189: {  	v38 =	vld [tilespmem:s1+$0x260]  }
0x18a: {  	v39 =	vld [tilespmem:s1+$0x270]  }
0x18b: {  	v57 =	vld [tilespmem:s1+$0x280]  }
0x18c: {  	v41 =	vld [tilespmem:s1+$0x290]  }
0x18d: {  	v58 =	vld [tilespmem:s1+$0x2C0]  }
0x18e: {  	v43 =	vld [tilespmem:s1+$0x2D0]  }
0x18f: {  	v59 =	vld [tilespmem:s1+$0x300]  }
0x190: {  	v60 =	vld [tilespmem:s1+$0x340]  }
0x191: {  	v61 =	vld [tilespmem:s1+$0x380]  }
0x192: {  	v62 =	vld [tilespmem:s1+$0x3C0]  }
0x193: {  	v48 =	vld [tilespmem:s1+$0x400]  }
0x194: {  	v49 =	vld [tilespmem:s1+$0x440]  }
0x195: {  	v44 =	vld [tilespmem:s1+$0x410]  }
0x196: {  	v46 =	vld [tilespmem:s1+$0x450];
	v1 =	vadd.f32 v4, v1;
	v63 =	vadd.f32 v63, v8  }
0x197: {  	v28 =	vld [tilespmem:s1+$0x2B0];
	v50 =	vadd.f32 v52, v16;
	v51 =	vadd.f32 v54, v53  }
0x198: {  	v36 =	vld [tilespmem:s1+$0x4A0];
	v53 =	vadd.f32 v56, v55;
	v54 =	vadd.f32 v58, v57  }
0x199: {  	v8 =	vld [tilespmem:s1+$0x480];
	v56 =	vadd.f32 v60, v59;
	v57 =	vadd.f32 v62, v61  }
0x19a: {  	v52 =	vld [tilespmem:s1+$0x4C0];
	v40 =	vadd.f32 v49, v48;
	v2 =	vadd.f32 v5, v2  }
0x19b: {  	v55 =	vld [tilespmem:s1+$0x310];
	v47 =	vadd.f32 v13, v9;
	v49 =	vadd.f32 v21, v17  }
0x19c: {  	v58 =	vld [tilespmem:s1+$0x350];
	v16 =	vadd.f32 v46, v44;
	v3 =	vadd.f32 v6, v3  }
0x19d: {  	v60 =	vld [tilespmem:s1+$0x390];
	v42 =	vadd.f32 v38, v34;
	v0 =	vadd.f32 v7, v0  }
0x19e: {  	v48 =	vld [tilespmem:s1+$0x490];
	v1 =	vadd.f32 v63, v1;
	v59 =	vadd.f32 v51, v50  }
0x19f: {  	v44 =	vld [tilespmem:s1+$0x370];
	v61 =	vadd.f32 v54, v53;
	v62 =	vadd.f32 v57, v56  }
0x1a0: {  	v46 =	vld [tilespmem:s1+$0x3B0];
	v50 =	vadd.f32 v29, v25;
	v53 =	vadd.f32 v43, v41  }
0x1a1: {  	v63 =	vld [tilespmem:s1+$0x3D0];
	v2 =	vadd.f32 v47, v2;
	v1 =	vadd.f32 v59, v1  }
0x1a2: {  	v51 =	vld [tilespmem:s1+$0x4D0];
	v45 =	vadd.f32 v62, v61;
	v8 =	vadd.f32 v52, v8  }
0x1a3: {  	v54 =	vld [tilespmem:s1+$0x2A0];
	v52 =	vadd.f32 v37, v33;
	v32 =	vadd.f32 v58, v55  }
0x1a4: {  	v56 =	vld [tilespmem:s1+$0x2E0];
	v55 =	vadd.f32 v50, v49;
	v33 =	vadd.f32 v14, v10  }
0x1a5: {  	v41 =	vld [tilespmem:s1+$0x4E0];
	v37 =	vadd.f32 v22, v18;
	v1 =	vadd.f32 v45, v1  }
0x1a6: {  	v43 =	vld [tilespmem:s1+$0x330];
	v12 =	vadd.f32 v63, v60;
	v57 =	vadd.f32 v53, v52  }
0x1a7: {  	v47 =	vld [tilespmem:s1+$0x3F0];
	v9 =	vadd.f32 v51, v48;
	v2 =	vadd.f32 v55, v2  }
0x1a8: {  	v59 =	vld [tilespmem:s1+$0x320];
	v8 =	vadd.f32 v8, v40;
	v40 =	vadd.f32 v30, v26  }
0x1a9: {  	v61 =	vld [tilespmem:s1+$0x360];
	v13 =	vadd.f32 v56, v54;
	v3 =	vadd.f32 v33, v3  }
0x1aa: {  	v49 =	vld [tilespmem:s1+$0x430];
	v48 =	vadd.f32 v41, v36;
	v51 =	vadd.f32 v15, v11  }
0x1ab: {  	v50 =	vld [tilespmem:s1+$0x470];
	v53 =	vadd.f32 v23, v19;
	v54 =	vadd.f32 v31, v27  }
0x1ac: {  	v62 =	vld [tilespmem:s1+$0x3A0];
	v56 =	vadd.f32 v39, v35;
	v10 =	vadd.f32 v47, v46  }
0x1ad: {  	v58 =	vld [tilespmem:s1+$0x2F0];
	v12 =	vadd.f32 v12, v32;
	v9 =	vadd.f32 v9, v16  }
0x1ae: {  	v63 =	vld [tilespmem:s1+$0x3E0];
	v1 =	vadd.f32 v8, v1;
	v45 =	vadd.f32 v40, v37  }
0x1af: {  	v52 =	vld [tilespmem:s1+$0x4B0];
	v13 =	vadd.f32 v13, v42;
	v16 =	vadd.f32 v44, v43  }
0x1b0: {  	v55 =	vld [tilespmem:s1+$0x4F0];
	v0 =	vadd.f32 v51, v0;
	v6 =	vadd.f32 v50, v49  }
0x1b1: {  	v25 =	vld [tilespmem:s1+$0x420];
	v60 =	vadd.f32 v12, v57;
	v12 =	vadd.f32 v61, v59  }
0x1b2: {  	v32 =	vld [tilespmem:s1+$0x460];
	v3 =	vadd.f32 v45, v3;
	v57 =	vadd.f32 v58, v28  }
0x1b3: {  	v58 =	vadd.f32 v54, v53;
	v10 =	vadd.f32 v10, v16  }
0x1b4: {  	v4 =	vadd.f32 v63, v62;
	v2 =	vadd.f32 v60, v2  }
0x1b5: {  	v59 =	vadd.f32 v57, v56;
	v60 =	vadd.f32 v55, v52  }
0x1b6: {  	v0 =	vadd.f32 v58, v0;
	v4 =	vadd.f32 v4, v12  }
0x1b7: {  	v5 =	vadd.f32 v32, v25;
	v61 =	vadd.f32 v10, v59  }
0x1b8: {  	s29 =	sadd.s32 $0x2, s29;
	v2 =	vadd.f32 v9, v2;
	v4 =	vadd.f32 v4, v13  }
0x1b9: {  	p0 =	slt.u32 s29, $0x1E;
	v62 =	vadd.f32 v60, v6;
	v0 =	vadd.f32 v61, v0  }
.Ltmp1:
0x1ba: {  	v5 =	vadd.f32 v48, v5;
	v3 =	vadd.f32 v4, v3;
	(pc) =	sbr.rel @p0 .LBB2_4-.Ltmp1, $4  }
0x1bb: {  	[tilespmem:s14+$0x0] =	vst v1;
	v0 =	vadd.f32 v62, v0  }
0x1bc: {  	[tilespmem:s14+$0x10] =	vst v2;
	v63 =	vadd.f32 v5, v3  }
0x1bd: {  	[tilespmem:s14+$0x30] =	vst v0  }
0x1be: {  	s1 =	sadd.s32 $0xA00, s1;
	[tilespmem:s14+$0x20] =	vst v63;
	s14 =	sadd.s32 $0x80, s14  }
0x1bf: {  	[hbm4b:s6+s2] =	stream.linear.scatter [tilespmem:s24], [sflag:$0x4], $0x800, $0x38;
	[tilespmem:$0x15A00] =	vst v63  }
0x1c0: {  	s1 =	simm.s32 $0x780  }
0x1c1: {  	[tilespmem:s21], [sflag:$0x2] =	stream.indirect.gather [hbm4b:s3+s11], $0x40, s1, s11, $0xb8;
	[tilespmem:$0x15A00] =	vst v63  }
0x1c2: {  	s14 =	simm.s32 $0x800  }
0x1c3: {  	[tilespmem:s23], [sflag:$0x2] =	stream.indirect.gather [hbm4b:s3+s11], $0x40, s14, s11, $0xb8;
	[tilespmem:$0x15A00] =	vst v63  }
0x1c4: {  	s14 =	simm.s32 $0x880  }
0x1c5: {  	[tilespmem:s25], [sflag:$0x2] =	stream.indirect.gather [hbm4b:s3+s11], $0x40, s14, s11, $0xb8;
	[tilespmem:$0x15A00] =	vst v63  }
0x1c6: {  	s14 =	simm.s32 $0x900  }
0x1c7: {  	[tilespmem:s28], [sflag:$0x2] =	stream.indirect.gather [hbm4b:s3+s11], $0x40, s14, s11, $0xb8;
	[tilespmem:$0x15A00] =	vst v63  }
0x1c8: {  	_ = 	snop  }
0x1c9: {  	[tilespmem:s30], [sflag:$0x2] =	stream.indirect.gather [hbm4b:s3+s11], $0x40, s16, s11, $0xb8;
	[tilespmem:$0x15A00] =	vst v63  }
0x1ca: {  	_ =	swait.ge [sflag:s31], $0x2000  }
0x1cb: {  	[sflag:s31] =	ssyncset.done $0x0  }
0x1cc: {  	[sflag:s31] =	ssyncadd.s32 $0xFFFFE000  }
0x1cd: {  	_ =	swait.ge [sflag:s31], $0x2000  }
0x1ce: {  	[sflag:s31] =	ssyncset.done $0x0  }
0x1cf: {  	[sflag:s31] =	ssyncadd.s32 $0xFFFFE000  }
0x1d0: {  	_ =	swait.ge [sflag:s31], $0x2000  }
0x1d1: {  	[sflag:s31] =	ssyncset.done $0x0  }
0x1d2: {  	[sflag:s31] =	ssyncadd.s32 $0xFFFFE000  }
0x1d3: {  	_ =	swait.ge [sflag:s31], $0x2000  }
0x1d4: {  	[sflag:s31] =	ssyncset.done $0x0  }
0x1d5: {  	[sflag:s31] =	ssyncadd.s32 $0xFFFFE000  }
0x1d6: {  	_ =	swait.ge [sflag:s31], $0x2000  }
0x1d7: {  	[sflag:s31] =	ssyncset.done $0x0  }
0x1d8: {  	[sflag:s31] =	ssyncadd.s32 $0xFFFFE000  }
0x1d9: {  	_ =	swait.ge [sflag:s18], $0x800  }
0x1da: {  	s29 =	simm.s32 $0xFFFFFFFE;
	[sflag:s18] =	ssyncset.done $0x0  }
0x1db: {  	s1 =	simm.s32 $0xF00;
	s14 =	simm.s32 $0x14A40;
	[sflag:s18] =	ssyncadd.s32 $0xFFFFF800  }
.LBB2_6:
0x1dc: {  	v1 =	vld [tilespmem:s1+$0xFFFFFB00]  }
0x1dd: {  	v2 =	vld [tilespmem:s1+$0xFFFFFB10]  }
0x1de: {  	v3 =	vld [tilespmem:s1+$0xFFFFFB20]  }
0x1df: {  	v0 =	vld [tilespmem:s1+$0xFFFFFB30]  }
0x1e0: {  	v4 =	vld [tilespmem:s1+$0xFFFFFB40]  }
0x1e1: {  	v5 =	vld [tilespmem:s1+$0xFFFFFB50]  }
0x1e2: {  	v6 =	vld [tilespmem:s1+$0xFFFFFB60]  }
0x1e3: {  	v7 =	vld [tilespmem:s1+$0xFFFFFB70]  }
0x1e4: {  	v8 =	vld [tilespmem:s1+$0xFFFFFB80]  }
0x1e5: {  	v9 =	vld [tilespmem:s1+$0xFFFFFB90]  }
0x1e6: {  	v10 =	vld [tilespmem:s1+$0xFFFFFBA0]  }
0x1e7: {  	v11 =	vld [tilespmem:s1+$0xFFFFFBB0]  }
0x1e8: {  	v12 =	vld [tilespmem:s1+$0xFFFFFBC0]  }
0x1e9: {  	v13 =	vld [tilespmem:s1+$0xFFFFFBD0]  }
0x1ea: {  	v14 =	vld [tilespmem:s1+$0xFFFFFBE0]  }
0x1eb: {  	v15 =	vld [tilespmem:s1+$0xFFFFFBF0]  }
0x1ec: {  	v16 =	vld [tilespmem:s1+$0xFFFFFC00]  }
0x1ed: {  	v17 =	vld [tilespmem:s1+$0xFFFFFC10]  }
0x1ee: {  	v18 =	vld [tilespmem:s1+$0xFFFFFC20]  }
0x1ef: {  	v19 =	vld [tilespmem:s1+$0xFFFFFC30]  }
0x1f0: {  	v20 =	vld [tilespmem:s1+$0xFFFFFC40]  }
0x1f1: {  	v21 =	vld [tilespmem:s1+$0xFFFFFC50]  }
0x1f2: {  	v22 =	vld [tilespmem:s1+$0xFFFFFC60]  }
0x1f3: {  	v23 =	vld [tilespmem:s1+$0xFFFFFC70]  }
0x1f4: {  	v24 =	vld [tilespmem:s1+$0xFFFFFC80]  }
0x1f5: {  	v25 =	vld [tilespmem:s1+$0xFFFFFC90]  }
0x1f6: {  	v26 =	vld [tilespmem:s1+$0xFFFFFCA0]  }
0x1f7: {  	v27 =	vld [tilespmem:s1+$0xFFFFFCB0]  }
0x1f8: {  	v28 =	vld [tilespmem:s1+$0xFFFFFCC0]  }
0x1f9: {  	v29 =	vld [tilespmem:s1+$0xFFFFFCD0]  }
0x1fa: {  	v30 =	vld [tilespmem:s1+$0xFFFFFCE0]  }
0x1fb: {  	v31 =	vld [tilespmem:s1+$0xFFFFFCF0]  }
0x1fc: {  	v32 =	vld [tilespmem:s1+$0xFFFFFD00]  }
0x1fd: {  	v33 =	vld [tilespmem:s1+$0xFFFFFD10]  }
0x1fe: {  	v34 =	vld [tilespmem:s1+$0xFFFFFD20]  }
0x1ff: {  	v35 =	vld [tilespmem:s1+$0xFFFFFD30]  }
0x200: {  	v36 =	vld [tilespmem:s1+$0xFFFFFD40]  }
0x201: {  	v37 =	vld [tilespmem:s1+$0xFFFFFD50]  }
0x202: {  	v38 =	vld [tilespmem:s1+$0xFFFFFD60]  }
0x203: {  	v39 =	vld [tilespmem:s1+$0xFFFFFD70]  }
0x204: {  	v40 =	vld [tilespmem:s1+$0xFFFFFD80]  }
0x205: {  	v42 =	vld [tilespmem:s1+$0xFFFFFDC0]  }
0x206: {  	v44 =	vld [tilespmem:s1+$0xFFFFFE00]  }
0x207: {  	v45 =	vld [tilespmem:s1+$0xFFFFFE40]  }
0x208: {  	v46 =	vld [tilespmem:s1+$0xFFFFFE80]  }
0x209: {  	v47 =	vld [tilespmem:s1+$0xFFFFFEC0]  }
0x20a: {  	v48 =	vld [tilespmem:s1+$0xFFFFFF00]  }
0x20b: {  	v49 =	vld [tilespmem:s1+$0xFFFFFF40]  }
0x20c: {  	v51 =	vld [tilespmem:s1+$0xFFFFFF80]  }
0x20d: {  	v52 =	vld [tilespmem:s1+$0xFFFFFFC0]  }
0x20e: {  	v41 =	vld [tilespmem:s1+$0xFFFFFD90];
	v1 =	vadd.f32 v4, v1;
	v8 =	vadd.f32 v12, v8  }
0x20f: {  	v43 =	vld [tilespmem:s1+$0xFFFFFDD0];
	v16 =	vadd.f32 v20, v16;
	v53 =	vadd.f32 v28, v24  }
0x210: {  	v58 =	vld [tilespmem:s1+$0xFFFFFE90];
	v54 =	vadd.f32 v36, v32;
	v55 =	vadd.f32 v42, v40  }
0x211: {  	v60 =	vld [tilespmem:s1+$0xFFFFFED0];
	v56 =	vadd.f32 v45, v44;
	v57 =	vadd.f32 v47, v46  }
0x212: {  	v63 =	vld [tilespmem:s1+$0xFFFFFF10];
	v45 =	vadd.f32 v49, v48;
	v4 =	vadd.f32 v52, v51  }
0x213: {  	v50 =	vld [tilespmem:s1+$0xFFFFFFD0];
	v2 =	vadd.f32 v5, v2;
	v49 =	vadd.f32 v13, v9  }
0x214: {  	v24 =	vld [tilespmem:s1+$0xFFFFFE10];
	v51 =	vadd.f32 v21, v17;
	v52 =	vadd.f32 v29, v25  }
0x215: {  	v36 =	vld [tilespmem:s1+$0xFFFFFE50];
	v3 =	vadd.f32 v6, v3;
	v40 =	vadd.f32 v22, v18  }
0x216: {  	v46 =	vld [tilespmem:s1+$0xFFFFFF50];
	v0 =	vadd.f32 v7, v0;
	v1 =	vadd.f32 v8, v1  }
0x217: {  	v48 =	vld [tilespmem:s1+$0xFFFFFF90];
	v59 =	vadd.f32 v53, v16;
	v61 =	vadd.f32 v55, v54  }
0x218: {  	v29 =	vld [tilespmem:s1+$0xFFFFFDB0];
	v62 =	vadd.f32 v57, v56;
	v54 =	vadd.f32 v37, v33  }
0x219: {  	v13 =	vld [tilespmem:s1+$0xFFFFFDF0];
	v55 =	vadd.f32 v43, v41;
	v16 =	vadd.f32 v60, v58  }
0x21a: {  	v25 =	vld [tilespmem:s1+$0xFFFFFF20];
	v2 =	vadd.f32 v49, v2;
	v57 =	vadd.f32 v52, v51  }
0x21b: {  	v28 =	vld [tilespmem:s1+$0xFFFFFF60];
	v4 =	vadd.f32 v4, v45;
	v41 =	vadd.f32 v30, v26  }
0x21c: {  	v32 =	vld [tilespmem:s1+$0xFFFFFFA0];
	v43 =	vadd.f32 v38, v34;
	v1 =	vadd.f32 v59, v1  }
0x21d: {  	v42 =	vld [tilespmem:s1+$0xFFFFFE30];
	v47 =	vadd.f32 v62, v61;
	v58 =	vadd.f32 v55, v54  }
0x21e: {  	v44 =	vld [tilespmem:s1+$0xFFFFFE70];
	v2 =	vadd.f32 v57, v2;
	v55 =	vadd.f32 v23, v19  }
0x21f: {  	v53 =	vld [tilespmem:s1+$0xFFFFFDA0];
	v57 =	vadd.f32 v39, v35;
	v24 =	vadd.f32 v36, v24  }
0x220: {  	v56 =	vld [tilespmem:s1+$0xFFFFFDE0];
	v12 =	vadd.f32 v46, v63;
	v9 =	vadd.f32 v50, v48  }
0x221: {  	v60 =	vld [tilespmem:s1+$0xFFFFFE60];
	v36 =	vadd.f32 v14, v10;
	v46 =	vadd.f32 v41, v40  }
0x222: {  	v37 =	vld [tilespmem:s1+$0xFFFFFFE0];
	v5 =	vadd.f32 v28, v25;
	v13 =	vadd.f32 v13, v29  }
0x223: {  	v59 =	vld [tilespmem:s1+$0xFFFFFE20];
	v17 =	vadd.f32 v44, v42;
	v1 =	vadd.f32 v47, v1  }
0x224: {  	v45 =	vld [tilespmem:s1+$0xFFFFFEB0];
	v16 =	vadd.f32 v16, v24;
	v9 =	vadd.f32 v9, v12  }
0x225: {  	v62 =	vld [tilespmem:s1+$0xFFFFFEA0];
	v21 =	vadd.f32 v56, v53;
	v3 =	vadd.f32 v36, v3  }
0x226: {  	v63 =	vld [tilespmem:s1+$0xFFFFFEE0];
	v53 =	vadd.f32 v15, v11;
	v56 =	vadd.f32 v31, v27  }
0x227: {  	v47 =	vld [tilespmem:s1+$0xFFFFFEF0];
	v1 =	vadd.f32 v4, v1;
	v4 =	vadd.f32 v37, v32  }
0x228: {  	v49 =	vld [tilespmem:s1+$0xFFFFFF30];
	v61 =	vadd.f32 v16, v58;
	v20 =	vadd.f32 v60, v59  }
0x229: {  	v52 =	vld [tilespmem:s1+$0xFFFFFFB0];
	v48 =	vadd.f32 v21, v43;
	v3 =	vadd.f32 v46, v3  }
0x22a: {  	v50 =	vld [tilespmem:s1+$0xFFFFFF70];
	v0 =	vadd.f32 v53, v0;
	v58 =	vadd.f32 v56, v55  }
0x22b: {  	v54 =	vld [tilespmem:s1+$0xFFFFFFF0];
	v59 =	vadd.f32 v13, v57;
	v8 =	vadd.f32 v63, v62  }
0x22c: {  	v2 =	vadd.f32 v61, v2;
	v10 =	vadd.f32 v47, v45  }
0x22d: {  	v0 =	vadd.f32 v58, v0;
	v8 =	vadd.f32 v8, v20  }
0x22e: {  	v2 =	vadd.f32 v9, v2;
	v10 =	vadd.f32 v10, v17  }
0x22f: {  	v9 =	vadd.f32 v50, v49;
	v51 =	vadd.f32 v8, v48  }
0x230: {  	v8 =	vadd.f32 v54, v52;
	v60 =	vadd.f32 v10, v59  }
0x231: {  	v4 =	vadd.f32 v4, v5;
	v3 =	vadd.f32 v51, v3  }
0x232: {  	v61 =	vadd.f32 v8, v9;
	v0 =	vadd.f32 v60, v0  }
0x233: {  	[tilespmem:s14+$0xFFFFFFC0] =	vst v1;
	v62 =	vadd.f32 v4, v3  }
0x234: {  	[tilespmem:s14+$0xFFFFFFD0] =	vst v2;
	v0 =	vadd.f32 v61, v0  }
0x235: {  	[tilespmem:s14+$0xFFFFFFE0] =	vst v62  }
0x236: {  	[tilespmem:s14+$0xFFFFFFF0] =	vst v0  }
0x237: {  	v1 =	vld [tilespmem:s1+$0x0]  }
0x238: {  	v2 =	vld [tilespmem:s1+$0x10]  }
0x239: {  	v3 =	vld [tilespmem:s1+$0x20]  }
0x23a: {  	v0 =	vld [tilespmem:s1+$0x30]  }
0x23b: {  	v4 =	vld [tilespmem:s1+$0x40]  }
0x23c: {  	v5 =	vld [tilespmem:s1+$0x50]  }
0x23d: {  	v6 =	vld [tilespmem:s1+$0x60]  }
0x23e: {  	v7 =	vld [tilespmem:s1+$0x70]  }
0x23f: {  	v8 =	vld [tilespmem:s1+$0x80]  }
0x240: {  	v9 =	vld [tilespmem:s1+$0x90]  }
0x241: {  	v10 =	vld [tilespmem:s1+$0xA0]  }
0x242: {  	v11 =	vld [tilespmem:s1+$0xB0]  }
0x243: {  	v63 =	vld [tilespmem:s1+$0xC0]  }
0x244: {  	v13 =	vld [tilespmem:s1+$0xD0]  }
0x245: {  	v14 =	vld [tilespmem:s1+$0xE0]  }
0x246: {  	v15 =	vld [tilespmem:s1+$0xF0]  }
0x247: {  	v16 =	vld [tilespmem:s1+$0x100]  }
0x248: {  	v17 =	vld [tilespmem:s1+$0x110]  }
0x249: {  	v18 =	vld [tilespmem:s1+$0x120]  }
0x24a: {  	v19 =	vld [tilespmem:s1+$0x130]  }
0x24b: {  	v52 =	vld [tilespmem:s1+$0x140]  }
0x24c: {  	v21 =	vld [tilespmem:s1+$0x150]  }
0x24d: {  	v22 =	vld [tilespmem:s1+$0x160]  }
0x24e: {  	v23 =	vld [tilespmem:s1+$0x170]  }
0x24f: {  	v53 =	vld [tilespmem:s1+$0x180]  }
0x250: {  	v25 =	vld [tilespmem:s1+$0x190]  }
0x251: {  	v26 =	vld [tilespmem:s1+$0x1A0]  }
0x252: {  	v27 =	vld [tilespmem:s1+$0x1B0]  }
0x253: {  	v54 =	vld [tilespmem:s1+$0x1C0]  }
0x254: {  	v29 =	vld [tilespmem:s1+$0x1D0]  }
0x255: {  	v30 =	vld [tilespmem:s1+$0x1E0]  }
0x256: {  	v31 =	vld [tilespmem:s1+$0x1F0]  }
0x257: {  	v55 =	vld [tilespmem:s1+$0x200]  }
0x258: {  	v33 =	vld [tilespmem:s1+$0x210]  }
0x259: {  	v34 =	vld [tilespmem:s1+$0x220]  }
0x25a: {  	v35 =	vld [tilespmem:s1+$0x230]  }
0x25b: {  	v56 =	vld [tilespmem:s1+$0x240]  }
0x25c: {  	v37 =	vld [tilespmem:s1+$0x250]  }
0x25d: {  	v38 =	vld [tilespmem:s1+$0x260]  }
0x25e: {  	v39 =	vld [tilespmem:s1+$0x270]  }
0x25f: {  	v57 =	vld [tilespmem:s1+$0x280]  }
0x260: {  	v41 =	vld [tilespmem:s1+$0x290]  }
0x261: {  	v58 =	vld [tilespmem:s1+$0x2C0]  }
0x262: {  	v43 =	vld [tilespmem:s1+$0x2D0]  }
0x263: {  	v59 =	vld [tilespmem:s1+$0x300]  }
0x264: {  	v60 =	vld [tilespmem:s1+$0x340]  }
0x265: {  	v61 =	vld [tilespmem:s1+$0x380]  }
0x266: {  	v62 =	vld [tilespmem:s1+$0x3C0]  }
0x267: {  	v48 =	vld [tilespmem:s1+$0x400]  }
0x268: {  	v49 =	vld [tilespmem:s1+$0x440]  }
0x269: {  	v44 =	vld [tilespmem:s1+$0x410]  }
0x26a: {  	v46 =	vld [tilespmem:s1+$0x450];
	v1 =	vadd.f32 v4, v1;
	v63 =	vadd.f32 v63, v8  }
0x26b: {  	v28 =	vld [tilespmem:s1+$0x2B0];
	v50 =	vadd.f32 v52, v16;
	v51 =	vadd.f32 v54, v53  }
0x26c: {  	v36 =	vld [tilespmem:s1+$0x4A0];
	v53 =	vadd.f32 v56, v55;
	v54 =	vadd.f32 v58, v57  }
0x26d: {  	v8 =	vld [tilespmem:s1+$0x480];
	v56 =	vadd.f32 v60, v59;
	v57 =	vadd.f32 v62, v61  }
0x26e: {  	v52 =	vld [tilespmem:s1+$0x4C0];
	v40 =	vadd.f32 v49, v48;
	v2 =	vadd.f32 v5, v2  }
0x26f: {  	v55 =	vld [tilespmem:s1+$0x310];
	v47 =	vadd.f32 v13, v9;
	v49 =	vadd.f32 v21, v17  }
0x270: {  	v58 =	vld [tilespmem:s1+$0x350];
	v16 =	vadd.f32 v46, v44;
	v3 =	vadd.f32 v6, v3  }
0x271: {  	v60 =	vld [tilespmem:s1+$0x390];
	v42 =	vadd.f32 v38, v34;
	v0 =	vadd.f32 v7, v0  }
0x272: {  	v48 =	vld [tilespmem:s1+$0x490];
	v1 =	vadd.f32 v63, v1;
	v59 =	vadd.f32 v51, v50  }
0x273: {  	v44 =	vld [tilespmem:s1+$0x370];
	v61 =	vadd.f32 v54, v53;
	v62 =	vadd.f32 v57, v56  }
0x274: {  	v46 =	vld [tilespmem:s1+$0x3B0];
	v50 =	vadd.f32 v29, v25;
	v53 =	vadd.f32 v43, v41  }
0x275: {  	v63 =	vld [tilespmem:s1+$0x3D0];
	v2 =	vadd.f32 v47, v2;
	v1 =	vadd.f32 v59, v1  }
0x276: {  	v51 =	vld [tilespmem:s1+$0x4D0];
	v45 =	vadd.f32 v62, v61;
	v8 =	vadd.f32 v52, v8  }
0x277: {  	v54 =	vld [tilespmem:s1+$0x2A0];
	v52 =	vadd.f32 v37, v33;
	v32 =	vadd.f32 v58, v55  }
0x278: {  	v56 =	vld [tilespmem:s1+$0x2E0];
	v55 =	vadd.f32 v50, v49;
	v33 =	vadd.f32 v14, v10  }
0x279: {  	v41 =	vld [tilespmem:s1+$0x4E0];
	v37 =	vadd.f32 v22, v18;
	v1 =	vadd.f32 v45, v1  }
0x27a: {  	v43 =	vld [tilespmem:s1+$0x330];
	v12 =	vadd.f32 v63, v60;
	v57 =	vadd.f32 v53, v52  }
0x27b: {  	v47 =	vld [tilespmem:s1+$0x3F0];
	v9 =	vadd.f32 v51, v48;
	v2 =	vadd.f32 v55, v2  }
0x27c: {  	v59 =	vld [tilespmem:s1+$0x320];
	v8 =	vadd.f32 v8, v40;
	v40 =	vadd.f32 v30, v26  }
0x27d: {  	v61 =	vld [tilespmem:s1+$0x360];
	v13 =	vadd.f32 v56, v54;
	v3 =	vadd.f32 v33, v3  }
0x27e: {  	v49 =	vld [tilespmem:s1+$0x430];
	v48 =	vadd.f32 v41, v36;
	v51 =	vadd.f32 v15, v11  }
0x27f: {  	v50 =	vld [tilespmem:s1+$0x470];
	v53 =	vadd.f32 v23, v19;
	v54 =	vadd.f32 v31, v27  }
0x280: {  	v62 =	vld [tilespmem:s1+$0x3A0];
	v56 =	vadd.f32 v39, v35;
	v10 =	vadd.f32 v47, v46  }
0x281: {  	v58 =	vld [tilespmem:s1+$0x2F0];
	v12 =	vadd.f32 v12, v32;
	v9 =	vadd.f32 v9, v16  }
0x282: {  	v63 =	vld [tilespmem:s1+$0x3E0];
	v1 =	vadd.f32 v8, v1;
	v45 =	vadd.f32 v40, v37  }
0x283: {  	v52 =	vld [tilespmem:s1+$0x4B0];
	v13 =	vadd.f32 v13, v42;
	v16 =	vadd.f32 v44, v43  }
0x284: {  	v55 =	vld [tilespmem:s1+$0x4F0];
	v0 =	vadd.f32 v51, v0;
	v6 =	vadd.f32 v50, v49  }
0x285: {  	v25 =	vld [tilespmem:s1+$0x420];
	v60 =	vadd.f32 v12, v57;
	v12 =	vadd.f32 v61, v59  }
0x286: {  	v32 =	vld [tilespmem:s1+$0x460];
	v3 =	vadd.f32 v45, v3;
	v57 =	vadd.f32 v58, v28  }
0x287: {  	v58 =	vadd.f32 v54, v53;
	v10 =	vadd.f32 v10, v16  }
0x288: {  	v4 =	vadd.f32 v63, v62;
	v2 =	vadd.f32 v60, v2  }
0x289: {  	v59 =	vadd.f32 v57, v56;
	v60 =	vadd.f32 v55, v52  }
0x28a: {  	v0 =	vadd.f32 v58, v0;
	v4 =	vadd.f32 v4, v12  }
0x28b: {  	v5 =	vadd.f32 v32, v25;
	v61 =	vadd.f32 v10, v59  }
0x28c: {  	s29 =	sadd.s32 $0x2, s29;
	v2 =	vadd.f32 v9, v2;
	v4 =	vadd.f32 v4, v13  }
0x28d: {  	p0 =	slt.u32 s29, $0x1E;
	v62 =	vadd.f32 v60, v6;
	v0 =	vadd.f32 v61, v0  }
.Ltmp2:
0x28e: {  	v5 =	vadd.f32 v48, v5;
	v3 =	vadd.f32 v4, v3;
	(pc) =	sbr.rel @p0 .LBB2_6-.Ltmp2, $4  }
0x28f: {  	[tilespmem:s14+$0x0] =	vst v1;
	v0 =	vadd.f32 v62, v0  }
0x290: {  	[tilespmem:s14+$0x10] =	vst v2;
	v63 =	vadd.f32 v5, v3  }
0x291: {  	[tilespmem:s14+$0x30] =	vst v0  }
0x292: {  	s1 =	sadd.s32 $0xA00, s1;
	[tilespmem:s14+$0x20] =	vst v63;
	s14 =	sadd.s32 $0x80, s14  }
0x293: {  	[hbm4b:s7+s2] =	stream.linear.scatter [tilespmem:s0], [sflag:$0x3], $0x800, $0x38;
	[tilespmem:$0x15A00] =	vst v63  }
0x294: {  	_ =	swait.ge [sflag:s22], $0x2000  }
0x295: {  	[sflag:s22] =	ssyncset.done $0x0  }
0x296: {  	[sflag:s22] =	ssyncadd.s32 $0xFFFFE000  }
0x297: {  	_ =	swait.ge [sflag:s22], $0x2000  }
0x298: {  	[sflag:s22] =	ssyncset.done $0x0  }
0x299: {  	[sflag:s22] =	ssyncadd.s32 $0xFFFFE000  }
0x29a: {  	_ =	swait.ge [sflag:s22], $0x2000  }
0x29b: {  	[sflag:s22] =	ssyncset.done $0x0  }
0x29c: {  	[sflag:s22] =	ssyncadd.s32 $0xFFFFE000  }
0x29d: {  	_ =	swait.ge [sflag:s22], $0x2000  }
0x29e: {  	[sflag:s22] =	ssyncset.done $0x0  }
0x29f: {  	[sflag:s22] =	ssyncadd.s32 $0xFFFFE000  }
0x2a0: {  	_ =	swait.ge [sflag:s22], $0x2000  }
0x2a1: {  	[sflag:s22] =	ssyncset.done $0x0  }
0x2a2: {  	[sflag:s22] =	ssyncadd.s32 $0xFFFFE000  }
0x2a3: {  	_ =	swait.ge [sflag:s20], $0x800  }
0x2a4: {  	s29 =	simm.s32 $0xFFFFFFFE;
	[sflag:s20] =	ssyncset.done $0x0  }
0x2a5: {  	s1 =	simm.s32 $0xAF00;
	s14 =	simm.s32 $0x15240;
	[sflag:s20] =	ssyncadd.s32 $0xFFFFF800  }
.LBB2_8:
0x2a6: {  	v1 =	vld [tilespmem:s1+$0xFFFFFB00]  }
0x2a7: {  	v2 =	vld [tilespmem:s1+$0xFFFFFB10]  }
0x2a8: {  	v3 =	vld [tilespmem:s1+$0xFFFFFB20]  }
0x2a9: {  	v0 =	vld [tilespmem:s1+$0xFFFFFB30]  }
0x2aa: {  	v4 =	vld [tilespmem:s1+$0xFFFFFB40]  }
0x2ab: {  	v5 =	vld [tilespmem:s1+$0xFFFFFB50]  }
0x2ac: {  	v6 =	vld [tilespmem:s1+$0xFFFFFB60]  }
0x2ad: {  	v7 =	vld [tilespmem:s1+$0xFFFFFB70]  }
0x2ae: {  	v8 =	vld [tilespmem:s1+$0xFFFFFB80]  }
0x2af: {  	v9 =	vld [tilespmem:s1+$0xFFFFFB90]  }
0x2b0: {  	v10 =	vld [tilespmem:s1+$0xFFFFFBA0]  }
0x2b1: {  	v11 =	vld [tilespmem:s1+$0xFFFFFBB0]  }
0x2b2: {  	v12 =	vld [tilespmem:s1+$0xFFFFFBC0]  }
0x2b3: {  	v13 =	vld [tilespmem:s1+$0xFFFFFBD0]  }
0x2b4: {  	v14 =	vld [tilespmem:s1+$0xFFFFFBE0]  }
0x2b5: {  	v15 =	vld [tilespmem:s1+$0xFFFFFBF0]  }
0x2b6: {  	v16 =	vld [tilespmem:s1+$0xFFFFFC00]  }
0x2b7: {  	v17 =	vld [tilespmem:s1+$0xFFFFFC10]  }
0x2b8: {  	v18 =	vld [tilespmem:s1+$0xFFFFFC20]  }
0x2b9: {  	v19 =	vld [tilespmem:s1+$0xFFFFFC30]  }
0x2ba: {  	v20 =	vld [tilespmem:s1+$0xFFFFFC40]  }
0x2bb: {  	v21 =	vld [tilespmem:s1+$0xFFFFFC50]  }
0x2bc: {  	v22 =	vld [tilespmem:s1+$0xFFFFFC60]  }
0x2bd: {  	v23 =	vld [tilespmem:s1+$0xFFFFFC70]  }
0x2be: {  	v24 =	vld [tilespmem:s1+$0xFFFFFC80]  }
0x2bf: {  	v25 =	vld [tilespmem:s1+$0xFFFFFC90]  }
0x2c0: {  	v26 =	vld [tilespmem:s1+$0xFFFFFCA0]  }
0x2c1: {  	v27 =	vld [tilespmem:s1+$0xFFFFFCB0]  }
0x2c2: {  	v28 =	vld [tilespmem:s1+$0xFFFFFCC0]  }
0x2c3: {  	v29 =	vld [tilespmem:s1+$0xFFFFFCD0]  }
0x2c4: {  	v30 =	vld [tilespmem:s1+$0xFFFFFCE0]  }
0x2c5: {  	v31 =	vld [tilespmem:s1+$0xFFFFFCF0]  }
0x2c6: {  	v32 =	vld [tilespmem:s1+$0xFFFFFD00]  }
0x2c7: {  	v33 =	vld [tilespmem:s1+$0xFFFFFD10]  }
0x2c8: {  	v34 =	vld [tilespmem:s1+$0xFFFFFD20]  }
0x2c9: {  	v35 =	vld [tilespmem:s1+$0xFFFFFD30]  }
0x2ca: {  	v36 =	vld [tilespmem:s1+$0xFFFFFD40]  }
0x2cb: {  	v37 =	vld [tilespmem:s1+$0xFFFFFD50]  }
0x2cc: {  	v38 =	vld [tilespmem:s1+$0xFFFFFD60]  }
0x2cd: {  	v39 =	vld [tilespmem:s1+$0xFFFFFD70]  }
0x2ce: {  	v40 =	vld [tilespmem:s1+$0xFFFFFD80]  }
0x2cf: {  	v42 =	vld [tilespmem:s1+$0xFFFFFDC0]  }
0x2d0: {  	v44 =	vld [tilespmem:s1+$0xFFFFFE00]  }
0x2d1: {  	v45 =	vld [tilespmem:s1+$0xFFFFFE40]  }
0x2d2: {  	v46 =	vld [tilespmem:s1+$0xFFFFFE80]  }
0x2d3: {  	v47 =	vld [tilespmem:s1+$0xFFFFFEC0]  }
0x2d4: {  	v48 =	vld [tilespmem:s1+$0xFFFFFF00]  }
0x2d5: {  	v49 =	vld [tilespmem:s1+$0xFFFFFF40]  }
0x2d6: {  	v51 =	vld [tilespmem:s1+$0xFFFFFF80]  }
0x2d7: {  	v52 =	vld [tilespmem:s1+$0xFFFFFFC0]  }
0x2d8: {  	v41 =	vld [tilespmem:s1+$0xFFFFFD90];
	v1 =	vadd.f32 v4, v1;
	v8 =	vadd.f32 v12, v8  }
0x2d9: {  	v43 =	vld [tilespmem:s1+$0xFFFFFDD0];
	v16 =	vadd.f32 v20, v16;
	v53 =	vadd.f32 v28, v24  }
0x2da: {  	v58 =	vld [tilespmem:s1+$0xFFFFFE90];
	v54 =	vadd.f32 v36, v32;
	v55 =	vadd.f32 v42, v40  }
0x2db: {  	v60 =	vld [tilespmem:s1+$0xFFFFFED0];
	v56 =	vadd.f32 v45, v44;
	v57 =	vadd.f32 v47, v46  }
0x2dc: {  	v63 =	vld [tilespmem:s1+$0xFFFFFF10];
	v45 =	vadd.f32 v49, v48;
	v4 =	vadd.f32 v52, v51  }
0x2dd: {  	v50 =	vld [tilespmem:s1+$0xFFFFFFD0];
	v2 =	vadd.f32 v5, v2;
	v49 =	vadd.f32 v13, v9  }
0x2de: {  	v24 =	vld [tilespmem:s1+$0xFFFFFE10];
	v51 =	vadd.f32 v21, v17;
	v52 =	vadd.f32 v29, v25  }
0x2df: {  	v36 =	vld [tilespmem:s1+$0xFFFFFE50];
	v3 =	vadd.f32 v6, v3;
	v40 =	vadd.f32 v22, v18  }
0x2e0: {  	v46 =	vld [tilespmem:s1+$0xFFFFFF50];
	v0 =	vadd.f32 v7, v0;
	v1 =	vadd.f32 v8, v1  }
0x2e1: {  	v48 =	vld [tilespmem:s1+$0xFFFFFF90];
	v59 =	vadd.f32 v53, v16;
	v61 =	vadd.f32 v55, v54  }
0x2e2: {  	v29 =	vld [tilespmem:s1+$0xFFFFFDB0];
	v62 =	vadd.f32 v57, v56;
	v54 =	vadd.f32 v37, v33  }
0x2e3: {  	v13 =	vld [tilespmem:s1+$0xFFFFFDF0];
	v55 =	vadd.f32 v43, v41;
	v16 =	vadd.f32 v60, v58  }
0x2e4: {  	v25 =	vld [tilespmem:s1+$0xFFFFFF20];
	v2 =	vadd.f32 v49, v2;
	v57 =	vadd.f32 v52, v51  }
0x2e5: {  	v28 =	vld [tilespmem:s1+$0xFFFFFF60];
	v4 =	vadd.f32 v4, v45;
	v41 =	vadd.f32 v30, v26  }
0x2e6: {  	v32 =	vld [tilespmem:s1+$0xFFFFFFA0];
	v43 =	vadd.f32 v38, v34;
	v1 =	vadd.f32 v59, v1  }
0x2e7: {  	v42 =	vld [tilespmem:s1+$0xFFFFFE30];
	v47 =	vadd.f32 v62, v61;
	v58 =	vadd.f32 v55, v54  }
0x2e8: {  	v44 =	vld [tilespmem:s1+$0xFFFFFE70];
	v2 =	vadd.f32 v57, v2;
	v55 =	vadd.f32 v23, v19  }
0x2e9: {  	v53 =	vld [tilespmem:s1+$0xFFFFFDA0];
	v57 =	vadd.f32 v39, v35;
	v24 =	vadd.f32 v36, v24  }
0x2ea: {  	v56 =	vld [tilespmem:s1+$0xFFFFFDE0];
	v12 =	vadd.f32 v46, v63;
	v9 =	vadd.f32 v50, v48  }
0x2eb: {  	v60 =	vld [tilespmem:s1+$0xFFFFFE60];
	v36 =	vadd.f32 v14, v10;
	v46 =	vadd.f32 v41, v40  }
0x2ec: {  	v37 =	vld [tilespmem:s1+$0xFFFFFFE0];
	v5 =	vadd.f32 v28, v25;
	v13 =	vadd.f32 v13, v29  }
0x2ed: {  	v59 =	vld [tilespmem:s1+$0xFFFFFE20];
	v17 =	vadd.f32 v44, v42;
	v1 =	vadd.f32 v47, v1  }
0x2ee: {  	v45 =	vld [tilespmem:s1+$0xFFFFFEB0];
	v16 =	vadd.f32 v16, v24;
	v9 =	vadd.f32 v9, v12  }
0x2ef: {  	v62 =	vld [tilespmem:s1+$0xFFFFFEA0];
	v21 =	vadd.f32 v56, v53;
	v3 =	vadd.f32 v36, v3  }
0x2f0: {  	v63 =	vld [tilespmem:s1+$0xFFFFFEE0];
	v53 =	vadd.f32 v15, v11;
	v56 =	vadd.f32 v31, v27  }
0x2f1: {  	v47 =	vld [tilespmem:s1+$0xFFFFFEF0];
	v1 =	vadd.f32 v4, v1;
	v4 =	vadd.f32 v37, v32  }
0x2f2: {  	v49 =	vld [tilespmem:s1+$0xFFFFFF30];
	v61 =	vadd.f32 v16, v58;
	v20 =	vadd.f32 v60, v59  }
0x2f3: {  	v52 =	vld [tilespmem:s1+$0xFFFFFFB0];
	v48 =	vadd.f32 v21, v43;
	v3 =	vadd.f32 v46, v3  }
0x2f4: {  	v50 =	vld [tilespmem:s1+$0xFFFFFF70];
	v0 =	vadd.f32 v53, v0;
	v58 =	vadd.f32 v56, v55  }
0x2f5: {  	v54 =	vld [tilespmem:s1+$0xFFFFFFF0];
	v59 =	vadd.f32 v13, v57;
	v8 =	vadd.f32 v63, v62  }
0x2f6: {  	v2 =	vadd.f32 v61, v2;
	v10 =	vadd.f32 v47, v45  }
0x2f7: {  	v0 =	vadd.f32 v58, v0;
	v8 =	vadd.f32 v8, v20  }
0x2f8: {  	v2 =	vadd.f32 v9, v2;
	v10 =	vadd.f32 v10, v17  }
0x2f9: {  	v9 =	vadd.f32 v50, v49;
	v51 =	vadd.f32 v8, v48  }
0x2fa: {  	v8 =	vadd.f32 v54, v52;
	v60 =	vadd.f32 v10, v59  }
0x2fb: {  	v4 =	vadd.f32 v4, v5;
	v3 =	vadd.f32 v51, v3  }
0x2fc: {  	v61 =	vadd.f32 v8, v9;
	v0 =	vadd.f32 v60, v0  }
0x2fd: {  	[tilespmem:s14+$0xFFFFFFC0] =	vst v1;
	v62 =	vadd.f32 v4, v3  }
0x2fe: {  	[tilespmem:s14+$0xFFFFFFD0] =	vst v2;
	v0 =	vadd.f32 v61, v0  }
0x2ff: {  	[tilespmem:s14+$0xFFFFFFE0] =	vst v62  }
0x300: {  	[tilespmem:s14+$0xFFFFFFF0] =	vst v0  }
0x301: {  	v1 =	vld [tilespmem:s1+$0x0]  }
0x302: {  	v2 =	vld [tilespmem:s1+$0x10]  }
0x303: {  	v3 =	vld [tilespmem:s1+$0x20]  }
0x304: {  	v0 =	vld [tilespmem:s1+$0x30]  }
0x305: {  	v4 =	vld [tilespmem:s1+$0x40]  }
0x306: {  	v5 =	vld [tilespmem:s1+$0x50]  }
0x307: {  	v6 =	vld [tilespmem:s1+$0x60]  }
0x308: {  	v7 =	vld [tilespmem:s1+$0x70]  }
0x309: {  	v8 =	vld [tilespmem:s1+$0x80]  }
0x30a: {  	v9 =	vld [tilespmem:s1+$0x90]  }
0x30b: {  	v10 =	vld [tilespmem:s1+$0xA0]  }
0x30c: {  	v11 =	vld [tilespmem:s1+$0xB0]  }
0x30d: {  	v63 =	vld [tilespmem:s1+$0xC0]  }
0x30e: {  	v13 =	vld [tilespmem:s1+$0xD0]  }
0x30f: {  	v14 =	vld [tilespmem:s1+$0xE0]  }
0x310: {  	v15 =	vld [tilespmem:s1+$0xF0]  }
0x311: {  	v16 =	vld [tilespmem:s1+$0x100]  }
0x312: {  	v17 =	vld [tilespmem:s1+$0x110]  }
0x313: {  	v18 =	vld [tilespmem:s1+$0x120]  }
0x314: {  	v19 =	vld [tilespmem:s1+$0x130]  }
0x315: {  	v52 =	vld [tilespmem:s1+$0x140]  }
0x316: {  	v21 =	vld [tilespmem:s1+$0x150]  }
0x317: {  	v22 =	vld [tilespmem:s1+$0x160]  }
0x318: {  	v23 =	vld [tilespmem:s1+$0x170]  }
0x319: {  	v53 =	vld [tilespmem:s1+$0x180]  }
0x31a: {  	v25 =	vld [tilespmem:s1+$0x190]  }
0x31b: {  	v26 =	vld [tilespmem:s1+$0x1A0]  }
0x31c: {  	v27 =	vld [tilespmem:s1+$0x1B0]  }
0x31d: {  	v54 =	vld [tilespmem:s1+$0x1C0]  }
0x31e: {  	v29 =	vld [tilespmem:s1+$0x1D0]  }
0x31f: {  	v30 =	vld [tilespmem:s1+$0x1E0]  }
0x320: {  	v31 =	vld [tilespmem:s1+$0x1F0]  }
0x321: {  	v55 =	vld [tilespmem:s1+$0x200]  }
0x322: {  	v33 =	vld [tilespmem:s1+$0x210]  }
0x323: {  	v34 =	vld [tilespmem:s1+$0x220]  }
0x324: {  	v35 =	vld [tilespmem:s1+$0x230]  }
0x325: {  	v56 =	vld [tilespmem:s1+$0x240]  }
0x326: {  	v37 =	vld [tilespmem:s1+$0x250]  }
0x327: {  	v38 =	vld [tilespmem:s1+$0x260]  }
0x328: {  	v39 =	vld [tilespmem:s1+$0x270]  }
0x329: {  	v57 =	vld [tilespmem:s1+$0x280]  }
0x32a: {  	v41 =	vld [tilespmem:s1+$0x290]  }
0x32b: {  	v58 =	vld [tilespmem:s1+$0x2C0]  }
0x32c: {  	v43 =	vld [tilespmem:s1+$0x2D0]  }
0x32d: {  	v59 =	vld [tilespmem:s1+$0x300]  }
0x32e: {  	v60 =	vld [tilespmem:s1+$0x340]  }
0x32f: {  	v61 =	vld [tilespmem:s1+$0x380]  }
0x330: {  	v62 =	vld [tilespmem:s1+$0x3C0]  }
0x331: {  	v48 =	vld [tilespmem:s1+$0x400]  }
0x332: {  	v49 =	vld [tilespmem:s1+$0x440]  }
0x333: {  	v44 =	vld [tilespmem:s1+$0x410]  }
0x334: {  	v46 =	vld [tilespmem:s1+$0x450];
	v1 =	vadd.f32 v4, v1;
	v63 =	vadd.f32 v63, v8  }
0x335: {  	v28 =	vld [tilespmem:s1+$0x2B0];
	v50 =	vadd.f32 v52, v16;
	v51 =	vadd.f32 v54, v53  }
0x336: {  	v36 =	vld [tilespmem:s1+$0x4A0];
	v53 =	vadd.f32 v56, v55;
	v54 =	vadd.f32 v58, v57  }
0x337: {  	v8 =	vld [tilespmem:s1+$0x480];
	v56 =	vadd.f32 v60, v59;
	v57 =	vadd.f32 v62, v61  }
0x338: {  	v52 =	vld [tilespmem:s1+$0x4C0];
	v40 =	vadd.f32 v49, v48;
	v2 =	vadd.f32 v5, v2  }
0x339: {  	v55 =	vld [tilespmem:s1+$0x310];
	v47 =	vadd.f32 v13, v9;
	v49 =	vadd.f32 v21, v17  }
0x33a: {  	v58 =	vld [tilespmem:s1+$0x350];
	v16 =	vadd.f32 v46, v44;
	v3 =	vadd.f32 v6, v3  }
0x33b: {  	v60 =	vld [tilespmem:s1+$0x390];
	v42 =	vadd.f32 v38, v34;
	v0 =	vadd.f32 v7, v0  }
0x33c: {  	v48 =	vld [tilespmem:s1+$0x490];
	v1 =	vadd.f32 v63, v1;
	v59 =	vadd.f32 v51, v50  }
0x33d: {  	v44 =	vld [tilespmem:s1+$0x370];
	v61 =	vadd.f32 v54, v53;
	v62 =	vadd.f32 v57, v56  }
0x33e: {  	v46 =	vld [tilespmem:s1+$0x3B0];
	v50 =	vadd.f32 v29, v25;
	v53 =	vadd.f32 v43, v41  }
0x33f: {  	v63 =	vld [tilespmem:s1+$0x3D0];
	v2 =	vadd.f32 v47, v2;
	v1 =	vadd.f32 v59, v1  }
0x340: {  	v51 =	vld [tilespmem:s1+$0x4D0];
	v45 =	vadd.f32 v62, v61;
	v8 =	vadd.f32 v52, v8  }
0x341: {  	v54 =	vld [tilespmem:s1+$0x2A0];
	v52 =	vadd.f32 v37, v33;
	v32 =	vadd.f32 v58, v55  }
0x342: {  	v56 =	vld [tilespmem:s1+$0x2E0];
	v55 =	vadd.f32 v50, v49;
	v33 =	vadd.f32 v14, v10  }
0x343: {  	v41 =	vld [tilespmem:s1+$0x4E0];
	v37 =	vadd.f32 v22, v18;
	v1 =	vadd.f32 v45, v1  }
0x344: {  	v43 =	vld [tilespmem:s1+$0x330];
	v12 =	vadd.f32 v63, v60;
	v57 =	vadd.f32 v53, v52  }
0x345: {  	v47 =	vld [tilespmem:s1+$0x3F0];
	v9 =	vadd.f32 v51, v48;
	v2 =	vadd.f32 v55, v2  }
0x346: {  	v59 =	vld [tilespmem:s1+$0x320];
	v8 =	vadd.f32 v8, v40;
	v40 =	vadd.f32 v30, v26  }
0x347: {  	v61 =	vld [tilespmem:s1+$0x360];
	v13 =	vadd.f32 v56, v54;
	v3 =	vadd.f32 v33, v3  }
0x348: {  	v49 =	vld [tilespmem:s1+$0x430];
	v48 =	vadd.f32 v41, v36;
	v51 =	vadd.f32 v15, v11  }
0x349: {  	v50 =	vld [tilespmem:s1+$0x470];
	v53 =	vadd.f32 v23, v19;
	v54 =	vadd.f32 v31, v27  }
0x34a: {  	v62 =	vld [tilespmem:s1+$0x3A0];
	v56 =	vadd.f32 v39, v35;
	v10 =	vadd.f32 v47, v46  }
0x34b: {  	v58 =	vld [tilespmem:s1+$0x2F0];
	v12 =	vadd.f32 v12, v32;
	v9 =	vadd.f32 v9, v16  }
0x34c: {  	v63 =	vld [tilespmem:s1+$0x3E0];
	v1 =	vadd.f32 v8, v1;
	v45 =	vadd.f32 v40, v37  }
0x34d: {  	v52 =	vld [tilespmem:s1+$0x4B0];
	v13 =	vadd.f32 v13, v42;
	v16 =	vadd.f32 v44, v43  }
0x34e: {  	v55 =	vld [tilespmem:s1+$0x4F0];
	v0 =	vadd.f32 v51, v0;
	v6 =	vadd.f32 v50, v49  }
0x34f: {  	v25 =	vld [tilespmem:s1+$0x420];
	v60 =	vadd.f32 v12, v57;
	v12 =	vadd.f32 v61, v59  }
0x350: {  	v32 =	vld [tilespmem:s1+$0x460];
	v3 =	vadd.f32 v45, v3;
	v57 =	vadd.f32 v58, v28  }
0x351: {  	v58 =	vadd.f32 v54, v53;
	v10 =	vadd.f32 v10, v16  }
0x352: {  	v4 =	vadd.f32 v63, v62;
	v2 =	vadd.f32 v60, v2  }
0x353: {  	v59 =	vadd.f32 v57, v56;
	v60 =	vadd.f32 v55, v52  }
0x354: {  	v0 =	vadd.f32 v58, v0;
	v4 =	vadd.f32 v4, v12  }
0x355: {  	v5 =	vadd.f32 v32, v25;
	v61 =	vadd.f32 v10, v59  }
0x356: {  	s29 =	sadd.s32 $0x2, s29;
	v2 =	vadd.f32 v9, v2;
	v4 =	vadd.f32 v4, v13  }
0x357: {  	p0 =	slt.u32 s29, $0x1E;
	v62 =	vadd.f32 v60, v6;
	v0 =	vadd.f32 v61, v0  }
.Ltmp3:
0x358: {  	v5 =	vadd.f32 v48, v5;
	v3 =	vadd.f32 v4, v3;
	(pc) =	sbr.rel @p0 .LBB2_8-.Ltmp3, $4  }
0x359: {  	[tilespmem:s14+$0x0] =	vst v1;
	v0 =	vadd.f32 v62, v0  }
0x35a: {  	[tilespmem:s14+$0x10] =	vst v2;
	v63 =	vadd.f32 v5, v3  }
0x35b: {  	[tilespmem:s14+$0x30] =	vst v0  }
0x35c: {  	s1 =	sadd.s32 $0xA00, s1;
	[tilespmem:s14+$0x20] =	vst v63;
	s14 =	sadd.s32 $0x80, s14  }
0x35d: {  	[hbm4b:s8+s2] =	stream.linear.scatter [tilespmem:s24], [sflag:$0x4], $0x800, $0x38;
	[tilespmem:$0x15A00] =	vst v63  }
0x35e: {  	s26 =	sadd.s32 $0x1, s26  }
0x35f: {  	_ =	swait.ge [sflag:s18], $0x800;
	p0 =	sne.s32 s26, s9  }
.Ltmp4:
0x360: {  	[sflag:s18] =	ssyncset.done $0x0;
	(pc) =	sbr.rel @p0 .LBB2_1-.Ltmp4, $4  }
0x361: {  	[sflag:s18] =	ssyncadd.s32 $0xFFFFF800  }
0x362: {  	_ =	swait.ge [sflag:s20], $0x800  }
0x363: {  	[sflag:s20] =	ssyncset.done $0x0  }
0x364: {  	[sflag:s20] =	ssyncadd.s32 $0xFFFFF800  }
0x365: {  	_ =	sfence.sel $0x180000  }
0x366: {  	[bflag:$0x0] =	sbarrier.arrive $0xFFFF  }
0x367: {  	_ =	strace $0x90000047  }
0x368: {  	s0 =	stileid.u32;
	[bflag:$0x2] =	sbarrier.arrive $0xFFFF  }
0x369: {  	p0 =	sne.s32 s0, $0x0;
	s0 =	rddreg [dreg:$0x3]  }
0x36a: {  	s0 =	sadd.s32 @!p0 $0x100000, s0  }
0x36b: {  	[sflag:s0] =	ssyncadd.tile.s32 @!p0 $0x1;
	_ =	shalt  }
.Lfunc_end2:
_tile_overlayer_lowered:
.L_overlay_start_2:
0x36c: {  	(tag) =	ssettag $0x2  }
0x36d: {  	s0 =	rddreg [dreg:$0x0];
	s2 =	stileid.u32  }
0x36e: {  	s1 =	rddreg [dreg:$0x1];
	p0 =	sne.s32 s2, $0x0  }
0x36f: {  	s3 =	rddreg [dreg:$0x2];
	[bflag:$0x3] =	sbarrier.arrive $0xFFFF;
	s2 =	simm.s32 @!p0 $0x1C05  }
0x370: {  	[timem:s3], [sflag:s2] =	dma.local @!p0 [hbm:s0], s1  }
0x371: {  	s0 =	simm.s32 @!p0 $0x5  }
0x372: {  	_ =	swait.ge @!p0 [sflag:s0], s1  }
0x373: {  	s1 =	ssub.s32 @!p0 $0x0, s1;
	[sflag:s0] =	ssyncset.done @!p0 $0x0  }
0x374: {  	[sflag:s0] =	ssyncadd.s32 @!p0 s1  }
0x375: {  	[bflag:$0x3] =	sbarrier.arrive $0xFFFF  }
0x376: {  	_ =	shalt  }

</sc_bundles>
